<compile_context>
chip_gen: v7x
topology: tpu7x:2x2x1
jax: 0.10.2.dev20260603
libtpu: 0.0.44.dev20260713+nightly
codegen_flags: <defaults>
</compile_context>

<pallas_src>
import functools

import jax
import jax.numpy as jnp
from jax import lax
from jax.experimental import pallas as pl
from jax.experimental.pallas import tpu as pltpu
from jax.experimental.pallas import tpu_sc as plsc

N_NODES = 10000
D_FEAT = 256
DH = 128
N_EDGES = 160000
CHK = 128
E_PAD = 163840
E_ROWS = E_PAD // CHK
NB = 2
IPART = 8
NC = 2
NS = 16
LANES = 16
H_PAD = 10240
SENT = N_NODES


def _deg_body(dst2d, deg_parts, hist_sh, idx_v, ones_v, zero_v):
    c = lax.axis_index("c")
    s = lax.axis_index("s")

    one16 = jnp.full((LANES,), 1.0, jnp.float32)
    z16 = jnp.zeros((LANES,), jnp.float32)
    for i in range(CHK):
        ones_v[i, :] = one16
        zero_v[i, :] = z16

    stripe = H_PAD // NS
    for k in range(stripe // CHK):
        pltpu.sync_copy(zero_v, hist_sh.at[pl.ds(s * stripe + k * CHK, CHK)])
    plsc.subcore_barrier()

    rows_per_tile = E_ROWS // (NC * NS)
    base = c * (E_ROWS // NC) + s * rows_per_tile
    pltpu.sync_copy(dst2d.at[pl.ds(base, rows_per_tile)], idx_v)
    for j in range(rows_per_tile):
        pltpu.sync_copy(ones_v, hist_sh.at[idx_v.at[j]], add=True)
    plsc.subcore_barrier()

    pltpu.sync_copy(hist_sh.at[pl.ds(s * stripe, stripe)],
                    deg_parts.at[c, pl.ds(s * stripe, stripe)])


def _run_deg(dst2d):
    mesh = plsc.VectorSubcoreMesh(core_axis_name="c", subcore_axis_name="s")
    return pl.kernel(
        _deg_body,
        out_type=jax.ShapeDtypeStruct((NC, H_PAD, LANES), jnp.float32),
        mesh=mesh,
        scratch_types=[
            pltpu.VMEM_SHARED((H_PAD, LANES), jnp.float32),
            pltpu.VMEM((E_ROWS // (NC * NS), CHK), jnp.int32),
            pltpu.VMEM((CHK, LANES), jnp.float32),
            pltpu.VMEM((CHK, LANES), jnp.float32),
        ],
    )(dst2d)


def _scatter_body(y3, src2d, dst2d, zeros_h, acc3, acc_sh, sidx_v, didx_v,
                  b0, b1, g0, g1, a0, a1):
    c = lax.axis_index("c")
    s = lax.axis_index("s")

    pltpu.sync_copy(zeros_h, b0)

    stripe = H_PAD // NS
    for k in range(stripe // CHK):
        pltpu.sync_copy(b0, acc_sh.at[pl.ds(s * stripe + k * CHK, CHK)])
    plsc.subcore_barrier()

    rows_per_tile = E_ROWS // NS
    HALF = rows_per_tile // 2

    def gather(j, buf, sem):
        pltpu.async_copy(y3.at[c].at[sidx_v.at[j]], buf, sem)

    def drain(sem, buf):
        pltpu.make_async_copy(y3.at[c, pl.ds(0, CHK)], buf, sem).wait()

    for half in range(2):
        base = s * rows_per_tile + half * HALF
        pltpu.sync_copy(src2d.at[pl.ds(base, HALF)], sidx_v)
        pltpu.sync_copy(dst2d.at[pl.ds(base, HALF)], didx_v)
        gather(0, b0, g0)

        def pair(g, _):
            j0 = 2 * g
            gather(j0 + 1, b1, g1)
            drain(g0, b0)
            pltpu.sync_copy(b0, acc_sh.at[didx_v.at[j0]], add=True)

            @pl.when(g < HALF // 2 - 1)
            def _():
                gather(j0 + 2, b0, g0)

            drain(g1, b1)
            pltpu.sync_copy(b1, acc_sh.at[didx_v.at[j0 + 1]], add=True)
            return 0

        lax.fori_loop(0, HALF // 2, pair, 0)

    plsc.subcore_barrier()

    pltpu.sync_copy(acc_sh.at[pl.ds(s * stripe, stripe)],
                    acc3.at[c, pl.ds(s * stripe, stripe)])


def _run_scatter(y3, src2d, dst2d, zeros_h):
    mesh = plsc.VectorSubcoreMesh(core_axis_name="c", subcore_axis_name="s")
    return pl.kernel(
        _scatter_body,
        out_type=jax.ShapeDtypeStruct((NC, H_PAD, DH), jnp.float32),
        mesh=mesh,
        scratch_types=(
            [pltpu.VMEM_SHARED((H_PAD, DH), jnp.float32),
             pltpu.VMEM((E_ROWS // NS // 2, CHK), jnp.int32),
             pltpu.VMEM((E_ROWS // NS // 2, CHK), jnp.int32)]
            + [pltpu.VMEM((CHK, DH), jnp.float32)] * NB
            + [pltpu.SemaphoreType.DMA] * (2 * NB)
        ),
    )(y3, src2d, dst2d, zeros_h)


_RB = 400


def _mm_body(x_ref, w_ref, dp_ref, y3_ref, dinv_ref):
    deg = dp_ref[0, :, 0:1] + dp_ref[1, :, 0:1] + 1.0
    dinv = lax.rsqrt(deg)
    xw = jnp.dot(x_ref[...], w_ref[...], preferred_element_type=jnp.float32)
    y3_ref[0, :, :] = xw * dinv
    dinv_ref[...] = dinv


def _run_mm(x, W, deg_parts):
    grid = (N_NODES // _RB, NC)
    return pl.pallas_call(
        _mm_body,
        grid=grid,
        in_specs=[
            pl.BlockSpec((_RB, D_FEAT), lambda i, c: (i, 0)),
            pl.BlockSpec((D_FEAT, DH), lambda i, c: (0, c)),
            pl.BlockSpec((NC, _RB, LANES), lambda i, c: (0, i, 0)),
        ],
        out_specs=[
            pl.BlockSpec((1, _RB, DH), lambda i, c: (c, i, 0)),
            pl.BlockSpec((_RB, 1), lambda i, c: (i, 0)),
        ],
        out_shape=[
            jax.ShapeDtypeStruct((NC, N_NODES, DH), jnp.float32),
            jax.ShapeDtypeStruct((N_NODES, 1), jnp.float32),
        ],
    )(x, W, deg_parts)


def _ep_body(acc_ref, y_ref, dinv_ref, b_ref, o_ref):
    bh = b_ref[pl.ds(pl.program_id(1), 1), :]
    o_ref[...] = jnp.maximum(
        dinv_ref[...] * (acc_ref[0] + y_ref[0]) + bh, 0.0)


def _run_epilogue(acc3, y3, dinv, b2):
    grid = (N_NODES // _RB, NC)
    return pl.pallas_call(
        _ep_body,
        grid=grid,
        in_specs=[
            pl.BlockSpec((1, _RB, DH), lambda i, c: (c, i, 0)),
            pl.BlockSpec((1, _RB, DH), lambda i, c: (c, i, 0)),
            pl.BlockSpec((_RB, 1), lambda i, c: (i, 0)),
            pl.BlockSpec((NC, DH), lambda i, c: (0, 0)),
        ],
        out_specs=pl.BlockSpec((_RB, DH), lambda i, c: (i, c)),
        out_shape=jax.ShapeDtypeStruct((N_NODES, D_FEAT), jnp.float32),
    )(acc3, y3, dinv, b2)


@jax.jit
def kernel(x, edge_index, W, b):
    ei = edge_index.astype(jnp.int32)
    pad = E_PAD - N_EDGES
    src2d = jnp.concatenate(
        [ei[0], jnp.zeros((pad,), jnp.int32)]).reshape(E_ROWS, CHK)
    dst2d = jnp.concatenate(
        [ei[1], jnp.full((pad,), SENT, jnp.int32)]).reshape(E_ROWS, CHK)

    zeros_h = jnp.zeros((CHK, DH), jnp.float32)

    deg_parts = _run_deg(dst2d)
    y3, dinv = _run_mm(x, W, deg_parts)
    acc3 = _run_scatter(y3, src2d, dst2d, zeros_h)
    return _run_epilogue(acc3, y3, dinv, b.reshape(NC, DH))

# --- scband reference (transcript-rebuilt; emitter-appended) ---
"""Pipeline reference for scband-graph-layer-40991167873306 (READ-ONLY COPY).

The authoritative reference and input builder live on the scoring server;
editing this copy changes nothing except your own understanding.
"""

import jax, jax.numpy as jnp
import numpy as np

N_NODES = 10000
N_EDGES = 160000
D_FEAT = 256

def setup_inputs(seed: int = 0) -> dict:
    key = jax.random.key(seed)
    k1, k2, k3 = jax.random.split(key, 3)
    x = jax.random.normal(k1, (N_NODES, D_FEAT), dtype=jnp.float32)
    edge_index = jax.random.randint(k2, (2, N_EDGES), 0, N_NODES)
    W = jax.random.normal(k3, (D_FEAT, D_FEAT), dtype=jnp.float32) * 0.05
    b = jnp.zeros((D_FEAT,), dtype=jnp.float32)
    return {"x": x, "edge_index": edge_index, "W": W, "b": b}

def reference(x, edge_index, W, b):
    # GraphLayer(net=GCNConv(256,256), uses_edge_attr=False):
    # data.x = relu(GCNConv(x, edge_index))
    N = x.shape[0]
    # GCNConv: add self-loops, symmetric normalization, linear transform, scatter-add
    loop = jnp.arange(N, dtype=edge_index.dtype)
    src = jnp.concatenate([edge_index[0], loop])
    dst = jnp.concatenate([edge_index[1], loop])
    xw = x @ W
    deg = jnp.zeros((N,), dtype=x.dtype).at[dst].add(1.0)
    deg_inv_sqrt = jnp.where(deg > 0, jax.lax.rsqrt(jnp.maximum(deg, 1e-12)), 0.0)
    norm = deg_inv_sqrt[src] * deg_inv_sqrt[dst]
    msgs = jnp.take(xw, src, axis=0) * norm[:, None]
    out = jnp.zeros((N, xw.shape[1]), dtype=x.dtype).at[dst].add(msgs)
    out = out + b
    return jax.nn.relu(out)

if __name__ == "__main__":
    import jax
    _d = setup_inputs()
    print(jax.jit(kernel)(*tuple(_d.values())))

</pallas_src>

<mosaic_0001>
#map = affine_map<(d0, d1) -> (0, 0, 0)>
#map1 = affine_map<(d0, d1) -> (0, 0)>
module attributes {stable_mosaic.version = 14 : i64} {
  func.func @_scatter_body(%arg0: i32, %arg1: i32, %arg2: memref<2x10000x128xf32, #tpu.memory_space<hbm>>, %arg3: memref<1280x128xi32, #tpu.memory_space<hbm>>, %arg4: memref<1280x128xi32, #tpu.memory_space<hbm>>, %arg5: memref<128x128xf32, #tpu.memory_space<hbm>>, %arg6: memref<2x10240x128xf32, #tpu.memory_space<hbm>>, %arg7: memref<10240x128xf32, #tpu.memory_space<vmem_shared>>, %arg8: memref<40x128xi32, #tpu.memory_space<vmem>>, %arg9: memref<40x128xi32, #tpu.memory_space<vmem>>, %arg10: memref<128x128xf32, #tpu.memory_space<vmem>>, %arg11: memref<128x128xf32, #tpu.memory_space<vmem>>, %arg12: memref<!tpu.dma_semaphore, #tpu.memory_space<semaphore_mem>>, %arg13: memref<!tpu.dma_semaphore, #tpu.memory_space<semaphore_mem>>, %arg14: memref<!tpu.dma_semaphore, #tpu.memory_space<semaphore_mem>>, %arg15: memref<!tpu.dma_semaphore, #tpu.memory_space<semaphore_mem>>) attributes {dimension_semantics = [#tpu.dimension_semantics<core_parallel>, #tpu.dimension_semantics<subcore_parallel>], iteration_bounds = array<i64: 2, 16>, scalar_prefetch = 0 : i64, scratch_operands = 9 : i64, tpu.core_type = #tpu.core_type<sc_vector_subcore>, window_params = [{transform_indices = #map}, {transform_indices = #map1}, {transform_indices = #map1}, {transform_indices = #map1}, {transform_indices = #map}]} {
    "tpu.region"() ({
      %run_scoped3A = tpu.sem_alloc : memref<!tpu.dma_semaphore, #tpu.memory_space<semaphore_mem>>
      tpu.enqueue_dma source(%arg5 : memref<128x128xf32, #tpu.memory_space<hbm>>) target(%arg10 : memref<128x128xf32, #tpu.memory_space<vmem>>) target_semaphore(%run_scoped3A : memref<!tpu.dma_semaphore, #tpu.memory_space<semaphore_mem>>)
      tpu.wait_dma2 semaphore(%run_scoped3A : memref<!tpu.dma_semaphore, #tpu.memory_space<semaphore_mem>>) src(%arg5 : memref<128x128xf32, #tpu.memory_space<hbm>>) dst(%arg10 : memref<128x128xf32, #tpu.memory_space<vmem>>)
      tpu.yield
    }) : () -> ()
    %mul3A = arith.constant 640 : i32
    %mul3A_0 = arith.muli %arg1, %mul3A : i32
    %add3A = arith.constant 0 : i32
    %add3A_1 = arith.addi %mul3A_0, %add3A : i32
    "tpu.region"() ({
      %run_scoped3A = tpu.sem_alloc : memref<!tpu.dma_semaphore, #tpu.memory_space<semaphore_mem>>
      %dma_start3A_65 = arith.constant 0 : i32
      %dma_start3A_66 = tpu.memref_slice %arg7[%add3A_1, %dma_start3A_65] : memref<10240x128xf32, #tpu.memory_space<vmem_shared>> -> memref<128x128xf32, #tpu.memory_space<vmem_shared>>
      %dma_start3A_67 = arith.constant 0 : i32
      %dma_start3A_68 = tpu.memref_slice %arg7[%add3A_1, %dma_start3A_67] : memref<10240x128xf32, #tpu.memory_space<vmem_shared>> -> memref<128x128xf32, #tpu.memory_space<vmem_shared>>
      tpu.enqueue_dma source(%arg10 : memref<128x128xf32, #tpu.memory_space<vmem>>) target(%dma_start3A_68 : memref<128x128xf32, #tpu.memory_space<vmem_shared>>) target_semaphore(%run_scoped3A : memref<!tpu.dma_semaphore, #tpu.memory_space<semaphore_mem>>)
      %dma_wait3A = arith.constant 0 : i32
      %dma_wait3A_69 = tpu.memref_slice %arg7[%add3A_1, %dma_wait3A] : memref<10240x128xf32, #tpu.memory_space<vmem_shared>> -> memref<128x128xf32, #tpu.memory_space<vmem_shared>>
      %dma_wait3A_70 = arith.constant 0 : i32
      %dma_wait3A_71 = tpu.memref_slice %arg7[%add3A_1, %dma_wait3A_70] : memref<10240x128xf32, #tpu.memory_space<vmem_shared>> -> memref<128x128xf32, #tpu.memory_space<vmem_shared>>
      tpu.wait_dma2 semaphore(%run_scoped3A : memref<!tpu.dma_semaphore, #tpu.memory_space<semaphore_mem>>) src(%arg10 : memref<128x128xf32, #tpu.memory_space<vmem>>) dst(%dma_wait3A_71 : memref<128x128xf32, #tpu.memory_space<vmem_shared>>)
      tpu.yield
    }) : () -> ()
    %mul3A_2 = arith.constant 640 : i32
    %mul3A_3 = arith.muli %arg1, %mul3A_2 : i32
    %add3A_4 = arith.constant 128 : i32
    %add3A_5 = arith.addi %mul3A_3, %add3A_4 : i32
    "tpu.region"() ({
      %run_scoped3A = tpu.sem_alloc : memref<!tpu.dma_semaphore, #tpu.memory_space<semaphore_mem>>
      %dma_start3A_65 = arith.constant 0 : i32
      %dma_start3A_66 = tpu.memref_slice %arg7[%add3A_5, %dma_start3A_65] : memref<10240x128xf32, #tpu.memory_space<vmem_shared>> -> memref<128x128xf32, #tpu.memory_space<vmem_shared>>
      %dma_start3A_67 = arith.constant 0 : i32
      %dma_start3A_68 = tpu.memref_slice %arg7[%add3A_5, %dma_start3A_67] : memref<10240x128xf32, #tpu.memory_space<vmem_shared>> -> memref<128x128xf32, #tpu.memory_space<vmem_shared>>
      tpu.enqueue_dma source(%arg10 : memref<128x128xf32, #tpu.memory_space<vmem>>) target(%dma_start3A_68 : memref<128x128xf32, #tpu.memory_space<vmem_shared>>) target_semaphore(%run_scoped3A : memref<!tpu.dma_semaphore, #tpu.memory_space<semaphore_mem>>)
      %dma_wait3A = arith.constant 0 : i32
      %dma_wait3A_69 = tpu.memref_slice %arg7[%add3A_5, %dma_wait3A] : memref<10240x128xf32, #tpu.memory_space<vmem_shared>> -> memref<128x128xf32, #tpu.memory_space<vmem_shared>>
      %dma_wait3A_70 = arith.constant 0 : i32
      %dma_wait3A_71 = tpu.memref_slice %arg7[%add3A_5, %dma_wait3A_70] : memref<10240x128xf32, #tpu.memory_space<vmem_shared>> -> memref<128x128xf32, #tpu.memory_space<vmem_shared>>
      tpu.wait_dma2 semaphore(%run_scoped3A : memref<!tpu.dma_semaphore, #tpu.memory_space<semaphore_mem>>) src(%arg10 : memref<128x128xf32, #tpu.memory_space<vmem>>) dst(%dma_wait3A_71 : memref<128x128xf32, #tpu.memory_space<vmem_shared>>)
      tpu.yield
    }) : () -> ()
    %mul3A_6 = arith.constant 640 : i32
    %mul3A_7 = arith.muli %arg1, %mul3A_6 : i32
    %add3A_8 = arith.constant 256 : i32
    %add3A_9 = arith.addi %mul3A_7, %add3A_8 : i32
    "tpu.region"() ({
      %run_scoped3A = tpu.sem_alloc : memref<!tpu.dma_semaphore, #tpu.memory_space<semaphore_mem>>
      %dma_start3A_65 = arith.constant 0 : i32
      %dma_start3A_66 = tpu.memref_slice %arg7[%add3A_9, %dma_start3A_65] : memref<10240x128xf32, #tpu.memory_space<vmem_shared>> -> memref<128x128xf32, #tpu.memory_space<vmem_shared>>
      %dma_start3A_67 = arith.constant 0 : i32
      %dma_start3A_68 = tpu.memref_slice %arg7[%add3A_9, %dma_start3A_67] : memref<10240x128xf32, #tpu.memory_space<vmem_shared>> -> memref<128x128xf32, #tpu.memory_space<vmem_shared>>
      tpu.enqueue_dma source(%arg10 : memref<128x128xf32, #tpu.memory_space<vmem>>) target(%dma_start3A_68 : memref<128x128xf32, #tpu.memory_space<vmem_shared>>) target_semaphore(%run_scoped3A : memref<!tpu.dma_semaphore, #tpu.memory_space<semaphore_mem>>)
      %dma_wait3A = arith.constant 0 : i32
      %dma_wait3A_69 = tpu.memref_slice %arg7[%add3A_9, %dma_wait3A] : memref<10240x128xf32, #tpu.memory_space<vmem_shared>> -> memref<128x128xf32, #tpu.memory_space<vmem_shared>>
      %dma_wait3A_70 = arith.constant 0 : i32
      %dma_wait3A_71 = tpu.memref_slice %arg7[%add3A_9, %dma_wait3A_70] : memref<10240x128xf32, #tpu.memory_space<vmem_shared>> -> memref<128x128xf32, #tpu.memory_space<vmem_shared>>
      tpu.wait_dma2 semaphore(%run_scoped3A : memref<!tpu.dma_semaphore, #tpu.memory_space<semaphore_mem>>) src(%arg10 : memref<128x128xf32, #tpu.memory_space<vmem>>) dst(%dma_wait3A_71 : memref<128x128xf32, #tpu.memory_space<vmem_shared>>)
      tpu.yield
    }) : () -> ()
    %mul3A_10 = arith.constant 640 : i32
    %mul3A_11 = arith.muli %arg1, %mul3A_10 : i32
    %add3A_12 = arith.constant 384 : i32
    %add3A_13 = arith.addi %mul3A_11, %add3A_12 : i32
    "tpu.region"() ({
      %run_scoped3A = tpu.sem_alloc : memref<!tpu.dma_semaphore, #tpu.memory_space<semaphore_mem>>
      %dma_start3A_65 = arith.constant 0 : i32
      %dma_start3A_66 = tpu.memref_slice %arg7[%add3A_13, %dma_start3A_65] : memref<10240x128xf32, #tpu.memory_space<vmem_shared>> -> memref<128x128xf32, #tpu.memory_space<vmem_shared>>
      %dma_start3A_67 = arith.constant 0 : i32
      %dma_start3A_68 = tpu.memref_slice %arg7[%add3A_13, %dma_start3A_67] : memref<10240x128xf32, #tpu.memory_space<vmem_shared>> -> memref<128x128xf32, #tpu.memory_space<vmem_shared>>
      tpu.enqueue_dma source(%arg10 : memref<128x128xf32, #tpu.memory_space<vmem>>) target(%dma_start3A_68 : memref<128x128xf32, #tpu.memory_space<vmem_shared>>) target_semaphore(%run_scoped3A : memref<!tpu.dma_semaphore, #tpu.memory_space<semaphore_mem>>)
      %dma_wait3A = arith.constant 0 : i32
      %dma_wait3A_69 = tpu.memref_slice %arg7[%add3A_13, %dma_wait3A] : memref<10240x128xf32, #tpu.memory_space<vmem_shared>> -> memref<128x128xf32, #tpu.memory_space<vmem_shared>>
      %dma_wait3A_70 = arith.constant 0 : i32
      %dma_wait3A_71 = tpu.memref_slice %arg7[%add3A_13, %dma_wait3A_70] : memref<10240x128xf32, #tpu.memory_space<vmem_shared>> -> memref<128x128xf32, #tpu.memory_space<vmem_shared>>
      tpu.wait_dma2 semaphore(%run_scoped3A : memref<!tpu.dma_semaphore, #tpu.memory_space<semaphore_mem>>) src(%arg10 : memref<128x128xf32, #tpu.memory_space<vmem>>) dst(%dma_wait3A_71 : memref<128x128xf32, #tpu.memory_space<vmem_shared>>)
      tpu.yield
    }) : () -> ()
    %mul3A_14 = arith.constant 640 : i32
    %mul3A_15 = arith.muli %arg1, %mul3A_14 : i32
    %add3A_16 = arith.constant 512 : i32
    %add3A_17 = arith.addi %mul3A_15, %add3A_16 : i32
    "tpu.region"() ({
      %run_scoped3A = tpu.sem_alloc : memref<!tpu.dma_semaphore, #tpu.memory_space<semaphore_mem>>
      %dma_start3A_65 = arith.constant 0 : i32
      %dma_start3A_66 = tpu.memref_slice %arg7[%add3A_17, %dma_start3A_65] : memref<10240x128xf32, #tpu.memory_space<vmem_shared>> -> memref<128x128xf32, #tpu.memory_space<vmem_shared>>
      %dma_start3A_67 = arith.constant 0 : i32
      %dma_start3A_68 = tpu.memref_slice %arg7[%add3A_17, %dma_start3A_67] : memref<10240x128xf32, #tpu.memory_space<vmem_shared>> -> memref<128x128xf32, #tpu.memory_space<vmem_shared>>
      tpu.enqueue_dma source(%arg10 : memref<128x128xf32, #tpu.memory_space<vmem>>) target(%dma_start3A_68 : memref<128x128xf32, #tpu.memory_space<vmem_shared>>) target_semaphore(%run_scoped3A : memref<!tpu.dma_semaphore, #tpu.memory_space<semaphore_mem>>)
      %dma_wait3A = arith.constant 0 : i32
      %dma_wait3A_69 = tpu.memref_slice %arg7[%add3A_17, %dma_wait3A] : memref<10240x128xf32, #tpu.memory_space<vmem_shared>> -> memref<128x128xf32, #tpu.memory_space<vmem_shared>>
      %dma_wait3A_70 = arith.constant 0 : i32
      %dma_wait3A_71 = tpu.memref_slice %arg7[%add3A_17, %dma_wait3A_70] : memref<10240x128xf32, #tpu.memory_space<vmem_shared>> -> memref<128x128xf32, #tpu.memory_space<vmem_shared>>
      tpu.wait_dma2 semaphore(%run_scoped3A : memref<!tpu.dma_semaphore, #tpu.memory_space<semaphore_mem>>) src(%arg10 : memref<128x128xf32, #tpu.memory_space<vmem>>) dst(%dma_wait3A_71 : memref<128x128xf32, #tpu.memory_space<vmem_shared>>)
      tpu.yield
    }) : () -> ()
    %barrier3A = arith.constant 0 : index
    tpu.barrier barrier_id(%barrier3A)
    %mul3A_18 = arith.constant 80 : i32
    %mul3A_19 = arith.muli %arg1, %mul3A_18 : i32
    %add3A_20 = arith.constant 0 : i32
    %add3A_21 = arith.addi %mul3A_19, %add3A_20 : i32
    "tpu.region"() ({
      %run_scoped3A = tpu.sem_alloc : memref<!tpu.dma_semaphore, #tpu.memory_space<semaphore_mem>>
      %dma_start3A_65 = arith.constant 0 : i32
      %dma_start3A_66 = tpu.memref_slice %arg3[%add3A_21, %dma_start3A_65] : memref<1280x128xi32, #tpu.memory_space<hbm>> -> memref<40x128xi32, #tpu.memory_space<hbm>>
      %dma_start3A_67 = arith.constant 0 : i32
      %dma_start3A_68 = tpu.memref_slice %arg3[%add3A_21, %dma_start3A_67] : memref<1280x128xi32, #tpu.memory_space<hbm>> -> memref<40x128xi32, #tpu.memory_space<hbm>>
      tpu.enqueue_dma source(%dma_start3A_68 : memref<40x128xi32, #tpu.memory_space<hbm>>) target(%arg8 : memref<40x128xi32, #tpu.memory_space<vmem>>) target_semaphore(%run_scoped3A : memref<!tpu.dma_semaphore, #tpu.memory_space<semaphore_mem>>)
      %dma_wait3A = arith.constant 0 : i32
      %dma_wait3A_69 = tpu.memref_slice %arg3[%add3A_21, %dma_wait3A] : memref<1280x128xi32, #tpu.memory_space<hbm>> -> memref<40x128xi32, #tpu.memory_space<hbm>>
      %dma_wait3A_70 = arith.constant 0 : i32
      %dma_wait3A_71 = tpu.memref_slice %arg3[%add3A_21, %dma_wait3A_70] : memref<1280x128xi32, #tpu.memory_space<hbm>> -> memref<40x128xi32, #tpu.memory_space<hbm>>
      tpu.wait_dma2 semaphore(%run_scoped3A : memref<!tpu.dma_semaphore, #tpu.memory_space<semaphore_mem>>) src(%dma_wait3A_71 : memref<40x128xi32, #tpu.memory_space<hbm>>) dst(%arg8 : memref<40x128xi32, #tpu.memory_space<vmem>>)
      tpu.yield
    }) : () -> ()
    "tpu.region"() ({
      %run_scoped3A = tpu.sem_alloc : memref<!tpu.dma_semaphore, #tpu.memory_space<semaphore_mem>>
      %dma_start3A_65 = arith.constant 0 : i32
      %dma_start3A_66 = tpu.memref_slice %arg4[%add3A_21, %dma_start3A_65] : memref<1280x128xi32, #tpu.memory_space<hbm>> -> memref<40x128xi32, #tpu.memory_space<hbm>>
      %dma_start3A_67 = arith.constant 0 : i32
      %dma_start3A_68 = tpu.memref_slice %arg4[%add3A_21, %dma_start3A_67] : memref<1280x128xi32, #tpu.memory_space<hbm>> -> memref<40x128xi32, #tpu.memory_space<hbm>>
      tpu.enqueue_dma source(%dma_start3A_68 : memref<40x128xi32, #tpu.memory_space<hbm>>) target(%arg9 : memref<40x128xi32, #tpu.memory_space<vmem>>) target_semaphore(%run_scoped3A : memref<!tpu.dma_semaphore, #tpu.memory_space<semaphore_mem>>)
      %dma_wait3A = arith.constant 0 : i32
      %dma_wait3A_69 = tpu.memref_slice %arg4[%add3A_21, %dma_wait3A] : memref<1280x128xi32, #tpu.memory_space<hbm>> -> memref<40x128xi32, #tpu.memory_space<hbm>>
      %dma_wait3A_70 = arith.constant 0 : i32
      %dma_wait3A_71 = tpu.memref_slice %arg4[%add3A_21, %dma_wait3A_70] : memref<1280x128xi32, #tpu.memory_space<hbm>> -> memref<40x128xi32, #tpu.memory_space<hbm>>
      tpu.wait_dma2 semaphore(%run_scoped3A : memref<!tpu.dma_semaphore, #tpu.memory_space<semaphore_mem>>) src(%dma_wait3A_71 : memref<40x128xi32, #tpu.memory_space<hbm>>) dst(%arg9 : memref<40x128xi32, #tpu.memory_space<vmem>>)
      tpu.yield
    }) : () -> ()
    %dma_start3A = arith.constant 0 : i32
    %dma_start3A_22 = arith.constant 0 : i32
    %dma_start3A_23 = tpu.memref_slice %arg8[%dma_start3A, %dma_start3A_22] : memref<40x128xi32, #tpu.memory_space<vmem>> -> memref<1x128xi32, #tpu.memory_space<vmem>>
    %dma_start3A_24 = tpu.memref_squeeze %dma_start3A_23 : memref<1x128xi32, #tpu.memory_space<vmem>> -> memref<128xi32, #tpu.memory_space<vmem>>
    %dma_start3A_25 = arith.constant 0 : i32
    %dma_start3A_26 = arith.constant 0 : i32
    %dma_start3A_27 = tpu.memref_slice %arg2[%arg0, %dma_start3A_25, %dma_start3A_26] : memref<2x10000x128xf32, #tpu.memory_space<hbm>> -> memref<1x10000x128xf32, #tpu.memory_space<hbm>>
    %dma_start3A_28 = tpu.memref_squeeze %dma_start3A_27 : memref<1x10000x128xf32, #tpu.memory_space<hbm>> -> memref<10000x128xf32, #tpu.memory_space<hbm>>
    %dma_start3A_29 = arith.constant 0 : i32
    %dma_start3A_30 = arith.constant 0 : i32
    %dma_start3A_31 = tpu.memref_slice %dma_start3A_28[%dma_start3A_29, %dma_start3A_30] : memref<10000x128xf32, #tpu.memory_space<hbm>> -> memref<10000x128xf32, #tpu.memory_space<hbm>>
    tpu.enqueue_indirect_dma source(%dma_start3A_31 : memref<10000x128xf32, #tpu.memory_space<hbm>>) target(%arg10 : memref<128x128xf32, #tpu.memory_space<vmem>>) offsets(%dma_start3A_24 : memref<128xi32, #tpu.memory_space<vmem>>) semaphore(%arg12 : memref<!tpu.dma_semaphore, #tpu.memory_space<semaphore_mem>>)
    %scan3A = arith.constant 0 : i32
    %scan3A_32 = arith.constant 0 : i32
    %scan3A_33 = arith.constant 20 : i32
    %scan3A_34 = arith.addi %scan3A_32, %scan3A_33 : i32
    %scan3A_35 = arith.constant 1 : i32
    %scan3A_36 = scf.for %scan3A_65 = %scan3A_32 to %scan3A_34 step %scan3A_35 iter_args(%scan3A_66 = %scan3A) -> (i32)  : i32 {
      %mul3A_67 = arith.constant 2 : i32
      %mul3A_68 = arith.muli %mul3A_67, %scan3A_65 : i32
      %add3A_69 = arith.constant 1 : i32
      %add3A_70 = arith.addi %mul3A_68, %add3A_69 : i32
      %dma_start3A_71 = arith.constant 0 : i32
      %dma_start3A_72 = tpu.memref_slice %arg8[%add3A_70, %dma_start3A_71] : memref<40x128xi32, #tpu.memory_space<vmem>> -> memref<1x128xi32, #tpu.memory_space<vmem>>
      %dma_start3A_73 = tpu.memref_squeeze %dma_start3A_72 : memref<1x128xi32, #tpu.memory_space<vmem>> -> memref<128xi32, #tpu.memory_space<vmem>>
      %dma_start3A_74 = arith.constant 0 : i32
      %dma_start3A_75 = arith.constant 0 : i32
      %dma_start3A_76 = tpu.memref_slice %arg2[%arg0, %dma_start3A_74, %dma_start3A_75] : memref<2x10000x128xf32, #tpu.memory_space<hbm>> -> memref<1x10000x128xf32, #tpu.memory_space<hbm>>
      %dma_start3A_77 = tpu.memref_squeeze %dma_start3A_76 : memref<1x10000x128xf32, #tpu.memory_space<hbm>> -> memref<10000x128xf32, #tpu.memory_space<hbm>>
      %dma_start3A_78 = arith.constant 0 : i32
      %dma_start3A_79 = arith.constant 0 : i32
      %dma_start3A_80 = tpu.memref_slice %dma_start3A_77[%dma_start3A_78, %dma_start3A_79] : memref<10000x128xf32, #tpu.memory_space<hbm>> -> memref<10000x128xf32, #tpu.memory_space<hbm>>
      tpu.enqueue_indirect_dma source(%dma_start3A_80 : memref<10000x128xf32, #tpu.memory_space<hbm>>) target(%arg11 : memref<128x128xf32, #tpu.memory_space<vmem>>) offsets(%dma_start3A_73 : memref<128xi32, #tpu.memory_space<vmem>>) semaphore(%arg13 : memref<!tpu.dma_semaphore, #tpu.memory_space<semaphore_mem>>)
      %dma_wait3A = arith.constant 0 : i32
      %dma_wait3A_81 = arith.constant 0 : i32
      %dma_wait3A_82 = tpu.memref_slice %arg2[%arg0, %dma_wait3A, %dma_wait3A_81] : memref<2x10000x128xf32, #tpu.memory_space<hbm>> -> memref<1x128x128xf32, #tpu.memory_space<hbm>>
      %dma_wait3A_83 = tpu.memref_squeeze %dma_wait3A_82 : memref<1x128x128xf32, #tpu.memory_space<hbm>> -> memref<128x128xf32, #tpu.memory_space<hbm>>
      %dma_wait3A_84 = arith.constant 0 : i32
      %dma_wait3A_85 = arith.constant 0 : i32
      %dma_wait3A_86 = tpu.memref_slice %arg2[%arg0, %dma_wait3A_84, %dma_wait3A_85] : memref<2x10000x128xf32, #tpu.memory_space<hbm>> -> memref<1x128x128xf32, #tpu.memory_space<hbm>>
      %dma_wait3A_87 = tpu.memref_squeeze %dma_wait3A_86 : memref<1x128x128xf32, #tpu.memory_space<hbm>> -> memref<128x128xf32, #tpu.memory_space<hbm>>
      tpu.wait_dma2 semaphore(%arg12 : memref<!tpu.dma_semaphore, #tpu.memory_space<semaphore_mem>>) src(%dma_wait3A_87 : memref<128x128xf32, #tpu.memory_space<hbm>>) dst(%arg10 : memref<128x128xf32, #tpu.memory_space<vmem>>)
      "tpu.region"() ({
        %run_scoped3A = tpu.sem_alloc : memref<!tpu.dma_semaphore, #tpu.memory_space<semaphore_mem>>
        %dma_start3A_101 = arith.constant 0 : i32
        %dma_start3A_102 = tpu.memref_slice %arg9[%mul3A_68, %dma_start3A_101] : memref<40x128xi32, #tpu.memory_space<vmem>> -> memref<1x128xi32, #tpu.memory_space<vmem>>
        %dma_start3A_103 = tpu.memref_squeeze %dma_start3A_102 : memref<1x128xi32, #tpu.memory_space<vmem>> -> memref<128xi32, #tpu.memory_space<vmem>>
        %dma_start3A_104 = arith.constant 0 : i32
        %dma_start3A_105 = arith.constant 0 : i32
        %dma_start3A_106 = tpu.memref_slice %arg7[%dma_start3A_104, %dma_start3A_105] : memref<10240x128xf32, #tpu.memory_space<vmem_shared>> -> memref<10240x128xf32, #tpu.memory_space<vmem_shared>>
        tpu.enqueue_indirect_dma source(%arg10 : memref<128x128xf32, #tpu.memory_space<vmem>>) target(%dma_start3A_106 : memref<10240x128xf32, #tpu.memory_space<vmem_shared>>) offsets(%dma_start3A_103 : memref<128xi32, #tpu.memory_space<vmem>>) semaphore(%run_scoped3A : memref<!tpu.dma_semaphore, #tpu.memory_space<semaphore_mem>>) {add = true}
        %dma_wait3A_107 = arith.constant 0 : i32
        %dma_wait3A_108 = tpu.memref_slice %arg9[%mul3A_68, %dma_wait3A_107] : memref<40x128xi32, #tpu.memory_space<vmem>> -> memref<1x128xi32, #tpu.memory_space<vmem>>
        %dma_wait3A_109 = tpu.memref_squeeze %dma_wait3A_108 : memref<1x128xi32, #tpu.memory_space<vmem>> -> memref<128xi32, #tpu.memory_space<vmem>>
        %dma_wait3A_110 = arith.constant 0 : i32
        %dma_wait3A_111 = arith.constant 0 : i32
        %dma_wait3A_112 = tpu.memref_slice %arg7[%dma_wait3A_110, %dma_wait3A_111] : memref<10240x128xf32, #tpu.memory_space<vmem_shared>> -> memref<10240x128xf32, #tpu.memory_space<vmem_shared>>
        tpu.wait_indirect_dma semaphore(%run_scoped3A : memref<!tpu.dma_semaphore, #tpu.memory_space<semaphore_mem>>) src(%arg10 : memref<128x128xf32, #tpu.memory_space<vmem>>) dst(%dma_wait3A_112 : memref<10240x128xf32, #tpu.memory_space<vmem_shared>>)
        tpu.yield
      }) : () -> ()
      %lt3A = arith.constant 19 : i32
      %lt3A_88 = arith.cmpi slt, %scan3A_65, %lt3A : i32
      %convert_element_type3A = arith.extui %lt3A_88 : i1 to i32
      %cond3A = arith.constant 0 : i32
      %cond3A_89 = arith.cmpi ne, %convert_element_type3A, %cond3A : i32
      scf.if %cond3A_89 {
        %add3A_101 = arith.constant 2 : i32
        %add3A_102 = arith.addi %mul3A_68, %add3A_101 : i32
        %dma_start3A_103 = arith.constant 0 : i32
        %dma_start3A_104 = tpu.memref_slice %arg8[%add3A_102, %dma_start3A_103] : memref<40x128xi32, #tpu.memory_space<vmem>> -> memref<1x128xi32, #tpu.memory_space<vmem>>
        %dma_start3A_105 = tpu.memref_squeeze %dma_start3A_104 : memref<1x128xi32, #tpu.memory_space<vmem>> -> memref<128xi32, #tpu.memory_space<vmem>>
        %dma_start3A_106 = arith.constant 0 : i32
        %dma_start3A_107 = arith.constant 0 : i32
        %dma_start3A_108 = tpu.memref_slice %arg2[%arg0, %dma_start3A_106, %dma_start3A_107] : memref<2x10000x128xf32, #tpu.memory_space<hbm>> -> memref<1x10000x128xf32, #tpu.memory_space<hbm>>
        %dma_start3A_109 = tpu.memref_squeeze %dma_start3A_108 : memref<1x10000x128xf32, #tpu.memory_space<hbm>> -> memref<10000x128xf32, #tpu.memory_space<hbm>>
        %dma_start3A_110 = arith.constant 0 : i32
        %dma_start3A_111 = arith.constant 0 : i32
        %dma_start3A_112 = tpu.memref_slice %dma_start3A_109[%dma_start3A_110, %dma_start3A_111] : memref<10000x128xf32, #tpu.memory_space<hbm>> -> memref<10000x128xf32, #tpu.memory_space<hbm>>
        tpu.enqueue_indirect_dma source(%dma_start3A_112 : memref<10000x128xf32, #tpu.memory_space<hbm>>) target(%arg10 : memref<128x128xf32, #tpu.memory_space<vmem>>) offsets(%dma_start3A_105 : memref<128xi32, #tpu.memory_space<vmem>>) semaphore(%arg12 : memref<!tpu.dma_semaphore, #tpu.memory_space<semaphore_mem>>)
      } else {
      }
      %dma_wait3A_90 = arith.constant 0 : i32
      %dma_wait3A_91 = arith.constant 0 : i32
      %dma_wait3A_92 = tpu.memref_slice %arg2[%arg0, %dma_wait3A_90, %dma_wait3A_91] : memref<2x10000x128xf32, #tpu.memory_space<hbm>> -> memref<1x128x128xf32, #tpu.memory_space<hbm>>
      %dma_wait3A_93 = tpu.memref_squeeze %dma_wait3A_92 : memref<1x128x128xf32, #tpu.memory_space<hbm>> -> memref<128x128xf32, #tpu.memory_space<hbm>>
      %dma_wait3A_94 = arith.constant 0 : i32
      %dma_wait3A_95 = arith.constant 0 : i32
      %dma_wait3A_96 = tpu.memref_slice %arg2[%arg0, %dma_wait3A_94, %dma_wait3A_95] : memref<2x10000x128xf32, #tpu.memory_space<hbm>> -> memref<1x128x128xf32, #tpu.memory_space<hbm>>
      %dma_wait3A_97 = tpu.memref_squeeze %dma_wait3A_96 : memref<1x128x128xf32, #tpu.memory_space<hbm>> -> memref<128x128xf32, #tpu.memory_space<hbm>>
      tpu.wait_dma2 semaphore(%arg13 : memref<!tpu.dma_semaphore, #tpu.memory_space<semaphore_mem>>) src(%dma_wait3A_97 : memref<128x128xf32, #tpu.memory_space<hbm>>) dst(%arg11 : memref<128x128xf32, #tpu.memory_space<vmem>>)
      %add3A_98 = arith.constant 1 : i32
      %add3A_99 = arith.addi %mul3A_68, %add3A_98 : i32
      "tpu.region"() ({
        %run_scoped3A = tpu.sem_alloc : memref<!tpu.dma_semaphore, #tpu.memory_space<semaphore_mem>>
        %dma_start3A_101 = arith.constant 0 : i32
        %dma_start3A_102 = tpu.memref_slice %arg9[%add3A_99, %dma_start3A_101] : memref<40x128xi32, #tpu.memory_space<vmem>> -> memref<1x128xi32, #tpu.memory_space<vmem>>
        %dma_start3A_103 = tpu.memref_squeeze %dma_start3A_102 : memref<1x128xi32, #tpu.memory_space<vmem>> -> memref<128xi32, #tpu.memory_space<vmem>>
        %dma_start3A_104 = arith.constant 0 : i32
        %dma_start3A_105 = arith.constant 0 : i32
        %dma_start3A_106 = tpu.memref_slice %arg7[%dma_start3A_104, %dma_start3A_105] : memref<10240x128xf32, #tpu.memory_space<vmem_shared>> -> memref<10240x128xf32, #tpu.memory_space<vmem_shared>>
        tpu.enqueue_indirect_dma source(%arg11 : memref<128x128xf32, #tpu.memory_space<vmem>>) target(%dma_start3A_106 : memref<10240x128xf32, #tpu.memory_space<vmem_shared>>) offsets(%dma_start3A_103 : memref<128xi32, #tpu.memory_space<vmem>>) semaphore(%run_scoped3A : memref<!tpu.dma_semaphore, #tpu.memory_space<semaphore_mem>>) {add = true}
        %dma_wait3A_107 = arith.constant 0 : i32
        %dma_wait3A_108 = tpu.memref_slice %arg9[%add3A_99, %dma_wait3A_107] : memref<40x128xi32, #tpu.memory_space<vmem>> -> memref<1x128xi32, #tpu.memory_space<vmem>>
        %dma_wait3A_109 = tpu.memref_squeeze %dma_wait3A_108 : memref<1x128xi32, #tpu.memory_space<vmem>> -> memref<128xi32, #tpu.memory_space<vmem>>
        %dma_wait3A_110 = arith.constant 0 : i32
        %dma_wait3A_111 = arith.constant 0 : i32
        %dma_wait3A_112 = tpu.memref_slice %arg7[%dma_wait3A_110, %dma_wait3A_111] : memref<10240x128xf32, #tpu.memory_space<vmem_shared>> -> memref<10240x128xf32, #tpu.memory_space<vmem_shared>>
        tpu.wait_indirect_dma semaphore(%run_scoped3A : memref<!tpu.dma_semaphore, #tpu.memory_space<semaphore_mem>>) src(%arg11 : memref<128x128xf32, #tpu.memory_space<vmem>>) dst(%dma_wait3A_112 : memref<10240x128xf32, #tpu.memory_space<vmem_shared>>)
        tpu.yield
      }) : () -> ()
      %scan3A_100 = arith.constant 0 : i32
      scf.yield %scan3A_100 : i32
    }
    %scan3A_37 = arith.constant 20 : i32
    %mul3A_38 = arith.constant 80 : i32
    %mul3A_39 = arith.muli %arg1, %mul3A_38 : i32
    %add3A_40 = arith.constant 40 : i32
    %add3A_41 = arith.addi %mul3A_39, %add3A_40 : i32
    "tpu.region"() ({
      %run_scoped3A = tpu.sem_alloc : memref<!tpu.dma_semaphore, #tpu.memory_space<semaphore_mem>>
      %dma_start3A_65 = arith.constant 0 : i32
      %dma_start3A_66 = tpu.memref_slice %arg3[%add3A_41, %dma_start3A_65] : memref<1280x128xi32, #tpu.memory_space<hbm>> -> memref<40x128xi32, #tpu.memory_space<hbm>>
      %dma_start3A_67 = arith.constant 0 : i32
      %dma_start3A_68 = tpu.memref_slice %arg3[%add3A_41, %dma_start3A_67] : memref<1280x128xi32, #tpu.memory_space<hbm>> -> memref<40x128xi32, #tpu.memory_space<hbm>>
      tpu.enqueue_dma source(%dma_start3A_68 : memref<40x128xi32, #tpu.memory_space<hbm>>) target(%arg8 : memref<40x128xi32, #tpu.memory_space<vmem>>) target_semaphore(%run_scoped3A : memref<!tpu.dma_semaphore, #tpu.memory_space<semaphore_mem>>)
      %dma_wait3A = arith.constant 0 : i32
      %dma_wait3A_69 = tpu.memref_slice %arg3[%add3A_41, %dma_wait3A] : memref<1280x128xi32, #tpu.memory_space<hbm>> -> memref<40x128xi32, #tpu.memory_space<hbm>>
      %dma_wait3A_70 = arith.constant 0 : i32
      %dma_wait3A_71 = tpu.memref_slice %arg3[%add3A_41, %dma_wait3A_70] : memref<1280x128xi32, #tpu.memory_space<hbm>> -> memref<40x128xi32, #tpu.memory_space<hbm>>
      tpu.wait_dma2 semaphore(%run_scoped3A : memref<!tpu.dma_semaphore, #tpu.memory_space<semaphore_mem>>) src(%dma_wait3A_71 : memref<40x128xi32, #tpu.memory_space<hbm>>) dst(%arg8 : memref<40x128xi32, #tpu.memory_space<vmem>>)
      tpu.yield
    }) : () -> ()
    "tpu.region"() ({
      %run_scoped3A = tpu.sem_alloc : memref<!tpu.dma_semaphore, #tpu.memory_space<semaphore_mem>>
      %dma_start3A_65 = arith.constant 0 : i32
      %dma_start3A_66 = tpu.memref_slice %arg4[%add3A_41, %dma_start3A_65] : memref<1280x128xi32, #tpu.memory_space<hbm>> -> memref<40x128xi32, #tpu.memory_space<hbm>>
      %dma_start3A_67 = arith.constant 0 : i32
      %dma_start3A_68 = tpu.memref_slice %arg4[%add3A_41, %dma_start3A_67] : memref<1280x128xi32, #tpu.memory_space<hbm>> -> memref<40x128xi32, #tpu.memory_space<hbm>>
      tpu.enqueue_dma source(%dma_start3A_68 : memref<40x128xi32, #tpu.memory_space<hbm>>) target(%arg9 : memref<40x128xi32, #tpu.memory_space<vmem>>) target_semaphore(%run_scoped3A : memref<!tpu.dma_semaphore, #tpu.memory_space<semaphore_mem>>)
      %dma_wait3A = arith.constant 0 : i32
      %dma_wait3A_69 = tpu.memref_slice %arg4[%add3A_41, %dma_wait3A] : memref<1280x128xi32, #tpu.memory_space<hbm>> -> memref<40x128xi32, #tpu.memory_space<hbm>>
      %dma_wait3A_70 = arith.constant 0 : i32
      %dma_wait3A_71 = tpu.memref_slice %arg4[%add3A_41, %dma_wait3A_70] : memref<1280x128xi32, #tpu.memory_space<hbm>> -> memref<40x128xi32, #tpu.memory_space<hbm>>
      tpu.wait_dma2 semaphore(%run_scoped3A : memref<!tpu.dma_semaphore, #tpu.memory_space<semaphore_mem>>) src(%dma_wait3A_71 : memref<40x128xi32, #tpu.memory_space<hbm>>) dst(%arg9 : memref<40x128xi32, #tpu.memory_space<vmem>>)
      tpu.yield
    }) : () -> ()
    %dma_start3A_42 = arith.constant 0 : i32
    %dma_start3A_43 = arith.constant 0 : i32
    %dma_start3A_44 = tpu.memref_slice %arg8[%dma_start3A_42, %dma_start3A_43] : memref<40x128xi32, #tpu.memory_space<vmem>> -> memref<1x128xi32, #tpu.memory_space<vmem>>
    %dma_start3A_45 = tpu.memref_squeeze %dma_start3A_44 : memref<1x128xi32, #tpu.memory_space<vmem>> -> memref<128xi32, #tpu.memory_space<vmem>>
    %dma_start3A_46 = arith.constant 0 : i32
    %dma_start3A_47 = arith.constant 0 : i32
    %dma_start3A_48 = tpu.memref_slice %arg2[%arg0, %dma_start3A_46, %dma_start3A_47] : memref<2x10000x128xf32, #tpu.memory_space<hbm>> -> memref<1x10000x128xf32, #tpu.memory_space<hbm>>
    %dma_start3A_49 = tpu.memref_squeeze %dma_start3A_48 : memref<1x10000x128xf32, #tpu.memory_space<hbm>> -> memref<10000x128xf32, #tpu.memory_space<hbm>>
    %dma_start3A_50 = arith.constant 0 : i32
    %dma_start3A_51 = arith.constant 0 : i32
    %dma_start3A_52 = tpu.memref_slice %dma_start3A_49[%dma_start3A_50, %dma_start3A_51] : memref<10000x128xf32, #tpu.memory_space<hbm>> -> memref<10000x128xf32, #tpu.memory_space<hbm>>
    tpu.enqueue_indirect_dma source(%dma_start3A_52 : memref<10000x128xf32, #tpu.memory_space<hbm>>) target(%arg10 : memref<128x128xf32, #tpu.memory_space<vmem>>) offsets(%dma_start3A_45 : memref<128xi32, #tpu.memory_space<vmem>>) semaphore(%arg12 : memref<!tpu.dma_semaphore, #tpu.memory_space<semaphore_mem>>)
    %scan3A_53 = arith.constant 0 : i32
    %scan3A_54 = arith.constant 0 : i32
    %scan3A_55 = arith.constant 20 : i32
    %scan3A_56 = arith.addi %scan3A_54, %scan3A_55 : i32
    %scan3A_57 = arith.constant 1 : i32
    %scan3A_58 = scf.for %scan3A_65 = %scan3A_54 to %scan3A_56 step %scan3A_57 iter_args(%scan3A_66 = %scan3A_53) -> (i32)  : i32 {
      %mul3A_67 = arith.constant 2 : i32
      %mul3A_68 = arith.muli %mul3A_67, %scan3A_65 : i32
      %add3A_69 = arith.constant 1 : i32
      %add3A_70 = arith.addi %mul3A_68, %add3A_69 : i32
      %dma_start3A_71 = arith.constant 0 : i32
      %dma_start3A_72 = tpu.memref_slice %arg8[%add3A_70, %dma_start3A_71] : memref<40x128xi32, #tpu.memory_space<vmem>> -> memref<1x128xi32, #tpu.memory_space<vmem>>
      %dma_start3A_73 = tpu.memref_squeeze %dma_start3A_72 : memref<1x128xi32, #tpu.memory_space<vmem>> -> memref<128xi32, #tpu.memory_space<vmem>>
      %dma_start3A_74 = arith.constant 0 : i32
      %dma_start3A_75 = arith.constant 0 : i32
      %dma_start3A_76 = tpu.memref_slice %arg2[%arg0, %dma_start3A_74, %dma_start3A_75] : memref<2x10000x128xf32, #tpu.memory_space<hbm>> -> memref<1x10000x128xf32, #tpu.memory_space<hbm>>
      %dma_start3A_77 = tpu.memref_squeeze %dma_start3A_76 : memref<1x10000x128xf32, #tpu.memory_space<hbm>> -> memref<10000x128xf32, #tpu.memory_space<hbm>>
      %dma_start3A_78 = arith.constant 0 : i32
      %dma_start3A_79 = arith.constant 0 : i32
      %dma_start3A_80 = tpu.memref_slice %dma_start3A_77[%dma_start3A_78, %dma_start3A_79] : memref<10000x128xf32, #tpu.memory_space<hbm>> -> memref<10000x128xf32, #tpu.memory_space<hbm>>
      tpu.enqueue_indirect_dma source(%dma_start3A_80 : memref<10000x128xf32, #tpu.memory_space<hbm>>) target(%arg11 : memref<128x128xf32, #tpu.memory_space<vmem>>) offsets(%dma_start3A_73 : memref<128xi32, #tpu.memory_space<vmem>>) semaphore(%arg13 : memref<!tpu.dma_semaphore, #tpu.memory_space<semaphore_mem>>)
      %dma_wait3A = arith.constant 0 : i32
      %dma_wait3A_81 = arith.constant 0 : i32
      %dma_wait3A_82 = tpu.memref_slice %arg2[%arg0, %dma_wait3A, %dma_wait3A_81] : memref<2x10000x128xf32, #tpu.memory_space<hbm>> -> memref<1x128x128xf32, #tpu.memory_space<hbm>>
      %dma_wait3A_83 = tpu.memref_squeeze %dma_wait3A_82 : memref<1x128x128xf32, #tpu.memory_space<hbm>> -> memref<128x128xf32, #tpu.memory_space<hbm>>
      %dma_wait3A_84 = arith.constant 0 : i32
      %dma_wait3A_85 = arith.constant 0 : i32
      %dma_wait3A_86 = tpu.memref_slice %arg2[%arg0, %dma_wait3A_84, %dma_wait3A_85] : memref<2x10000x128xf32, #tpu.memory_space<hbm>> -> memref<1x128x128xf32, #tpu.memory_space<hbm>>
      %dma_wait3A_87 = tpu.memref_squeeze %dma_wait3A_86 : memref<1x128x128xf32, #tpu.memory_space<hbm>> -> memref<128x128xf32, #tpu.memory_space<hbm>>
      tpu.wait_dma2 semaphore(%arg12 : memref<!tpu.dma_semaphore, #tpu.memory_space<semaphore_mem>>) src(%dma_wait3A_87 : memref<128x128xf32, #tpu.memory_space<hbm>>) dst(%arg10 : memref<128x128xf32, #tpu.memory_space<vmem>>)
      "tpu.region"() ({
        %run_scoped3A = tpu.sem_alloc : memref<!tpu.dma_semaphore, #tpu.memory_space<semaphore_mem>>
        %dma_start3A_101 = arith.constant 0 : i32
        %dma_start3A_102 = tpu.memref_slice %arg9[%mul3A_68, %dma_start3A_101] : memref<40x128xi32, #tpu.memory_space<vmem>> -> memref<1x128xi32, #tpu.memory_space<vmem>>
        %dma_start3A_103 = tpu.memref_squeeze %dma_start3A_102 : memref<1x128xi32, #tpu.memory_space<vmem>> -> memref<128xi32, #tpu.memory_space<vmem>>
        %dma_start3A_104 = arith.constant 0 : i32
        %dma_start3A_105 = arith.constant 0 : i32
        %dma_start3A_106 = tpu.memref_slice %arg7[%dma_start3A_104, %dma_start3A_105] : memref<10240x128xf32, #tpu.memory_space<vmem_shared>> -> memref<10240x128xf32, #tpu.memory_space<vmem_shared>>
        tpu.enqueue_indirect_dma source(%arg10 : memref<128x128xf32, #tpu.memory_space<vmem>>) target(%dma_start3A_106 : memref<10240x128xf32, #tpu.memory_space<vmem_shared>>) offsets(%dma_start3A_103 : memref<128xi32, #tpu.memory_space<vmem>>) semaphore(%run_scoped3A : memref<!tpu.dma_semaphore, #tpu.memory_space<semaphore_mem>>) {add = true}
        %dma_wait3A_107 = arith.constant 0 : i32
        %dma_wait3A_108 = tpu.memref_slice %arg9[%mul3A_68, %dma_wait3A_107] : memref<40x128xi32, #tpu.memory_space<vmem>> -> memref<1x128xi32, #tpu.memory_space<vmem>>
        %dma_wait3A_109 = tpu.memref_squeeze %dma_wait3A_108 : memref<1x128xi32, #tpu.memory_space<vmem>> -> memref<128xi32, #tpu.memory_space<vmem>>
        %dma_wait3A_110 = arith.constant 0 : i32
        %dma_wait3A_111 = arith.constant 0 : i32
        %dma_wait3A_112 = tpu.memref_slice %arg7[%dma_wait3A_110, %dma_wait3A_111] : memref<10240x128xf32, #tpu.memory_space<vmem_shared>> -> memref<10240x128xf32, #tpu.memory_space<vmem_shared>>
        tpu.wait_indirect_dma semaphore(%run_scoped3A : memref<!tpu.dma_semaphore, #tpu.memory_space<semaphore_mem>>) src(%arg10 : memref<128x128xf32, #tpu.memory_space<vmem>>) dst(%dma_wait3A_112 : memref<10240x128xf32, #tpu.memory_space<vmem_shared>>)
        tpu.yield
      }) : () -> ()
      %lt3A = arith.constant 19 : i32
      %lt3A_88 = arith.cmpi slt, %scan3A_65, %lt3A : i32
      %convert_element_type3A = arith.extui %lt3A_88 : i1 to i32
      %cond3A = arith.constant 0 : i32
      %cond3A_89 = arith.cmpi ne, %convert_element_type3A, %cond3A : i32
      scf.if %cond3A_89 {
        %add3A_101 = arith.constant 2 : i32
        %add3A_102 = arith.addi %mul3A_68, %add3A_101 : i32
        %dma_start3A_103 = arith.constant 0 : i32
        %dma_start3A_104 = tpu.memref_slice %arg8[%add3A_102, %dma_start3A_103] : memref<40x128xi32, #tpu.memory_space<vmem>> -> memref<1x128xi32, #tpu.memory_space<vmem>>
        %dma_start3A_105 = tpu.memref_squeeze %dma_start3A_104 : memref<1x128xi32, #tpu.memory_space<vmem>> -> memref<128xi32, #tpu.memory_space<vmem>>
        %dma_start3A_106 = arith.constant 0 : i32
        %dma_start3A_107 = arith.constant 0 : i32
        %dma_start3A_108 = tpu.memref_slice %arg2[%arg0, %dma_start3A_106, %dma_start3A_107] : memref<2x10000x128xf32, #tpu.memory_space<hbm>> -> memref<1x10000x128xf32, #tpu.memory_space<hbm>>
        %dma_start3A_109 = tpu.memref_squeeze %dma_start3A_108 : memref<1x10000x128xf32, #tpu.memory_space<hbm>> -> memref<10000x128xf32, #tpu.memory_space<hbm>>
        %dma_start3A_110 = arith.constant 0 : i32
        %dma_start3A_111 = arith.constant 0 : i32
        %dma_start3A_112 = tpu.memref_slice %dma_start3A_109[%dma_start3A_110, %dma_start3A_111] : memref<10000x128xf32, #tpu.memory_space<hbm>> -> memref<10000x128xf32, #tpu.memory_space<hbm>>
        tpu.enqueue_indirect_dma source(%dma_start3A_112 : memref<10000x128xf32, #tpu.memory_space<hbm>>) target(%arg10 : memref<128x128xf32, #tpu.memory_space<vmem>>) offsets(%dma_start3A_105 : memref<128xi32, #tpu.memory_space<vmem>>) semaphore(%arg12 : memref<!tpu.dma_semaphore, #tpu.memory_space<semaphore_mem>>)
      } else {
      }
      %dma_wait3A_90 = arith.constant 0 : i32
      %dma_wait3A_91 = arith.constant 0 : i32
      %dma_wait3A_92 = tpu.memref_slice %arg2[%arg0, %dma_wait3A_90, %dma_wait3A_91] : memref<2x10000x128xf32, #tpu.memory_space<hbm>> -> memref<1x128x128xf32, #tpu.memory_space<hbm>>
      %dma_wait3A_93 = tpu.memref_squeeze %dma_wait3A_92 : memref<1x128x128xf32, #tpu.memory_space<hbm>> -> memref<128x128xf32, #tpu.memory_space<hbm>>
      %dma_wait3A_94 = arith.constant 0 : i32
      %dma_wait3A_95 = arith.constant 0 : i32
      %dma_wait3A_96 = tpu.memref_slice %arg2[%arg0, %dma_wait3A_94, %dma_wait3A_95] : memref<2x10000x128xf32, #tpu.memory_space<hbm>> -> memref<1x128x128xf32, #tpu.memory_space<hbm>>
      %dma_wait3A_97 = tpu.memref_squeeze %dma_wait3A_96 : memref<1x128x128xf32, #tpu.memory_space<hbm>> -> memref<128x128xf32, #tpu.memory_space<hbm>>
      tpu.wait_dma2 semaphore(%arg13 : memref<!tpu.dma_semaphore, #tpu.memory_space<semaphore_mem>>) src(%dma_wait3A_97 : memref<128x128xf32, #tpu.memory_space<hbm>>) dst(%arg11 : memref<128x128xf32, #tpu.memory_space<vmem>>)
      %add3A_98 = arith.constant 1 : i32
      %add3A_99 = arith.addi %mul3A_68, %add3A_98 : i32
      "tpu.region"() ({
        %run_scoped3A = tpu.sem_alloc : memref<!tpu.dma_semaphore, #tpu.memory_space<semaphore_mem>>
        %dma_start3A_101 = arith.constant 0 : i32
        %dma_start3A_102 = tpu.memref_slice %arg9[%add3A_99, %dma_start3A_101] : memref<40x128xi32, #tpu.memory_space<vmem>> -> memref<1x128xi32, #tpu.memory_space<vmem>>
        %dma_start3A_103 = tpu.memref_squeeze %dma_start3A_102 : memref<1x128xi32, #tpu.memory_space<vmem>> -> memref<128xi32, #tpu.memory_space<vmem>>
        %dma_start3A_104 = arith.constant 0 : i32
        %dma_start3A_105 = arith.constant 0 : i32
        %dma_start3A_106 = tpu.memref_slice %arg7[%dma_start3A_104, %dma_start3A_105] : memref<10240x128xf32, #tpu.memory_space<vmem_shared>> -> memref<10240x128xf32, #tpu.memory_space<vmem_shared>>
        tpu.enqueue_indirect_dma source(%arg11 : memref<128x128xf32, #tpu.memory_space<vmem>>) target(%dma_start3A_106 : memref<10240x128xf32, #tpu.memory_space<vmem_shared>>) offsets(%dma_start3A_103 : memref<128xi32, #tpu.memory_space<vmem>>) semaphore(%run_scoped3A : memref<!tpu.dma_semaphore, #tpu.memory_space<semaphore_mem>>) {add = true}
        %dma_wait3A_107 = arith.constant 0 : i32
        %dma_wait3A_108 = tpu.memref_slice %arg9[%add3A_99, %dma_wait3A_107] : memref<40x128xi32, #tpu.memory_space<vmem>> -> memref<1x128xi32, #tpu.memory_space<vmem>>
        %dma_wait3A_109 = tpu.memref_squeeze %dma_wait3A_108 : memref<1x128xi32, #tpu.memory_space<vmem>> -> memref<128xi32, #tpu.memory_space<vmem>>
        %dma_wait3A_110 = arith.constant 0 : i32
        %dma_wait3A_111 = arith.constant 0 : i32
        %dma_wait3A_112 = tpu.memref_slice %arg7[%dma_wait3A_110, %dma_wait3A_111] : memref<10240x128xf32, #tpu.memory_space<vmem_shared>> -> memref<10240x128xf32, #tpu.memory_space<vmem_shared>>
        tpu.wait_indirect_dma semaphore(%run_scoped3A : memref<!tpu.dma_semaphore, #tpu.memory_space<semaphore_mem>>) src(%arg11 : memref<128x128xf32, #tpu.memory_space<vmem>>) dst(%dma_wait3A_112 : memref<10240x128xf32, #tpu.memory_space<vmem_shared>>)
        tpu.yield
      }) : () -> ()
      %scan3A_100 = arith.constant 0 : i32
      scf.yield %scan3A_100 : i32
    }
    %scan3A_59 = arith.constant 20 : i32
    %barrier3A_60 = arith.constant 0 : index
    tpu.barrier barrier_id(%barrier3A_60)
    %mul3A_61 = arith.constant 640 : i32
    %mul3A_62 = arith.muli %arg1, %mul3A_61 : i32
    %mul3A_63 = arith.constant 640 : i32
    %mul3A_64 = arith.muli %arg1, %mul3A_63 : i32
    "tpu.region"() ({
      %run_scoped3A = tpu.sem_alloc : memref<!tpu.dma_semaphore, #tpu.memory_space<semaphore_mem>>
      %dma_start3A_65 = arith.constant 0 : i32
      %dma_start3A_66 = tpu.memref_slice %arg6[%arg0, %mul3A_64, %dma_start3A_65] : memref<2x10240x128xf32, #tpu.memory_space<hbm>> -> memref<1x640x128xf32, #tpu.memory_space<hbm>>
      %dma_start3A_67 = tpu.memref_squeeze %dma_start3A_66 : memref<1x640x128xf32, #tpu.memory_space<hbm>> -> memref<640x128xf32, #tpu.memory_space<hbm>>
      %dma_start3A_68 = arith.constant 0 : i32
      %dma_start3A_69 = tpu.memref_slice %arg7[%mul3A_62, %dma_start3A_68] : memref<10240x128xf32, #tpu.memory_space<vmem_shared>> -> memref<640x128xf32, #tpu.memory_space<vmem_shared>>
      tpu.enqueue_dma source(%dma_start3A_69 : memref<640x128xf32, #tpu.memory_space<vmem_shared>>) target(%dma_start3A_67 : memref<640x128xf32, #tpu.memory_space<hbm>>) target_semaphore(%run_scoped3A : memref<!tpu.dma_semaphore, #tpu.memory_space<semaphore_mem>>)
      %dma_wait3A = arith.constant 0 : i32
      %dma_wait3A_70 = tpu.memref_slice %arg6[%arg0, %mul3A_64, %dma_wait3A] : memref<2x10240x128xf32, #tpu.memory_space<hbm>> -> memref<1x640x128xf32, #tpu.memory_space<hbm>>
      %dma_wait3A_71 = tpu.memref_squeeze %dma_wait3A_70 : memref<1x640x128xf32, #tpu.memory_space<hbm>> -> memref<640x128xf32, #tpu.memory_space<hbm>>
      %dma_wait3A_72 = arith.constant 0 : i32
      %dma_wait3A_73 = tpu.memref_slice %arg7[%mul3A_62, %dma_wait3A_72] : memref<10240x128xf32, #tpu.memory_space<vmem_shared>> -> memref<640x128xf32, #tpu.memory_space<vmem_shared>>
      tpu.wait_dma2 semaphore(%run_scoped3A : memref<!tpu.dma_semaphore, #tpu.memory_space<semaphore_mem>>) src(%dma_wait3A_73 : memref<640x128xf32, #tpu.memory_space<vmem_shared>>) dst(%dma_wait3A_71 : memref<640x128xf32, #tpu.memory_space<hbm>>)
      tpu.yield
    }) : () -> ()
    return
  }
}

#map = affine_map<(d0, d1) -> (0, 0)>
#map1 = affine_map<(d0, d1) -> (0, 0, 0)>
module attributes {stable_mosaic.version = 14 : i64} {
  func.func @_deg_body(%arg0: i32, %arg1: i32, %arg2: memref<1280x128xi32, #tpu.memory_space<hbm>>, %arg3: memref<2x10240x16xf32, #tpu.memory_space<hbm>>, %arg4: memref<10240x16xf32, #tpu.memory_space<vmem_shared>>, %arg5: memref<40x128xi32, #tpu.memory_space<vmem>>, %arg6: memref<128x16xf32, #tpu.memory_space<vmem>>, %arg7: memref<128x16xf32, #tpu.memory_space<vmem>>) attributes {dimension_semantics = [#tpu.dimension_semantics<core_parallel>, #tpu.dimension_semantics<subcore_parallel>], iteration_bounds = array<i64: 2, 16>, scalar_prefetch = 0 : i64, scratch_operands = 4 : i64, tpu.core_type = #tpu.core_type<sc_vector_subcore>, window_params = [{transform_indices = #map}, {transform_indices = #map1}]} {
    %broadcast_in_dim3A = arith.constant 1.000000e+00 : f32
    %broadcast_in_dim3A_0 = vector.broadcast %broadcast_in_dim3A : f32 to vector<16xf32>
    %broadcast_in_dim3A_1 = arith.constant 0.000000e+00 : f32
    %broadcast_in_dim3A_2 = vector.broadcast %broadcast_in_dim3A_1 : f32 to vector<16xf32>
    %swap3A = arith.constant 0 : i32
    %swap3A_3 = arith.index_cast %swap3A : i32 to index
    %swap3A_4 = arith.constant 0 : index
    %swap3A_5 = tpu.vector_load %arg6[%swap3A_3, %swap3A_4] {strides = array<i32>} : memref<128x16xf32, #tpu.memory_space<vmem>>, vector<1x16xf32>,
    %swap3A_6 = vector.shape_cast %swap3A_5 : vector<1x16xf32> to vector<16xf32>
    %swap3A_7 = vector.shape_cast %broadcast_in_dim3A_0 : vector<16xf32> to vector<1x16xf32>
    tpu.vector_store %arg6[%swap3A_3, %swap3A_4], %swap3A_7 {strides = array<i32>} : memref<128x16xf32, #tpu.memory_space<vmem>>, vector<1x16xf32>,
    %swap3A_8 = arith.constant 0 : i32
    %swap3A_9 = arith.index_cast %swap3A_8 : i32 to index
    %swap3A_10 = arith.constant 0 : index
    %swap3A_11 = tpu.vector_load %arg7[%swap3A_9, %swap3A_10] {strides = array<i32>} : memref<128x16xf32, #tpu.memory_space<vmem>>, vector<1x16xf32>,
    %swap3A_12 = vector.shape_cast %swap3A_11 : vector<1x16xf32> to vector<16xf32>
    %swap3A_13 = vector.shape_cast %broadcast_in_dim3A_2 : vector<16xf32> to vector<1x16xf32>
    tpu.vector_store %arg7[%swap3A_9, %swap3A_10], %swap3A_13 {strides = array<i32>} : memref<128x16xf32, #tpu.memory_space<vmem>>, vector<1x16xf32>,
    %swap3A_14 = arith.constant 1 : i32
    %swap3A_15 = arith.index_cast %swap3A_14 : i32 to index
    %swap3A_16 = arith.constant 0 : index
    %swap3A_17 = tpu.vector_load %arg6[%swap3A_15, %swap3A_16] {strides = array<i32>} : memref<128x16xf32, #tpu.memory_space<vmem>>, vector<1x16xf32>,
    %swap3A_18 = vector.shape_cast %swap3A_17 : vector<1x16xf32> to vector<16xf32>
    %swap3A_19 = vector.shape_cast %broadcast_in_dim3A_0 : vector<16xf32> to vector<1x16xf32>
    tpu.vector_store %arg6[%swap3A_15, %swap3A_16], %swap3A_19 {strides = array<i32>} : memref<128x16xf32, #tpu.memory_space<vmem>>, vector<1x16xf32>,
    %swap3A_20 = arith.constant 1 : i32
    %swap3A_21 = arith.index_cast %swap3A_20 : i32 to index
    %swap3A_22 = arith.constant 0 : index
    %swap3A_23 = tpu.vector_load %arg7[%swap3A_21, %swap3A_22] {strides = array<i32>} : memref<128x16xf32, #tpu.memory_space<vmem>>, vector<1x16xf32>,
    %swap3A_24 = vector.shape_cast %swap3A_23 : vector<1x16xf32> to vector<16xf32>
    %swap3A_25 = vector.shape_cast %broadcast_in_dim3A_2 : vector<16xf32> to vector<1x16xf32>
    tpu.vector_store %arg7[%swap3A_21, %swap3A_22], %swap3A_25 {strides = array<i32>} : memref<128x16xf32, #tpu.memory_space<vmem>>, vector<1x16xf32>,
    %swap3A_26 = arith.constant 2 : i32
    %swap3A_27 = arith.index_cast %swap3A_26 : i32 to index
    %swap3A_28 = arith.constant 0 : index
    %swap3A_29 = tpu.vector_load %arg6[%swap3A_27, %swap3A_28] {strides = array<i32>} : memref<128x16xf32, #tpu.memory_space<vmem>>, vector<1x16xf32>,
    %swap3A_30 = vector.shape_cast %swap3A_29 : vector<1x16xf32> to vector<16xf32>
    %swap3A_31 = vector.shape_cast %broadcast_in_dim3A_0 : vector<16xf32> to vector<1x16xf32>
    tpu.vector_store %arg6[%swap3A_27, %swap3A_28], %swap3A_31 {strides = array<i32>} : memref<128x16xf32, #tpu.memory_space<vmem>>, vector<1x16xf32>,
    %swap3A_32 = arith.constant 2 : i32
    %swap3A_33 = arith.index_cast %swap3A_32 : i32 to index
    %swap3A_34 = arith.constant 0 : index
    %swap3A_35 = tpu.vector_load %arg7[%swap3A_33, %swap3A_34] {strides = array<i32>} : memref<128x16xf32, #tpu.memory_space<vmem>>, vector<1x16xf32>,
    %swap3A_36 = vector.shape_cast %swap3A_35 : vector<1x16xf32> to vector<16xf32>
    %swap3A_37 = vector.shape_cast %broadcast_in_dim3A_2 : vector<16xf32> to vector<1x16xf32>
    tpu.vector_store %arg7[%swap3A_33, %swap3A_34], %swap3A_37 {strides = array<i32>} : memref<128x16xf32, #tpu.memory_space<vmem>>, vector<1x16xf32>,
    %swap3A_38 = arith.constant 3 : i32
    %swap3A_39 = arith.index_cast %swap3A_38 : i32 to index
    %swap3A_40 = arith.constant 0 : index
    %swap3A_41 = tpu.vector_load %arg6[%swap3A_39, %swap3A_40] {strides = array<i32>} : memref<128x16xf32, #tpu.memory_space<vmem>>, vector<1x16xf32>,
    %swap3A_42 = vector.shape_cast %swap3A_41 : vector<1x16xf32> to vector<16xf32>
    %swap3A_43 = vector.shape_cast %broadcast_in_dim3A_0 : vector<16xf32> to vector<1x16xf32>
    tpu.vector_store %arg6[%swap3A_39, %swap3A_40], %swap3A_43 {strides = array<i32>} : memref<128x16xf32, #tpu.memory_space<vmem>>, vector<1x16xf32>,
    %swap3A_44 = arith.constant 3 : i32
    %swap3A_45 = arith.index_cast %swap3A_44 : i32 to index
    %swap3A_46 = arith.constant 0 : index
    %swap3A_47 = tpu.vector_load %arg7[%swap3A_45, %swap3A_46] {strides = array<i32>} : memref<128x16xf32, #tpu.memory_space<vmem>>, vector<1x16xf32>,
    %swap3A_48 = vector.shape_cast %swap3A_47 : vector<1x16xf32> to vector<16xf32>
    %swap3A_49 = vector.shape_cast %broadcast_in_dim3A_2 : vector<16xf32> to vector<1x16xf32>
    tpu.vector_store %arg7[%swap3A_45, %swap3A_46], %swap3A_49 {strides = array<i32>} : memref<128x16xf32, #tpu.memory_space<vmem>>, vector<1x16xf32>,
    %swap3A_50 = arith.constant 4 : i32
    %swap3A_51 = arith.index_cast %swap3A_50 : i32 to index
    %swap3A_52 = arith.constant 0 : index
    %swap3A_53 = tpu.vector_load %arg6[%swap3A_51, %swap3A_52] {strides = array<i32>} : memref<128x16xf32, #tpu.memory_space<vmem>>, vector<1x16xf32>,
    %swap3A_54 = vector.shape_cast %swap3A_53 : vector<1x16xf32> to vector<16xf32>
    %swap3A_55 = vector.shape_cast %broadcast_in_dim3A_0 : vector<16xf32> to vector<1x16xf32>
    tpu.vector_store %arg6[%swap3A_51, %swap3A_52], %swap3A_55 {strides = array<i32>} : memref<128x16xf32, #tpu.memory_space<vmem>>, vector<1x16xf32>,
    %swap3A_56 = arith.constant 4 : i32
    %swap3A_57 = arith.index_cast %swap3A_56 : i32 to index
    %swap3A_58 = arith.constant 0 : index
    %swap3A_59 = tpu.vector_load %arg7[%swap3A_57, %swap3A_58] {strides = array<i32>} : memref<128x16xf32, #tpu.memory_space<vmem>>, vector<1x16xf32>,
    %swap3A_60 = vector.shape_cast %swap3A_59 : vector<1x16xf32> to vector<16xf32>
    %swap3A_61 = vector.shape_cast %broadcast_in_dim3A_2 : vector<16xf32> to vector<1x16xf32>
    tpu.vector_store %arg7[%swap3A_57, %swap3A_58], %swap3A_61 {strides = array<i32>} : memref<128x16xf32, #tpu.memory_space<vmem>>, vector<1x16xf32>,
    %swap3A_62 = arith.constant 5 : i32
    %swap3A_63 = arith.index_cast %swap3A_62 : i32 to index
    %swap3A_64 = arith.constant 0 : index
    %swap3A_65 = tpu.vector_load %arg6[%swap3A_63, %swap3A_64] {strides = array<i32>} : memref<128x16xf32, #tpu.memory_space<vmem>>, vector<1x16xf32>,
    %swap3A_66 = vector.shape_cast %swap3A_65 : vector<1x16xf32> to vector<16xf32>
    %swap3A_67 = vector.shape_cast %broadcast_in_dim3A_0 : vector<16xf32> to vector<1x16xf32>
    tpu.vector_store %arg6[%swap3A_63, %swap3A_64], %swap3A_67 {strides = array<i32>} : memref<128x16xf32, #tpu.memory_space<vmem>>, vector<1x16xf32>,
    %swap3A_68 = arith.constant 5 : i32
    %swap3A_69 = arith.index_cast %swap3A_68 : i32 to index
    %swap3A_70 = arith.constant 0 : index
    %swap3A_71 = tpu.vector_load %arg7[%swap3A_69, %swap3A_70] {strides = array<i32>} : memref<128x16xf32, #tpu.memory_space<vmem>>, vector<1x16xf32>,
    %swap3A_72 = vector.shape_cast %swap3A_71 : vector<1x16xf32> to vector<16xf32>
    %swap3A_73 = vector.shape_cast %broadcast_in_dim3A_2 : vector<16xf32> to vector<1x16xf32>
    tpu.vector_store %arg7[%swap3A_69, %swap3A_70], %swap3A_73 {strides = array<i32>} : memref<128x16xf32, #tpu.memory_space<vmem>>, vector<1x16xf32>,
    %swap3A_74 = arith.constant 6 : i32
    %swap3A_75 = arith.index_cast %swap3A_74 : i32 to index
    %swap3A_76 = arith.constant 0 : index
    %swap3A_77 = tpu.vector_load %arg6[%swap3A_75, %swap3A_76] {strides = array<i32>} : memref<128x16xf32, #tpu.memory_space<vmem>>, vector<1x16xf32>,
    %swap3A_78 = vector.shape_cast %swap3A_77 : vector<1x16xf32> to vector<16xf32>
    %swap3A_79 = vector.shape_cast %broadcast_in_dim3A_0 : vector<16xf32> to vector<1x16xf32>
    tpu.vector_store %arg6[%swap3A_75, %swap3A_76], %swap3A_79 {strides = array<i32>} : memref<128x16xf32, #tpu.memory_space<vmem>>, vector<1x16xf32>,
    %swap3A_80 = arith.constant 6 : i32
    %swap3A_81 = arith.index_cast %swap3A_80 : i32 to index
    %swap3A_82 = arith.constant 0 : index
    %swap3A_83 = tpu.vector_load %arg7[%swap3A_81, %swap3A_82] {strides = array<i32>} : memref<128x16xf32, #tpu.memory_space<vmem>>, vector<1x16xf32>,
    %swap3A_84 = vector.shape_cast %swap3A_83 : vector<1x16xf32> to vector<16xf32>
    %swap3A_85 = vector.shape_cast %broadcast_in_dim3A_2 : vector<16xf32> to vector<1x16xf32>
    tpu.vector_store %arg7[%swap3A_81, %swap3A_82], %swap3A_85 {strides = array<i32>} : memref<128x16xf32, #tpu.memory_space<vmem>>, vector<1x16xf32>,
    %swap3A_86 = arith.constant 7 : i32
    %swap3A_87 = arith.index_cast %swap3A_86 : i32 to index
    %swap3A_88 = arith.constant 0 : index
    %swap3A_89 = tpu.vector_load %arg6[%swap3A_87, %swap3A_88] {strides = array<i32>} : memref<128x16xf32, #tpu.memory_space<vmem>>, vector<1x16xf32>,
    %swap3A_90 = vector.shape_cast %swap3A_89 : vector<1x16xf32> to vector<16xf32>
    %swap3A_91 = vector.shape_cast %broadcast_in_dim3A_0 : vector<16xf32> to vector<1x16xf32>
    tpu.vector_store %arg6[%swap3A_87, %swap3A_88], %swap3A_91 {strides = array<i32>} : memref<128x16xf32, #tpu.memory_space<vmem>>, vector<1x16xf32>,
    %swap3A_92 = arith.constant 7 : i32
    %swap3A_93 = arith.index_cast %swap3A_92 : i32 to index
    %swap3A_94 = arith.constant 0 : index
    %swap3A_95 = tpu.vector_load %arg7[%swap3A_93, %swap3A_94] {strides = array<i32>} : memref<128x16xf32, #tpu.memory_space<vmem>>, vector<1x16xf32>,
    %swap3A_96 = vector.shape_cast %swap3A_95 : vector<1x16xf32> to vector<16xf32>
    %swap3A_97 = vector.shape_cast %broadcast_in_dim3A_2 : vector<16xf32> to vector<1x16xf32>
    tpu.vector_store %arg7[%swap3A_93, %swap3A_94], %swap3A_97 {strides = array<i32>} : memref<128x16xf32, #tpu.memory_space<vmem>>, vector<1x16xf32>,
    %swap3A_98 = arith.constant 8 : i32
    %swap3A_99 = arith.index_cast %swap3A_98 : i32 to index
    %swap3A_100 = arith.constant 0 : index
    %swap3A_101 = tpu.vector_load %arg6[%swap3A_99, %swap3A_100] {strides = array<i32>} : memref<128x16xf32, #tpu.memory_space<vmem>>, vector<1x16xf32>,
    %swap3A_102 = vector.shape_cast %swap3A_101 : vector<1x16xf32> to vector<16xf32>
    %swap3A_103 = vector.shape_cast %broadcast_in_dim3A_0 : vector<16xf32> to vector<1x16xf32>
    tpu.vector_store %arg6[%swap3A_99, %swap3A_100], %swap3A_103 {strides = array<i32>} : memref<128x16xf32, #tpu.memory_space<vmem>>, vector<1x16xf32>,
    %swap3A_104 = arith.constant 8 : i32
    %swap3A_105 = arith.index_cast %swap3A_104 : i32 to index
    %swap3A_106 = arith.constant 0 : index
    %swap3A_107 = tpu.vector_load %arg7[%swap3A_105, %swap3A_106] {strides = array<i32>} : memref<128x16xf32, #tpu.memory_space<vmem>>, vector<1x16xf32>,
    %swap3A_108 = vector.shape_cast %swap3A_107 : vector<1x16xf32> to vector<16xf32>
    %swap3A_109 = vector.shape_cast %broadcast_in_dim3A_2 : vector<16xf32> to vector<1x16xf32>
    tpu.vector_store %arg7[%swap3A_105, %swap3A_106], %swap3A_109 {strides = array<i32>} : memref<128x16xf32, #tpu.memory_space<vmem>>, vector<1x16xf32>,
    %swap3A_110 = arith.constant 9 : i32
    %swap3A_111 = arith.index_cast %swap3A_110 : i32 to index
    %swap3A_112 = arith.constant 0 : index
    %swap3A_113 = tpu.vector_load %arg6[%swap3A_111, %swap3A_112] {strides = array<i32>} : memref<128x16xf32, #tpu.memory_space<vmem>>, vector<1x16xf32>,
    %swap3A_114 = vector.shape_cast %swap3A_113 : vector<1x16xf32> to vector<16xf32>
    %swap3A_115 = vector.shape_cast %broadcast_in_dim3A_0 : vector<16xf32> to vector<1x16xf32>
    tpu.vector_store %arg6[%swap3A_111, %swap3A_112], %swap3A_115 {strides = array<i32>} : memref<128x16xf32, #tpu.memory_space<vmem>>, vector<1x16xf32>,
    %swap3A_116 = arith.constant 9 : i32
    %swap3A_117 = arith.index_cast %swap3A_116 : i32 to index
    %swap3A_118 = arith.constant 0 : index
    %swap3A_119 = tpu.vector_load %arg7[%swap3A_117, %swap3A_118] {strides = array<i32>} : memref<128x16xf32, #tpu.memory_space<vmem>>, vector<1x16xf32>,
    %swap3A_120 = vector.shape_cast %swap3A_119 : vector<1x16xf32> to vector<16xf32>
    %swap3A_121 = vector.shape_cast %broadcast_in_dim3A_2 : vector<16xf32> to vector<1x16xf32>
    tpu.vector_store %arg7[%swap3A_117, %swap3A_118], %swap3A_121 {strides = array<i32>} : memref<128x16xf32, #tpu.memory_space<vmem>>, vector<1x16xf32>,
    %swap3A_122 = arith.constant 10 : i32
    %swap3A_123 = arith.index_cast %swap3A_122 : i32 to index
    %swap3A_124 = arith.constant 0 : index
    %swap3A_125 = tpu.vector_load %arg6[%swap3A_123, %swap3A_124] {strides = array<i32>} : memref<128x16xf32, #tpu.memory_space<vmem>>, vector<1x16xf32>,
    %swap3A_126 = vector.shape_cast %swap3A_125 : vector<1x16xf32> to vector<16xf32>
    %swap3A_127 = vector.shape_cast %broadcast_in_dim3A_0 : vector<16xf32> to vector<1x16xf32>
    tpu.vector_store %arg6[%swap3A_123, %swap3A_124], %swap3A_127 {strides = array<i32>} : memref<128x16xf32, #tpu.memory_space<vmem>>, vector<1x16xf32>,
    %swap3A_128 = arith.constant 10 : i32
    %swap3A_129 = arith.index_cast %swap3A_128 : i32 to index
    %swap3A_130 = arith.constant 0 : index
    %swap3A_131 = tpu.vector_load %arg7[%swap3A_129, %swap3A_130] {strides = array<i32>} : memref<128x16xf32, #tpu.memory_space<vmem>>, vector<1x16xf32>,
    %swap3A_132 = vector.shape_cast %swap3A_131 : vector<1x16xf32> to vector<16xf32>
    %swap3A_133 = vector.shape_cast %broadcast_in_dim3A_2 : vector<16xf32> to vector<1x16xf32>
    tpu.vector_store %arg7[%swap3A_129, %swap3A_130], %swap3A_133 {strides = array<i32>} : memref<128x16xf32, #tpu.memory_space<vmem>>, vector<1x16xf32>,
    %swap3A_134 = arith.constant 11 : i32
    %swap3A_135 = arith.index_cast %swap3A_134 : i32 to index
    %swap3A_136 = arith.constant 0 : index
    %swap3A_137 = tpu.vector_load %arg6[%swap3A_135, %swap3A_136] {strides = array<i32>} : memref<128x16xf32, #tpu.memory_space<vmem>>, vector<1x16xf32>,
    %swap3A_138 = vector.shape_cast %swap3A_137 : vector<1x16xf32> to vector<16xf32>
    %swap3A_139 = vector.shape_cast %broadcast_in_dim3A_0 : vector<16xf32> to vector<1x16xf32>
    tpu.vector_store %arg6[%swap3A_135, %swap3A_136], %swap3A_139 {strides = array<i32>} : memref<128x16xf32, #tpu.memory_space<vmem>>, vector<1x16xf32>,
    %swap3A_140 = arith.constant 11 : i32
    %swap3A_141 = arith.index_cast %swap3A_140 : i32 to index
    %swap3A_142 = arith.constant 0 : index
    %swap3A_143 = tpu.vector_load %arg7[%swap3A_141, %swap3A_142] {strides = array<i32>} : memref<128x16xf32, #tpu.memory_space<vmem>>, vector<1x16xf32>,
    %swap3A_144 = vector.shape_cast %swap3A_143 : vector<1x16xf32> to vector<16xf32>
    %swap3A_145 = vector.shape_cast %broadcast_in_dim3A_2 : vector<16xf32> to vector<1x16xf32>
    tpu.vector_store %arg7[%swap3A_141, %swap3A_142], %swap3A_145 {strides = array<i32>} : memref<128x16xf32, #tpu.memory_space<vmem>>, vector<1x16xf32>,
    %swap3A_146 = arith.constant 12 : i32
    %swap3A_147 = arith.index_cast %swap3A_146 : i32 to index
    %swap3A_148 = arith.constant 0 : index
    %swap3A_149 = tpu.vector_load %arg6[%swap3A_147, %swap3A_148] {strides = array<i32>} : memref<128x16xf32, #tpu.memory_space<vmem>>, vector<1x16xf32>,
    %swap3A_150 = vector.shape_cast %swap3A_149 : vector<1x16xf32> to vector<16xf32>
    %swap3A_151 = vector.shape_cast %broadcast_in_dim3A_0 : vector<16xf32> to vector<1x16xf32>
    tpu.vector_store %arg6[%swap3A_147, %swap3A_148], %swap3A_151 {strides = array<i32>} : memref<128x16xf32, #tpu.memory_space<vmem>>, vector<1x16xf32>,
    %swap3A_152 = arith.constant 12 : i32
    %swap3A_153 = arith.index_cast %swap3A_152 : i32 to index
    %swap3A_154 = arith.constant 0 : index
    %swap3A_155 = tpu.vector_load %arg7[%swap3A_153, %swap3A_154] {strides = array<i32>} : memref<128x16xf32, #tpu.memory_space<vmem>>, vector<1x16xf32>,
    %swap3A_156 = vector.shape_cast %swap3A_155 : vector<1x16xf32> to vector<16xf32>
    %swap3A_157 = vector.shape_cast %broadcast_in_dim3A_2 : vector<16xf32> to vector<1x16xf32>
    tpu.vector_store %arg7[%swap3A_153, %swap3A_154], %swap3A_157 {strides = array<i32>} : memref<128x16xf32, #tpu.memory_space<vmem>>, vector<1x16xf32>,
    %swap3A_158 = arith.constant 13 : i32
    %swap3A_159 = arith.index_cast %swap3A_158 : i32 to index
    %swap3A_160 = arith.constant 0 : index
    %swap3A_161 = tpu.vector_load %arg6[%swap3A_159, %swap3A_160] {strides = array<i32>} : memref<128x16xf32, #tpu.memory_space<vmem>>, vector<1x16xf32>,
    %swap3A_162 = vector.shape_cast %swap3A_161 : vector<1x16xf32> to vector<16xf32>
    %swap3A_163 = vector.shape_cast %broadcast_in_dim3A_0 : vector<16xf32> to vector<1x16xf32>
    tpu.vector_store %arg6[%swap3A_159, %swap3A_160], %swap3A_163 {strides = array<i32>} : memref<128x16xf32, #tpu.memory_space<vmem>>, vector<1x16xf32>,
    %swap3A_164 = arith.constant 13 : i32
    %swap3A_165 = arith.index_cast %swap3A_164 : i32 to index
    %swap3A_166 = arith.constant 0 : index
    %swap3A_167 = tpu.vector_load %arg7[%swap3A_165, %swap3A_166] {strides = array<i32>} : memref<128x16xf32, #tpu.memory_space<vmem>>, vector<1x16xf32>,
    %swap3A_168 = vector.shape_cast %swap3A_167 : vector<1x16xf32> to vector<16xf32>
    %swap3A_169 = vector.shape_cast %broadcast_in_dim3A_2 : vector<16xf32> to vector<1x16xf32>
    tpu.vector_store %arg7[%swap3A_165, %swap3A_166], %swap3A_169 {strides = array<i32>} : memref<128x16xf32, #tpu.memory_space<vmem>>, vector<1x16xf32>,
    %swap3A_170 = arith.constant 14 : i32
    %swap3A_171 = arith.index_cast %swap3A_170 : i32 to index
    %swap3A_172 = arith.constant 0 : index
    %swap3A_173 = tpu.vector_load %arg6[%swap3A_171, %swap3A_172] {strides = array<i32>} : memref<128x16xf32, #tpu.memory_space<vmem>>, vector<1x16xf32>,
    %swap3A_174 = vector.shape_cast %swap3A_173 : vector<1x16xf32> to vector<16xf32>
    %swap3A_175 = vector.shape_cast %broadcast_in_dim3A_0 : vector<16xf32> to vector<1x16xf32>
    tpu.vector_store %arg6[%swap3A_171, %swap3A_172], %swap3A_175 {strides = array<i32>} : memref<128x16xf32, #tpu.memory_space<vmem>>, vector<1x16xf32>,
    %swap3A_176 = arith.constant 14 : i32
    %swap3A_177 = arith.index_cast %swap3A_176 : i32 to index
    %swap3A_178 = arith.constant 0 : index
    %swap3A_179 = tpu.vector_load %arg7[%swap3A_177, %swap3A_178] {strides = array<i32>} : memref<128x16xf32, #tpu.memory_space<vmem>>, vector<1x16xf32>,
    %swap3A_180 = vector.shape_cast %swap3A_179 : vector<1x16xf32> to vector<16xf32>
    %swap3A_181 = vector.shape_cast %broadcast_in_dim3A_2 : vector<16xf32> to vector<1x16xf32>
    tpu.vector_store %arg7[%swap3A_177, %swap3A_178], %swap3A_181 {strides = array<i32>} : memref<128x16xf32, #tpu.memory_space<vmem>>, vector<1x16xf32>,
    %swap3A_182 = arith.constant 15 : i32
    %swap3A_183 = arith.index_cast %swap3A_182 : i32 to index
    %swap3A_184 = arith.constant 0 : index
    %swap3A_185 = tpu.vector_load %arg6[%swap3A_183, %swap3A_184] {strides = array<i32>} : memref<128x16xf32, #tpu.memory_space<vmem>>, vector<1x16xf32>,
    %swap3A_186 = vector.shape_cast %swap3A_185 : vector<1x16xf32> to vector<16xf32>
    %swap3A_187 = vector.shape_cast %broadcast_in_dim3A_0 : vector<16xf32> to vector<1x16xf32>
    tpu.vector_store %arg6[%swap3A_183, %swap3A_184], %swap3A_187 {strides = array<i32>} : memref<128x16xf32, #tpu.memory_space<vmem>>, vector<1x16xf32>,
    %swap3A_188 = arith.constant 15 : i32
    %swap3A_189 = arith.index_cast %swap3A_188 : i32 to index
    %swap3A_190 = arith.constant 0 : index
    %swap3A_191 = tpu.vector_load %arg7[%swap3A_189, %swap3A_190] {strides = array<i32>} : memref<128x16xf32, #tpu.memory_space<vmem>>, vector<1x16xf32>,
    %swap3A_192 = vector.shape_cast %swap3A_191 : vector<1x16xf32> to vector<16xf32>
    %swap3A_193 = vector.shape_cast %broadcast_in_dim3A_2 : vector<16xf32> to vector<1x16xf32>
    tpu.vector_store %arg7[%swap3A_189, %swap3A_190], %swap3A_193 {strides = array<i32>} : memref<128x16xf32, #tpu.memory_space<vmem>>, vector<1x16xf32>,
    %swap3A_194 = arith.constant 16 : i32
    %swap3A_195 = arith.index_cast %swap3A_194 : i32 to index
    %swap3A_196 = arith.constant 0 : index
    %swap3A_197 = tpu.vector_load %arg6[%swap3A_195, %swap3A_196] {strides = array<i32>} : memref<128x16xf32, #tpu.memory_space<vmem>>, vector<1x16xf32>,
    %swap3A_198 = vector.shape_cast %swap3A_197 : vector<1x16xf32> to vector<16xf32>
    %swap3A_199 = vector.shape_cast %broadcast_in_dim3A_0 : vector<16xf32> to vector<1x16xf32>
    tpu.vector_store %arg6[%swap3A_195, %swap3A_196], %swap3A_199 {strides = array<i32>} : memref<128x16xf32, #tpu.memory_space<vmem>>, vector<1x16xf32>,
    %swap3A_200 = arith.constant 16 : i32
    %swap3A_201 = arith.index_cast %swap3A_200 : i32 to index
    %swap3A_202 = arith.constant 0 : index
    %swap3A_203 = tpu.vector_load %arg7[%swap3A_201, %swap3A_202] {strides = array<i32>} : memref<128x16xf32, #tpu.memory_space<vmem>>, vector<1x16xf32>,
    %swap3A_204 = vector.shape_cast %swap3A_203 : vector<1x16xf32> to vector<16xf32>
    %swap3A_205 = vector.shape_cast %broadcast_in_dim3A_2 : vector<16xf32> to vector<1x16xf32>
    tpu.vector_store %arg7[%swap3A_201, %swap3A_202], %swap3A_205 {strides = array<i32>} : memref<128x16xf32, #tpu.memory_space<vmem>>, vector<1x16xf32>,
    %swap3A_206 = arith.constant 17 : i32
    %swap3A_207 = arith.index_cast %swap3A_206 : i32 to index
    %swap3A_208 = arith.constant 0 : index
    %swap3A_209 = tpu.vector_load %arg6[%swap3A_207, %swap3A_208] {strides = array<i32>} : memref<128x16xf32, #tpu.memory_space<vmem>>, vector<1x16xf32>,
    %swap3A_210 = vector.shape_cast %swap3A_209 : vector<1x16xf32> to vector<16xf32>
    %swap3A_211 = vector.shape_cast %broadcast_in_dim3A_0 : vector<16xf32> to vector<1x16xf32>
    tpu.vector_store %arg6[%swap3A_207, %swap3A_208], %swap3A_211 {strides = array<i32>} : memref<128x16xf32, #tpu.memory_space<vmem>>, vector<1x16xf32>,
    %swap3A_212 = arith.constant 17 : i32
    %swap3A_213 = arith.index_cast %swap3A_212 : i32 to index
    %swap3A_214 = arith.constant 0 : index
    %swap3A_215 = tpu.vector_load %arg7[%swap3A_213, %swap3A_214] {strides = array<i32>} : memref<128x16xf32, #tpu.memory_space<vmem>>, vector<1x16xf32>,
    %swap3A_216 = vector.shape_cast %swap3A_215 : vector<1x16xf32> to vector<16xf32>
    %swap3A_217 = vector.shape_cast %broadcast_in_dim3A_2 : vector<16xf32> to vector<1x16xf32>
    tpu.vector_store %arg7[%swap3A_213, %swap3A_214], %swap3A_217 {strides = array<i32>} : memref<128x16xf32, #tpu.memory_space<vmem>>, vector<1x16xf32>,
    %swap3A_218 = arith.constant 18 : i32
    %swap3A_219 = arith.index_cast %swap3A_218 : i32 to index
    %swap3A_220 = arith.constant 0 : index
    %swap3A_221 = tpu.vector_load %arg6[%swap3A_219, %swap3A_220] {strides = array<i32>} : memref<128x16xf32, #tpu.memory_space<vmem>>, vector<1x16xf32>,
    %swap3A_222 = vector.shape_cast %swap3A_221 : vector<1x16xf32> to vector<16xf32>
    %swap3A_223 = vector.shape_cast %broadcast_in_dim3A_0 : vector<16xf32> to vector<1x16xf32>
    tpu.vector_store %arg6[%swap3A_219, %swap3A_220], %swap3A_223 {strides = array<i32>} : memref<128x16xf32, #tpu.memory_space<vmem>>, vector<1x16xf32>,
    %swap3A_224 = arith.constant 18 : i32
    %swap3A_225 = arith.index_cast %swap3A_224 : i32 to index
    %swap3A_226 = arith.constant 0 : index
    %swap3A_227 = tpu.vector_load %arg7[%swap3A_225, %swap3A_226] {strides = array<i32>} : memref<128x16xf32, #tpu.memory_space<vmem>>, vector<1x16xf32>,
    %swap3A_228 = vector.shape_cast %swap3A_227 : vector<1x16xf32> to vector<16xf32>
    %swap3A_229 = vector.shape_cast %broadcast_in_dim3A_2 : vector<16xf32> to vector<1x16xf32>
    tpu.vector_store %arg7[%swap3A_225, %swap3A_226], %swap3A_229 {strides = array<i32>} : memref<128x16xf32, #tpu.memory_space<vmem>>, vector<1x16xf32>,
    %swap3A_230 = arith.constant 19 : i32
    %swap3A_231 = arith.index_cast %swap3A_230 : i32 to index
    %swap3A_232 = arith.constant 0 : index
    %swap3A_233 = tpu.vector_load %arg6[%swap3A_231, %swap3A_232] {strides = array<i32>} : memref<128x16xf32, #tpu.memory_space<vmem>>, vector<1x16xf32>,
    %swap3A_234 = vector.shape_cast %swap3A_233 : vector<1x16xf32> to vector<16xf32>
    %swap3A_235 = vector.shape_cast %broadcast_in_dim3A_0 : vector<16xf32> to vector<1x16xf32>
    tpu.vector_store %arg6[%swap3A_231, %swap3A_232], %swap3A_235 {strides = array<i32>} : memref<128x16xf32, #tpu.memory_space<vmem>>, vector<1x16xf32>,
    %swap3A_236 = arith.constant 19 : i32
    %swap3A_237 = arith.index_cast %swap3A_236 : i32 to index
    %swap3A_238 = arith.constant 0 : index
    %swap3A_239 = tpu.vector_load %arg7[%swap3A_237, %swap3A_238] {strides = array<i32>} : memref<128x16xf32, #tpu.memory_space<vmem>>, vector<1x16xf32>,
    %swap3A_240 = vector.shape_cast %swap3A_239 : vector<1x16xf32> to vector<16xf32>
    %swap3A_241 = vector.shape_cast %broadcast_in_dim3A_2 : vector<16xf32> to vector<1x16xf32>
    tpu.vector_store %arg7[%swap3A_237, %swap3A_238], %swap3A_241 {strides = array<i32>} : memref<128x16xf32, #tpu.memory_space<vmem>>, vector<1x16xf32>,
    %swap3A_242 = arith.constant 20 : i32
    %swap3A_243 = arith.index_cast %swap3A_242 : i32 to index
    %swap3A_244 = arith.constant 0 : index
    %swap3A_245 = tpu.vector_load %arg6[%swap3A_243, %swap3A_244] {strides = array<i32>} : memref<128x16xf32, #tpu.memory_space<vmem>>, vector<1x16xf32>,
    %swap3A_246 = vector.shape_cast %swap3A_245 : vector<1x16xf32> to vector<16xf32>
    %swap3A_247 = vector.shape_cast %broadcast_in_dim3A_0 : vector<16xf32> to vector<1x16xf32>
    tpu.vector_store %arg6[%swap3A_243, %swap3A_244], %swap3A_247 {strides = array<i32>} : memref<128x16xf32, #tpu.memory_space<vmem>>, vector<1x16xf32>,
    %swap3A_248 = arith.constant 20 : i32
    %swap3A_249 = arith.index_cast %swap3A_248 : i32 to index
    %swap3A_250 = arith.constant 0 : index
    %swap3A_251 = tpu.vector_load %arg7[%swap3A_249, %swap3A_250] {strides = array<i32>} : memref<128x16xf32, #tpu.memory_space<vmem>>, vector<1x16xf32>,
    %swap3A_252 = vector.shape_cast %swap3A_251 : vector<1x16xf32> to vector<16xf32>
    %swap3A_253 = vector.shape_cast %broadcast_in_dim3A_2 : vector<16xf32> to vector<1x16xf32>
    tpu.vector_store %arg7[%swap3A_249, %swap3A_250], %swap3A_253 {strides = array<i32>} : memref<128x16xf32, #tpu.memory_space<vmem>>, vector<1x16xf32>,
    %swap3A_254 = arith.constant 21 : i32
    %swap3A_255 = arith.index_cast %swap3A_254 : i32 to index
    %swap3A_256 = arith.constant 0 : index
    %swap3A_257 = tpu.vector_load %arg6[%swap3A_255, %swap3A_256] {strides = array<i32>} : memref<128x16xf32, #tpu.memory_space<vmem>>, vector<1x16xf32>,
    %swap3A_258 = vector.shape_cast %swap3A_257 : vector<1x16xf32> to vector<16xf32>
    %swap3A_259 = vector.shape_cast %broadcast_in_dim3A_0 : vector<16xf32> to vector<1x16xf32>
    tpu.vector_store %arg6[%swap3A_255, %swap3A_256], %swap3A_259 {strides = array<i32>} : memref<128x16xf32, #tpu.memory_space<vmem>>, vector<1x16xf32>,
    %swap3A_260 = arith.constant 21 : i32
    %swap3A_261 = arith.index_cast %swap3A_260 : i32 to index
    %swap3A_262 = arith.constant 0 : index
    %swap3A_263 = tpu.vector_load %arg7[%swap3A_261, %swap3A_262] {strides = array<i32>} : memref<128x16xf32, #tpu.memory_space<vmem>>, vector<1x16xf32>,
    %swap3A_264 = vector.shape_cast %swap3A_263 : vector<1x16xf32> to vector<16xf32>
    %swap3A_265 = vector.shape_cast %broadcast_in_dim3A_2 : vector<16xf32> to vector<1x16xf32>
    tpu.vector_store %arg7[%swap3A_261, %swap3A_262], %swap3A_265 {strides = array<i32>} : memref<128x16xf32, #tpu.memory_space<vmem>>, vector<1x16xf32>,
    %swap3A_266 = arith.constant 22 : i32
    %swap3A_267 = arith.index_cast %swap3A_266 : i32 to index
    %swap3A_268 = arith.constant 0 : index
    %swap3A_269 = tpu.vector_load %arg6[%swap3A_267, %swap3A_268] {strides = array<i32>} : memref<128x16xf32, #tpu.memory_space<vmem>>, vector<1x16xf32>,
    %swap3A_270 = vector.shape_cast %swap3A_269 : vector<1x16xf32> to vector<16xf32>
    %swap3A_271 = vector.shape_cast %broadcast_in_dim3A_0 : vector<16xf32> to vector<1x16xf32>
    tpu.vector_store %arg6[%swap3A_267, %swap3A_268], %swap3A_271 {strides = array<i32>} : memref<128x16xf32, #tpu.memory_space<vmem>>, vector<1x16xf32>,
    %swap3A_272 = arith.constant 22 : i32
    %swap3A_273 = arith.index_cast %swap3A_272 : i32 to index
    %swap3A_274 = arith.constant 0 : index
    %swap3A_275 = tpu.vector_load %arg7[%swap3A_273, %swap3A_274] {strides = array<i32>} : memref<128x16xf32, #tpu.memory_space<vmem>>, vector<1x16xf32>,
    %swap3A_276 = vector.shape_cast %swap3A_275 : vector<1x16xf32> to vector<16xf32>
    %swap3A_277 = vector.shape_cast %broadcast_in_dim3A_2 : vector<16xf32> to vector<1x16xf32>
    tpu.vector_store %arg7[%swap3A_273, %swap3A_274], %swap3A_277 {strides = array<i32>} : memref<128x16xf32, #tpu.memory_space<vmem>>, vector<1x16xf32>,
    %swap3A_278 = arith.constant 23 : i32
    %swap3A_279 = arith.index_cast %swap3A_278 : i32 to index
    %swap3A_280 = arith.constant 0 : index
    %swap3A_281 = tpu.vector_load %arg6[%swap3A_279, %swap3A_280] {strides = array<i32>} : memref<128x16xf32, #tpu.memory_space<vmem>>, vector<1x16xf32>,
    %swap3A_282 = vector.shape_cast %swap3A_281 : vector<1x16xf32> to vector<16xf32>
    %swap3A_283 = vector.shape_cast %broadcast_in_dim3A_0 : vector<16xf32> to vector<1x16xf32>
    tpu.vector_store %arg6[%swap3A_279, %swap3A_280], %swap3A_283 {strides = array<i32>} : memref<128x16xf32, #tpu.memory_space<vmem>>, vector<1x16xf32>,
    %swap3A_284 = arith.constant 23 : i32
    %swap3A_285 = arith.index_cast %swap3A_284 : i32 to index
    %swap3A_286 = arith.constant 0 : index
    %swap3A_287 = tpu.vector_load %arg7[%swap3A_285, %swap3A_286] {strides = array<i32>} : memref<128x16xf32, #tpu.memory_space<vmem>>, vector<1x16xf32>,
    %swap3A_288 = vector.shape_cast %swap3A_287 : vector<1x16xf32> to vector<16xf32>
    %swap3A_289 = vector.shape_cast %broadcast_in_dim3A_2 : vector<16xf32> to vector<1x16xf32>
    tpu.vector_store %arg7[%swap3A_285, %swap3A_286], %swap3A_289 {strides = array<i32>} : memref<128x16xf32, #tpu.memory_space<vmem>>, vector<1x16xf32>,
    %swap3A_290 = arith.constant 24 : i32
    %swap3A_291 = arith.index_cast %swap3A_290 : i32 to index
    %swap3A_292 = arith.constant 0 : index
    %swap3A_293 = tpu.vector_load %arg6[%swap3A_291, %swap3A_292] {strides = array<i32>} : memref<128x16xf32, #tpu.memory_space<vmem>>, vector<1x16xf32>,
    %swap3A_294 = vector.shape_cast %swap3A_293 : vector<1x16xf32> to vector<16xf32>
    %swap3A_295 = vector.shape_cast %broadcast_in_dim3A_0 : vector<16xf32> to vector<1x16xf32>
    tpu.vector_store %arg6[%swap3A_291, %swap3A_292], %swap3A_295 {strides = array<i32>} : memref<128x16xf32, #tpu.memory_space<vmem>>, vector<1x16xf32>,
    %swap3A_296 = arith.constant 24 : i32
    %swap3A_297 = arith.index_cast %swap3A_296 : i32 to index
    %swap3A_298 = arith.constant 0 : index
    %swap3A_299 = tpu.vector_load %arg7[%swap3A_297, %swap3A_298] {strides = array<i32>} : memref<128x16xf32, #tpu.memory_space<vmem>>, vector<1x16xf32>,
    %swap3A_300 = vector.shape_cast %swap3A_299 : vector<1x16xf32> to vector<16xf32>
    %swap3A_301 = vector.shape_cast %broadcast_in_dim3A_2 : vector<16xf32> to vector<1x16xf32>
    tpu.vector_store %arg7[%swap3A_297, %swap3A_298], %swap3A_301 {strides = array<i32>} : memref<128x16xf32, #tpu.memory_space<vmem>>, vector<1x16xf32>,
    %swap3A_302 = arith.constant 25 : i32
    %swap3A_303 = arith.index_cast %swap3A_302 : i32 to index
    %swap3A_304 = arith.constant 0 : index
    %swap3A_305 = tpu.vector_load %arg6[%swap3A_303, %swap3A_304] {strides = array<i32>} : memref<128x16xf32, #tpu.memory_space<vmem>>, vector<1x16xf32>,
    %swap3A_306 = vector.shape_cast %swap3A_305 : vector<1x16xf32> to vector<16xf32>
    %swap3A_307 = vector.shape_cast %broadcast_in_dim3A_0 : vector<16xf32> to vector<1x16xf32>
    tpu.vector_store %arg6[%swap3A_303, %swap3A_304], %swap3A_307 {strides = array<i32>} : memref<128x16xf32, #tpu.memory_space<vmem>>, vector<1x16xf32>,
    %swap3A_308 = arith.constant 25 : i32
    %swap3A_309 = arith.index_cast %swap3A_308 : i32 to index
    %swap3A_310 = arith.constant 0 : index
    %swap3A_311 = tpu.vector_load %arg7[%swap3A_309, %swap3A_310] {strides = array<i32>} : memref<128x16xf32, #tpu.memory_space<vmem>>, vector<1x16xf32>,
    %swap3A_312 = vector.shape_cast %swap3A_311 : vector<1x16xf32> to vector<16xf32>
    %swap3A_313 = vector.shape_cast %broadcast_in_dim3A_2 : vector<16xf32> to vector<1x16xf32>
    tpu.vector_store %arg7[%swap3A_309, %swap3A_310], %swap3A_313 {strides = array<i32>} : memref<128x16xf32, #tpu.memory_space<vmem>>, vector<1x16xf32>,
    %swap3A_314 = arith.constant 26 : i32
    %swap3A_315 = arith.index_cast %swap3A_314 : i32 to index
    %swap3A_316 = arith.constant 0 : index
    %swap3A_317 = tpu.vector_load %arg6[%swap3A_315, %swap3A_316] {strides = array<i32>} : memref<128x16xf32, #tpu.memory_space<vmem>>, vector<1x16xf32>,
    %swap3A_318 = vector.shape_cast %swap3A_317 : vector<1x16xf32> to vector<16xf32>
    %swap3A_319 = vector.shape_cast %broadcast_in_dim3A_0 : vector<16xf32> to vector<1x16xf32>
    tpu.vector_store %arg6[%swap3A_315, %swap3A_316], %swap3A_319 {strides = array<i32>} : memref<128x16xf32, #tpu.memory_space<vmem>>, vector<1x16xf32>,
    %swap3A_320 = arith.constant 26 : i32
    %swap3A_321 = arith.index_cast %swap3A_320 : i32 to index
    %swap3A_322 = arith.constant 0 : index
    %swap3A_323 = tpu.vector_load %arg7[%swap3A_321, %swap3A_322] {strides = array<i32>} : memref<128x16xf32, #tpu.memory_space<vmem>>, vector<1x16xf32>,
    %swap3A_324 = vector.shape_cast %swap3A_323 : vector<1x16xf32> to vector<16xf32>
    %swap3A_325 = vector.shape_cast %broadcast_in_dim3A_2 : vector<16xf32> to vector<1x16xf32>
    tpu.vector_store %arg7[%swap3A_321, %swap3A_322], %swap3A_325 {strides = array<i32>} : memref<128x16xf32, #tpu.memory_space<vmem>>, vector<1x16xf32>,
    %swap3A_326 = arith.constant 27 : i32
    %swap3A_327 = arith.index_cast %swap3A_326 : i32 to index
    %swap3A_328 = arith.constant 0 : index
    %swap3A_329 = tpu.vector_load %arg6[%swap3A_327, %swap3A_328] {strides = array<i32>} : memref<128x16xf32, #tpu.memory_space<vmem>>, vector<1x16xf32>,
    %swap3A_330 = vector.shape_cast %swap3A_329 : vector<1x16xf32> to vector<16xf32>
    %swap3A_331 = vector.shape_cast %broadcast_in_dim3A_0 : vector<16xf32> to vector<1x16xf32>
    tpu.vector_store %arg6[%swap3A_327, %swap3A_328], %swap3A_331 {strides = array<i32>} : memref<128x16xf32, #tpu.memory_space<vmem>>, vector<1x16xf32>,
    %swap3A_332 = arith.constant 27 : i32
    %swap3A_333 = arith.index_cast %swap3A_332 : i32 to index
    %swap3A_334 = arith.constant 0 : index
    %swap3A_335 = tpu.vector_load %arg7[%swap3A_333, %swap3A_334] {strides = array<i32>} : memref<128x16xf32, #tpu.memory_space<vmem>>, vector<1x16xf32>,
    %swap3A_336 = vector.shape_cast %swap3A_335 : vector<1x16xf32> to vector<16xf32>
    %swap3A_337 = vector.shape_cast %broadcast_in_dim3A_2 : vector<16xf32> to vector<1x16xf32>
    tpu.vector_store %arg7[%swap3A_333, %swap3A_334], %swap3A_337 {strides = array<i32>} : memref<128x16xf32, #tpu.memory_space<vmem>>, vector<1x16xf32>,
    %swap3A_338 = arith.constant 28 : i32
    %swap3A_339 = arith.index_cast %swap3A_338 : i32 to index
    %swap3A_340 = arith.constant 0 : index
    %swap3A_341 = tpu.vector_load %arg6[%swap3A_339, %swap3A_340] {strides = array<i32>} : memref<128x16xf32, #tpu.memory_space<vmem>>, vector<1x16xf32>,
    %swap3A_342 = vector.shape_cast %swap3A_341 : vector<1x16xf32> to vector<16xf32>
    %swap3A_343 = vector.shape_cast %broadcast_in_dim3A_0 : vector<16xf32> to vector<1x16xf32>
    tpu.vector_store %arg6[%swap3A_339, %swap3A_340], %swap3A_343 {strides = array<i32>} : memref<128x16xf32, #tpu.memory_space<vmem>>, vector<1x16xf32>,
    %swap3A_344 = arith.constant 28 : i32
    %swap3A_345 = arith.index_cast %swap3A_344 : i32 to index
    %swap3A_346 = arith.constant 0 : index
    %swap3A_347 = tpu.vector_load %arg7[%swap3A_345, %swap3A_346] {strides = array<i32>} : memref<128x16xf32, #tpu.memory_space<vmem>>, vector<1x16xf32>,
    %swap3A_348 = vector.shape_cast %swap3A_347 : vector<1x16xf32> to vector<16xf32>
    %swap3A_349 = vector.shape_cast %broadcast_in_dim3A_2 : vector<16xf32> to vector<1x16xf32>
    tpu.vector_store %arg7[%swap3A_345, %swap3A_346], %swap3A_349 {strides = array<i32>} : memref<128x16xf32, #tpu.memory_space<vmem>>, vector<1x16xf32>,
    %swap3A_350 = arith.constant 29 : i32
    %swap3A_351 = arith.index_cast %swap3A_350 : i32 to index
    %swap3A_352 = arith.constant 0 : index
    %swap3A_353 = tpu.vector_load %arg6[%swap3A_351, %swap3A_352] {strides = array<i32>} : memref<128x16xf32, #tpu.memory_space<vmem>>, vector<1x16xf32>,
    %swap3A_354 = vector.shape_cast %swap3A_353 : vector<1x16xf32> to vector<16xf32>
    %swap3A_355 = vector.shape_cast %broadcast_in_dim3A_0 : vector<16xf32> to vector<1x16xf32>
    tpu.vector_store %arg6[%swap3A_351, %swap3A_352], %swap3A_355 {strides = array<i32>} : memref<128x16xf32, #tpu.memory_space<vmem>>, vector<1x16xf32>,
    %swap3A_356 = arith.constant 29 : i32
    %swap3A_357 = arith.index_cast %swap3A_356 : i32 to index
    %swap3A_358 = arith.constant 0 : index
    %swap3A_359 = tpu.vector_load %arg7[%swap3A_357, %swap3A_358] {strides = array<i32>} : memref<128x16xf32, #tpu.memory_space<vmem>>, vector<1x16xf32>,
    %swap3A_360 = vector.shape_cast %swap3A_359 : vector<1x16xf32> to vector<16xf32>
    %swap3A_361 = vector.shape_cast %broadcast_in_dim3A_2 : vector<16xf32> to vector<1x16xf32>
    tpu.vector_store %arg7[%swap3A_357, %swap3A_358], %swap3A_361 {strides = array<i32>} : memref<128x16xf32, #tpu.memory_space<vmem>>, vector<1x16xf32>,
    %swap3A_362 = arith.constant 30 : i32
    %swap3A_363 = arith.index_cast %swap3A_362 : i32 to index
    %swap3A_364 = arith.constant 0 : index
    %swap3A_365 = tpu.vector_load %arg6[%swap3A_363, %swap3A_364] {strides = array<i32>} : memref<128x16xf32, #tpu.memory_space<vmem>>, vector<1x16xf32>,
    %swap3A_366 = vector.shape_cast %swap3A_365 : vector<1x16xf32> to vector<16xf32>
    %swap3A_367 = vector.shape_cast %broadcast_in_dim3A_0 : vector<16xf32> to vector<1x16xf32>
    tpu.vector_store %arg6[%swap3A_363, %swap3A_364], %swap3A_367 {strides = array<i32>} : memref<128x16xf32, #tpu.memory_space<vmem>>, vector<1x16xf32>,
    %swap3A_368 = arith.constant 30 : i32
    %swap3A_369 = arith.index_cast %swap3A_368 : i32 to index
    %swap3A_370 = arith.constant 0 : index
    %swap3A_371 = tpu.vector_load %arg7[%swap3A_369, %swap3A_370] {strides = array<i32>} : memref<128x16xf32, #tpu.memory_space<vmem>>, vector<1x16xf32>,
    %swap3A_372 = vector.shape_cast %swap3A_371 : vector<1x16xf32> to vector<16xf32>
    %swap3A_373 = vector.shape_cast %broadcast_in_dim3A_2 : vector<16xf32> to vector<1x16xf32>
    tpu.vector_store %arg7[%swap3A_369, %swap3A_370], %swap3A_373 {strides = array<i32>} : memref<128x16xf32, #tpu.memory_space<vmem>>, vector<1x16xf32>,
    %swap3A_374 = arith.constant 31 : i32
    %swap3A_375 = arith.index_cast %swap3A_374 : i32 to index
    %swap3A_376 = arith.constant 0 : index
    %swap3A_377 = tpu.vector_load %arg6[%swap3A_375, %swap3A_376] {strides = array<i32>} : memref<128x16xf32, #tpu.memory_space<vmem>>, vector<1x16xf32>,
    %swap3A_378 = vector.shape_cast %swap3A_377 : vector<1x16xf32> to vector<16xf32>
    %swap3A_379 = vector.shape_cast %broadcast_in_dim3A_0 : vector<16xf32> to vector<1x16xf32>
    tpu.vector_store %arg6[%swap3A_375, %swap3A_376], %swap3A_379 {strides = array<i32>} : memref<128x16xf32, #tpu.memory_space<vmem>>, vector<1x16xf32>,
    %swap3A_380 = arith.constant 31 : i32
    %swap3A_381 = arith.index_cast %swap3A_380 : i32 to index
    %swap3A_382 = arith.constant 0 : index
    %swap3A_383 = tpu.vector_load %arg7[%swap3A_381, %swap3A_382] {strides = array<i32>} : memref<128x16xf32, #tpu.memory_space<vmem>>, vector<1x16xf32>,
    %swap3A_384 = vector.shape_cast %swap3A_383 : vector<1x16xf32> to vector<16xf32>
    %swap3A_385 = vector.shape_cast %broadcast_in_dim3A_2 : vector<16xf32> to vector<1x16xf32>
    tpu.vector_store %arg7[%swap3A_381, %swap3A_382], %swap3A_385 {strides = array<i32>} : memref<128x16xf32, #tpu.memory_space<vmem>>, vector<1x16xf32>,
    %swap3A_386 = arith.constant 32 : i32
    %swap3A_387 = arith.index_cast %swap3A_386 : i32 to index
    %swap3A_388 = arith.constant 0 : index
    %swap3A_389 = tpu.vector_load %arg6[%swap3A_387, %swap3A_388] {strides = array<i32>} : memref<128x16xf32, #tpu.memory_space<vmem>>, vector<1x16xf32>,
    %swap3A_390 = vector.shape_cast %swap3A_389 : vector<1x16xf32> to vector<16xf32>
    %swap3A_391 = vector.shape_cast %broadcast_in_dim3A_0 : vector<16xf32> to vector<1x16xf32>
    tpu.vector_store %arg6[%swap3A_387, %swap3A_388], %swap3A_391 {strides = array<i32>} : memref<128x16xf32, #tpu.memory_space<vmem>>, vector<1x16xf32>,
    %swap3A_392 = arith.constant 32 : i32
    %swap3A_393 = arith.index_cast %swap3A_392 : i32 to index
    %swap3A_394 = arith.constant 0 : index
    %swap3A_395 = tpu.vector_load %arg7[%swap3A_393, %swap3A_394] {strides = array<i32>} : memref<128x16xf32, #tpu.memory_space<vmem>>, vector<1x16xf32>,
    %swap3A_396 = vector.shape_cast %swap3A_395 : vector<1x16xf32> to vector<16xf32>
    %swap3A_397 = vector.shape_cast %broadcast_in_dim3A_2 : vector<16xf32> to vector<1x16xf32>
    tpu.vector_store %arg7[%swap3A_393, %swap3A_394], %swap3A_397 {strides = array<i32>} : memref<128x16xf32, #tpu.memory_space<vmem>>, vector<1x16xf32>,
    %swap3A_398 = arith.constant 33 : i32
    %swap3A_399 = arith.index_cast %swap3A_398 : i32 to index
    %swap3A_400 = arith.constant 0 : index
    %swap3A_401 = tpu.vector_load %arg6[%swap3A_399, %swap3A_400] {strides = array<i32>} : memref<128x16xf32, #tpu.memory_space<vmem>>, vector<1x16xf32>,
    %swap3A_402 = vector.shape_cast %swap3A_401 : vector<1x16xf32> to vector<16xf32>
    %swap3A_403 = vector.shape_cast %broadcast_in_dim3A_0 : vector<16xf32> to vector<1x16xf32>
    tpu.vector_store %arg6[%swap3A_399, %swap3A_400], %swap3A_403 {strides = array<i32>} : memref<128x16xf32, #tpu.memory_space<vmem>>, vector<1x16xf32>,
    %swap3A_404 = arith.constant 33 : i32
    %swap3A_405 = arith.index_cast %swap3A_404 : i32 to index
    %swap3A_406 = arith.constant 0 : index
    %swap3A_407 = tpu.vector_load %arg7[%swap3A_405, %swap3A_406] {strides = array<i32>} : memref<128x16xf32, #tpu.memory_space<vmem>>, vector<1x16xf32>,
    %swap3A_408 = vector.shape_cast %swap3A_407 : vector<1x16xf32> to vector<16xf32>
    %swap3A_409 = vector.shape_cast %broadcast_in_dim3A_2 : vector<16xf32> to vector<1x16xf32>
    tpu.vector_store %arg7[%swap3A_405, %swap3A_406], %swap3A_409 {strides = array<i32>} : memref<128x16xf32, #tpu.memory_space<vmem>>, vector<1x16xf32>,
    %swap3A_410 = arith.constant 34 : i32
    %swap3A_411 = arith.index_cast %swap3A_410 : i32 to index
    %swap3A_412 = arith.constant 0 : index
    %swap3A_413 = tpu.vector_load %arg6[%swap3A_411, %swap3A_412] {strides = array<i32>} : memref<128x16xf32, #tpu.memory_space<vmem>>, vector<1x16xf32>,
    %swap3A_414 = vector.shape_cast %swap3A_413 : vector<1x16xf32> to vector<16xf32>
    %swap3A_415 = vector.shape_cast %broadcast_in_dim3A_0 : vector<16xf32> to vector<1x16xf32>
    tpu.vector_store %arg6[%swap3A_411, %swap3A_412], %swap3A_415 {strides = array<i32>} : memref<128x16xf32, #tpu.memory_space<vmem>>, vector<1x16xf32>,
    %swap3A_416 = arith.constant 34 : i32
    %swap3A_417 = arith.index_cast %swap3A_416 : i32 to index
    %swap3A_418 = arith.constant 0 : index
    %swap3A_419 = tpu.vector_load %arg7[%swap3A_417, %swap3A_418] {strides = array<i32>} : memref<128x16xf32, #tpu.memory_space<vmem>>, vector<1x16xf32>,
    %swap3A_420 = vector.shape_cast %swap3A_419 : vector<1x16xf32> to vector<16xf32>
    %swap3A_421 = vector.shape_cast %broadcast_in_dim3A_2 : vector<16xf32> to vector<1x16xf32>
    tpu.vector_store %arg7[%swap3A_417, %swap3A_418], %swap3A_421 {strides = array<i32>} : memref<128x16xf32, #tpu.memory_space<vmem>>, vector<1x16xf32>,
    %swap3A_422 = arith.constant 35 : i32
    %swap3A_423 = arith.index_cast %swap3A_422 : i32 to index
    %swap3A_424 = arith.constant 0 : index
    %swap3A_425 = tpu.vector_load %arg6[%swap3A_423, %swap3A_424] {strides = array<i32>} : memref<128x16xf32, #tpu.memory_space<vmem>>, vector<1x16xf32>,
    %swap3A_426 = vector.shape_cast %swap3A_425 : vector<1x16xf32> to vector<16xf32>
    %swap3A_427 = vector.shape_cast %broadcast_in_dim3A_0 : vector<16xf32> to vector<1x16xf32>
    tpu.vector_store %arg6[%swap3A_423, %swap3A_424], %swap3A_427 {strides = array<i32>} : memref<128x16xf32, #tpu.memory_space<vmem>>, vector<1x16xf32>,
    %swap3A_428 = arith.constant 35 : i32
    %swap3A_429 = arith.index_cast %swap3A_428 : i32 to index
    %swap3A_430 = arith.constant 0 : index
    %swap3A_431 = tpu.vector_load %arg7[%swap3A_429, %swap3A_430] {strides = array<i32>} : memref<128x16xf32, #tpu.memory_space<vmem>>, vector<1x16xf32>,
    %swap3A_432 = vector.shape_cast %swap3A_431 : vector<1x16xf32> to vector<16xf32>
    %swap3A_433 = vector.shape_cast %broadcast_in_dim3A_2 : vector<16xf32> to vector<1x16xf32>
    tpu.vector_store %arg7[%swap3A_429, %swap3A_430], %swap3A_433 {strides = array<i32>} : memref<128x16xf32, #tpu.memory_space<vmem>>, vector<1x16xf32>,
    %swap3A_434 = arith.constant 36 : i32
    %swap3A_435 = arith.index_cast %swap3A_434 : i32 to index
    %swap3A_436 = arith.constant 0 : index
    %swap3A_437 = tpu.vector_load %arg6[%swap3A_435, %swap3A_436] {strides = array<i32>} : memref<128x16xf32, #tpu.memory_space<vmem>>, vector<1x16xf32>,
    %swap3A_438 = vector.shape_cast %swap3A_437 : vector<1x16xf32> to vector<16xf32>
    %swap3A_439 = vector.shape_cast %broadcast_in_dim3A_0 : vector<16xf32> to vector<1x16xf32>
    tpu.vector_store %arg6[%swap3A_435, %swap3A_436], %swap3A_439 {strides = array<i32>} : memref<128x16xf32, #tpu.memory_space<vmem>>, vector<1x16xf32>,
    %swap3A_440 = arith.constant 36 : i32
    %swap3A_441 = arith.index_cast %swap3A_440 : i32 to index
    %swap3A_442 = arith.constant 0 : index
    %swap3A_443 = tpu.vector_load %arg7[%swap3A_441, %swap3A_442] {strides = array<i32>} : memref<128x16xf32, #tpu.memory_space<vmem>>, vector<1x16xf32>,
    %swap3A_444 = vector.shape_cast %swap3A_443 : vector<1x16xf32> to vector<16xf32>
    %swap3A_445 = vector.shape_cast %broadcast_in_dim3A_2 : vector<16xf32> to vector<1x16xf32>
    tpu.vector_store %arg7[%swap3A_441, %swap3A_442], %swap3A_445 {strides = array<i32>} : memref<128x16xf32, #tpu.memory_space<vmem>>, vector<1x16xf32>,
    %swap3A_446 = arith.constant 37 : i32
    %swap3A_447 = arith.index_cast %swap3A_446 : i32 to index
    %swap3A_448 = arith.constant 0 : index
    %swap3A_449 = tpu.vector_load %arg6[%swap3A_447, %swap3A_448] {strides = array<i32>} : memref<128x16xf32, #tpu.memory_space<vmem>>, vector<1x16xf32>,
    %swap3A_450 = vector.shape_cast %swap3A_449 : vector<1x16xf32> to vector<16xf32>
    %swap3A_451 = vector.shape_cast %broadcast_in_dim3A_0 : vector<16xf32> to vector<1x16xf32>
    tpu.vector_store %arg6[%swap3A_447, %swap3A_448], %swap3A_451 {strides = array<i32>} : memref<128x16xf32, #tpu.memory_space<vmem>>, vector<1x16xf32>,
    %swap3A_452 = arith.constant 37 : i32
    %swap3A_453 = arith.index_cast %swap3A_452 : i32 to index
    %swap3A_454 = arith.constant 0 : index
    %swap3A_455 = tpu.vector_load %arg7[%swap3A_453, %swap3A_454] {strides = array<i32>} : memref<128x16xf32, #tpu.memory_space<vmem>>, vector<1x16xf32>,
    %swap3A_456 = vector.shape_cast %swap3A_455 : vector<1x16xf32> to vector<16xf32>
    %swap3A_457 = vector.shape_cast %broadcast_in_dim3A_2 : vector<16xf32> to vector<1x16xf32>
    tpu.vector_store %arg7[%swap3A_453, %swap3A_454], %swap3A_457 {strides = array<i32>} : memref<128x16xf32, #tpu.memory_space<vmem>>, vector<1x16xf32>,
    %swap3A_458 = arith.constant 38 : i32
    %swap3A_459 = arith.index_cast %swap3A_458 : i32 to index
    %swap3A_460 = arith.constant 0 : index
    %swap3A_461 = tpu.vector_load %arg6[%swap3A_459, %swap3A_460] {strides = array<i32>} : memref<128x16xf32, #tpu.memory_space<vmem>>, vector<1x16xf32>,
    %swap3A_462 = vector.shape_cast %swap3A_461 : vector<1x16xf32> to vector<16xf32>
    %swap3A_463 = vector.shape_cast %broadcast_in_dim3A_0 : vector<16xf32> to vector<1x16xf32>
    tpu.vector_store %arg6[%swap3A_459, %swap3A_460], %swap3A_463 {strides = array<i32>} : memref<128x16xf32, #tpu.memory_space<vmem>>, vector<1x16xf32>,
    %swap3A_464 = arith.constant 38 : i32
    %swap3A_465 = arith.index_cast %swap3A_464 : i32 to index
    %swap3A_466 = arith.constant 0 : index
    %swap3A_467 = tpu.vector_load %arg7[%swap3A_465, %swap3A_466] {strides = array<i32>} : memref<128x16xf32, #tpu.memory_space<vmem>>, vector<1x16xf32>,
    %swap3A_468 = vector.shape_cast %swap3A_467 : vector<1x16xf32> to vector<16xf32>
    %swap3A_469 = vector.shape_cast %broadcast_in_dim3A_2 : vector<16xf32> to vector<1x16xf32>
    tpu.vector_store %arg7[%swap3A_465, %swap3A_466], %swap3A_469 {strides = array<i32>} : memref<128x16xf32, #tpu.memory_space<vmem>>, vector<1x16xf32>,
    %swap3A_470 = arith.constant 39 : i32
    %swap3A_471 = arith.index_cast %swap3A_470 : i32 to index
    %swap3A_472 = arith.constant 0 : index
    %swap3A_473 = tpu.vector_load %arg6[%swap3A_471, %swap3A_472] {strides = array<i32>} : memref<128x16xf32, #tpu.memory_space<vmem>>, vector<1x16xf32>,
    %swap3A_474 = vector.shape_cast %swap3A_473 : vector<1x16xf32> to vector<16xf32>
    %swap3A_475 = vector.shape_cast %broadcast_in_dim3A_0 : vector<16xf32> to vector<1x16xf32>
    tpu.vector_store %arg6[%swap3A_471, %swap3A_472], %swap3A_475 {strides = array<i32>} : memref<128x16xf32, #tpu.memory_space<vmem>>, vector<1x16xf32>,
    %swap3A_476 = arith.constant 39 : i32
    %swap3A_477 = arith.index_cast %swap3A_476 : i32 to index
    %swap3A_478 = arith.constant 0 : index
    %swap3A_479 = tpu.vector_load %arg7[%swap3A_477, %swap3A_478] {strides = array<i32>} : memref<128x16xf32, #tpu.memory_space<vmem>>, vector<1x16xf32>,
    %swap3A_480 = vector.shape_cast %swap3A_479 : vector<1x16xf32> to vector<16xf32>
    %swap3A_481 = vector.shape_cast %broadcast_in_dim3A_2 : vector<16xf32> to vector<1x16xf32>
    tpu.vector_store %arg7[%swap3A_477, %swap3A_478], %swap3A_481 {strides = array<i32>} : memref<128x16xf32, #tpu.memory_space<vmem>>, vector<1x16xf32>,
    %swap3A_482 = arith.constant 40 : i32
    %swap3A_483 = arith.index_cast %swap3A_482 : i32 to index
    %swap3A_484 = arith.constant 0 : index
    %swap3A_485 = tpu.vector_load %arg6[%swap3A_483, %swap3A_484] {strides = array<i32>} : memref<128x16xf32, #tpu.memory_space<vmem>>, vector<1x16xf32>,
    %swap3A_486 = vector.shape_cast %swap3A_485 : vector<1x16xf32> to vector<16xf32>
    %swap3A_487 = vector.shape_cast %broadcast_in_dim3A_0 : vector<16xf32> to vector<1x16xf32>
    tpu.vector_store %arg6[%swap3A_483, %swap3A_484], %swap3A_487 {strides = array<i32>} : memref<128x16xf32, #tpu.memory_space<vmem>>, vector<1x16xf32>,
    %swap3A_488 = arith.constant 40 : i32
    %swap3A_489 = arith.index_cast %swap3A_488 : i32 to index
    %swap3A_490 = arith.constant 0 : index
    %swap3A_491 = tpu.vector_load %arg7[%swap3A_489, %swap3A_490] {strides = array<i32>} : memref<128x16xf32, #tpu.memory_space<vmem>>, vector<1x16xf32>,
    %swap3A_492 = vector.shape_cast %swap3A_491 : vector<1x16xf32> to vector<16xf32>
    %swap3A_493 = vector.shape_cast %broadcast_in_dim3A_2 : vector<16xf32> to vector<1x16xf32>
    tpu.vector_store %arg7[%swap3A_489, %swap3A_490], %swap3A_493 {strides = array<i32>} : memref<128x16xf32, #tpu.memory_space<vmem>>, vector<1x16xf32>,
    %swap3A_494 = arith.constant 41 : i32
    %swap3A_495 = arith.index_cast %swap3A_494 : i32 to index
    %swap3A_496 = arith.constant 0 : index
    %swap3A_497 = tpu.vector_load %arg6[%swap3A_495, %swap3A_496] {strides = array<i32>} : memref<128x16xf32, #tpu.memory_space<vmem>>, vector<1x16xf32>,
    %swap3A_498 = vector.shape_cast %swap3A_497 : vector<1x16xf32> to vector<16xf32>
    %swap3A_499 = vector.shape_cast %broadcast_in_dim3A_0 : vector<16xf32> to vector<1x16xf32>
    tpu.vector_store %arg6[%swap3A_495, %swap3A_496], %swap3A_499 {strides = array<i32>} : memref<128x16xf32, #tpu.memory_space<vmem>>, vector<1x16xf32>,
    %swap3A_500 = arith.constant 41 : i32
    %swap3A_501 = arith.index_cast %swap3A_500 : i32 to index
    %swap3A_502 = arith.constant 0 : index
    %swap3A_503 = tpu.vector_load %arg7[%swap3A_501, %swap3A_502] {strides = array<i32>} : memref<128x16xf32, #tpu.memory_space<vmem>>, vector<1x16xf32>,
    %swap3A_504 = vector.shape_cast %swap3A_503 : vector<1x16xf32> to vector<16xf32>
    %swap3A_505 = vector.shape_cast %broadcast_in_dim3A_2 : vector<16xf32> to vector<1x16xf32>
    tpu.vector_store %arg7[%swap3A_501, %swap3A_502], %swap3A_505 {strides = array<i32>} : memref<128x16xf32, #tpu.memory_space<vmem>>, vector<1x16xf32>,
    %swap3A_506 = arith.constant 42 : i32
    %swap3A_507 = arith.index_cast %swap3A_506 : i32 to index
    %swap3A_508 = arith.constant 0 : index
    %swap3A_509 = tpu.vector_load %arg6[%swap3A_507, %swap3A_508] {strides = array<i32>} : memref<128x16xf32, #tpu.memory_space<vmem>>, vector<1x16xf32>,
    %swap3A_510 = vector.shape_cast %swap3A_509 : vector<1x16xf32> to vector<16xf32>
    %swap3A_511 = vector.shape_cast %broadcast_in_dim3A_0 : vector<16xf32> to vector<1x16xf32>
    tpu.vector_store %arg6[%swap3A_507, %swap3A_508], %swap3A_511 {strides = array<i32>} : memref<128x16xf32, #tpu.memory_space<vmem>>, vector<1x16xf32>,
    %swap3A_512 = arith.constant 42 : i32
    %swap3A_513 = arith.index_cast %swap3A_512 : i32 to index
    %swap3A_514 = arith.constant 0 : index
    %swap3A_515 = tpu.vector_load %arg7[%swap3A_513, %swap3A_514] {strides = array<i32>} : memref<128x16xf32, #tpu.memory_space<vmem>>, vector<1x16xf32>,
    %swap3A_516 = vector.shape_cast %swap3A_515 : vector<1x16xf32> to vector<16xf32>
    %swap3A_517 = vector.shape_cast %broadcast_in_dim3A_2 : vector<16xf32> to vector<1x16xf32>
    tpu.vector_store %arg7[%swap3A_513, %swap3A_514], %swap3A_517 {strides = array<i32>} : memref<128x16xf32, #tpu.memory_space<vmem>>, vector<1x16xf32>,
    %swap3A_518 = arith.constant 43 : i32
    %swap3A_519 = arith.index_cast %swap3A_518 : i32 to index
    %swap3A_520 = arith.constant 0 : index
    %swap3A_521 = tpu.vector_load %arg6[%swap3A_519, %swap3A_520] {strides = array<i32>} : memref<128x16xf32, #tpu.memory_space<vmem>>, vector<1x16xf32>,
    %swap3A_522 = vector.shape_cast %swap3A_521 : vector<1x16xf32> to vector<16xf32>
    %swap3A_523 = vector.shape_cast %broadcast_in_dim3A_0 : vector<16xf32> to vector<1x16xf32>
    tpu.vector_store %arg6[%swap3A_519, %swap3A_520], %swap3A_523 {strides = array<i32>} : memref<128x16xf32, #tpu.memory_space<vmem>>, vector<1x16xf32>,
    %swap3A_524 = arith.constant 43 : i32
    %swap3A_525 = arith.index_cast %swap3A_524 : i32 to index
    %swap3A_526 = arith.constant 0 : index
    %swap3A_527 = tpu.vector_load %arg7[%swap3A_525, %swap3A_526] {strides = array<i32>} : memref<128x16xf32, #tpu.memory_space<vmem>>, vector<1x16xf32>,
    %swap3A_528 = vector.shape_cast %swap3A_527 : vector<1x16xf32> to vector<16xf32>
    %swap3A_529 = vector.shape_cast %broadcast_in_dim3A_2 : vector<16xf32> to vector<1x16xf32>
    tpu.vector_store %arg7[%swap3A_525, %swap3A_526], %swap3A_529 {strides = array<i32>} : memref<128x16xf32, #tpu.memory_space<vmem>>, vector<1x16xf32>,
    %swap3A_530 = arith.constant 44 : i32
    %swap3A_531 = arith.index_cast %swap3A_530 : i32 to index
    %swap3A_532 = arith.constant 0 : index
    %swap3A_533 = tpu.vector_load %arg6[%swap3A_531, %swap3A_532] {strides = array<i32>} : memref<128x16xf32, #tpu.memory_space<vmem>>, vector<1x16xf32>,
    %swap3A_534 = vector.shape_cast %swap3A_533 : vector<1x16xf32> to vector<16xf32>
    %swap3A_535 = vector.shape_cast %broadcast_in_dim3A_0 : vector<16xf32> to vector<1x16xf32>
    tpu.vector_store %arg6[%swap3A_531, %swap3A_532], %swap3A_535 {strides = array<i32>} : memref<128x16xf32, #tpu.memory_space<vmem>>, vector<1x16xf32>,
    %swap3A_536 = arith.constant 44 : i32
    %swap3A_537 = arith.index_cast %swap3A_536 : i32 to index
    %swap3A_538 = arith.constant 0 : index
    %swap3A_539 = tpu.vector_load %arg7[%swap3A_537, %swap3A_538] {strides = array<i32>} : memref<128x16xf32, #tpu.memory_space<vmem>>, vector<1x16xf32>,
    %swap3A_540 = vector.shape_cast %swap3A_539 : vector<1x16xf32> to vector<16xf32>
    %swap3A_541 = vector.shape_cast %broadcast_in_dim3A_2 : vector<16xf32> to vector<1x16xf32>
    tpu.vector_store %arg7[%swap3A_537, %swap3A_538], %swap3A_541 {strides = array<i32>} : memref<128x16xf32, #tpu.memory_space<vmem>>, vector<1x16xf32>,
    %swap3A_542 = arith.constant 45 : i32
    %swap3A_543 = arith.index_cast %swap3A_542 : i32 to index
    %swap3A_544 = arith.constant 0 : index
    %swap3A_545 = tpu.vector_load %arg6[%swap3A_543, %swap3A_544] {strides = array<i32>} : memref<128x16xf32, #tpu.memory_space<vmem>>, vector<1x16xf32>,
    %swap3A_546 = vector.shape_cast %swap3A_545 : vector<1x16xf32> to vector<16xf32>
    %swap3A_547 = vector.shape_cast %broadcast_in_dim3A_0 : vector<16xf32> to vector<1x16xf32>
    tpu.vector_store %arg6[%swap3A_543, %swap3A_544], %swap3A_547 {strides = array<i32>} : memref<128x16xf32, #tpu.memory_space<vmem>>, vector<1x16xf32>,
    %swap3A_548 = arith.constant 45 : i32
    %swap3A_549 = arith.index_cast %swap3A_548 : i32 to index
    %swap3A_550 = arith.constant 0 : index
    %swap3A_551 = tpu.vector_load %arg7[%swap3A_549, %swap3A_550] {strides = array<i32>} : memref<128x16xf32, #tpu.memory_space<vmem>>, vector<1x16xf32>,
    %swap3A_552 = vector.shape_cast %swap3A_551 : vector<1x16xf32> to vector<16xf32>
    %swap3A_553 = vector.shape_cast %broadcast_in_dim3A_2 : vector<16xf32> to vector<1x16xf32>
    tpu.vector_store %arg7[%swap3A_549, %swap3A_550], %swap3A_553 {strides = array<i32>} : memref<128x16xf32, #tpu.memory_space<vmem>>, vector<1x16xf32>,
    %swap3A_554 = arith.constant 46 : i32
    %swap3A_555 = arith.index_cast %swap3A_554 : i32 to index
    %swap3A_556 = arith.constant 0 : index
    %swap3A_557 = tpu.vector_load %arg6[%swap3A_555, %swap3A_556] {strides = array<i32>} : memref<128x16xf32, #tpu.memory_space<vmem>>, vector<1x16xf32>,
    %swap3A_558 = vector.shape_cast %swap3A_557 : vector<1x16xf32> to vector<16xf32>
    %swap3A_559 = vector.shape_cast %broadcast_in_dim3A_0 : vector<16xf32> to vector<1x16xf32>
    tpu.vector_store %arg6[%swap3A_555, %swap3A_556], %swap3A_559 {strides = array<i32>} : memref<128x16xf32, #tpu.memory_space<vmem>>, vector<1x16xf32>,
    %swap3A_560 = arith.constant 46 : i32
    %swap3A_561 = arith.index_cast %swap3A_560 : i32 to index
    %swap3A_562 = arith.constant 0 : index
    %swap3A_563 = tpu.vector_load %arg7[%swap3A_561, %swap3A_562] {strides = array<i32>} : memref<128x16xf32, #tpu.memory_space<vmem>>, vector<1x16xf32>,
    %swap3A_564 = vector.shape_cast %swap3A_563 : vector<1x16xf32> to vector<16xf32>
    %swap3A_565 = vector.shape_cast %broadcast_in_dim3A_2 : vector<16xf32> to vector<1x16xf32>
    tpu.vector_store %arg7[%swap3A_561, %swap3A_562], %swap3A_565 {strides = array<i32>} : memref<128x16xf32, #tpu.memory_space<vmem>>, vector<1x16xf32>,
    %swap3A_566 = arith.constant 47 : i32
    %swap3A_567 = arith.index_cast %swap3A_566 : i32 to index
    %swap3A_568 = arith.constant 0 : index
    %swap3A_569 = tpu.vector_load %arg6[%swap3A_567, %swap3A_568] {strides = array<i32>} : memref<128x16xf32, #tpu.memory_space<vmem>>, vector<1x16xf32>,
    %swap3A_570 = vector.shape_cast %swap3A_569 : vector<1x16xf32> to vector<16xf32>
    %swap3A_571 = vector.shape_cast %broadcast_in_dim3A_0 : vector<16xf32> to vector<1x16xf32>
    tpu.vector_store %arg6[%swap3A_567, %swap3A_568], %swap3A_571 {strides = array<i32>} : memref<128x16xf32, #tpu.memory_space<vmem>>, vector<1x16xf32>,
    %swap3A_572 = arith.constant 47 : i32
    %swap3A_573 = arith.index_cast %swap3A_572 : i32 to index
    %swap3A_574 = arith.constant 0 : index
    %swap3A_575 = tpu.vector_load %arg7[%swap3A_573, %swap3A_574] {strides = array<i32>} : memref<128x16xf32, #tpu.memory_space<vmem>>, vector<1x16xf32>,
    %swap3A_576 = vector.shape_cast %swap3A_575 : vector<1x16xf32> to vector<16xf32>
    %swap3A_577 = vector.shape_cast %broadcast_in_dim3A_2 : vector<16xf32> to vector<1x16xf32>
    tpu.vector_store %arg7[%swap3A_573, %swap3A_574], %swap3A_577 {strides = array<i32>} : memref<128x16xf32, #tpu.memory_space<vmem>>, vector<1x16xf32>,
    %swap3A_578 = arith.constant 48 : i32
    %swap3A_579 = arith.index_cast %swap3A_578 : i32 to index
    %swap3A_580 = arith.constant 0 : index
    %swap3A_581 = tpu.vector_load %arg6[%swap3A_579, %swap3A_580] {strides = array<i32>} : memref<128x16xf32, #tpu.memory_space<vmem>>, vector<1x16xf32>,
    %swap3A_582 = vector.shape_cast %swap3A_581 : vector<1x16xf32> to vector<16xf32>
    %swap3A_583 = vector.shape_cast %broadcast_in_dim3A_0 : vector<16xf32> to vector<1x16xf32>
    tpu.vector_store %arg6[%swap3A_579, %swap3A_580], %swap3A_583 {strides = array<i32>} : memref<128x16xf32, #tpu.memory_space<vmem>>, vector<1x16xf32>,
    %swap3A_584 = arith.constant 48 : i32
    %swap3A_585 = arith.index_cast %swap3A_584 : i32 to index
    %swap3A_586 = arith.constant 0 : index
    %swap3A_587 = tpu.vector_load %arg7[%swap3A_585, %swap3A_586] {strides = array<i32>} : memref<128x16xf32, #tpu.memory_space<vmem>>, vector<1x16xf32>,
    %swap3A_588 = vector.shape_cast %swap3A_587 : vector<1x16xf32> to vector<16xf32>
    %swap3A_589 = vector.shape_cast %broadcast_in_dim3A_2 : vector<16xf32> to vector<1x16xf32>
    tpu.vector_store %arg7[%swap3A_585, %swap3A_586], %swap3A_589 {strides = array<i32>} : memref<128x16xf32, #tpu.memory_space<vmem>>, vector<1x16xf32>,
    %swap3A_590 = arith.constant 49 : i32
    %swap3A_591 = arith.index_cast %swap3A_590 : i32 to index
    %swap3A_592 = arith.constant 0 : index
    %swap3A_593 = tpu.vector_load %arg6[%swap3A_591, %swap3A_592] {strides = array<i32>} : memref<128x16xf32, #tpu.memory_space<vmem>>, vector<1x16xf32>,
    %swap3A_594 = vector.shape_cast %swap3A_593 : vector<1x16xf32> to vector<16xf32>
    %swap3A_595 = vector.shape_cast %broadcast_in_dim3A_0 : vector<16xf32> to vector<1x16xf32>
    tpu.vector_store %arg6[%swap3A_591, %swap3A_592], %swap3A_595 {strides = array<i32>} : memref<128x16xf32, #tpu.memory_space<vmem>>, vector<1x16xf32>,
    %swap3A_596 = arith.constant 49 : i32
    %swap3A_597 = arith.index_cast %swap3A_596 : i32 to index
    %swap3A_598 = arith.constant 0 : index
    %swap3A_599 = tpu.vector_load %arg7[%swap3A_597, %swap3A_598] {strides = array<i32>} : memref<128x16xf32, #tpu.memory_space<vmem>>, vector<1x16xf32>,
    %swap3A_600 = vector.shape_cast %swap3A_599 : vector<1x16xf32> to vector<16xf32>
    %swap3A_601 = vector.shape_cast %broadcast_in_dim3A_2 : vector<16xf32> to vector<1x16xf32>
    tpu.vector_store %arg7[%swap3A_597, %swap3A_598], %swap3A_601 {strides = array<i32>} : memref<128x16xf32, #tpu.memory_space<vmem>>, vector<1x16xf32>,
    %swap3A_602 = arith.constant 50 : i32
    %swap3A_603 = arith.index_cast %swap3A_602 : i32 to index
    %swap3A_604 = arith.constant 0 : index
    %swap3A_605 = tpu.vector_load %arg6[%swap3A_603, %swap3A_604] {strides = array<i32>} : memref<128x16xf32, #tpu.memory_space<vmem>>, vector<1x16xf32>,
    %swap3A_606 = vector.shape_cast %swap3A_605 : vector<1x16xf32> to vector<16xf32>
    %swap3A_607 = vector.shape_cast %broadcast_in_dim3A_0 : vector<16xf32> to vector<1x16xf32>
    tpu.vector_store %arg6[%swap3A_603, %swap3A_604], %swap3A_607 {strides = array<i32>} : memref<128x16xf32, #tpu.memory_space<vmem>>, vector<1x16xf32>,
    %swap3A_608 = arith.constant 50 : i32
    %swap3A_609 = arith.index_cast %swap3A_608 : i32 to index
    %swap3A_610 = arith.constant 0 : index
    %swap3A_611 = tpu.vector_load %arg7[%swap3A_609, %swap3A_610] {strides = array<i32>} : memref<128x16xf32, #tpu.memory_space<vmem>>, vector<1x16xf32>,
    %swap3A_612 = vector.shape_cast %swap3A_611 : vector<1x16xf32> to vector<16xf32>
    %swap3A_613 = vector.shape_cast %broadcast_in_dim3A_2 : vector<16xf32> to vector<1x16xf32>
    tpu.vector_store %arg7[%swap3A_609, %swap3A_610], %swap3A_613 {strides = array<i32>} : memref<128x16xf32, #tpu.memory_space<vmem>>, vector<1x16xf32>,
    %swap3A_614 = arith.constant 51 : i32
    %swap3A_615 = arith.index_cast %swap3A_614 : i32 to index
    %swap3A_616 = arith.constant 0 : index
    %swap3A_617 = tpu.vector_load %arg6[%swap3A_615, %swap3A_616] {strides = array<i32>} : memref<128x16xf32, #tpu.memory_space<vmem>>, vector<1x16xf32>,
    %swap3A_618 = vector.shape_cast %swap3A_617 : vector<1x16xf32> to vector<16xf32>
    %swap3A_619 = vector.shape_cast %broadcast_in_dim3A_0 : vector<16xf32> to vector<1x16xf32>
    tpu.vector_store %arg6[%swap3A_615, %swap3A_616], %swap3A_619 {strides = array<i32>} : memref<128x16xf32, #tpu.memory_space<vmem>>, vector<1x16xf32>,
    %swap3A_620 = arith.constant 51 : i32
    %swap3A_621 = arith.index_cast %swap3A_620 : i32 to index
    %swap3A_622 = arith.constant 0 : index
    %swap3A_623 = tpu.vector_load %arg7[%swap3A_621, %swap3A_622] {strides = array<i32>} : memref<128x16xf32, #tpu.memory_space<vmem>>, vector<1x16xf32>,
    %swap3A_624 = vector.shape_cast %swap3A_623 : vector<1x16xf32> to vector<16xf32>
    %swap3A_625 = vector.shape_cast %broadcast_in_dim3A_2 : vector<16xf32> to vector<1x16xf32>
    tpu.vector_store %arg7[%swap3A_621, %swap3A_622], %swap3A_625 {strides = array<i32>} : memref<128x16xf32, #tpu.memory_space<vmem>>, vector<1x16xf32>,
    %swap3A_626 = arith.constant 52 : i32
    %swap3A_627 = arith.index_cast %swap3A_626 : i32 to index
    %swap3A_628 = arith.constant 0 : index
    %swap3A_629 = tpu.vector_load %arg6[%swap3A_627, %swap3A_628] {strides = array<i32>} : memref<128x16xf32, #tpu.memory_space<vmem>>, vector<1x16xf32>,
    %swap3A_630 = vector.shape_cast %swap3A_629 : vector<1x16xf32> to vector<16xf32>
    %swap3A_631 = vector.shape_cast %broadcast_in_dim3A_0 : vector<16xf32> to vector<1x16xf32>
    tpu.vector_store %arg6[%swap3A_627, %swap3A_628], %swap3A_631 {strides = array<i32>} : memref<128x16xf32, #tpu.memory_space<vmem>>, vector<1x16xf32>,
    %swap3A_632 = arith.constant 52 : i32
    %swap3A_633 = arith.index_cast %swap3A_632 : i32 to index
    %swap3A_634 = arith.constant 0 : index
    %swap3A_635 = tpu.vector_load %arg7[%swap3A_633, %swap3A_634] {strides = array<i32>} : memref<128x16xf32, #tpu.memory_space<vmem>>, vector<1x16xf32>,
    %swap3A_636 = vector.shape_cast %swap3A_635 : vector<1x16xf32> to vector<16xf32>
    %swap3A_637 = vector.shape_cast %broadcast_in_dim3A_2 : vector<16xf32> to vector<1x16xf32>
    tpu.vector_store %arg7[%swap3A_633, %swap3A_634], %swap3A_637 {strides = array<i32>} : memref<128x16xf32, #tpu.memory_space<vmem>>, vector<1x16xf32>,
    %swap3A_638 = arith.constant 53 : i32
    %swap3A_639 = arith.index_cast %swap3A_638 : i32 to index
    %swap3A_640 = arith.constant 0 : index
    %swap3A_641 = tpu.vector_load %arg6[%swap3A_639, %swap3A_640] {strides = array<i32>} : memref<128x16xf32, #tpu.memory_space<vmem>>, vector<1x16xf32>,
    %swap3A_642 = vector.shape_cast %swap3A_641 : vector<1x16xf32> to vector<16xf32>
    %swap3A_643 = vector.shape_cast %broadcast_in_dim3A_0 : vector<16xf32> to vector<1x16xf32>
    tpu.vector_store %arg6[%swap3A_639, %swap3A_640], %swap3A_643 {strides = array<i32>} : memref<128x16xf32, #tpu.memory_space<vmem>>, vector<1x16xf32>,
    %swap3A_644 = arith.constant 53 : i32
    %swap3A_645 = arith.index_cast %swap3A_644 : i32 to index
    %swap3A_646 = arith.constant 0 : index
    %swap3A_647 = tpu.vector_load %arg7[%swap3A_645, %swap3A_646] {strides = array<i32>} : memref<128x16xf32, #tpu.memory_space<vmem>>, vector<1x16xf32>,
    %swap3A_648 = vector.shape_cast %swap3A_647 : vector<1x16xf32> to vector<16xf32>
    %swap3A_649 = vector.shape_cast %broadcast_in_dim3A_2 : vector<16xf32> to vector<1x16xf32>
    tpu.vector_store %arg7[%swap3A_645, %swap3A_646], %swap3A_649 {strides = array<i32>} : memref<128x16xf32, #tpu.memory_space<vmem>>, vector<1x16xf32>,
    %swap3A_650 = arith.constant 54 : i32
    %swap3A_651 = arith.index_cast %swap3A_650 : i32 to index
    %swap3A_652 = arith.constant 0 : index
    %swap3A_653 = tpu.vector_load %arg6[%swap3A_651, %swap3A_652] {strides = array<i32>} : memref<128x16xf32, #tpu.memory_space<vmem>>, vector<1x16xf32>,
    %swap3A_654 = vector.shape_cast %swap3A_653 : vector<1x16xf32> to vector<16xf32>
    %swap3A_655 = vector.shape_cast %broadcast_in_dim3A_0 : vector<16xf32> to vector<1x16xf32>
    tpu.vector_store %arg6[%swap3A_651, %swap3A_652], %swap3A_655 {strides = array<i32>} : memref<128x16xf32, #tpu.memory_space<vmem>>, vector<1x16xf32>,
    %swap3A_656 = arith.constant 54 : i32
    %swap3A_657 = arith.index_cast %swap3A_656 : i32 to index
    %swap3A_658 = arith.constant 0 : index
    %swap3A_659 = tpu.vector_load %arg7[%swap3A_657, %swap3A_658] {strides = array<i32>} : memref<128x16xf32, #tpu.memory_space<vmem>>, vector<1x16xf32>,
    %swap3A_660 = vector.shape_cast %swap3A_659 : vector<1x16xf32> to vector<16xf32>
    %swap3A_661 = vector.shape_cast %broadcast_in_dim3A_2 : vector<16xf32> to vector<1x16xf32>
    tpu.vector_store %arg7[%swap3A_657, %swap3A_658], %swap3A_661 {strides = array<i32>} : memref<128x16xf32, #tpu.memory_space<vmem>>, vector<1x16xf32>,
    %swap3A_662 = arith.constant 55 : i32
    %swap3A_663 = arith.index_cast %swap3A_662 : i32 to index
    %swap3A_664 = arith.constant 0 : index
    %swap3A_665 = tpu.vector_load %arg6[%swap3A_663, %swap3A_664] {strides = array<i32>} : memref<128x16xf32, #tpu.memory_space<vmem>>, vector<1x16xf32>,
    %swap3A_666 = vector.shape_cast %swap3A_665 : vector<1x16xf32> to vector<16xf32>
    %swap3A_667 = vector.shape_cast %broadcast_in_dim3A_0 : vector<16xf32> to vector<1x16xf32>
    tpu.vector_store %arg6[%swap3A_663, %swap3A_664], %swap3A_667 {strides = array<i32>} : memref<128x16xf32, #tpu.memory_space<vmem>>, vector<1x16xf32>,
    %swap3A_668 = arith.constant 55 : i32
    %swap3A_669 = arith.index_cast %swap3A_668 : i32 to index
    %swap3A_670 = arith.constant 0 : index
    %swap3A_671 = tpu.vector_load %arg7[%swap3A_669, %swap3A_670] {strides = array<i32>} : memref<128x16xf32, #tpu.memory_space<vmem>>, vector<1x16xf32>,
    %swap3A_672 = vector.shape_cast %swap3A_671 : vector<1x16xf32> to vector<16xf32>
    %swap3A_673 = vector.shape_cast %broadcast_in_dim3A_2 : vector<16xf32> to vector<1x16xf32>
    tpu.vector_store %arg7[%swap3A_669, %swap3A_670], %swap3A_673 {strides = array<i32>} : memref<128x16xf32, #tpu.memory_space<vmem>>, vector<1x16xf32>,
    %swap3A_674 = arith.constant 56 : i32
    %swap3A_675 = arith.index_cast %swap3A_674 : i32 to index
    %swap3A_676 = arith.constant 0 : index
    %swap3A_677 = tpu.vector_load %arg6[%swap3A_675, %swap3A_676] {strides = array<i32>} : memref<128x16xf32, #tpu.memory_space<vmem>>, vector<1x16xf32>,
    %swap3A_678 = vector.shape_cast %swap3A_677 : vector<1x16xf32> to vector<16xf32>
    %swap3A_679 = vector.shape_cast %broadcast_in_dim3A_0 : vector<16xf32> to vector<1x16xf32>
    tpu.vector_store %arg6[%swap3A_675, %swap3A_676], %swap3A_679 {strides = array<i32>} : memref<128x16xf32, #tpu.memory_space<vmem>>, vector<1x16xf32>,
    %swap3A_680 = arith.constant 56 : i32
    %swap3A_681 = arith.index_cast %swap3A_680 : i32 to index
    %swap3A_682 = arith.constant 0 : index
    %swap3A_683 = tpu.vector_load %arg7[%swap3A_681, %swap3A_682] {strides = array<i32>} : memref<128x16xf32, #tpu.memory_space<vmem>>, vector<1x16xf32>,
    %swap3A_684 = vector.shape_cast %swap3A_683 : vector<1x16xf32> to vector<16xf32>
    %swap3A_685 = vector.shape_cast %broadcast_in_dim3A_2 : vector<16xf32> to vector<1x16xf32>
    tpu.vector_store %arg7[%swap3A_681, %swap3A_682], %swap3A_685 {strides = array<i32>} : memref<128x16xf32, #tpu.memory_space<vmem>>, vector<1x16xf32>,
    %swap3A_686 = arith.constant 57 : i32
    %swap3A_687 = arith.index_cast %swap3A_686 : i32 to index
    %swap3A_688 = arith.constant 0 : index
    %swap3A_689 = tpu.vector_load %arg6[%swap3A_687, %swap3A_688] {strides = array<i32>} : memref<128x16xf32, #tpu.memory_space<vmem>>, vector<1x16xf32>,
    %swap3A_690 = vector.shape_cast %swap3A_689 : vector<1x16xf32> to vector<16xf32>
    %swap3A_691 = vector.shape_cast %broadcast_in_dim3A_0 : vector<16xf32> to vector<1x16xf32>
    tpu.vector_store %arg6[%swap3A_687, %swap3A_688], %swap3A_691 {strides = array<i32>} : memref<128x16xf32, #tpu.memory_space<vmem>>, vector<1x16xf32>,
    %swap3A_692 = arith.constant 57 : i32
    %swap3A_693 = arith.index_cast %swap3A_692 : i32 to index
    %swap3A_694 = arith.constant 0 : index
    %swap3A_695 = tpu.vector_load %arg7[%swap3A_693, %swap3A_694] {strides = array<i32>} : memref<128x16xf32, #tpu.memory_space<vmem>>, vector<1x16xf32>,
    %swap3A_696 = vector.shape_cast %swap3A_695 : vector<1x16xf32> to vector<16xf32>
    %swap3A_697 = vector.shape_cast %broadcast_in_dim3A_2 : vector<16xf32> to vector<1x16xf32>
    tpu.vector_store %arg7[%swap3A_693, %swap3A_694], %swap3A_697 {strides = array<i32>} : memref<128x16xf32, #tpu.memory_space<vmem>>, vector<1x16xf32>,
    %swap3A_698 = arith.constant 58 : i32
    %swap3A_699 = arith.index_cast %swap3A_698 : i32 to index
    %swap3A_700 = arith.constant 0 : index
    %swap3A_701 = tpu.vector_load %arg6[%swap3A_699, %swap3A_700] {strides = array<i32>} : memref<128x16xf32, #tpu.memory_space<vmem>>, vector<1x16xf32>,
    %swap3A_702 = vector.shape_cast %swap3A_701 : vector<1x16xf32> to vector<16xf32>
    %swap3A_703 = vector.shape_cast %broadcast_in_dim3A_0 : vector<16xf32> to vector<1x16xf32>
    tpu.vector_store %arg6[%swap3A_699, %swap3A_700], %swap3A_703 {strides = array<i32>} : memref<128x16xf32, #tpu.memory_space<vmem>>, vector<1x16xf32>,
    %swap3A_704 = arith.constant 58 : i32
    %swap3A_705 = arith.index_cast %swap3A_704 : i32 to index
    %swap3A_706 = arith.constant 0 : index
    %swap3A_707 = tpu.vector_load %arg7[%swap3A_705, %swap3A_706] {strides = array<i32>} : memref<128x16xf32, #tpu.memory_space<vmem>>, vector<1x16xf32>,
    %swap3A_708 = vector.shape_cast %swap3A_707 : vector<1x16xf32> to vector<16xf32>
    %swap3A_709 = vector.shape_cast %broadcast_in_dim3A_2 : vector<16xf32> to vector<1x16xf32>
    tpu.vector_store %arg7[%swap3A_705, %swap3A_706], %swap3A_709 {strides = array<i32>} : memref<128x16xf32, #tpu.memory_space<vmem>>, vector<1x16xf32>,
    %swap3A_710 = arith.constant 59 : i32
    %swap3A_711 = arith.index_cast %swap3A_710 : i32 to index
    %swap3A_712 = arith.constant 0 : index
    %swap3A_713 = tpu.vector_load %arg6[%swap3A_711, %swap3A_712] {strides = array<i32>} : memref<128x16xf32, #tpu.memory_space<vmem>>, vector<1x16xf32>,
    %swap3A_714 = vector.shape_cast %swap3A_713 : vector<1x16xf32> to vector<16xf32>
    %swap3A_715 = vector.shape_cast %broadcast_in_dim3A_0 : vector<16xf32> to vector<1x16xf32>
    tpu.vector_store %arg6[%swap3A_711, %swap3A_712], %swap3A_715 {strides = array<i32>} : memref<128x16xf32, #tpu.memory_space<vmem>>, vector<1x16xf32>,
    %swap3A_716 = arith.constant 59 : i32
    %swap3A_717 = arith.index_cast %swap3A_716 : i32 to index
    %swap3A_718 = arith.constant 0 : index
    %swap3A_719 = tpu.vector_load %arg7[%swap3A_717, %swap3A_718] {strides = array<i32>} : memref<128x16xf32, #tpu.memory_space<vmem>>, vector<1x16xf32>,
    %swap3A_720 = vector.shape_cast %swap3A_719 : vector<1x16xf32> to vector<16xf32>
    %swap3A_721 = vector.shape_cast %broadcast_in_dim3A_2 : vector<16xf32> to vector<1x16xf32>
    tpu.vector_store %arg7[%swap3A_717, %swap3A_718], %swap3A_721 {strides = array<i32>} : memref<128x16xf32, #tpu.memory_space<vmem>>, vector<1x16xf32>,
    %swap3A_722 = arith.constant 60 : i32
    %swap3A_723 = arith.index_cast %swap3A_722 : i32 to index
    %swap3A_724 = arith.constant 0 : index
    %swap3A_725 = tpu.vector_load %arg6[%swap3A_723, %swap3A_724] {strides = array<i32>} : memref<128x16xf32, #tpu.memory_space<vmem>>, vector<1x16xf32>,
    %swap3A_726 = vector.shape_cast %swap3A_725 : vector<1x16xf32> to vector<16xf32>
    %swap3A_727 = vector.shape_cast %broadcast_in_dim3A_0 : vector<16xf32> to vector<1x16xf32>
    tpu.vector_store %arg6[%swap3A_723, %swap3A_724], %swap3A_727 {strides = array<i32>} : memref<128x16xf32, #tpu.memory_space<vmem>>, vector<1x16xf32>,
    %swap3A_728 = arith.constant 60 : i32
    %swap3A_729 = arith.index_cast %swap3A_728 : i32 to index
    %swap3A_730 = arith.constant 0 : index
    %swap3A_731 = tpu.vector_load %arg7[%swap3A_729, %swap3A_730] {strides = array<i32>} : memref<128x16xf32, #tpu.memory_space<vmem>>, vector<1x16xf32>,
    %swap3A_732 = vector.shape_cast %swap3A_731 : vector<1x16xf32> to vector<16xf32>
    %swap3A_733 = vector.shape_cast %broadcast_in_dim3A_2 : vector<16xf32> to vector<1x16xf32>
    tpu.vector_store %arg7[%swap3A_729, %swap3A_730], %swap3A_733 {strides = array<i32>} : memref<128x16xf32, #tpu.memory_space<vmem>>, vector<1x16xf32>,
    %swap3A_734 = arith.constant 61 : i32
    %swap3A_735 = arith.index_cast %swap3A_734 : i32 to index
    %swap3A_736 = arith.constant 0 : index
    %swap3A_737 = tpu.vector_load %arg6[%swap3A_735, %swap3A_736] {strides = array<i32>} : memref<128x16xf32, #tpu.memory_space<vmem>>, vector<1x16xf32>,
    %swap3A_738 = vector.shape_cast %swap3A_737 : vector<1x16xf32> to vector<16xf32>
    %swap3A_739 = vector.shape_cast %broadcast_in_dim3A_0 : vector<16xf32> to vector<1x16xf32>
    tpu.vector_store %arg6[%swap3A_735, %swap3A_736], %swap3A_739 {strides = array<i32>} : memref<128x16xf32, #tpu.memory_space<vmem>>, vector<1x16xf32>,
    %swap3A_740 = arith.constant 61 : i32
    %swap3A_741 = arith.index_cast %swap3A_740 : i32 to index
    %swap3A_742 = arith.constant 0 : index
    %swap3A_743 = tpu.vector_load %arg7[%swap3A_741, %swap3A_742] {strides = array<i32>} : memref<128x16xf32, #tpu.memory_space<vmem>>, vector<1x16xf32>,
    %swap3A_744 = vector.shape_cast %swap3A_743 : vector<1x16xf32> to vector<16xf32>
    %swap3A_745 = vector.shape_cast %broadcast_in_dim3A_2 : vector<16xf32> to vector<1x16xf32>
    tpu.vector_store %arg7[%swap3A_741, %swap3A_742], %swap3A_745 {strides = array<i32>} : memref<128x16xf32, #tpu.memory_space<vmem>>, vector<1x16xf32>,
    %swap3A_746 = arith.constant 62 : i32
    %swap3A_747 = arith.index_cast %swap3A_746 : i32 to index
    %swap3A_748 = arith.constant 0 : index
    %swap3A_749 = tpu.vector_load %arg6[%swap3A_747, %swap3A_748] {strides = array<i32>} : memref<128x16xf32, #tpu.memory_space<vmem>>, vector<1x16xf32>,
    %swap3A_750 = vector.shape_cast %swap3A_749 : vector<1x16xf32> to vector<16xf32>
    %swap3A_751 = vector.shape_cast %broadcast_in_dim3A_0 : vector<16xf32> to vector<1x16xf32>
    tpu.vector_store %arg6[%swap3A_747, %swap3A_748], %swap3A_751 {strides = array<i32>} : memref<128x16xf32, #tpu.memory_space<vmem>>, vector<1x16xf32>,
    %swap3A_752 = arith.constant 62 : i32
    %swap3A_753 = arith.index_cast %swap3A_752 : i32 to index
    %swap3A_754 = arith.constant 0 : index
    %swap3A_755 = tpu.vector_load %arg7[%swap3A_753, %swap3A_754] {strides = array<i32>} : memref<128x16xf32, #tpu.memory_space<vmem>>, vector<1x16xf32>,
    %swap3A_756 = vector.shape_cast %swap3A_755 : vector<1x16xf32> to vector<16xf32>
    %swap3A_757 = vector.shape_cast %broadcast_in_dim3A_2 : vector<16xf32> to vector<1x16xf32>
    tpu.vector_store %arg7[%swap3A_753, %swap3A_754], %swap3A_757 {strides = array<i32>} : memref<128x16xf32, #tpu.memory_space<vmem>>, vector<1x16xf32>,
    %swap3A_758 = arith.constant 63 : i32
    %swap3A_759 = arith.index_cast %swap3A_758 : i32 to index
    %swap3A_760 = arith.constant 0 : index
    %swap3A_761 = tpu.vector_load %arg6[%swap3A_759, %swap3A_760] {strides = array<i32>} : memref<128x16xf32, #tpu.memory_space<vmem>>, vector<1x16xf32>,
    %swap3A_762 = vector.shape_cast %swap3A_761 : vector<1x16xf32> to vector<16xf32>
    %swap3A_763 = vector.shape_cast %broadcast_in_dim3A_0 : vector<16xf32> to vector<1x16xf32>
    tpu.vector_store %arg6[%swap3A_759, %swap3A_760], %swap3A_763 {strides = array<i32>} : memref<128x16xf32, #tpu.memory_space<vmem>>, vector<1x16xf32>,
    %swap3A_764 = arith.constant 63 : i32
    %swap3A_765 = arith.index_cast %swap3A_764 : i32 to index
    %swap3A_766 = arith.constant 0 : index
    %swap3A_767 = tpu.vector_load %arg7[%swap3A_765, %swap3A_766] {strides = array<i32>} : memref<128x16xf32, #tpu.memory_space<vmem>>, vector<1x16xf32>,
    %swap3A_768 = vector.shape_cast %swap3A_767 : vector<1x16xf32> to vector<16xf32>
    %swap3A_769 = vector.shape_cast %broadcast_in_dim3A_2 : vector<16xf32> to vector<1x16xf32>
    tpu.vector_store %arg7[%swap3A_765, %swap3A_766], %swap3A_769 {strides = array<i32>} : memref<128x16xf32, #tpu.memory_space<vmem>>, vector<1x16xf32>,
    %swap3A_770 = arith.constant 64 : i32
    %swap3A_771 = arith.index_cast %swap3A_770 : i32 to index
    %swap3A_772 = arith.constant 0 : index
    %swap3A_773 = tpu.vector_load %arg6[%swap3A_771, %swap3A_772] {strides = array<i32>} : memref<128x16xf32, #tpu.memory_space<vmem>>, vector<1x16xf32>,
    %swap3A_774 = vector.shape_cast %swap3A_773 : vector<1x16xf32> to vector<16xf32>
    %swap3A_775 = vector.shape_cast %broadcast_in_dim3A_0 : vector<16xf32> to vector<1x16xf32>
    tpu.vector_store %arg6[%swap3A_771, %swap3A_772], %swap3A_775 {strides = array<i32>} : memref<128x16xf32, #tpu.memory_space<vmem>>, vector<1x16xf32>,
    %swap3A_776 = arith.constant 64 : i32
    %swap3A_777 = arith.index_cast %swap3A_776 : i32 to index
    %swap3A_778 = arith.constant 0 : index
    %swap3A_779 = tpu.vector_load %arg7[%swap3A_777, %swap3A_778] {strides = array<i32>} : memref<128x16xf32, #tpu.memory_space<vmem>>, vector<1x16xf32>,
    %swap3A_780 = vector.shape_cast %swap3A_779 : vector<1x16xf32> to vector<16xf32>
    %swap3A_781 = vector.shape_cast %broadcast_in_dim3A_2 : vector<16xf32> to vector<1x16xf32>
    tpu.vector_store %arg7[%swap3A_777, %swap3A_778], %swap3A_781 {strides = array<i32>} : memref<128x16xf32, #tpu.memory_space<vmem>>, vector<1x16xf32>,
    %swap3A_782 = arith.constant 65 : i32
    %swap3A_783 = arith.index_cast %swap3A_782 : i32 to index
    %swap3A_784 = arith.constant 0 : index
    %swap3A_785 = tpu.vector_load %arg6[%swap3A_783, %swap3A_784] {strides = array<i32>} : memref<128x16xf32, #tpu.memory_space<vmem>>, vector<1x16xf32>,
    %swap3A_786 = vector.shape_cast %swap3A_785 : vector<1x16xf32> to vector<16xf32>
    %swap3A_787 = vector.shape_cast %broadcast_in_dim3A_0 : vector<16xf32> to vector<1x16xf32>
    tpu.vector_store %arg6[%swap3A_783, %swap3A_784], %swap3A_787 {strides = array<i32>} : memref<128x16xf32, #tpu.memory_space<vmem>>, vector<1x16xf32>,
    %swap3A_788 = arith.constant 65 : i32
    %swap3A_789 = arith.index_cast %swap3A_788 : i32 to index
    %swap3A_790 = arith.constant 0 : index
    %swap3A_791 = tpu.vector_load %arg7[%swap3A_789, %swap3A_790] {strides = array<i32>} : memref<128x16xf32, #tpu.memory_space<vmem>>, vector<1x16xf32>,
    %swap3A_792 = vector.shape_cast %swap3A_791 : vector<1x16xf32> to vector<16xf32>
    %swap3A_793 = vector.shape_cast %broadcast_in_dim3A_2 : vector<16xf32> to vector<1x16xf32>
    tpu.vector_store %arg7[%swap3A_789, %swap3A_790], %swap3A_793 {strides = array<i32>} : memref<128x16xf32, #tpu.memory_space<vmem>>, vector<1x16xf32>,
    %swap3A_794 = arith.constant 66 : i32
    %swap3A_795 = arith.index_cast %swap3A_794 : i32 to index
    %swap3A_796 = arith.constant 0 : index
    %swap3A_797 = tpu.vector_load %arg6[%swap3A_795, %swap3A_796] {strides = array<i32>} : memref<128x16xf32, #tpu.memory_space<vmem>>, vector<1x16xf32>,
    %swap3A_798 = vector.shape_cast %swap3A_797 : vector<1x16xf32> to vector<16xf32>
    %swap3A_799 = vector.shape_cast %broadcast_in_dim3A_0 : vector<16xf32> to vector<1x16xf32>
    tpu.vector_store %arg6[%swap3A_795, %swap3A_796], %swap3A_799 {strides = array<i32>} : memref<128x16xf32, #tpu.memory_space<vmem>>, vector<1x16xf32>,
    %swap3A_800 = arith.constant 66 : i32
    %swap3A_801 = arith.index_cast %swap3A_800 : i32 to index
    %swap3A_802 = arith.constant 0 : index
    %swap3A_803 = tpu.vector_load %arg7[%swap3A_801, %swap3A_802] {strides = array<i32>} : memref<128x16xf32, #tpu.memory_space<vmem>>, vector<1x16xf32>,
    %swap3A_804 = vector.shape_cast %swap3A_803 : vector<1x16xf32> to vector<16xf32>
    %swap3A_805 = vector.shape_cast %broadcast_in_dim3A_2 : vector<16xf32> to vector<1x16xf32>
    tpu.vector_store %arg7[%swap3A_801, %swap3A_802], %swap3A_805 {strides = array<i32>} : memref<128x16xf32, #tpu.memory_space<vmem>>, vector<1x16xf32>,
    %swap3A_806 = arith.constant 67 : i32
    %swap3A_807 = arith.index_cast %swap3A_806 : i32 to index
    %swap3A_808 = arith.constant 0 : index
    %swap3A_809 = tpu.vector_load %arg6[%swap3A_807, %swap3A_808] {strides = array<i32>} : memref<128x16xf32, #tpu.memory_space<vmem>>, vector<1x16xf32>,
    %swap3A_810 = vector.shape_cast %swap3A_809 : vector<1x16xf32> to vector<16xf32>
    %swap3A_811 = vector.shape_cast %broadcast_in_dim3A_0 : vector<16xf32> to vector<1x16xf32>
    tpu.vector_store %arg6[%swap3A_807, %swap3A_808], %swap3A_811 {strides = array<i32>} : memref<128x16xf32, #tpu.memory_space<vmem>>, vector<1x16xf32>,
    %swap3A_812 = arith.constant 67 : i32
    %swap3A_813 = arith.index_cast %swap3A_812 : i32 to index
    %swap3A_814 = arith.constant 0 : index
    %swap3A_815 = tpu.vector_load %arg7[%swap3A_813, %swap3A_814] {strides = array<i32>} : memref<128x16xf32, #tpu.memory_space<vmem>>, vector<1x16xf32>,
    %swap3A_816 = vector.shape_cast %swap3A_815 : vector<1x16xf32> to vector<16xf32>
    %swap3A_817 = vector.shape_cast %broadcast_in_dim3A_2 : vector<16xf32> to vector<1x16xf32>
    tpu.vector_store %arg7[%swap3A_813, %swap3A_814], %swap3A_817 {strides = array<i32>} : memref<128x16xf32, #tpu.memory_space<vmem>>, vector<1x16xf32>,
    %swap3A_818 = arith.constant 68 : i32
    %swap3A_819 = arith.index_cast %swap3A_818 : i32 to index
    %swap3A_820 = arith.constant 0 : index
    %swap3A_821 = tpu.vector_load %arg6[%swap3A_819, %swap3A_820] {strides = array<i32>} : memref<128x16xf32, #tpu.memory_space<vmem>>, vector<1x16xf32>,
    %swap3A_822 = vector.shape_cast %swap3A_821 : vector<1x16xf32> to vector<16xf32>
    %swap3A_823 = vector.shape_cast %broadcast_in_dim3A_0 : vector<16xf32> to vector<1x16xf32>
    tpu.vector_store %arg6[%swap3A_819, %swap3A_820], %swap3A_823 {strides = array<i32>} : memref<128x16xf32, #tpu.memory_space<vmem>>, vector<1x16xf32>,
    %swap3A_824 = arith.constant 68 : i32
    %swap3A_825 = arith.index_cast %swap3A_824 : i32 to index
    %swap3A_826 = arith.constant 0 : index
    %swap3A_827 = tpu.vector_load %arg7[%swap3A_825, %swap3A_826] {strides = array<i32>} : memref<128x16xf32, #tpu.memory_space<vmem>>, vector<1x16xf32>,
    %swap3A_828 = vector.shape_cast %swap3A_827 : vector<1x16xf32> to vector<16xf32>
    %swap3A_829 = vector.shape_cast %broadcast_in_dim3A_2 : vector<16xf32> to vector<1x16xf32>
    tpu.vector_store %arg7[%swap3A_825, %swap3A_826], %swap3A_829 {strides = array<i32>} : memref<128x16xf32, #tpu.memory_space<vmem>>, vector<1x16xf32>,
    %swap3A_830 = arith.constant 69 : i32
    %swap3A_831 = arith.index_cast %swap3A_830 : i32 to index
    %swap3A_832 = arith.constant 0 : index
    %swap3A_833 = tpu.vector_load %arg6[%swap3A_831, %swap3A_832] {strides = array<i32>} : memref<128x16xf32, #tpu.memory_space<vmem>>, vector<1x16xf32>,
    %swap3A_834 = vector.shape_cast %swap3A_833 : vector<1x16xf32> to vector<16xf32>
    %swap3A_835 = vector.shape_cast %broadcast_in_dim3A_0 : vector<16xf32> to vector<1x16xf32>
    tpu.vector_store %arg6[%swap3A_831, %swap3A_832], %swap3A_835 {strides = array<i32>} : memref<128x16xf32, #tpu.memory_space<vmem>>, vector<1x16xf32>,
    %swap3A_836 = arith.constant 69 : i32
    %swap3A_837 = arith.index_cast %swap3A_836 : i32 to index
    %swap3A_838 = arith.constant 0 : index
    %swap3A_839 = tpu.vector_load %arg7[%swap3A_837, %swap3A_838] {strides = array<i32>} : memref<128x16xf32, #tpu.memory_space<vmem>>, vector<1x16xf32>,
    %swap3A_840 = vector.shape_cast %swap3A_839 : vector<1x16xf32> to vector<16xf32>
    %swap3A_841 = vector.shape_cast %broadcast_in_dim3A_2 : vector<16xf32> to vector<1x16xf32>
    tpu.vector_store %arg7[%swap3A_837, %swap3A_838], %swap3A_841 {strides = array<i32>} : memref<128x16xf32, #tpu.memory_space<vmem>>, vector<1x16xf32>,
    %swap3A_842 = arith.constant 70 : i32
    %swap3A_843 = arith.index_cast %swap3A_842 : i32 to index
    %swap3A_844 = arith.constant 0 : index
    %swap3A_845 = tpu.vector_load %arg6[%swap3A_843, %swap3A_844] {strides = array<i32>} : memref<128x16xf32, #tpu.memory_space<vmem>>, vector<1x16xf32>,
    %swap3A_846 = vector.shape_cast %swap3A_845 : vector<1x16xf32> to vector<16xf32>
    %swap3A_847 = vector.shape_cast %broadcast_in_dim3A_0 : vector<16xf32> to vector<1x16xf32>
    tpu.vector_store %arg6[%swap3A_843, %swap3A_844], %swap3A_847 {strides = array<i32>} : memref<128x16xf32, #tpu.memory_space<vmem>>, vector<1x16xf32>,
    %swap3A_848 = arith.constant 70 : i32
    %swap3A_849 = arith.index_cast %swap3A_848 : i32 to index
    %swap3A_850 = arith.constant 0 : index
    %swap3A_851 = tpu.vector_load %arg7[%swap3A_849, %swap3A_850] {strides = array<i32>} : memref<128x16xf32, #tpu.memory_space<vmem>>, vector<1x16xf32>,
    %swap3A_852 = vector.shape_cast %swap3A_851 : vector<1x16xf32> to vector<16xf32>
    %swap3A_853 = vector.shape_cast %broadcast_in_dim3A_2 : vector<16xf32> to vector<1x16xf32>
    tpu.vector_store %arg7[%swap3A_849, %swap3A_850], %swap3A_853 {strides = array<i32>} : memref<128x16xf32, #tpu.memory_space<vmem>>, vector<1x16xf32>,
    %swap3A_854 = arith.constant 71 : i32
    %swap3A_855 = arith.index_cast %swap3A_854 : i32 to index
    %swap3A_856 = arith.constant 0 : index
    %swap3A_857 = tpu.vector_load %arg6[%swap3A_855, %swap3A_856] {strides = array<i32>} : memref<128x16xf32, #tpu.memory_space<vmem>>, vector<1x16xf32>,
    %swap3A_858 = vector.shape_cast %swap3A_857 : vector<1x16xf32> to vector<16xf32>
    %swap3A_859 = vector.shape_cast %broadcast_in_dim3A_0 : vector<16xf32> to vector<1x16xf32>
    tpu.vector_store %arg6[%swap3A_855, %swap3A_856], %swap3A_859 {strides = array<i32>} : memref<128x16xf32, #tpu.memory_space<vmem>>, vector<1x16xf32>,
    %swap3A_860 = arith.constant 71 : i32
    %swap3A_861 = arith.index_cast %swap3A_860 : i32 to index
    %swap3A_862 = arith.constant 0 : index
    %swap3A_863 = tpu.vector_load %arg7[%swap3A_861, %swap3A_862] {strides = array<i32>} : memref<128x16xf32, #tpu.memory_space<vmem>>, vector<1x16xf32>,
    %swap3A_864 = vector.shape_cast %swap3A_863 : vector<1x16xf32> to vector<16xf32>
    %swap3A_865 = vector.shape_cast %broadcast_in_dim3A_2 : vector<16xf32> to vector<1x16xf32>
    tpu.vector_store %arg7[%swap3A_861, %swap3A_862], %swap3A_865 {strides = array<i32>} : memref<128x16xf32, #tpu.memory_space<vmem>>, vector<1x16xf32>,
    %swap3A_866 = arith.constant 72 : i32
    %swap3A_867 = arith.index_cast %swap3A_866 : i32 to index
    %swap3A_868 = arith.constant 0 : index
    %swap3A_869 = tpu.vector_load %arg6[%swap3A_867, %swap3A_868] {strides = array<i32>} : memref<128x16xf32, #tpu.memory_space<vmem>>, vector<1x16xf32>,
    %swap3A_870 = vector.shape_cast %swap3A_869 : vector<1x16xf32> to vector<16xf32>
    %swap3A_871 = vector.shape_cast %broadcast_in_dim3A_0 : vector<16xf32> to vector<1x16xf32>
    tpu.vector_store %arg6[%swap3A_867, %swap3A_868], %swap3A_871 {strides = array<i32>} : memref<128x16xf32, #tpu.memory_space<vmem>>, vector<1x16xf32>,
    %swap3A_872 = arith.constant 72 : i32
    %swap3A_873 = arith.index_cast %swap3A_872 : i32 to index
    %swap3A_874 = arith.constant 0 : index
    %swap3A_875 = tpu.vector_load %arg7[%swap3A_873, %swap3A_874] {strides = array<i32>} : memref<128x16xf32, #tpu.memory_space<vmem>>, vector<1x16xf32>,
    %swap3A_876 = vector.shape_cast %swap3A_875 : vector<1x16xf32> to vector<16xf32>
    %swap3A_877 = vector.shape_cast %broadcast_in_dim3A_2 : vector<16xf32> to vector<1x16xf32>
    tpu.vector_store %arg7[%swap3A_873, %swap3A_874], %swap3A_877 {strides = array<i32>} : memref<128x16xf32, #tpu.memory_space<vmem>>, vector<1x16xf32>,
    %swap3A_878 = arith.constant 73 : i32
    %swap3A_879 = arith.index_cast %swap3A_878 : i32 to index
    %swap3A_880 = arith.constant 0 : index
    %swap3A_881 = tpu.vector_load %arg6[%swap3A_879, %swap3A_880] {strides = array<i32>} : memref<128x16xf32, #tpu.memory_space<vmem>>, vector<1x16xf32>,
    %swap3A_882 = vector.shape_cast %swap3A_881 : vector<1x16xf32> to vector<16xf32>
    %swap3A_883 = vector.shape_cast %broadcast_in_dim3A_0 : vector<16xf32> to vector<1x16xf32>
    tpu.vector_store %arg6[%swap3A_879, %swap3A_880], %swap3A_883 {strides = array<i32>} : memref<128x16xf32, #tpu.memory_space<vmem>>, vector<1x16xf32>,
    %swap3A_884 = arith.constant 73 : i32
    %swap3A_885 = arith.index_cast %swap3A_884 : i32 to index
    %swap3A_886 = arith.constant 0 : index
    %swap3A_887 = tpu.vector_load %arg7[%swap3A_885, %swap3A_886] {strides = array<i32>} : memref<128x16xf32, #tpu.memory_space<vmem>>, vector<1x16xf32>,
    %swap3A_888 = vector.shape_cast %swap3A_887 : vector<1x16xf32> to vector<16xf32>
    %swap3A_889 = vector.shape_cast %broadcast_in_dim3A_2 : vector<16xf32> to vector<1x16xf32>
    tpu.vector_store %arg7[%swap3A_885, %swap3A_886], %swap3A_889 {strides = array<i32>} : memref<128x16xf32, #tpu.memory_space<vmem>>, vector<1x16xf32>,
    %swap3A_890 = arith.constant 74 : i32
    %swap3A_891 = arith.index_cast %swap3A_890 : i32 to index
    %swap3A_892 = arith.constant 0 : index
    %swap3A_893 = tpu.vector_load %arg6[%swap3A_891, %swap3A_892] {strides = array<i32>} : memref<128x16xf32, #tpu.memory_space<vmem>>, vector<1x16xf32>,
    %swap3A_894 = vector.shape_cast %swap3A_893 : vector<1x16xf32> to vector<16xf32>
    %swap3A_895 = vector.shape_cast %broadcast_in_dim3A_0 : vector<16xf32> to vector<1x16xf32>
    tpu.vector_store %arg6[%swap3A_891, %swap3A_892], %swap3A_895 {strides = array<i32>} : memref<128x16xf32, #tpu.memory_space<vmem>>, vector<1x16xf32>,
    %swap3A_896 = arith.constant 74 : i32
    %swap3A_897 = arith.index_cast %swap3A_896 : i32 to index
    %swap3A_898 = arith.constant 0 : index
    %swap3A_899 = tpu.vector_load %arg7[%swap3A_897, %swap3A_898] {strides = array<i32>} : memref<128x16xf32, #tpu.memory_space<vmem>>, vector<1x16xf32>,
    %swap3A_900 = vector.shape_cast %swap3A_899 : vector<1x16xf32> to vector<16xf32>
    %swap3A_901 = vector.shape_cast %broadcast_in_dim3A_2 : vector<16xf32> to vector<1x16xf32>
    tpu.vector_store %arg7[%swap3A_897, %swap3A_898], %swap3A_901 {strides = array<i32>} : memref<128x16xf32, #tpu.memory_space<vmem>>, vector<1x16xf32>,
    %swap3A_902 = arith.constant 75 : i32
    %swap3A_903 = arith.index_cast %swap3A_902 : i32 to index
    %swap3A_904 = arith.constant 0 : index
    %swap3A_905 = tpu.vector_load %arg6[%swap3A_903, %swap3A_904] {strides = array<i32>} : memref<128x16xf32, #tpu.memory_space<vmem>>, vector<1x16xf32>,
    %swap3A_906 = vector.shape_cast %swap3A_905 : vector<1x16xf32> to vector<16xf32>
    %swap3A_907 = vector.shape_cast %broadcast_in_dim3A_0 : vector<16xf32> to vector<1x16xf32>
    tpu.vector_store %arg6[%swap3A_903, %swap3A_904], %swap3A_907 {strides = array<i32>} : memref<128x16xf32, #tpu.memory_space<vmem>>, vector<1x16xf32>,
    %swap3A_908 = arith.constant 75 : i32
    %swap3A_909 = arith.index_cast %swap3A_908 : i32 to index
    %swap3A_910 = arith.constant 0 : index
    %swap3A_911 = tpu.vector_load %arg7[%swap3A_909, %swap3A_910] {strides = array<i32>} : memref<128x16xf32, #tpu.memory_space<vmem>>, vector<1x16xf32>,
    %swap3A_912 = vector.shape_cast %swap3A_911 : vector<1x16xf32> to vector<16xf32>
    %swap3A_913 = vector.shape_cast %broadcast_in_dim3A_2 : vector<16xf32> to vector<1x16xf32>
    tpu.vector_store %arg7[%swap3A_909, %swap3A_910], %swap3A_913 {strides = array<i32>} : memref<128x16xf32, #tpu.memory_space<vmem>>, vector<1x16xf32>,
    %swap3A_914 = arith.constant 76 : i32
    %swap3A_915 = arith.index_cast %swap3A_914 : i32 to index
    %swap3A_916 = arith.constant 0 : index
    %swap3A_917 = tpu.vector_load %arg6[%swap3A_915, %swap3A_916] {strides = array<i32>} : memref<128x16xf32, #tpu.memory_space<vmem>>, vector<1x16xf32>,
    %swap3A_918 = vector.shape_cast %swap3A_917 : vector<1x16xf32> to vector<16xf32>
    %swap3A_919 = vector.shape_cast %broadcast_in_dim3A_0 : vector<16xf32> to vector<1x16xf32>
    tpu.vector_store %arg6[%swap3A_915, %swap3A_916], %swap3A_919 {strides = array<i32>} : memref<128x16xf32, #tpu.memory_space<vmem>>, vector<1x16xf32>,
    %swap3A_920 = arith.constant 76 : i32
    %swap3A_921 = arith.index_cast %swap3A_920 : i32 to index
    %swap3A_922 = arith.constant 0 : index
    %swap3A_923 = tpu.vector_load %arg7[%swap3A_921, %swap3A_922] {strides = array<i32>} : memref<128x16xf32, #tpu.memory_space<vmem>>, vector<1x16xf32>,
    %swap3A_924 = vector.shape_cast %swap3A_923 : vector<1x16xf32> to vector<16xf32>
    %swap3A_925 = vector.shape_cast %broadcast_in_dim3A_2 : vector<16xf32> to vector<1x16xf32>
    tpu.vector_store %arg7[%swap3A_921, %swap3A_922], %swap3A_925 {strides = array<i32>} : memref<128x16xf32, #tpu.memory_space<vmem>>, vector<1x16xf32>,
    %swap3A_926 = arith.constant 77 : i32
    %swap3A_927 = arith.index_cast %swap3A_926 : i32 to index
    %swap3A_928 = arith.constant 0 : index
    %swap3A_929 = tpu.vector_load %arg6[%swap3A_927, %swap3A_928] {strides = array<i32>} : memref<128x16xf32, #tpu.memory_space<vmem>>, vector<1x16xf32>,
    %swap3A_930 = vector.shape_cast %swap3A_929 : vector<1x16xf32> to vector<16xf32>
    %swap3A_931 = vector.shape_cast %broadcast_in_dim3A_0 : vector<16xf32> to vector<1x16xf32>
    tpu.vector_store %arg6[%swap3A_927, %swap3A_928], %swap3A_931 {strides = array<i32>} : memref<128x16xf32, #tpu.memory_space<vmem>>, vector<1x16xf32>,
    %swap3A_932 = arith.constant 77 : i32
    %swap3A_933 = arith.index_cast %swap3A_932 : i32 to index
    %swap3A_934 = arith.constant 0 : index
    %swap3A_935 = tpu.vector_load %arg7[%swap3A_933, %swap3A_934] {strides = array<i32>} : memref<128x16xf32, #tpu.memory_space<vmem>>, vector<1x16xf32>,
    %swap3A_936 = vector.shape_cast %swap3A_935 : vector<1x16xf32> to vector<16xf32>
    %swap3A_937 = vector.shape_cast %broadcast_in_dim3A_2 : vector<16xf32> to vector<1x16xf32>
    tpu.vector_store %arg7[%swap3A_933, %swap3A_934], %swap3A_937 {strides = array<i32>} : memref<128x16xf32, #tpu.memory_space<vmem>>, vector<1x16xf32>,
    %swap3A_938 = arith.constant 78 : i32
    %swap3A_939 = arith.index_cast %swap3A_938 : i32 to index
    %swap3A_940 = arith.constant 0 : index
    %swap3A_941 = tpu.vector_load %arg6[%swap3A_939, %swap3A_940] {strides = array<i32>} : memref<128x16xf32, #tpu.memory_space<vmem>>, vector<1x16xf32>,
    %swap3A_942 = vector.shape_cast %swap3A_941 : vector<1x16xf32> to vector<16xf32>
    %swap3A_943 = vector.shape_cast %broadcast_in_dim3A_0 : vector<16xf32> to vector<1x16xf32>
    tpu.vector_store %arg6[%swap3A_939, %swap3A_940], %swap3A_943 {strides = array<i32>} : memref<128x16xf32, #tpu.memory_space<vmem>>, vector<1x16xf32>,
    %swap3A_944 = arith.constant 78 : i32
    %swap3A_945 = arith.index_cast %swap3A_944 : i32 to index
    %swap3A_946 = arith.constant 0 : index
    %swap3A_947 = tpu.vector_load %arg7[%swap3A_945, %swap3A_946] {strides = array<i32>} : memref<128x16xf32, #tpu.memory_space<vmem>>, vector<1x16xf32>,
    %swap3A_948 = vector.shape_cast %swap3A_947 : vector<1x16xf32> to vector<16xf32>
    %swap3A_949 = vector.shape_cast %broadcast_in_dim3A_2 : vector<16xf32> to vector<1x16xf32>
    tpu.vector_store %arg7[%swap3A_945, %swap3A_946], %swap3A_949 {strides = array<i32>} : memref<128x16xf32, #tpu.memory_space<vmem>>, vector<1x16xf32>,
    %swap3A_950 = arith.constant 79 : i32
    %swap3A_951 = arith.index_cast %swap3A_950 : i32 to index
    %swap3A_952 = arith.constant 0 : index
    %swap3A_953 = tpu.vector_load %arg6[%swap3A_951, %swap3A_952] {strides = array<i32>} : memref<128x16xf32, #tpu.memory_space<vmem>>, vector<1x16xf32>,
    %swap3A_954 = vector.shape_cast %swap3A_953 : vector<1x16xf32> to vector<16xf32>
    %swap3A_955 = vector.shape_cast %broadcast_in_dim3A_0 : vector<16xf32> to vector<1x16xf32>
    tpu.vector_store %arg6[%swap3A_951, %swap3A_952], %swap3A_955 {strides = array<i32>} : memref<128x16xf32, #tpu.memory_space<vmem>>, vector<1x16xf32>,
    %swap3A_956 = arith.constant 79 : i32
    %swap3A_957 = arith.index_cast %swap3A_956 : i32 to index
    %swap3A_958 = arith.constant 0 : index
    %swap3A_959 = tpu.vector_load %arg7[%swap3A_957, %swap3A_958] {strides = array<i32>} : memref<128x16xf32, #tpu.memory_space<vmem>>, vector<1x16xf32>,
    %swap3A_960 = vector.shape_cast %swap3A_959 : vector<1x16xf32> to vector<16xf32>
    %swap3A_961 = vector.shape_cast %broadcast_in_dim3A_2 : vector<16xf32> to vector<1x16xf32>
    tpu.vector_store %arg7[%swap3A_957, %swap3A_958], %swap3A_961 {strides = array<i32>} : memref<128x16xf32, #tpu.memory_space<vmem>>, vector<1x16xf32>,
    %swap3A_962 = arith.constant 80 : i32
    %swap3A_963 = arith.index_cast %swap3A_962 : i32 to index
    %swap3A_964 = arith.constant 0 : index
    %swap3A_965 = tpu.vector_load %arg6[%swap3A_963, %swap3A_964] {strides = array<i32>} : memref<128x16xf32, #tpu.memory_space<vmem>>, vector<1x16xf32>,
    %swap3A_966 = vector.shape_cast %swap3A_965 : vector<1x16xf32> to vector<16xf32>
    %swap3A_967 = vector.shape_cast %broadcast_in_dim3A_0 : vector<16xf32> to vector<1x16xf32>
    tpu.vector_store %arg6[%swap3A_963, %swap3A_964], %swap3A_967 {strides = array<i32>} : memref<128x16xf32, #tpu.memory_space<vmem>>, vector<1x16xf32>,
    %swap3A_968 = arith.constant 80 : i32
    %swap3A_969 = arith.index_cast %swap3A_968 : i32 to index
    %swap3A_970 = arith.constant 0 : index
    %swap3A_971 = tpu.vector_load %arg7[%swap3A_969, %swap3A_970] {strides = array<i32>} : memref<128x16xf32, #tpu.memory_space<vmem>>, vector<1x16xf32>,
    %swap3A_972 = vector.shape_cast %swap3A_971 : vector<1x16xf32> to vector<16xf32>
    %swap3A_973 = vector.shape_cast %broadcast_in_dim3A_2 : vector<16xf32> to vector<1x16xf32>
    tpu.vector_store %arg7[%swap3A_969, %swap3A_970], %swap3A_973 {strides = array<i32>} : memref<128x16xf32, #tpu.memory_space<vmem>>, vector<1x16xf32>,
    %swap3A_974 = arith.constant 81 : i32
    %swap3A_975 = arith.index_cast %swap3A_974 : i32 to index
    %swap3A_976 = arith.constant 0 : index
    %swap3A_977 = tpu.vector_load %arg6[%swap3A_975, %swap3A_976] {strides = array<i32>} : memref<128x16xf32, #tpu.memory_space<vmem>>, vector<1x16xf32>,
    %swap3A_978 = vector.shape_cast %swap3A_977 : vector<1x16xf32> to vector<16xf32>
    %swap3A_979 = vector.shape_cast %broadcast_in_dim3A_0 : vector<16xf32> to vector<1x16xf32>
    tpu.vector_store %arg6[%swap3A_975, %swap3A_976], %swap3A_979 {strides = array<i32>} : memref<128x16xf32, #tpu.memory_space<vmem>>, vector<1x16xf32>,
    %swap3A_980 = arith.constant 81 : i32
    %swap3A_981 = arith.index_cast %swap3A_980 : i32 to index
    %swap3A_982 = arith.constant 0 : index
    %swap3A_983 = tpu.vector_load %arg7[%swap3A_981, %swap3A_982] {strides = array<i32>} : memref<128x16xf32, #tpu.memory_space<vmem>>, vector<1x16xf32>,
    %swap3A_984 = vector.shape_cast %swap3A_983 : vector<1x16xf32> to vector<16xf32>
    %swap3A_985 = vector.shape_cast %broadcast_in_dim3A_2 : vector<16xf32> to vector<1x16xf32>
    tpu.vector_store %arg7[%swap3A_981, %swap3A_982], %swap3A_985 {strides = array<i32>} : memref<128x16xf32, #tpu.memory_space<vmem>>, vector<1x16xf32>,
    %swap3A_986 = arith.constant 82 : i32
    %swap3A_987 = arith.index_cast %swap3A_986 : i32 to index
    %swap3A_988 = arith.constant 0 : index
    %swap3A_989 = tpu.vector_load %arg6[%swap3A_987, %swap3A_988] {strides = array<i32>} : memref<128x16xf32, #tpu.memory_space<vmem>>, vector<1x16xf32>,
    %swap3A_990 = vector.shape_cast %swap3A_989 : vector<1x16xf32> to vector<16xf32>
    %swap3A_991 = vector.shape_cast %broadcast_in_dim3A_0 : vector<16xf32> to vector<1x16xf32>
    tpu.vector_store %arg6[%swap3A_987, %swap3A_988], %swap3A_991 {strides = array<i32>} : memref<128x16xf32, #tpu.memory_space<vmem>>, vector<1x16xf32>,
    %swap3A_992 = arith.constant 82 : i32
    %swap3A_993 = arith.index_cast %swap3A_992 : i32 to index
    %swap3A_994 = arith.constant 0 : index
    %swap3A_995 = tpu.vector_load %arg7[%swap3A_993, %swap3A_994] {strides = array<i32>} : memref<128x16xf32, #tpu.memory_space<vmem>>, vector<1x16xf32>,
    %swap3A_996 = vector.shape_cast %swap3A_995 : vector<1x16xf32> to vector<16xf32>
    %swap3A_997 = vector.shape_cast %broadcast_in_dim3A_2 : vector<16xf32> to vector<1x16xf32>
    tpu.vector_store %arg7[%swap3A_993, %swap3A_994], %swap3A_997 {strides = array<i32>} : memref<128x16xf32, #tpu.memory_space<vmem>>, vector<1x16xf32>,
    %swap3A_998 = arith.constant 83 : i32
    %swap3A_999 = arith.index_cast %swap3A_998 : i32 to index
    %swap3A_1000 = arith.constant 0 : index
    %swap3A_1001 = tpu.vector_load %arg6[%swap3A_999, %swap3A_1000] {strides = array<i32>} : memref<128x16xf32, #tpu.memory_space<vmem>>, vector<1x16xf32>,
    %swap3A_1002 = vector.shape_cast %swap3A_1001 : vector<1x16xf32> to vector<16xf32>
    %swap3A_1003 = vector.shape_cast %broadcast_in_dim3A_0 : vector<16xf32> to vector<1x16xf32>
    tpu.vector_store %arg6[%swap3A_999, %swap3A_1000], %swap3A_1003 {strides = array<i32>} : memref<128x16xf32, #tpu.memory_space<vmem>>, vector<1x16xf32>,
    %swap3A_1004 = arith.constant 83 : i32
    %swap3A_1005 = arith.index_cast %swap3A_1004 : i32 to index
    %swap3A_1006 = arith.constant 0 : index
    %swap3A_1007 = tpu.vector_load %arg7[%swap3A_1005, %swap3A_1006] {strides = array<i32>} : memref<128x16xf32, #tpu.memory_space<vmem>>, vector<1x16xf32>,
    %swap3A_1008 = vector.shape_cast %swap3A_1007 : vector<1x16xf32> to vector<16xf32>
    %swap3A_1009 = vector.shape_cast %broadcast_in_dim3A_2 : vector<16xf32> to vector<1x16xf32>
    tpu.vector_store %arg7[%swap3A_1005, %swap3A_1006], %swap3A_1009 {strides = array<i32>} : memref<128x16xf32, #tpu.memory_space<vmem>>, vector<1x16xf32>,
    %swap3A_1010 = arith.constant 84 : i32
    %swap3A_1011 = arith.index_cast %swap3A_1010 : i32 to index
    %swap3A_1012 = arith.constant 0 : index
    %swap3A_1013 = tpu.vector_load %arg6[%swap3A_1011, %swap3A_1012] {strides = array<i32>} : memref<128x16xf32, #tpu.memory_space<vmem>>, vector<1x16xf32>,
    %swap3A_1014 = vector.shape_cast %swap3A_1013 : vector<1x16xf32> to vector<16xf32>
    %swap3A_1015 = vector.shape_cast %broadcast_in_dim3A_0 : vector<16xf32> to vector<1x16xf32>
    tpu.vector_store %arg6[%swap3A_1011, %swap3A_1012], %swap3A_1015 {strides = array<i32>} : memref<128x16xf32, #tpu.memory_space<vmem>>, vector<1x16xf32>,
    %swap3A_1016 = arith.constant 84 : i32
    %swap3A_1017 = arith.index_cast %swap3A_1016 : i32 to index
    %swap3A_1018 = arith.constant 0 : index
    %swap3A_1019 = tpu.vector_load %arg7[%swap3A_1017, %swap3A_1018] {strides = array<i32>} : memref<128x16xf32, #tpu.memory_space<vmem>>, vector<1x16xf32>,
    %swap3A_1020 = vector.shape_cast %swap3A_1019 : vector<1x16xf32> to vector<16xf32>
    %swap3A_1021 = vector.shape_cast %broadcast_in_dim3A_2 : vector<16xf32> to vector<1x16xf32>
    tpu.vector_store %arg7[%swap3A_1017, %swap3A_1018], %swap3A_1021 {strides = array<i32>} : memref<128x16xf32, #tpu.memory_space<vmem>>, vector<1x16xf32>,
    %swap3A_1022 = arith.constant 85 : i32
    %swap3A_1023 = arith.index_cast %swap3A_1022 : i32 to index
    %swap3A_1024 = arith.constant 0 : index
    %swap3A_1025 = tpu.vector_load %arg6[%swap3A_1023, %swap3A_1024] {strides = array<i32>} : memref<128x16xf32, #tpu.memory_space<vmem>>, vector<1x16xf32>,
    %swap3A_1026 = vector.shape_cast %swap3A_1025 : vector<1x16xf32> to vector<16xf32>
    %swap3A_1027 = vector.shape_cast %broadcast_in_dim3A_0 : vector<16xf32> to vector<1x16xf32>
    tpu.vector_store %arg6[%swap3A_1023, %swap3A_1024], %swap3A_1027 {strides = array<i32>} : memref<128x16xf32, #tpu.memory_space<vmem>>, vector<1x16xf32>,
    %swap3A_1028 = arith.constant 85 : i32
    %swap3A_1029 = arith.index_cast %swap3A_1028 : i32 to index
    %swap3A_1030 = arith.constant 0 : index
    %swap3A_1031 = tpu.vector_load %arg7[%swap3A_1029, %swap3A_1030] {strides = array<i32>} : memref<128x16xf32, #tpu.memory_space<vmem>>, vector<1x16xf32>,
    %swap3A_1032 = vector.shape_cast %swap3A_1031 : vector<1x16xf32> to vector<16xf32>
    %swap3A_1033 = vector.shape_cast %broadcast_in_dim3A_2 : vector<16xf32> to vector<1x16xf32>
    tpu.vector_store %arg7[%swap3A_1029, %swap3A_1030], %swap3A_1033 {strides = array<i32>} : memref<128x16xf32, #tpu.memory_space<vmem>>, vector<1x16xf32>,
    %swap3A_1034 = arith.constant 86 : i32
    %swap3A_1035 = arith.index_cast %swap3A_1034 : i32 to index
    %swap3A_1036 = arith.constant 0 : index
    %swap3A_1037 = tpu.vector_load %arg6[%swap3A_1035, %swap3A_1036] {strides = array<i32>} : memref<128x16xf32, #tpu.memory_space<vmem>>, vector<1x16xf32>,
    %swap3A_1038 = vector.shape_cast %swap3A_1037 : vector<1x16xf32> to vector<16xf32>
    %swap3A_1039 = vector.shape_cast %broadcast_in_dim3A_0 : vector<16xf32> to vector<1x16xf32>
    tpu.vector_store %arg6[%swap3A_1035, %swap3A_1036], %swap3A_1039 {strides = array<i32>} : memref<128x16xf32, #tpu.memory_space<vmem>>, vector<1x16xf32>,
    %swap3A_1040 = arith.constant 86 : i32
    %swap3A_1041 = arith.index_cast %swap3A_1040 : i32 to index
    %swap3A_1042 = arith.constant 0 : index
    %swap3A_1043 = tpu.vector_load %arg7[%swap3A_1041, %swap3A_1042] {strides = array<i32>} : memref<128x16xf32, #tpu.memory_space<vmem>>, vector<1x16xf32>,
    %swap3A_1044 = vector.shape_cast %swap3A_1043 : vector<1x16xf32> to vector<16xf32>
    %swap3A_1045 = vector.shape_cast %broadcast_in_dim3A_2 : vector<16xf32> to vector<1x16xf32>
    tpu.vector_store %arg7[%swap3A_1041, %swap3A_1042], %swap3A_1045 {strides = array<i32>} : memref<128x16xf32, #tpu.memory_space<vmem>>, vector<1x16xf32>,
    %swap3A_1046 = arith.constant 87 : i32
    %swap3A_1047 = arith.index_cast %swap3A_1046 : i32 to index
    %swap3A_1048 = arith.constant 0 : index
    %swap3A_1049 = tpu.vector_load %arg6[%swap3A_1047, %swap3A_1048] {strides = array<i32>} : memref<128x16xf32, #tpu.memory_space<vmem>>, vector<1x16xf32>,
    %swap3A_1050 = vector.shape_cast %swap3A_1049 : vector<1x16xf32> to vector<16xf32>
    %swap3A_1051 = vector.shape_cast %broadcast_in_dim3A_0 : vector<16xf32> to vector<1x16xf32>
    tpu.vector_store %arg6[%swap3A_1047, %swap3A_1048], %swap3A_1051 {strides = array<i32>} : memref<128x16xf32, #tpu.memory_space<vmem>>, vector<1x16xf32>,
    %swap3A_1052 = arith.constant 87 : i32
    %swap3A_1053 = arith.index_cast %swap3A_1052 : i32 to index
    %swap3A_1054 = arith.constant 0 : index
    %swap3A_1055 = tpu.vector_load %arg7[%swap3A_1053, %swap3A_1054] {strides = array<i32>} : memref<128x16xf32, #tpu.memory_space<vmem>>, vector<1x16xf32>,
    %swap3A_1056 = vector.shape_cast %swap3A_1055 : vector<1x16xf32> to vector<16xf32>
    %swap3A_1057 = vector.shape_cast %broadcast_in_dim3A_2 : vector<16xf32> to vector<1x16xf32>
    tpu.vector_store %arg7[%swap3A_1053, %swap3A_1054], %swap3A_1057 {strides = array<i32>} : memref<128x16xf32, #tpu.memory_space<vmem>>, vector<1x16xf32>,
    %swap3A_1058 = arith.constant 88 : i32
    %swap3A_1059 = arith.index_cast %swap3A_1058 : i32 to index
    %swap3A_1060 = arith.constant 0 : index
    %swap3A_1061 = tpu.vector_load %arg6[%swap3A_1059, %swap3A_1060] {strides = array<i32>} : memref<128x16xf32, #tpu.memory_space<vmem>>, vector<1x16xf32>,
    %swap3A_1062 = vector.shape_cast %swap3A_1061 : vector<1x16xf32> to vector<16xf32>
    %swap3A_1063 = vector.shape_cast %broadcast_in_dim3A_0 : vector<16xf32> to vector<1x16xf32>
    tpu.vector_store %arg6[%swap3A_1059, %swap3A_1060], %swap3A_1063 {strides = array<i32>} : memref<128x16xf32, #tpu.memory_space<vmem>>, vector<1x16xf32>,
    %swap3A_1064 = arith.constant 88 : i32
    %swap3A_1065 = arith.index_cast %swap3A_1064 : i32 to index
    %swap3A_1066 = arith.constant 0 : index
    %swap3A_1067 = tpu.vector_load %arg7[%swap3A_1065, %swap3A_1066] {strides = array<i32>} : memref<128x16xf32, #tpu.memory_space<vmem>>, vector<1x16xf32>,
    %swap3A_1068 = vector.shape_cast %swap3A_1067 : vector<1x16xf32> to vector<16xf32>
    %swap3A_1069 = vector.shape_cast %broadcast_in_dim3A_2 : vector<16xf32> to vector<1x16xf32>
    tpu.vector_store %arg7[%swap3A_1065, %swap3A_1066], %swap3A_1069 {strides = array<i32>} : memref<128x16xf32, #tpu.memory_space<vmem>>, vector<1x16xf32>,
    %swap3A_1070 = arith.constant 89 : i32
    %swap3A_1071 = arith.index_cast %swap3A_1070 : i32 to index
    %swap3A_1072 = arith.constant 0 : index
    %swap3A_1073 = tpu.vector_load %arg6[%swap3A_1071, %swap3A_1072] {strides = array<i32>} : memref<128x16xf32, #tpu.memory_space<vmem>>, vector<1x16xf32>,
    %swap3A_1074 = vector.shape_cast %swap3A_1073 : vector<1x16xf32> to vector<16xf32>
    %swap3A_1075 = vector.shape_cast %broadcast_in_dim3A_0 : vector<16xf32> to vector<1x16xf32>
    tpu.vector_store %arg6[%swap3A_1071, %swap3A_1072], %swap3A_1075 {strides = array<i32>} : memref<128x16xf32, #tpu.memory_space<vmem>>, vector<1x16xf32>,
    %swap3A_1076 = arith.constant 89 : i32
    %swap3A_1077 = arith.index_cast %swap3A_1076 : i32 to index
    %swap3A_1078 = arith.constant 0 : index
    %swap3A_1079 = tpu.vector_load %arg7[%swap3A_1077, %swap3A_1078] {strides = array<i32>} : memref<128x16xf32, #tpu.memory_space<vmem>>, vector<1x16xf32>,
    %swap3A_1080 = vector.shape_cast %swap3A_1079 : vector<1x16xf32> to vector<16xf32>
    %swap3A_1081 = vector.shape_cast %broadcast_in_dim3A_2 : vector<16xf32> to vector<1x16xf32>
    tpu.vector_store %arg7[%swap3A_1077, %swap3A_1078], %swap3A_1081 {strides = array<i32>} : memref<128x16xf32, #tpu.memory_space<vmem>>, vector<1x16xf32>,
    %swap3A_1082 = arith.constant 90 : i32
    %swap3A_1083 = arith.index_cast %swap3A_1082 : i32 to index
    %swap3A_1084 = arith.constant 0 : index
    %swap3A_1085 = tpu.vector_load %arg6[%swap3A_1083, %swap3A_1084] {strides = array<i32>} : memref<128x16xf32, #tpu.memory_space<vmem>>, vector<1x16xf32>,
    %swap3A_1086 = vector.shape_cast %swap3A_1085 : vector<1x16xf32> to vector<16xf32>
    %swap3A_1087 = vector.shape_cast %broadcast_in_dim3A_0 : vector<16xf32> to vector<1x16xf32>
    tpu.vector_store %arg6[%swap3A_1083, %swap3A_1084], %swap3A_1087 {strides = array<i32>} : memref<128x16xf32, #tpu.memory_space<vmem>>, vector<1x16xf32>,
    %swap3A_1088 = arith.constant 90 : i32
    %swap3A_1089 = arith.index_cast %swap3A_1088 : i32 to index
    %swap3A_1090 = arith.constant 0 : index
    %swap3A_1091 = tpu.vector_load %arg7[%swap3A_1089, %swap3A_1090] {strides = array<i32>} : memref<128x16xf32, #tpu.memory_space<vmem>>, vector<1x16xf32>,
    %swap3A_1092 = vector.shape_cast %swap3A_1091 : vector<1x16xf32> to vector<16xf32>
    %swap3A_1093 = vector.shape_cast %broadcast_in_dim3A_2 : vector<16xf32> to vector<1x16xf32>
    tpu.vector_store %arg7[%swap3A_1089, %swap3A_1090], %swap3A_1093 {strides = array<i32>} : memref<128x16xf32, #tpu.memory_space<vmem>>, vector<1x16xf32>,
    %swap3A_1094 = arith.constant 91 : i32
    %swap3A_1095 = arith.index_cast %swap3A_1094 : i32 to index
    %swap3A_1096 = arith.constant 0 : index
    %swap3A_1097 = tpu.vector_load %arg6[%swap3A_1095, %swap3A_1096] {strides = array<i32>} : memref<128x16xf32, #tpu.memory_space<vmem>>, vector<1x16xf32>,
    %swap3A_1098 = vector.shape_cast %swap3A_1097 : vector<1x16xf32> to vector<16xf32>
    %swap3A_1099 = vector.shape_cast %broadcast_in_dim3A_0 : vector<16xf32> to vector<1x16xf32>
    tpu.vector_store %arg6[%swap3A_1095, %swap3A_1096], %swap3A_1099 {strides = array<i32>} : memref<128x16xf32, #tpu.memory_space<vmem>>, vector<1x16xf32>,
    %swap3A_1100 = arith.constant 91 : i32
    %swap3A_1101 = arith.index_cast %swap3A_1100 : i32 to index
    %swap3A_1102 = arith.constant 0 : index
    %swap3A_1103 = tpu.vector_load %arg7[%swap3A_1101, %swap3A_1102] {strides = array<i32>} : memref<128x16xf32, #tpu.memory_space<vmem>>, vector<1x16xf32>,
    %swap3A_1104 = vector.shape_cast %swap3A_1103 : vector<1x16xf32> to vector<16xf32>
    %swap3A_1105 = vector.shape_cast %broadcast_in_dim3A_2 : vector<16xf32> to vector<1x16xf32>
    tpu.vector_store %arg7[%swap3A_1101, %swap3A_1102], %swap3A_1105 {strides = array<i32>} : memref<128x16xf32, #tpu.memory_space<vmem>>, vector<1x16xf32>,
    %swap3A_1106 = arith.constant 92 : i32
    %swap3A_1107 = arith.index_cast %swap3A_1106 : i32 to index
    %swap3A_1108 = arith.constant 0 : index
    %swap3A_1109 = tpu.vector_load %arg6[%swap3A_1107, %swap3A_1108] {strides = array<i32>} : memref<128x16xf32, #tpu.memory_space<vmem>>, vector<1x16xf32>,
    %swap3A_1110 = vector.shape_cast %swap3A_1109 : vector<1x16xf32> to vector<16xf32>
    %swap3A_1111 = vector.shape_cast %broadcast_in_dim3A_0 : vector<16xf32> to vector<1x16xf32>
    tpu.vector_store %arg6[%swap3A_1107, %swap3A_1108], %swap3A_1111 {strides = array<i32>} : memref<128x16xf32, #tpu.memory_space<vmem>>, vector<1x16xf32>,
    %swap3A_1112 = arith.constant 92 : i32
    %swap3A_1113 = arith.index_cast %swap3A_1112 : i32 to index
    %swap3A_1114 = arith.constant 0 : index
    %swap3A_1115 = tpu.vector_load %arg7[%swap3A_1113, %swap3A_1114] {strides = array<i32>} : memref<128x16xf32, #tpu.memory_space<vmem>>, vector<1x16xf32>,
    %swap3A_1116 = vector.shape_cast %swap3A_1115 : vector<1x16xf32> to vector<16xf32>
    %swap3A_1117 = vector.shape_cast %broadcast_in_dim3A_2 : vector<16xf32> to vector<1x16xf32>
    tpu.vector_store %arg7[%swap3A_1113, %swap3A_1114], %swap3A_1117 {strides = array<i32>} : memref<128x16xf32, #tpu.memory_space<vmem>>, vector<1x16xf32>,
    %swap3A_1118 = arith.constant 93 : i32
    %swap3A_1119 = arith.index_cast %swap3A_1118 : i32 to index
    %swap3A_1120 = arith.constant 0 : index
    %swap3A_1121 = tpu.vector_load %arg6[%swap3A_1119, %swap3A_1120] {strides = array<i32>} : memref<128x16xf32, #tpu.memory_space<vmem>>, vector<1x16xf32>,
    %swap3A_1122 = vector.shape_cast %swap3A_1121 : vector<1x16xf32> to vector<16xf32>
    %swap3A_1123 = vector.shape_cast %broadcast_in_dim3A_0 : vector<16xf32> to vector<1x16xf32>
    tpu.vector_store %arg6[%swap3A_1119, %swap3A_1120], %swap3A_1123 {strides = array<i32>} : memref<128x16xf32, #tpu.memory_space<vmem>>, vector<1x16xf32>,
    %swap3A_1124 = arith.constant 93 : i32
    %swap3A_1125 = arith.index_cast %swap3A_1124 : i32 to index
    %swap3A_1126 = arith.constant 0 : index
    %swap3A_1127 = tpu.vector_load %arg7[%swap3A_1125, %swap3A_1126] {strides = array<i32>} : memref<128x16xf32, #tpu.memory_space<vmem>>, vector<1x16xf32>,
    %swap3A_1128 = vector.shape_cast %swap3A_1127 : vector<1x16xf32> to vector<16xf32>
    %swap3A_1129 = vector.shape_cast %broadcast_in_dim3A_2 : vector<16xf32> to vector<1x16xf32>
    tpu.vector_store %arg7[%swap3A_1125, %swap3A_1126], %swap3A_1129 {strides = array<i32>} : memref<128x16xf32, #tpu.memory_space<vmem>>, vector<1x16xf32>,
    %swap3A_1130 = arith.constant 94 : i32
    %swap3A_1131 = arith.index_cast %swap3A_1130 : i32 to index
    %swap3A_1132 = arith.constant 0 : index
    %swap3A_1133 = tpu.vector_load %arg6[%swap3A_1131, %swap3A_1132] {strides = array<i32>} : memref<128x16xf32, #tpu.memory_space<vmem>>, vector<1x16xf32>,
    %swap3A_1134 = vector.shape_cast %swap3A_1133 : vector<1x16xf32> to vector<16xf32>
    %swap3A_1135 = vector.shape_cast %broadcast_in_dim3A_0 : vector<16xf32> to vector<1x16xf32>
    tpu.vector_store %arg6[%swap3A_1131, %swap3A_1132], %swap3A_1135 {strides = array<i32>} : memref<128x16xf32, #tpu.memory_space<vmem>>, vector<1x16xf32>,
    %swap3A_1136 = arith.constant 94 : i32
    %swap3A_1137 = arith.index_cast %swap3A_1136 : i32 to index
    %swap3A_1138 = arith.constant 0 : index
    %swap3A_1139 = tpu.vector_load %arg7[%swap3A_1137, %swap3A_1138] {strides = array<i32>} : memref<128x16xf32, #tpu.memory_space<vmem>>, vector<1x16xf32>,
    %swap3A_1140 = vector.shape_cast %swap3A_1139 : vector<1x16xf32> to vector<16xf32>
    %swap3A_1141 = vector.shape_cast %broadcast_in_dim3A_2 : vector<16xf32> to vector<1x16xf32>
    tpu.vector_store %arg7[%swap3A_1137, %swap3A_1138], %swap3A_1141 {strides = array<i32>} : memref<128x16xf32, #tpu.memory_space<vmem>>, vector<1x16xf32>,
    %swap3A_1142 = arith.constant 95 : i32
    %swap3A_1143 = arith.index_cast %swap3A_1142 : i32 to index
    %swap3A_1144 = arith.constant 0 : index
    %swap3A_1145 = tpu.vector_load %arg6[%swap3A_1143, %swap3A_1144] {strides = array<i32>} : memref<128x16xf32, #tpu.memory_space<vmem>>, vector<1x16xf32>,
    %swap3A_1146 = vector.shape_cast %swap3A_1145 : vector<1x16xf32> to vector<16xf32>
    %swap3A_1147 = vector.shape_cast %broadcast_in_dim3A_0 : vector<16xf32> to vector<1x16xf32>
    tpu.vector_store %arg6[%swap3A_1143, %swap3A_1144], %swap3A_1147 {strides = array<i32>} : memref<128x16xf32, #tpu.memory_space<vmem>>, vector<1x16xf32>,
    %swap3A_1148 = arith.constant 95 : i32
    %swap3A_1149 = arith.index_cast %swap3A_1148 : i32 to index
    %swap3A_1150 = arith.constant 0 : index
    %swap3A_1151 = tpu.vector_load %arg7[%swap3A_1149, %swap3A_1150] {strides = array<i32>} : memref<128x16xf32, #tpu.memory_space<vmem>>, vector<1x16xf32>,
    %swap3A_1152 = vector.shape_cast %swap3A_1151 : vector<1x16xf32> to vector<16xf32>
    %swap3A_1153 = vector.shape_cast %broadcast_in_dim3A_2 : vector<16xf32> to vector<1x16xf32>
    tpu.vector_store %arg7[%swap3A_1149, %swap3A_1150], %swap3A_1153 {strides = array<i32>} : memref<128x16xf32, #tpu.memory_space<vmem>>, vector<1x16xf32>,
    %swap3A_1154 = arith.constant 96 : i32
    %swap3A_1155 = arith.index_cast %swap3A_1154 : i32 to index
    %swap3A_1156 = arith.constant 0 : index
    %swap3A_1157 = tpu.vector_load %arg6[%swap3A_1155, %swap3A_1156] {strides = array<i32>} : memref<128x16xf32, #tpu.memory_space<vmem>>, vector<1x16xf32>,
    %swap3A_1158 = vector.shape_cast %swap3A_1157 : vector<1x16xf32> to vector<16xf32>
    %swap3A_1159 = vector.shape_cast %broadcast_in_dim3A_0 : vector<16xf32> to vector<1x16xf32>
    tpu.vector_store %arg6[%swap3A_1155, %swap3A_1156], %swap3A_1159 {strides = array<i32>} : memref<128x16xf32, #tpu.memory_space<vmem>>, vector<1x16xf32>,
    %swap3A_1160 = arith.constant 96 : i32
    %swap3A_1161 = arith.index_cast %swap3A_1160 : i32 to index
    %swap3A_1162 = arith.constant 0 : index
    %swap3A_1163 = tpu.vector_load %arg7[%swap3A_1161, %swap3A_1162] {strides = array<i32>} : memref<128x16xf32, #tpu.memory_space<vmem>>, vector<1x16xf32>,
    %swap3A_1164 = vector.shape_cast %swap3A_1163 : vector<1x16xf32> to vector<16xf32>
    %swap3A_1165 = vector.shape_cast %broadcast_in_dim3A_2 : vector<16xf32> to vector<1x16xf32>
    tpu.vector_store %arg7[%swap3A_1161, %swap3A_1162], %swap3A_1165 {strides = array<i32>} : memref<128x16xf32, #tpu.memory_space<vmem>>, vector<1x16xf32>,
    %swap3A_1166 = arith.constant 97 : i32
    %swap3A_1167 = arith.index_cast %swap3A_1166 : i32 to index
    %swap3A_1168 = arith.constant 0 : index
    %swap3A_1169 = tpu.vector_load %arg6[%swap3A_1167, %swap3A_1168] {strides = array<i32>} : memref<128x16xf32, #tpu.memory_space<vmem>>, vector<1x16xf32>,
    %swap3A_1170 = vector.shape_cast %swap3A_1169 : vector<1x16xf32> to vector<16xf32>
    %swap3A_1171 = vector.shape_cast %broadcast_in_dim3A_0 : vector<16xf32> to vector<1x16xf32>
    tpu.vector_store %arg6[%swap3A_1167, %swap3A_1168], %swap3A_1171 {strides = array<i32>} : memref<128x16xf32, #tpu.memory_space<vmem>>, vector<1x16xf32>,
    %swap3A_1172 = arith.constant 97 : i32
    %swap3A_1173 = arith.index_cast %swap3A_1172 : i32 to index
    %swap3A_1174 = arith.constant 0 : index
    %swap3A_1175 = tpu.vector_load %arg7[%swap3A_1173, %swap3A_1174] {strides = array<i32>} : memref<128x16xf32, #tpu.memory_space<vmem>>, vector<1x16xf32>,
    %swap3A_1176 = vector.shape_cast %swap3A_1175 : vector<1x16xf32> to vector<16xf32>
    %swap3A_1177 = vector.shape_cast %broadcast_in_dim3A_2 : vector<16xf32> to vector<1x16xf32>
    tpu.vector_store %arg7[%swap3A_1173, %swap3A_1174], %swap3A_1177 {strides = array<i32>} : memref<128x16xf32, #tpu.memory_space<vmem>>, vector<1x16xf32>,
    %swap3A_1178 = arith.constant 98 : i32
    %swap3A_1179 = arith.index_cast %swap3A_1178 : i32 to index
    %swap3A_1180 = arith.constant 0 : index
    %swap3A_1181 = tpu.vector_load %arg6[%swap3A_1179, %swap3A_1180] {strides = array<i32>} : memref<128x16xf32, #tpu.memory_space<vmem>>, vector<1x16xf32>,
    %swap3A_1182 = vector.shape_cast %swap3A_1181 : vector<1x16xf32> to vector<16xf32>
    %swap3A_1183 = vector.shape_cast %broadcast_in_dim3A_0 : vector<16xf32> to vector<1x16xf32>
    tpu.vector_store %arg6[%swap3A_1179, %swap3A_1180], %swap3A_1183 {strides = array<i32>} : memref<128x16xf32, #tpu.memory_space<vmem>>, vector<1x16xf32>,
    %swap3A_1184 = arith.constant 98 : i32
    %swap3A_1185 = arith.index_cast %swap3A_1184 : i32 to index
    %swap3A_1186 = arith.constant 0 : index
    %swap3A_1187 = tpu.vector_load %arg7[%swap3A_1185, %swap3A_1186] {strides = array<i32>} : memref<128x16xf32, #tpu.memory_space<vmem>>, vector<1x16xf32>,
    %swap3A_1188 = vector.shape_cast %swap3A_1187 : vector<1x16xf32> to vector<16xf32>
    %swap3A_1189 = vector.shape_cast %broadcast_in_dim3A_2 : vector<16xf32> to vector<1x16xf32>
    tpu.vector_store %arg7[%swap3A_1185, %swap3A_1186], %swap3A_1189 {strides = array<i32>} : memref<128x16xf32, #tpu.memory_space<vmem>>, vector<1x16xf32>,
    %swap3A_1190 = arith.constant 99 : i32
    %swap3A_1191 = arith.index_cast %swap3A_1190 : i32 to index
    %swap3A_1192 = arith.constant 0 : index
    %swap3A_1193 = tpu.vector_load %arg6[%swap3A_1191, %swap3A_1192] {strides = array<i32>} : memref<128x16xf32, #tpu.memory_space<vmem>>, vector<1x16xf32>,
    %swap3A_1194 = vector.shape_cast %swap3A_1193 : vector<1x16xf32> to vector<16xf32>
    %swap3A_1195 = vector.shape_cast %broadcast_in_dim3A_0 : vector<16xf32> to vector<1x16xf32>
    tpu.vector_store %arg6[%swap3A_1191, %swap3A_1192], %swap3A_1195 {strides = array<i32>} : memref<128x16xf32, #tpu.memory_space<vmem>>, vector<1x16xf32>,
    %swap3A_1196 = arith.constant 99 : i32
    %swap3A_1197 = arith.index_cast %swap3A_1196 : i32 to index
    %swap3A_1198 = arith.constant 0 : index
    %swap3A_1199 = tpu.vector_load %arg7[%swap3A_1197, %swap3A_1198] {strides = array<i32>} : memref<128x16xf32, #tpu.memory_space<vmem>>, vector<1x16xf32>,
    %swap3A_1200 = vector.shape_cast %swap3A_1199 : vector<1x16xf32> to vector<16xf32>
    %swap3A_1201 = vector.shape_cast %broadcast_in_dim3A_2 : vector<16xf32> to vector<1x16xf32>
    tpu.vector_store %arg7[%swap3A_1197, %swap3A_1198], %swap3A_1201 {strides = array<i32>} : memref<128x16xf32, #tpu.memory_space<vmem>>, vector<1x16xf32>,
    %swap3A_1202 = arith.constant 100 : i32
    %swap3A_1203 = arith.index_cast %swap3A_1202 : i32 to index
    %swap3A_1204 = arith.constant 0 : index
    %swap3A_1205 = tpu.vector_load %arg6[%swap3A_1203, %swap3A_1204] {strides = array<i32>} : memref<128x16xf32, #tpu.memory_space<vmem>>, vector<1x16xf32>,
    %swap3A_1206 = vector.shape_cast %swap3A_1205 : vector<1x16xf32> to vector<16xf32>
    %swap3A_1207 = vector.shape_cast %broadcast_in_dim3A_0 : vector<16xf32> to vector<1x16xf32>
    tpu.vector_store %arg6[%swap3A_1203, %swap3A_1204], %swap3A_1207 {strides = array<i32>} : memref<128x16xf32, #tpu.memory_space<vmem>>, vector<1x16xf32>,
    %swap3A_1208 = arith.constant 100 : i32
    %swap3A_1209 = arith.index_cast %swap3A_1208 : i32 to index
    %swap3A_1210 = arith.constant 0 : index
    %swap3A_1211 = tpu.vector_load %arg7[%swap3A_1209, %swap3A_1210] {strides = array<i32>} : memref<128x16xf32, #tpu.memory_space<vmem>>, vector<1x16xf32>,
    %swap3A_1212 = vector.shape_cast %swap3A_1211 : vector<1x16xf32> to vector<16xf32>
    %swap3A_1213 = vector.shape_cast %broadcast_in_dim3A_2 : vector<16xf32> to vector<1x16xf32>
    tpu.vector_store %arg7[%swap3A_1209, %swap3A_1210], %swap3A_1213 {strides = array<i32>} : memref<128x16xf32, #tpu.memory_space<vmem>>, vector<1x16xf32>,
    %swap3A_1214 = arith.constant 101 : i32
    %swap3A_1215 = arith.index_cast %swap3A_1214 : i32 to index
    %swap3A_1216 = arith.constant 0 : index
    %swap3A_1217 = tpu.vector_load %arg6[%swap3A_1215, %swap3A_1216] {strides = array<i32>} : memref<128x16xf32, #tpu.memory_space<vmem>>, vector<1x16xf32>,
    %swap3A_1218 = vector.shape_cast %swap3A_1217 : vector<1x16xf32> to vector<16xf32>
    %swap3A_1219 = vector.shape_cast %broadcast_in_dim3A_0 : vector<16xf32> to vector<1x16xf32>
    tpu.vector_store %arg6[%swap3A_1215, %swap3A_1216], %swap3A_1219 {strides = array<i32>} : memref<128x16xf32, #tpu.memory_space<vmem>>, vector<1x16xf32>,
    %swap3A_1220 = arith.constant 101 : i32
    %swap3A_1221 = arith.index_cast %swap3A_1220 : i32 to index
    %swap3A_1222 = arith.constant 0 : index
    %swap3A_1223 = tpu.vector_load %arg7[%swap3A_1221, %swap3A_1222] {strides = array<i32>} : memref<128x16xf32, #tpu.memory_space<vmem>>, vector<1x16xf32>,
    %swap3A_1224 = vector.shape_cast %swap3A_1223 : vector<1x16xf32> to vector<16xf32>
    %swap3A_1225 = vector.shape_cast %broadcast_in_dim3A_2 : vector<16xf32> to vector<1x16xf32>
    tpu.vector_store %arg7[%swap3A_1221, %swap3A_1222], %swap3A_1225 {strides = array<i32>} : memref<128x16xf32, #tpu.memory_space<vmem>>, vector<1x16xf32>,
    %swap3A_1226 = arith.constant 102 : i32
    %swap3A_1227 = arith.index_cast %swap3A_1226 : i32 to index
    %swap3A_1228 = arith.constant 0 : index
    %swap3A_1229 = tpu.vector_load %arg6[%swap3A_1227, %swap3A_1228] {strides = array<i32>} : memref<128x16xf32, #tpu.memory_space<vmem>>, vector<1x16xf32>,
    %swap3A_1230 = vector.shape_cast %swap3A_1229 : vector<1x16xf32> to vector<16xf32>
    %swap3A_1231 = vector.shape_cast %broadcast_in_dim3A_0 : vector<16xf32> to vector<1x16xf32>
    tpu.vector_store %arg6[%swap3A_1227, %swap3A_1228], %swap3A_1231 {strides = array<i32>} : memref<128x16xf32, #tpu.memory_space<vmem>>, vector<1x16xf32>,
    %swap3A_1232 = arith.constant 102 : i32
    %swap3A_1233 = arith.index_cast %swap3A_1232 : i32 to index
    %swap3A_1234 = arith.constant 0 : index
    %swap3A_1235 = tpu.vector_load %arg7[%swap3A_1233, %swap3A_1234] {strides = array<i32>} : memref<128x16xf32, #tpu.memory_space<vmem>>, vector<1x16xf32>,
    %swap3A_1236 = vector.shape_cast %swap3A_1235 : vector<1x16xf32> to vector<16xf32>
    %swap3A_1237 = vector.shape_cast %broadcast_in_dim3A_2 : vector<16xf32> to vector<1x16xf32>
    tpu.vector_store %arg7[%swap3A_1233, %swap3A_1234], %swap3A_1237 {strides = array<i32>} : memref<128x16xf32, #tpu.memory_space<vmem>>, vector<1x16xf32>,
    %swap3A_1238 = arith.constant 103 : i32
    %swap3A_1239 = arith.index_cast %swap3A_1238 : i32 to index
    %swap3A_1240 = arith.constant 0 : index
    %swap3A_1241 = tpu.vector_load %arg6[%swap3A_1239, %swap3A_1240] {strides = array<i32>} : memref<128x16xf32, #tpu.memory_space<vmem>>, vector<1x16xf32>,
    %swap3A_1242 = vector.shape_cast %swap3A_1241 : vector<1x16xf32> to vector<16xf32>
    %swap3A_1243 = vector.shape_cast %broadcast_in_dim3A_0 : vector<16xf32> to vector<1x16xf32>
    tpu.vector_store %arg6[%swap3A_1239, %swap3A_1240], %swap3A_1243 {strides = array<i32>} : memref<128x16xf32, #tpu.memory_space<vmem>>, vector<1x16xf32>,
    %swap3A_1244 = arith.constant 103 : i32
    %swap3A_1245 = arith.index_cast %swap3A_1244 : i32 to index
    %swap3A_1246 = arith.constant 0 : index
    %swap3A_1247 = tpu.vector_load %arg7[%swap3A_1245, %swap3A_1246] {strides = array<i32>} : memref<128x16xf32, #tpu.memory_space<vmem>>, vector<1x16xf32>,
    %swap3A_1248 = vector.shape_cast %swap3A_1247 : vector<1x16xf32> to vector<16xf32>
    %swap3A_1249 = vector.shape_cast %broadcast_in_dim3A_2 : vector<16xf32> to vector<1x16xf32>
    tpu.vector_store %arg7[%swap3A_1245, %swap3A_1246], %swap3A_1249 {strides = array<i32>} : memref<128x16xf32, #tpu.memory_space<vmem>>, vector<1x16xf32>,
    %swap3A_1250 = arith.constant 104 : i32
    %swap3A_1251 = arith.index_cast %swap3A_1250 : i32 to index
    %swap3A_1252 = arith.constant 0 : index
    %swap3A_1253 = tpu.vector_load %arg6[%swap3A_1251, %swap3A_1252] {strides = array<i32>} : memref<128x16xf32, #tpu.memory_space<vmem>>, vector<1x16xf32>,
    %swap3A_1254 = vector.shape_cast %swap3A_1253 : vector<1x16xf32> to vector<16xf32>
    %swap3A_1255 = vector.shape_cast %broadcast_in_dim3A_0 : vector<16xf32> to vector<1x16xf32>
    tpu.vector_store %arg6[%swap3A_1251, %swap3A_1252], %swap3A_1255 {strides = array<i32>} : memref<128x16xf32, #tpu.memory_space<vmem>>, vector<1x16xf32>,
    %swap3A_1256 = arith.constant 104 : i32
    %swap3A_1257 = arith.index_cast %swap3A_1256 : i32 to index
    %swap3A_1258 = arith.constant 0 : index
    %swap3A_1259 = tpu.vector_load %arg7[%swap3A_1257, %swap3A_1258] {strides = array<i32>} : memref<128x16xf32, #tpu.memory_space<vmem>>, vector<1x16xf32>,
    %swap3A_1260 = vector.shape_cast %swap3A_1259 : vector<1x16xf32> to vector<16xf32>
    %swap3A_1261 = vector.shape_cast %broadcast_in_dim3A_2 : vector<16xf32> to vector<1x16xf32>
    tpu.vector_store %arg7[%swap3A_1257, %swap3A_1258], %swap3A_1261 {strides = array<i32>} : memref<128x16xf32, #tpu.memory_space<vmem>>, vector<1x16xf32>,
    %swap3A_1262 = arith.constant 105 : i32
    %swap3A_1263 = arith.index_cast %swap3A_1262 : i32 to index
    %swap3A_1264 = arith.constant 0 : index
    %swap3A_1265 = tpu.vector_load %arg6[%swap3A_1263, %swap3A_1264] {strides = array<i32>} : memref<128x16xf32, #tpu.memory_space<vmem>>, vector<1x16xf32>,
    %swap3A_1266 = vector.shape_cast %swap3A_1265 : vector<1x16xf32> to vector<16xf32>
    %swap3A_1267 = vector.shape_cast %broadcast_in_dim3A_0 : vector<16xf32> to vector<1x16xf32>
    tpu.vector_store %arg6[%swap3A_1263, %swap3A_1264], %swap3A_1267 {strides = array<i32>} : memref<128x16xf32, #tpu.memory_space<vmem>>, vector<1x16xf32>,
    %swap3A_1268 = arith.constant 105 : i32
    %swap3A_1269 = arith.index_cast %swap3A_1268 : i32 to index
    %swap3A_1270 = arith.constant 0 : index
    %swap3A_1271 = tpu.vector_load %arg7[%swap3A_1269, %swap3A_1270] {strides = array<i32>} : memref<128x16xf32, #tpu.memory_space<vmem>>, vector<1x16xf32>,
    %swap3A_1272 = vector.shape_cast %swap3A_1271 : vector<1x16xf32> to vector<16xf32>
    %swap3A_1273 = vector.shape_cast %broadcast_in_dim3A_2 : vector<16xf32> to vector<1x16xf32>
    tpu.vector_store %arg7[%swap3A_1269, %swap3A_1270], %swap3A_1273 {strides = array<i32>} : memref<128x16xf32, #tpu.memory_space<vmem>>, vector<1x16xf32>,
    %swap3A_1274 = arith.constant 106 : i32
    %swap3A_1275 = arith.index_cast %swap3A_1274 : i32 to index
    %swap3A_1276 = arith.constant 0 : index
    %swap3A_1277 = tpu.vector_load %arg6[%swap3A_1275, %swap3A_1276] {strides = array<i32>} : memref<128x16xf32, #tpu.memory_space<vmem>>, vector<1x16xf32>,
    %swap3A_1278 = vector.shape_cast %swap3A_1277 : vector<1x16xf32> to vector<16xf32>
    %swap3A_1279 = vector.shape_cast %broadcast_in_dim3A_0 : vector<16xf32> to vector<1x16xf32>
    tpu.vector_store %arg6[%swap3A_1275, %swap3A_1276], %swap3A_1279 {strides = array<i32>} : memref<128x16xf32, #tpu.memory_space<vmem>>, vector<1x16xf32>,
    %swap3A_1280 = arith.constant 106 : i32
    %swap3A_1281 = arith.index_cast %swap3A_1280 : i32 to index
    %swap3A_1282 = arith.constant 0 : index
    %swap3A_1283 = tpu.vector_load %arg7[%swap3A_1281, %swap3A_1282] {strides = array<i32>} : memref<128x16xf32, #tpu.memory_space<vmem>>, vector<1x16xf32>,
    %swap3A_1284 = vector.shape_cast %swap3A_1283 : vector<1x16xf32> to vector<16xf32>
    %swap3A_1285 = vector.shape_cast %broadcast_in_dim3A_2 : vector<16xf32> to vector<1x16xf32>
    tpu.vector_store %arg7[%swap3A_1281, %swap3A_1282], %swap3A_1285 {strides = array<i32>} : memref<128x16xf32, #tpu.memory_space<vmem>>, vector<1x16xf32>,
    %swap3A_1286 = arith.constant 107 : i32
    %swap3A_1287 = arith.index_cast %swap3A_1286 : i32 to index
    %swap3A_1288 = arith.constant 0 : index
    %swap3A_1289 = tpu.vector_load %arg6[%swap3A_1287, %swap3A_1288] {strides = array<i32>} : memref<128x16xf32, #tpu.memory_space<vmem>>, vector<1x16xf32>,
    %swap3A_1290 = vector.shape_cast %swap3A_1289 : vector<1x16xf32> to vector<16xf32>
    %swap3A_1291 = vector.shape_cast %broadcast_in_dim3A_0 : vector<16xf32> to vector<1x16xf32>
    tpu.vector_store %arg6[%swap3A_1287, %swap3A_1288], %swap3A_1291 {strides = array<i32>} : memref<128x16xf32, #tpu.memory_space<vmem>>, vector<1x16xf32>,
    %swap3A_1292 = arith.constant 107 : i32
    %swap3A_1293 = arith.index_cast %swap3A_1292 : i32 to index
    %swap3A_1294 = arith.constant 0 : index
    %swap3A_1295 = tpu.vector_load %arg7[%swap3A_1293, %swap3A_1294] {strides = array<i32>} : memref<128x16xf32, #tpu.memory_space<vmem>>, vector<1x16xf32>,
    %swap3A_1296 = vector.shape_cast %swap3A_1295 : vector<1x16xf32> to vector<16xf32>
    %swap3A_1297 = vector.shape_cast %broadcast_in_dim3A_2 : vector<16xf32> to vector<1x16xf32>
    tpu.vector_store %arg7[%swap3A_1293, %swap3A_1294], %swap3A_1297 {strides = array<i32>} : memref<128x16xf32, #tpu.memory_space<vmem>>, vector<1x16xf32>,
    %swap3A_1298 = arith.constant 108 : i32
    %swap3A_1299 = arith.index_cast %swap3A_1298 : i32 to index
    %swap3A_1300 = arith.constant 0 : index
    %swap3A_1301 = tpu.vector_load %arg6[%swap3A_1299, %swap3A_1300] {strides = array<i32>} : memref<128x16xf32, #tpu.memory_space<vmem>>, vector<1x16xf32>,
    %swap3A_1302 = vector.shape_cast %swap3A_1301 : vector<1x16xf32> to vector<16xf32>
    %swap3A_1303 = vector.shape_cast %broadcast_in_dim3A_0 : vector<16xf32> to vector<1x16xf32>
    tpu.vector_store %arg6[%swap3A_1299, %swap3A_1300], %swap3A_1303 {strides = array<i32>} : memref<128x16xf32, #tpu.memory_space<vmem>>, vector<1x16xf32>,
    %swap3A_1304 = arith.constant 108 : i32
    %swap3A_1305 = arith.index_cast %swap3A_1304 : i32 to index
    %swap3A_1306 = arith.constant 0 : index
    %swap3A_1307 = tpu.vector_load %arg7[%swap3A_1305, %swap3A_1306] {strides = array<i32>} : memref<128x16xf32, #tpu.memory_space<vmem>>, vector<1x16xf32>,
    %swap3A_1308 = vector.shape_cast %swap3A_1307 : vector<1x16xf32> to vector<16xf32>
    %swap3A_1309 = vector.shape_cast %broadcast_in_dim3A_2 : vector<16xf32> to vector<1x16xf32>
    tpu.vector_store %arg7[%swap3A_1305, %swap3A_1306], %swap3A_1309 {strides = array<i32>} : memref<128x16xf32, #tpu.memory_space<vmem>>, vector<1x16xf32>,
    %swap3A_1310 = arith.constant 109 : i32
    %swap3A_1311 = arith.index_cast %swap3A_1310 : i32 to index
    %swap3A_1312 = arith.constant 0 : index
    %swap3A_1313 = tpu.vector_load %arg6[%swap3A_1311, %swap3A_1312] {strides = array<i32>} : memref<128x16xf32, #tpu.memory_space<vmem>>, vector<1x16xf32>,
    %swap3A_1314 = vector.shape_cast %swap3A_1313 : vector<1x16xf32> to vector<16xf32>
    %swap3A_1315 = vector.shape_cast %broadcast_in_dim3A_0 : vector<16xf32> to vector<1x16xf32>
    tpu.vector_store %arg6[%swap3A_1311, %swap3A_1312], %swap3A_1315 {strides = array<i32>} : memref<128x16xf32, #tpu.memory_space<vmem>>, vector<1x16xf32>,
    %swap3A_1316 = arith.constant 109 : i32
    %swap3A_1317 = arith.index_cast %swap3A_1316 : i32 to index
    %swap3A_1318 = arith.constant 0 : index
    %swap3A_1319 = tpu.vector_load %arg7[%swap3A_1317, %swap3A_1318] {strides = array<i32>} : memref<128x16xf32, #tpu.memory_space<vmem>>, vector<1x16xf32>,
    %swap3A_1320 = vector.shape_cast %swap3A_1319 : vector<1x16xf32> to vector<16xf32>
    %swap3A_1321 = vector.shape_cast %broadcast_in_dim3A_2 : vector<16xf32> to vector<1x16xf32>
    tpu.vector_store %arg7[%swap3A_1317, %swap3A_1318], %swap3A_1321 {strides = array<i32>} : memref<128x16xf32, #tpu.memory_space<vmem>>, vector<1x16xf32>,
    %swap3A_1322 = arith.constant 110 : i32
    %swap3A_1323 = arith.index_cast %swap3A_1322 : i32 to index
    %swap3A_1324 = arith.constant 0 : index
    %swap3A_1325 = tpu.vector_load %arg6[%swap3A_1323, %swap3A_1324] {strides = array<i32>} : memref<128x16xf32, #tpu.memory_space<vmem>>, vector<1x16xf32>,
    %swap3A_1326 = vector.shape_cast %swap3A_1325 : vector<1x16xf32> to vector<16xf32>
    %swap3A_1327 = vector.shape_cast %broadcast_in_dim3A_0 : vector<16xf32> to vector<1x16xf32>
    tpu.vector_store %arg6[%swap3A_1323, %swap3A_1324], %swap3A_1327 {strides = array<i32>} : memref<128x16xf32, #tpu.memory_space<vmem>>, vector<1x16xf32>,
    %swap3A_1328 = arith.constant 110 : i32
    %swap3A_1329 = arith.index_cast %swap3A_1328 : i32 to index
    %swap3A_1330 = arith.constant 0 : index
    %swap3A_1331 = tpu.vector_load %arg7[%swap3A_1329, %swap3A_1330] {strides = array<i32>} : memref<128x16xf32, #tpu.memory_space<vmem>>, vector<1x16xf32>,
    %swap3A_1332 = vector.shape_cast %swap3A_1331 : vector<1x16xf32> to vector<16xf32>
    %swap3A_1333 = vector.shape_cast %broadcast_in_dim3A_2 : vector<16xf32> to vector<1x16xf32>
    tpu.vector_store %arg7[%swap3A_1329, %swap3A_1330], %swap3A_1333 {strides = array<i32>} : memref<128x16xf32, #tpu.memory_space<vmem>>, vector<1x16xf32>,
    %swap3A_1334 = arith.constant 111 : i32
    %swap3A_1335 = arith.index_cast %swap3A_1334 : i32 to index
    %swap3A_1336 = arith.constant 0 : index
    %swap3A_1337 = tpu.vector_load %arg6[%swap3A_1335, %swap3A_1336] {strides = array<i32>} : memref<128x16xf32, #tpu.memory_space<vmem>>, vector<1x16xf32>,
    %swap3A_1338 = vector.shape_cast %swap3A_1337 : vector<1x16xf32> to vector<16xf32>
    %swap3A_1339 = vector.shape_cast %broadcast_in_dim3A_0 : vector<16xf32> to vector<1x16xf32>
    tpu.vector_store %arg6[%swap3A_1335, %swap3A_1336], %swap3A_1339 {strides = array<i32>} : memref<128x16xf32, #tpu.memory_space<vmem>>, vector<1x16xf32>,
    %swap3A_1340 = arith.constant 111 : i32
    %swap3A_1341 = arith.index_cast %swap3A_1340 : i32 to index
    %swap3A_1342 = arith.constant 0 : index
    %swap3A_1343 = tpu.vector_load %arg7[%swap3A_1341, %swap3A_1342] {strides = array<i32>} : memref<128x16xf32, #tpu.memory_space<vmem>>, vector<1x16xf32>,
    %swap3A_1344 = vector.shape_cast %swap3A_1343 : vector<1x16xf32> to vector<16xf32>
    %swap3A_1345 = vector.shape_cast %broadcast_in_dim3A_2 : vector<16xf32> to vector<1x16xf32>
    tpu.vector_store %arg7[%swap3A_1341, %swap3A_1342], %swap3A_1345 {strides = array<i32>} : memref<128x16xf32, #tpu.memory_space<vmem>>, vector<1x16xf32>,
    %swap3A_1346 = arith.constant 112 : i32
    %swap3A_1347 = arith.index_cast %swap3A_1346 : i32 to index
    %swap3A_1348 = arith.constant 0 : index
    %swap3A_1349 = tpu.vector_load %arg6[%swap3A_1347, %swap3A_1348] {strides = array<i32>} : memref<128x16xf32, #tpu.memory_space<vmem>>, vector<1x16xf32>,
    %swap3A_1350 = vector.shape_cast %swap3A_1349 : vector<1x16xf32> to vector<16xf32>
    %swap3A_1351 = vector.shape_cast %broadcast_in_dim3A_0 : vector<16xf32> to vector<1x16xf32>
    tpu.vector_store %arg6[%swap3A_1347, %swap3A_1348], %swap3A_1351 {strides = array<i32>} : memref<128x16xf32, #tpu.memory_space<vmem>>, vector<1x16xf32>,
    %swap3A_1352 = arith.constant 112 : i32
    %swap3A_1353 = arith.index_cast %swap3A_1352 : i32 to index
    %swap3A_1354 = arith.constant 0 : index
    %swap3A_1355 = tpu.vector_load %arg7[%swap3A_1353, %swap3A_1354] {strides = array<i32>} : memref<128x16xf32, #tpu.memory_space<vmem>>, vector<1x16xf32>,
    %swap3A_1356 = vector.shape_cast %swap3A_1355 : vector<1x16xf32> to vector<16xf32>
    %swap3A_1357 = vector.shape_cast %broadcast_in_dim3A_2 : vector<16xf32> to vector<1x16xf32>
    tpu.vector_store %arg7[%swap3A_1353, %swap3A_1354], %swap3A_1357 {strides = array<i32>} : memref<128x16xf32, #tpu.memory_space<vmem>>, vector<1x16xf32>,
    %swap3A_1358 = arith.constant 113 : i32
    %swap3A_1359 = arith.index_cast %swap3A_1358 : i32 to index
    %swap3A_1360 = arith.constant 0 : index
    %swap3A_1361 = tpu.vector_load %arg6[%swap3A_1359, %swap3A_1360] {strides = array<i32>} : memref<128x16xf32, #tpu.memory_space<vmem>>, vector<1x16xf32>,
    %swap3A_1362 = vector.shape_cast %swap3A_1361 : vector<1x16xf32> to vector<16xf32>
    %swap3A_1363 = vector.shape_cast %broadcast_in_dim3A_0 : vector<16xf32> to vector<1x16xf32>
    tpu.vector_store %arg6[%swap3A_1359, %swap3A_1360], %swap3A_1363 {strides = array<i32>} : memref<128x16xf32, #tpu.memory_space<vmem>>, vector<1x16xf32>,
    %swap3A_1364 = arith.constant 113 : i32
    %swap3A_1365 = arith.index_cast %swap3A_1364 : i32 to index
    %swap3A_1366 = arith.constant 0 : index
    %swap3A_1367 = tpu.vector_load %arg7[%swap3A_1365, %swap3A_1366] {strides = array<i32>} : memref<128x16xf32, #tpu.memory_space<vmem>>, vector<1x16xf32>,
    %swap3A_1368 = vector.shape_cast %swap3A_1367 : vector<1x16xf32> to vector<16xf32>
    %swap3A_1369 = vector.shape_cast %broadcast_in_dim3A_2 : vector<16xf32> to vector<1x16xf32>
    tpu.vector_store %arg7[%swap3A_1365, %swap3A_1366], %swap3A_1369 {strides = array<i32>} : memref<128x16xf32, #tpu.memory_space<vmem>>, vector<1x16xf32>,
    %swap3A_1370 = arith.constant 114 : i32
    %swap3A_1371 = arith.index_cast %swap3A_1370 : i32 to index
    %swap3A_1372 = arith.constant 0 : index
    %swap3A_1373 = tpu.vector_load %arg6[%swap3A_1371, %swap3A_1372] {strides = array<i32>} : memref<128x16xf32, #tpu.memory_space<vmem>>, vector<1x16xf32>,
    %swap3A_1374 = vector.shape_cast %swap3A_1373 : vector<1x16xf32> to vector<16xf32>
    %swap3A_1375 = vector.shape_cast %broadcast_in_dim3A_0 : vector<16xf32> to vector<1x16xf32>
    tpu.vector_store %arg6[%swap3A_1371, %swap3A_1372], %swap3A_1375 {strides = array<i32>} : memref<128x16xf32, #tpu.memory_space<vmem>>, vector<1x16xf32>,
    %swap3A_1376 = arith.constant 114 : i32
    %swap3A_1377 = arith.index_cast %swap3A_1376 : i32 to index
    %swap3A_1378 = arith.constant 0 : index
    %swap3A_1379 = tpu.vector_load %arg7[%swap3A_1377, %swap3A_1378] {strides = array<i32>} : memref<128x16xf32, #tpu.memory_space<vmem>>, vector<1x16xf32>,
    %swap3A_1380 = vector.shape_cast %swap3A_1379 : vector<1x16xf32> to vector<16xf32>
    %swap3A_1381 = vector.shape_cast %broadcast_in_dim3A_2 : vector<16xf32> to vector<1x16xf32>
    tpu.vector_store %arg7[%swap3A_1377, %swap3A_1378], %swap3A_1381 {strides = array<i32>} : memref<128x16xf32, #tpu.memory_space<vmem>>, vector<1x16xf32>,
    %swap3A_1382 = arith.constant 115 : i32
    %swap3A_1383 = arith.index_cast %swap3A_1382 : i32 to index
    %swap3A_1384 = arith.constant 0 : index
    %swap3A_1385 = tpu.vector_load %arg6[%swap3A_1383, %swap3A_1384] {strides = array<i32>} : memref<128x16xf32, #tpu.memory_space<vmem>>, vector<1x16xf32>,
    %swap3A_1386 = vector.shape_cast %swap3A_1385 : vector<1x16xf32> to vector<16xf32>
    %swap3A_1387 = vector.shape_cast %broadcast_in_dim3A_0 : vector<16xf32> to vector<1x16xf32>
    tpu.vector_store %arg6[%swap3A_1383, %swap3A_1384], %swap3A_1387 {strides = array<i32>} : memref<128x16xf32, #tpu.memory_space<vmem>>, vector<1x16xf32>,
    %swap3A_1388 = arith.constant 115 : i32
    %swap3A_1389 = arith.index_cast %swap3A_1388 : i32 to index
    %swap3A_1390 = arith.constant 0 : index
    %swap3A_1391 = tpu.vector_load %arg7[%swap3A_1389, %swap3A_1390] {strides = array<i32>} : memref<128x16xf32, #tpu.memory_space<vmem>>, vector<1x16xf32>,
    %swap3A_1392 = vector.shape_cast %swap3A_1391 : vector<1x16xf32> to vector<16xf32>
    %swap3A_1393 = vector.shape_cast %broadcast_in_dim3A_2 : vector<16xf32> to vector<1x16xf32>
    tpu.vector_store %arg7[%swap3A_1389, %swap3A_1390], %swap3A_1393 {strides = array<i32>} : memref<128x16xf32, #tpu.memory_space<vmem>>, vector<1x16xf32>,
    %swap3A_1394 = arith.constant 116 : i32
    %swap3A_1395 = arith.index_cast %swap3A_1394 : i32 to index
    %swap3A_1396 = arith.constant 0 : index
    %swap3A_1397 = tpu.vector_load %arg6[%swap3A_1395, %swap3A_1396] {strides = array<i32>} : memref<128x16xf32, #tpu.memory_space<vmem>>, vector<1x16xf32>,
    %swap3A_1398 = vector.shape_cast %swap3A_1397 : vector<1x16xf32> to vector<16xf32>
    %swap3A_1399 = vector.shape_cast %broadcast_in_dim3A_0 : vector<16xf32> to vector<1x16xf32>
    tpu.vector_store %arg6[%swap3A_1395, %swap3A_1396], %swap3A_1399 {strides = array<i32>} : memref<128x16xf32, #tpu.memory_space<vmem>>, vector<1x16xf32>,
    %swap3A_1400 = arith.constant 116 : i32
    %swap3A_1401 = arith.index_cast %swap3A_1400 : i32 to index
    %swap3A_1402 = arith.constant 0 : index
    %swap3A_1403 = tpu.vector_load %arg7[%swap3A_1401, %swap3A_1402] {strides = array<i32>} : memref<128x16xf32, #tpu.memory_space<vmem>>, vector<1x16xf32>,
    %swap3A_1404 = vector.shape_cast %swap3A_1403 : vector<1x16xf32> to vector<16xf32>
    %swap3A_1405 = vector.shape_cast %broadcast_in_dim3A_2 : vector<16xf32> to vector<1x16xf32>
    tpu.vector_store %arg7[%swap3A_1401, %swap3A_1402], %swap3A_1405 {strides = array<i32>} : memref<128x16xf32, #tpu.memory_space<vmem>>, vector<1x16xf32>,
    %swap3A_1406 = arith.constant 117 : i32
    %swap3A_1407 = arith.index_cast %swap3A_1406 : i32 to index
    %swap3A_1408 = arith.constant 0 : index
    %swap3A_1409 = tpu.vector_load %arg6[%swap3A_1407, %swap3A_1408] {strides = array<i32>} : memref<128x16xf32, #tpu.memory_space<vmem>>, vector<1x16xf32>,
    %swap3A_1410 = vector.shape_cast %swap3A_1409 : vector<1x16xf32> to vector<16xf32>
    %swap3A_1411 = vector.shape_cast %broadcast_in_dim3A_0 : vector<16xf32> to vector<1x16xf32>
    tpu.vector_store %arg6[%swap3A_1407, %swap3A_1408], %swap3A_1411 {strides = array<i32>} : memref<128x16xf32, #tpu.memory_space<vmem>>, vector<1x16xf32>,
    %swap3A_1412 = arith.constant 117 : i32
    %swap3A_1413 = arith.index_cast %swap3A_1412 : i32 to index
    %swap3A_1414 = arith.constant 0 : index
    %swap3A_1415 = tpu.vector_load %arg7[%swap3A_1413, %swap3A_1414] {strides = array<i32>} : memref<128x16xf32, #tpu.memory_space<vmem>>, vector<1x16xf32>,
    %swap3A_1416 = vector.shape_cast %swap3A_1415 : vector<1x16xf32> to vector<16xf32>
    %swap3A_1417 = vector.shape_cast %broadcast_in_dim3A_2 : vector<16xf32> to vector<1x16xf32>
    tpu.vector_store %arg7[%swap3A_1413, %swap3A_1414], %swap3A_1417 {strides = array<i32>} : memref<128x16xf32, #tpu.memory_space<vmem>>, vector<1x16xf32>,
    %swap3A_1418 = arith.constant 118 : i32
    %swap3A_1419 = arith.index_cast %swap3A_1418 : i32 to index
    %swap3A_1420 = arith.constant 0 : index
    %swap3A_1421 = tpu.vector_load %arg6[%swap3A_1419, %swap3A_1420] {strides = array<i32>} : memref<128x16xf32, #tpu.memory_space<vmem>>, vector<1x16xf32>,
    %swap3A_1422 = vector.shape_cast %swap3A_1421 : vector<1x16xf32> to vector<16xf32>
    %swap3A_1423 = vector.shape_cast %broadcast_in_dim3A_0 : vector<16xf32> to vector<1x16xf32>
    tpu.vector_store %arg6[%swap3A_1419, %swap3A_1420], %swap3A_1423 {strides = array<i32>} : memref<128x16xf32, #tpu.memory_space<vmem>>, vector<1x16xf32>,
    %swap3A_1424 = arith.constant 118 : i32
    %swap3A_1425 = arith.index_cast %swap3A_1424 : i32 to index
    %swap3A_1426 = arith.constant 0 : index
    %swap3A_1427 = tpu.vector_load %arg7[%swap3A_1425, %swap3A_1426] {strides = array<i32>} : memref<128x16xf32, #tpu.memory_space<vmem>>, vector<1x16xf32>,
    %swap3A_1428 = vector.shape_cast %swap3A_1427 : vector<1x16xf32> to vector<16xf32>
    %swap3A_1429 = vector.shape_cast %broadcast_in_dim3A_2 : vector<16xf32> to vector<1x16xf32>
    tpu.vector_store %arg7[%swap3A_1425, %swap3A_1426], %swap3A_1429 {strides = array<i32>} : memref<128x16xf32, #tpu.memory_space<vmem>>, vector<1x16xf32>,
    %swap3A_1430 = arith.constant 119 : i32
    %swap3A_1431 = arith.index_cast %swap3A_1430 : i32 to index
    %swap3A_1432 = arith.constant 0 : index
    %swap3A_1433 = tpu.vector_load %arg6[%swap3A_1431, %swap3A_1432] {strides = array<i32>} : memref<128x16xf32, #tpu.memory_space<vmem>>, vector<1x16xf32>,
    %swap3A_1434 = vector.shape_cast %swap3A_1433 : vector<1x16xf32> to vector<16xf32>
    %swap3A_1435 = vector.shape_cast %broadcast_in_dim3A_0 : vector<16xf32> to vector<1x16xf32>
    tpu.vector_store %arg6[%swap3A_1431, %swap3A_1432], %swap3A_1435 {strides = array<i32>} : memref<128x16xf32, #tpu.memory_space<vmem>>, vector<1x16xf32>,
    %swap3A_1436 = arith.constant 119 : i32
    %swap3A_1437 = arith.index_cast %swap3A_1436 : i32 to index
    %swap3A_1438 = arith.constant 0 : index
    %swap3A_1439 = tpu.vector_load %arg7[%swap3A_1437, %swap3A_1438] {strides = array<i32>} : memref<128x16xf32, #tpu.memory_space<vmem>>, vector<1x16xf32>,
    %swap3A_1440 = vector.shape_cast %swap3A_1439 : vector<1x16xf32> to vector<16xf32>
    %swap3A_1441 = vector.shape_cast %broadcast_in_dim3A_2 : vector<16xf32> to vector<1x16xf32>
    tpu.vector_store %arg7[%swap3A_1437, %swap3A_1438], %swap3A_1441 {strides = array<i32>} : memref<128x16xf32, #tpu.memory_space<vmem>>, vector<1x16xf32>,
    %swap3A_1442 = arith.constant 120 : i32
    %swap3A_1443 = arith.index_cast %swap3A_1442 : i32 to index
    %swap3A_1444 = arith.constant 0 : index
    %swap3A_1445 = tpu.vector_load %arg6[%swap3A_1443, %swap3A_1444] {strides = array<i32>} : memref<128x16xf32, #tpu.memory_space<vmem>>, vector<1x16xf32>,
    %swap3A_1446 = vector.shape_cast %swap3A_1445 : vector<1x16xf32> to vector<16xf32>
    %swap3A_1447 = vector.shape_cast %broadcast_in_dim3A_0 : vector<16xf32> to vector<1x16xf32>
    tpu.vector_store %arg6[%swap3A_1443, %swap3A_1444], %swap3A_1447 {strides = array<i32>} : memref<128x16xf32, #tpu.memory_space<vmem>>, vector<1x16xf32>,
    %swap3A_1448 = arith.constant 120 : i32
    %swap3A_1449 = arith.index_cast %swap3A_1448 : i32 to index
    %swap3A_1450 = arith.constant 0 : index
    %swap3A_1451 = tpu.vector_load %arg7[%swap3A_1449, %swap3A_1450] {strides = array<i32>} : memref<128x16xf32, #tpu.memory_space<vmem>>, vector<1x16xf32>,
    %swap3A_1452 = vector.shape_cast %swap3A_1451 : vector<1x16xf32> to vector<16xf32>
    %swap3A_1453 = vector.shape_cast %broadcast_in_dim3A_2 : vector<16xf32> to vector<1x16xf32>
    tpu.vector_store %arg7[%swap3A_1449, %swap3A_1450], %swap3A_1453 {strides = array<i32>} : memref<128x16xf32, #tpu.memory_space<vmem>>, vector<1x16xf32>,
    %swap3A_1454 = arith.constant 121 : i32
    %swap3A_1455 = arith.index_cast %swap3A_1454 : i32 to index
    %swap3A_1456 = arith.constant 0 : index
    %swap3A_1457 = tpu.vector_load %arg6[%swap3A_1455, %swap3A_1456] {strides = array<i32>} : memref<128x16xf32, #tpu.memory_space<vmem>>, vector<1x16xf32>,
    %swap3A_1458 = vector.shape_cast %swap3A_1457 : vector<1x16xf32> to vector<16xf32>
    %swap3A_1459 = vector.shape_cast %broadcast_in_dim3A_0 : vector<16xf32> to vector<1x16xf32>
    tpu.vector_store %arg6[%swap3A_1455, %swap3A_1456], %swap3A_1459 {strides = array<i32>} : memref<128x16xf32, #tpu.memory_space<vmem>>, vector<1x16xf32>,
    %swap3A_1460 = arith.constant 121 : i32
    %swap3A_1461 = arith.index_cast %swap3A_1460 : i32 to index
    %swap3A_1462 = arith.constant 0 : index
    %swap3A_1463 = tpu.vector_load %arg7[%swap3A_1461, %swap3A_1462] {strides = array<i32>} : memref<128x16xf32, #tpu.memory_space<vmem>>, vector<1x16xf32>,
    %swap3A_1464 = vector.shape_cast %swap3A_1463 : vector<1x16xf32> to vector<16xf32>
    %swap3A_1465 = vector.shape_cast %broadcast_in_dim3A_2 : vector<16xf32> to vector<1x16xf32>
    tpu.vector_store %arg7[%swap3A_1461, %swap3A_1462], %swap3A_1465 {strides = array<i32>} : memref<128x16xf32, #tpu.memory_space<vmem>>, vector<1x16xf32>,
    %swap3A_1466 = arith.constant 122 : i32
    %swap3A_1467 = arith.index_cast %swap3A_1466 : i32 to index
    %swap3A_1468 = arith.constant 0 : index
    %swap3A_1469 = tpu.vector_load %arg6[%swap3A_1467, %swap3A_1468] {strides = array<i32>} : memref<128x16xf32, #tpu.memory_space<vmem>>, vector<1x16xf32>,
    %swap3A_1470 = vector.shape_cast %swap3A_1469 : vector<1x16xf32> to vector<16xf32>
    %swap3A_1471 = vector.shape_cast %broadcast_in_dim3A_0 : vector<16xf32> to vector<1x16xf32>
    tpu.vector_store %arg6[%swap3A_1467, %swap3A_1468], %swap3A_1471 {strides = array<i32>} : memref<128x16xf32, #tpu.memory_space<vmem>>, vector<1x16xf32>,
    %swap3A_1472 = arith.constant 122 : i32
    %swap3A_1473 = arith.index_cast %swap3A_1472 : i32 to index
    %swap3A_1474 = arith.constant 0 : index
    %swap3A_1475 = tpu.vector_load %arg7[%swap3A_1473, %swap3A_1474] {strides = array<i32>} : memref<128x16xf32, #tpu.memory_space<vmem>>, vector<1x16xf32>,
    %swap3A_1476 = vector.shape_cast %swap3A_1475 : vector<1x16xf32> to vector<16xf32>
    %swap3A_1477 = vector.shape_cast %broadcast_in_dim3A_2 : vector<16xf32> to vector<1x16xf32>
    tpu.vector_store %arg7[%swap3A_1473, %swap3A_1474], %swap3A_1477 {strides = array<i32>} : memref<128x16xf32, #tpu.memory_space<vmem>>, vector<1x16xf32>,
    %swap3A_1478 = arith.constant 123 : i32
    %swap3A_1479 = arith.index_cast %swap3A_1478 : i32 to index
    %swap3A_1480 = arith.constant 0 : index
    %swap3A_1481 = tpu.vector_load %arg6[%swap3A_1479, %swap3A_1480] {strides = array<i32>} : memref<128x16xf32, #tpu.memory_space<vmem>>, vector<1x16xf32>,
    %swap3A_1482 = vector.shape_cast %swap3A_1481 : vector<1x16xf32> to vector<16xf32>
    %swap3A_1483 = vector.shape_cast %broadcast_in_dim3A_0 : vector<16xf32> to vector<1x16xf32>
    tpu.vector_store %arg6[%swap3A_1479, %swap3A_1480], %swap3A_1483 {strides = array<i32>} : memref<128x16xf32, #tpu.memory_space<vmem>>, vector<1x16xf32>,
    %swap3A_1484 = arith.constant 123 : i32
    %swap3A_1485 = arith.index_cast %swap3A_1484 : i32 to index
    %swap3A_1486 = arith.constant 0 : index
    %swap3A_1487 = tpu.vector_load %arg7[%swap3A_1485, %swap3A_1486] {strides = array<i32>} : memref<128x16xf32, #tpu.memory_space<vmem>>, vector<1x16xf32>,
    %swap3A_1488 = vector.shape_cast %swap3A_1487 : vector<1x16xf32> to vector<16xf32>
    %swap3A_1489 = vector.shape_cast %broadcast_in_dim3A_2 : vector<16xf32> to vector<1x16xf32>
    tpu.vector_store %arg7[%swap3A_1485, %swap3A_1486], %swap3A_1489 {strides = array<i32>} : memref<128x16xf32, #tpu.memory_space<vmem>>, vector<1x16xf32>,
    %swap3A_1490 = arith.constant 124 : i32
    %swap3A_1491 = arith.index_cast %swap3A_1490 : i32 to index
    %swap3A_1492 = arith.constant 0 : index
    %swap3A_1493 = tpu.vector_load %arg6[%swap3A_1491, %swap3A_1492] {strides = array<i32>} : memref<128x16xf32, #tpu.memory_space<vmem>>, vector<1x16xf32>,
    %swap3A_1494 = vector.shape_cast %swap3A_1493 : vector<1x16xf32> to vector<16xf32>
    %swap3A_1495 = vector.shape_cast %broadcast_in_dim3A_0 : vector<16xf32> to vector<1x16xf32>
    tpu.vector_store %arg6[%swap3A_1491, %swap3A_1492], %swap3A_1495 {strides = array<i32>} : memref<128x16xf32, #tpu.memory_space<vmem>>, vector<1x16xf32>,
    %swap3A_1496 = arith.constant 124 : i32
    %swap3A_1497 = arith.index_cast %swap3A_1496 : i32 to index
    %swap3A_1498 = arith.constant 0 : index
    %swap3A_1499 = tpu.vector_load %arg7[%swap3A_1497, %swap3A_1498] {strides = array<i32>} : memref<128x16xf32, #tpu.memory_space<vmem>>, vector<1x16xf32>,
    %swap3A_1500 = vector.shape_cast %swap3A_1499 : vector<1x16xf32> to vector<16xf32>
    %swap3A_1501 = vector.shape_cast %broadcast_in_dim3A_2 : vector<16xf32> to vector<1x16xf32>
    tpu.vector_store %arg7[%swap3A_1497, %swap3A_1498], %swap3A_1501 {strides = array<i32>} : memref<128x16xf32, #tpu.memory_space<vmem>>, vector<1x16xf32>,
    %swap3A_1502 = arith.constant 125 : i32
    %swap3A_1503 = arith.index_cast %swap3A_1502 : i32 to index
    %swap3A_1504 = arith.constant 0 : index
    %swap3A_1505 = tpu.vector_load %arg6[%swap3A_1503, %swap3A_1504] {strides = array<i32>} : memref<128x16xf32, #tpu.memory_space<vmem>>, vector<1x16xf32>,
    %swap3A_1506 = vector.shape_cast %swap3A_1505 : vector<1x16xf32> to vector<16xf32>
    %swap3A_1507 = vector.shape_cast %broadcast_in_dim3A_0 : vector<16xf32> to vector<1x16xf32>
    tpu.vector_store %arg6[%swap3A_1503, %swap3A_1504], %swap3A_1507 {strides = array<i32>} : memref<128x16xf32, #tpu.memory_space<vmem>>, vector<1x16xf32>,
    %swap3A_1508 = arith.constant 125 : i32
    %swap3A_1509 = arith.index_cast %swap3A_1508 : i32 to index
    %swap3A_1510 = arith.constant 0 : index
    %swap3A_1511 = tpu.vector_load %arg7[%swap3A_1509, %swap3A_1510] {strides = array<i32>} : memref<128x16xf32, #tpu.memory_space<vmem>>, vector<1x16xf32>,
    %swap3A_1512 = vector.shape_cast %swap3A_1511 : vector<1x16xf32> to vector<16xf32>
    %swap3A_1513 = vector.shape_cast %broadcast_in_dim3A_2 : vector<16xf32> to vector<1x16xf32>
    tpu.vector_store %arg7[%swap3A_1509, %swap3A_1510], %swap3A_1513 {strides = array<i32>} : memref<128x16xf32, #tpu.memory_space<vmem>>, vector<1x16xf32>,
    %swap3A_1514 = arith.constant 126 : i32
    %swap3A_1515 = arith.index_cast %swap3A_1514 : i32 to index
    %swap3A_1516 = arith.constant 0 : index
    %swap3A_1517 = tpu.vector_load %arg6[%swap3A_1515, %swap3A_1516] {strides = array<i32>} : memref<128x16xf32, #tpu.memory_space<vmem>>, vector<1x16xf32>,
    %swap3A_1518 = vector.shape_cast %swap3A_1517 : vector<1x16xf32> to vector<16xf32>
    %swap3A_1519 = vector.shape_cast %broadcast_in_dim3A_0 : vector<16xf32> to vector<1x16xf32>
    tpu.vector_store %arg6[%swap3A_1515, %swap3A_1516], %swap3A_1519 {strides = array<i32>} : memref<128x16xf32, #tpu.memory_space<vmem>>, vector<1x16xf32>,
    %swap3A_1520 = arith.constant 126 : i32
    %swap3A_1521 = arith.index_cast %swap3A_1520 : i32 to index
    %swap3A_1522 = arith.constant 0 : index
    %swap3A_1523 = tpu.vector_load %arg7[%swap3A_1521, %swap3A_1522] {strides = array<i32>} : memref<128x16xf32, #tpu.memory_space<vmem>>, vector<1x16xf32>,
    %swap3A_1524 = vector.shape_cast %swap3A_1523 : vector<1x16xf32> to vector<16xf32>
    %swap3A_1525 = vector.shape_cast %broadcast_in_dim3A_2 : vector<16xf32> to vector<1x16xf32>
    tpu.vector_store %arg7[%swap3A_1521, %swap3A_1522], %swap3A_1525 {strides = array<i32>} : memref<128x16xf32, #tpu.memory_space<vmem>>, vector<1x16xf32>,
    %swap3A_1526 = arith.constant 127 : i32
    %swap3A_1527 = arith.index_cast %swap3A_1526 : i32 to index
    %swap3A_1528 = arith.constant 0 : index
    %swap3A_1529 = tpu.vector_load %arg6[%swap3A_1527, %swap3A_1528] {strides = array<i32>} : memref<128x16xf32, #tpu.memory_space<vmem>>, vector<1x16xf32>,
    %swap3A_1530 = vector.shape_cast %swap3A_1529 : vector<1x16xf32> to vector<16xf32>
    %swap3A_1531 = vector.shape_cast %broadcast_in_dim3A_0 : vector<16xf32> to vector<1x16xf32>
    tpu.vector_store %arg6[%swap3A_1527, %swap3A_1528], %swap3A_1531 {strides = array<i32>} : memref<128x16xf32, #tpu.memory_space<vmem>>, vector<1x16xf32>,
    %swap3A_1532 = arith.constant 127 : i32
    %swap3A_1533 = arith.index_cast %swap3A_1532 : i32 to index
    %swap3A_1534 = arith.constant 0 : index
    %swap3A_1535 = tpu.vector_load %arg7[%swap3A_1533, %swap3A_1534] {strides = array<i32>} : memref<128x16xf32, #tpu.memory_space<vmem>>, vector<1x16xf32>,
    %swap3A_1536 = vector.shape_cast %swap3A_1535 : vector<1x16xf32> to vector<16xf32>
    %swap3A_1537 = vector.shape_cast %broadcast_in_dim3A_2 : vector<16xf32> to vector<1x16xf32>
    tpu.vector_store %arg7[%swap3A_1533, %swap3A_1534], %swap3A_1537 {strides = array<i32>} : memref<128x16xf32, #tpu.memory_space<vmem>>, vector<1x16xf32>,
    %mul3A = arith.constant 640 : i32
    %mul3A_1538 = arith.muli %arg1, %mul3A : i32
    %add3A = arith.constant 0 : i32
    %add3A_1539 = arith.addi %mul3A_1538, %add3A : i32
    "tpu.region"() ({
      %run_scoped3A_1605 = tpu.sem_alloc : memref<!tpu.dma_semaphore, #tpu.memory_space<semaphore_mem>>
      %dma_start3A = arith.constant 0 : i32
      %dma_start3A_1606 = tpu.memref_slice %arg4[%add3A_1539, %dma_start3A] : memref<10240x16xf32, #tpu.memory_space<vmem_shared>> -> memref<128x16xf32, #tpu.memory_space<vmem_shared>>
      %dma_start3A_1607 = arith.constant 0 : i32
      %dma_start3A_1608 = tpu.memref_slice %arg4[%add3A_1539, %dma_start3A_1607] : memref<10240x16xf32, #tpu.memory_space<vmem_shared>> -> memref<128x16xf32, #tpu.memory_space<vmem_shared>>
      tpu.enqueue_dma source(%arg7 : memref<128x16xf32, #tpu.memory_space<vmem>>) target(%dma_start3A_1608 : memref<128x16xf32, #tpu.memory_space<vmem_shared>>) target_semaphore(%run_scoped3A_1605 : memref<!tpu.dma_semaphore, #tpu.memory_space<semaphore_mem>>)
      %dma_wait3A = arith.constant 0 : i32
      %dma_wait3A_1609 = tpu.memref_slice %arg4[%add3A_1539, %dma_wait3A] : memref<10240x16xf32, #tpu.memory_space<vmem_shared>> -> memref<128x16xf32, #tpu.memory_space<vmem_shared>>
      %dma_wait3A_1610 = arith.constant 0 : i32
      %dma_wait3A_1611 = tpu.memref_slice %arg4[%add3A_1539, %dma_wait3A_1610] : memref<10240x16xf32, #tpu.memory_space<vmem_shared>> -> memref<128x16xf32, #tpu.memory_space<vmem_shared>>
      tpu.wait_dma2 semaphore(%run_scoped3A_1605 : memref<!tpu.dma_semaphore, #tpu.memory_space<semaphore_mem>>) src(%arg7 : memref<128x16xf32, #tpu.memory_space<vmem>>) dst(%dma_wait3A_1611 : memref<128x16xf32, #tpu.memory_space<vmem_shared>>)
      tpu.yield
    }) : () -> ()
    %mul3A_1540 = arith.constant 640 : i32
    %mul3A_1541 = arith.muli %arg1, %mul3A_1540 : i32
    %add3A_1542 = arith.constant 128 : i32
    %add3A_1543 = arith.addi %mul3A_1541, %add3A_1542 : i32
    "tpu.region"() ({
      %run_scoped3A_1605 = tpu.sem_alloc : memref<!tpu.dma_semaphore, #tpu.memory_space<semaphore_mem>>
      %dma_start3A = arith.constant 0 : i32
      %dma_start3A_1606 = tpu.memref_slice %arg4[%add3A_1543, %dma_start3A] : memref<10240x16xf32, #tpu.memory_space<vmem_shared>> -> memref<128x16xf32, #tpu.memory_space<vmem_shared>>
      %dma_start3A_1607 = arith.constant 0 : i32
      %dma_start3A_1608 = tpu.memref_slice %arg4[%add3A_1543, %dma_start3A_1607] : memref<10240x16xf32, #tpu.memory_space<vmem_shared>> -> memref<128x16xf32, #tpu.memory_space<vmem_shared>>
      tpu.enqueue_dma source(%arg7 : memref<128x16xf32, #tpu.memory_space<vmem>>) target(%dma_start3A_1608 : memref<128x16xf32, #tpu.memory_space<vmem_shared>>) target_semaphore(%run_scoped3A_1605 : memref<!tpu.dma_semaphore, #tpu.memory_space<semaphore_mem>>)
      %dma_wait3A = arith.constant 0 : i32
      %dma_wait3A_1609 = tpu.memref_slice %arg4[%add3A_1543, %dma_wait3A] : memref<10240x16xf32, #tpu.memory_space<vmem_shared>> -> memref<128x16xf32, #tpu.memory_space<vmem_shared>>
      %dma_wait3A_1610 = arith.constant 0 : i32
      %dma_wait3A_1611 = tpu.memref_slice %arg4[%add3A_1543, %dma_wait3A_1610] : memref<10240x16xf32, #tpu.memory_space<vmem_shared>> -> memref<128x16xf32, #tpu.memory_space<vmem_shared>>
      tpu.wait_dma2 semaphore(%run_scoped3A_1605 : memref<!tpu.dma_semaphore, #tpu.memory_space<semaphore_mem>>) src(%arg7 : memref<128x16xf32, #tpu.memory_space<vmem>>) dst(%dma_wait3A_1611 : memref<128x16xf32, #tpu.memory_space<vmem_shared>>)
      tpu.yield
    }) : () -> ()
    %mul3A_1544 = arith.constant 640 : i32
    %mul3A_1545 = arith.muli %arg1, %mul3A_1544 : i32
    %add3A_1546 = arith.constant 256 : i32
    %add3A_1547 = arith.addi %mul3A_1545, %add3A_1546 : i32
    "tpu.region"() ({
      %run_scoped3A_1605 = tpu.sem_alloc : memref<!tpu.dma_semaphore, #tpu.memory_space<semaphore_mem>>
      %dma_start3A = arith.constant 0 : i32
      %dma_start3A_1606 = tpu.memref_slice %arg4[%add3A_1547, %dma_start3A] : memref<10240x16xf32, #tpu.memory_space<vmem_shared>> -> memref<128x16xf32, #tpu.memory_space<vmem_shared>>
      %dma_start3A_1607 = arith.constant 0 : i32
      %dma_start3A_1608 = tpu.memref_slice %arg4[%add3A_1547, %dma_start3A_1607] : memref<10240x16xf32, #tpu.memory_space<vmem_shared>> -> memref<128x16xf32, #tpu.memory_space<vmem_shared>>
      tpu.enqueue_dma source(%arg7 : memref<128x16xf32, #tpu.memory_space<vmem>>) target(%dma_start3A_1608 : memref<128x16xf32, #tpu.memory_space<vmem_shared>>) target_semaphore(%run_scoped3A_1605 : memref<!tpu.dma_semaphore, #tpu.memory_space<semaphore_mem>>)
      %dma_wait3A = arith.constant 0 : i32
      %dma_wait3A_1609 = tpu.memref_slice %arg4[%add3A_1547, %dma_wait3A] : memref<10240x16xf32, #tpu.memory_space<vmem_shared>> -> memref<128x16xf32, #tpu.memory_space<vmem_shared>>
      %dma_wait3A_1610 = arith.constant 0 : i32
      %dma_wait3A_1611 = tpu.memref_slice %arg4[%add3A_1547, %dma_wait3A_1610] : memref<10240x16xf32, #tpu.memory_space<vmem_shared>> -> memref<128x16xf32, #tpu.memory_space<vmem_shared>>
      tpu.wait_dma2 semaphore(%run_scoped3A_1605 : memref<!tpu.dma_semaphore, #tpu.memory_space<semaphore_mem>>) src(%arg7 : memref<128x16xf32, #tpu.memory_space<vmem>>) dst(%dma_wait3A_1611 : memref<128x16xf32, #tpu.memory_space<vmem_shared>>)
      tpu.yield
    }) : () -> ()
    %mul3A_1548 = arith.constant 640 : i32
    %mul3A_1549 = arith.muli %arg1, %mul3A_1548 : i32
    %add3A_1550 = arith.constant 384 : i32
    %add3A_1551 = arith.addi %mul3A_1549, %add3A_1550 : i32
    "tpu.region"() ({
      %run_scoped3A_1605 = tpu.sem_alloc : memref<!tpu.dma_semaphore, #tpu.memory_space<semaphore_mem>>
      %dma_start3A = arith.constant 0 : i32
      %dma_start3A_1606 = tpu.memref_slice %arg4[%add3A_1551, %dma_start3A] : memref<10240x16xf32, #tpu.memory_space<vmem_shared>> -> memref<128x16xf32, #tpu.memory_space<vmem_shared>>
      %dma_start3A_1607 = arith.constant 0 : i32
      %dma_start3A_1608 = tpu.memref_slice %arg4[%add3A_1551, %dma_start3A_1607] : memref<10240x16xf32, #tpu.memory_space<vmem_shared>> -> memref<128x16xf32, #tpu.memory_space<vmem_shared>>
      tpu.enqueue_dma source(%arg7 : memref<128x16xf32, #tpu.memory_space<vmem>>) target(%dma_start3A_1608 : memref<128x16xf32, #tpu.memory_space<vmem_shared>>) target_semaphore(%run_scoped3A_1605 : memref<!tpu.dma_semaphore, #tpu.memory_space<semaphore_mem>>)
      %dma_wait3A = arith.constant 0 : i32
      %dma_wait3A_1609 = tpu.memref_slice %arg4[%add3A_1551, %dma_wait3A] : memref<10240x16xf32, #tpu.memory_space<vmem_shared>> -> memref<128x16xf32, #tpu.memory_space<vmem_shared>>
      %dma_wait3A_1610 = arith.constant 0 : i32
      %dma_wait3A_1611 = tpu.memref_slice %arg4[%add3A_1551, %dma_wait3A_1610] : memref<10240x16xf32, #tpu.memory_space<vmem_shared>> -> memref<128x16xf32, #tpu.memory_space<vmem_shared>>
      tpu.wait_dma2 semaphore(%run_scoped3A_1605 : memref<!tpu.dma_semaphore, #tpu.memory_space<semaphore_mem>>) src(%arg7 : memref<128x16xf32, #tpu.memory_space<vmem>>) dst(%dma_wait3A_1611 : memref<128x16xf32, #tpu.memory_space<vmem_shared>>)
      tpu.yield
    }) : () -> ()
    %mul3A_1552 = arith.constant 640 : i32
    %mul3A_1553 = arith.muli %arg1, %mul3A_1552 : i32
    %add3A_1554 = arith.constant 512 : i32
    %add3A_1555 = arith.addi %mul3A_1553, %add3A_1554 : i32
    "tpu.region"() ({
      %run_scoped3A_1605 = tpu.sem_alloc : memref<!tpu.dma_semaphore, #tpu.memory_space<semaphore_mem>>
      %dma_start3A = arith.constant 0 : i32
      %dma_start3A_1606 = tpu.memref_slice %arg4[%add3A_1555, %dma_start3A] : memref<10240x16xf32, #tpu.memory_space<vmem_shared>> -> memref<128x16xf32, #tpu.memory_space<vmem_shared>>
      %dma_start3A_1607 = arith.constant 0 : i32
      %dma_start3A_1608 = tpu.memref_slice %arg4[%add3A_1555, %dma_start3A_1607] : memref<10240x16xf32, #tpu.memory_space<vmem_shared>> -> memref<128x16xf32, #tpu.memory_space<vmem_shared>>
      tpu.enqueue_dma source(%arg7 : memref<128x16xf32, #tpu.memory_space<vmem>>) target(%dma_start3A_1608 : memref<128x16xf32, #tpu.memory_space<vmem_shared>>) target_semaphore(%run_scoped3A_1605 : memref<!tpu.dma_semaphore, #tpu.memory_space<semaphore_mem>>)
      %dma_wait3A = arith.constant 0 : i32
      %dma_wait3A_1609 = tpu.memref_slice %arg4[%add3A_1555, %dma_wait3A] : memref<10240x16xf32, #tpu.memory_space<vmem_shared>> -> memref<128x16xf32, #tpu.memory_space<vmem_shared>>
      %dma_wait3A_1610 = arith.constant 0 : i32
      %dma_wait3A_1611 = tpu.memref_slice %arg4[%add3A_1555, %dma_wait3A_1610] : memref<10240x16xf32, #tpu.memory_space<vmem_shared>> -> memref<128x16xf32, #tpu.memory_space<vmem_shared>>
      tpu.wait_dma2 semaphore(%run_scoped3A_1605 : memref<!tpu.dma_semaphore, #tpu.memory_space<semaphore_mem>>) src(%arg7 : memref<128x16xf32, #tpu.memory_space<vmem>>) dst(%dma_wait3A_1611 : memref<128x16xf32, #tpu.memory_space<vmem_shared>>)
      tpu.yield
    }) : () -> ()
    %barrier3A = arith.constant 0 : index
    tpu.barrier barrier_id(%barrier3A)
    %mul3A_1556 = arith.constant 640 : i32
    %mul3A_1557 = arith.muli %arg0, %mul3A_1556 : i32
    %mul3A_1558 = arith.constant 40 : i32
    %mul3A_1559 = arith.muli %arg1, %mul3A_1558 : i32
    %add3A_1560 = arith.addi %mul3A_1557, %mul3A_1559 : i32
    "tpu.region"() ({
      %run_scoped3A_1605 = tpu.sem_alloc : memref<!tpu.dma_semaphore, #tpu.memory_space<semaphore_mem>>
      %dma_start3A = arith.constant 0 : i32
      %dma_start3A_1606 = tpu.memref_slice %arg2[%add3A_1560, %dma_start3A] : memref<1280x128xi32, #tpu.memory_space<hbm>> -> memref<40x128xi32, #tpu.memory_space<hbm>>
      %dma_start3A_1607 = arith.constant 0 : i32
      %dma_start3A_1608 = tpu.memref_slice %arg2[%add3A_1560, %dma_start3A_1607] : memref<1280x128xi32, #tpu.memory_space<hbm>> -> memref<40x128xi32, #tpu.memory_space<hbm>>
      tpu.enqueue_dma source(%dma_start3A_1608 : memref<40x128xi32, #tpu.memory_space<hbm>>) target(%arg5 : memref<40x128xi32, #tpu.memory_space<vmem>>) target_semaphore(%run_scoped3A_1605 : memref<!tpu.dma_semaphore, #tpu.memory_space<semaphore_mem>>)
      %dma_wait3A = arith.constant 0 : i32
      %dma_wait3A_1609 = tpu.memref_slice %arg2[%add3A_1560, %dma_wait3A] : memref<1280x128xi32, #tpu.memory_space<hbm>> -> memref<40x128xi32, #tpu.memory_space<hbm>>
      %dma_wait3A_1610 = arith.constant 0 : i32
      %dma_wait3A_1611 = tpu.memref_slice %arg2[%add3A_1560, %dma_wait3A_1610] : memref<1280x128xi32, #tpu.memory_space<hbm>> -> memref<40x128xi32, #tpu.memory_space<hbm>>
      tpu.wait_dma2 semaphore(%run_scoped3A_1605 : memref<!tpu.dma_semaphore, #tpu.memory_space<semaphore_mem>>) src(%dma_wait3A_1611 : memref<40x128xi32, #tpu.memory_space<hbm>>) dst(%arg5 : memref<40x128xi32, #tpu.memory_space<vmem>>)
      tpu.yield
    }) : () -> ()
    %run_scoped3A = arith.constant 0 : i32
    "tpu.region"() ({
      %run_scoped3A_1605 = tpu.sem_alloc : memref<!tpu.dma_semaphore, #tpu.memory_space<semaphore_mem>>
      %dma_start3A = arith.constant 0 : i32
      %dma_start3A_1606 = tpu.memref_slice %arg5[%run_scoped3A, %dma_start3A] : memref<40x128xi32, #tpu.memory_space<vmem>> -> memref<1x128xi32, #tpu.memory_space<vmem>>
      %dma_start3A_1607 = tpu.memref_squeeze %dma_start3A_1606 : memref<1x128xi32, #tpu.memory_space<vmem>> -> memref<128xi32, #tpu.memory_space<vmem>>
      %dma_start3A_1608 = arith.constant 0 : i32
      %dma_start3A_1609 = arith.constant 0 : i32
      %dma_start3A_1610 = tpu.memref_slice %arg4[%dma_start3A_1608, %dma_start3A_1609] : memref<10240x16xf32, #tpu.memory_space<vmem_shared>> -> memref<10240x16xf32, #tpu.memory_space<vmem_shared>>
      tpu.enqueue_indirect_dma source(%arg6 : memref<128x16xf32, #tpu.memory_space<vmem>>) target(%dma_start3A_1610 : memref<10240x16xf32, #tpu.memory_space<vmem_shared>>) offsets(%dma_start3A_1607 : memref<128xi32, #tpu.memory_space<vmem>>) semaphore(%run_scoped3A_1605 : memref<!tpu.dma_semaphore, #tpu.memory_space<semaphore_mem>>) {add = true}
      %dma_wait3A = arith.constant 0 : i32
      %dma_wait3A_1611 = tpu.memref_slice %arg5[%run_scoped3A, %dma_wait3A] : memref<40x128xi32, #tpu.memory_space<vmem>> -> memref<1x128xi32, #tpu.memory_space<vmem>>
      %dma_wait3A_1612 = tpu.memref_squeeze %dma_wait3A_1611 : memref<1x128xi32, #tpu.memory_space<vmem>> -> memref<128xi32, #tpu.memory_space<vmem>>
      %dma_wait3A_1613 = arith.constant 0 : i32
      %dma_wait3A_1614 = arith.constant 0 : i32
      %dma_wait3A_1615 = tpu.memref_slice %arg4[%dma_wait3A_1613, %dma_wait3A_1614] : memref<10240x16xf32, #tpu.memory_space<vmem_shared>> -> memref<10240x16xf32, #tpu.memory_space<vmem_shared>>
      tpu.wait_indirect_dma semaphore(%run_scoped3A_1605 : memref<!tpu.dma_semaphore, #tpu.memory_space<semaphore_mem>>) src(%arg6 : memref<128x16xf32, #tpu.memory_space<vmem>>) dst(%dma_wait3A_1615 : memref<10240x16xf32, #tpu.memory_space<vmem_shared>>)
      tpu.yield
    }) : () -> ()
    %run_scoped3A_1561 = arith.constant 1 : i32
    "tpu.region"() ({
      %run_scoped3A_1605 = tpu.sem_alloc : memref<!tpu.dma_semaphore, #tpu.memory_space<semaphore_mem>>
      %dma_start3A = arith.constant 0 : i32
      %dma_start3A_1606 = tpu.memref_slice %arg5[%run_scoped3A_1561, %dma_start3A] : memref<40x128xi32, #tpu.memory_space<vmem>> -> memref<1x128xi32, #tpu.memory_space<vmem>>
      %dma_start3A_1607 = tpu.memref_squeeze %dma_start3A_1606 : memref<1x128xi32, #tpu.memory_space<vmem>> -> memref<128xi32, #tpu.memory_space<vmem>>
      %dma_start3A_1608 = arith.constant 0 : i32
      %dma_start3A_1609 = arith.constant 0 : i32
      %dma_start3A_1610 = tpu.memref_slice %arg4[%dma_start3A_1608, %dma_start3A_1609] : memref<10240x16xf32, #tpu.memory_space<vmem_shared>> -> memref<10240x16xf32, #tpu.memory_space<vmem_shared>>
      tpu.enqueue_indirect_dma source(%arg6 : memref<128x16xf32, #tpu.memory_space<vmem>>) target(%dma_start3A_1610 : memref<10240x16xf32, #tpu.memory_space<vmem_shared>>) offsets(%dma_start3A_1607 : memref<128xi32, #tpu.memory_space<vmem>>) semaphore(%run_scoped3A_1605 : memref<!tpu.dma_semaphore, #tpu.memory_space<semaphore_mem>>) {add = true}
      %dma_wait3A = arith.constant 0 : i32
      %dma_wait3A_1611 = tpu.memref_slice %arg5[%run_scoped3A_1561, %dma_wait3A] : memref<40x128xi32, #tpu.memory_space<vmem>> -> memref<1x128xi32, #tpu.memory_space<vmem>>
      %dma_wait3A_1612 = tpu.memref_squeeze %dma_wait3A_1611 : memref<1x128xi32, #tpu.memory_space<vmem>> -> memref<128xi32, #tpu.memory_space<vmem>>
      %dma_wait3A_1613 = arith.constant 0 : i32
      %dma_wait3A_1614 = arith.constant 0 : i32
      %dma_wait3A_1615 = tpu.memref_slice %arg4[%dma_wait3A_1613, %dma_wait3A_1614] : memref<10240x16xf32, #tpu.memory_space<vmem_shared>> -> memref<10240x16xf32, #tpu.memory_space<vmem_shared>>
      tpu.wait_indirect_dma semaphore(%run_scoped3A_1605 : memref<!tpu.dma_semaphore, #tpu.memory_space<semaphore_mem>>) src(%arg6 : memref<128x16xf32, #tpu.memory_space<vmem>>) dst(%dma_wait3A_1615 : memref<10240x16xf32, #tpu.memory_space<vmem_shared>>)
      tpu.yield
    }) : () -> ()
    %run_scoped3A_1562 = arith.constant 2 : i32
    "tpu.region"() ({
      %run_scoped3A_1605 = tpu.sem_alloc : memref<!tpu.dma_semaphore, #tpu.memory_space<semaphore_mem>>
      %dma_start3A = arith.constant 0 : i32
      %dma_start3A_1606 = tpu.memref_slice %arg5[%run_scoped3A_1562, %dma_start3A] : memref<40x128xi32, #tpu.memory_space<vmem>> -> memref<1x128xi32, #tpu.memory_space<vmem>>
      %dma_start3A_1607 = tpu.memref_squeeze %dma_start3A_1606 : memref<1x128xi32, #tpu.memory_space<vmem>> -> memref<128xi32, #tpu.memory_space<vmem>>
      %dma_start3A_1608 = arith.constant 0 : i32
      %dma_start3A_1609 = arith.constant 0 : i32
      %dma_start3A_1610 = tpu.memref_slice %arg4[%dma_start3A_1608, %dma_start3A_1609] : memref<10240x16xf32, #tpu.memory_space<vmem_shared>> -> memref<10240x16xf32, #tpu.memory_space<vmem_shared>>
      tpu.enqueue_indirect_dma source(%arg6 : memref<128x16xf32, #tpu.memory_space<vmem>>) target(%dma_start3A_1610 : memref<10240x16xf32, #tpu.memory_space<vmem_shared>>) offsets(%dma_start3A_1607 : memref<128xi32, #tpu.memory_space<vmem>>) semaphore(%run_scoped3A_1605 : memref<!tpu.dma_semaphore, #tpu.memory_space<semaphore_mem>>) {add = true}
      %dma_wait3A = arith.constant 0 : i32
      %dma_wait3A_1611 = tpu.memref_slice %arg5[%run_scoped3A_1562, %dma_wait3A] : memref<40x128xi32, #tpu.memory_space<vmem>> -> memref<1x128xi32, #tpu.memory_space<vmem>>
      %dma_wait3A_1612 = tpu.memref_squeeze %dma_wait3A_1611 : memref<1x128xi32, #tpu.memory_space<vmem>> -> memref<128xi32, #tpu.memory_space<vmem>>
      %dma_wait3A_1613 = arith.constant 0 : i32
      %dma_wait3A_1614 = arith.constant 0 : i32
      %dma_wait3A_1615 = tpu.memref_slice %arg4[%dma_wait3A_1613, %dma_wait3A_1614] : memref<10240x16xf32, #tpu.memory_space<vmem_shared>> -> memref<10240x16xf32, #tpu.memory_space<vmem_shared>>
      tpu.wait_indirect_dma semaphore(%run_scoped3A_1605 : memref<!tpu.dma_semaphore, #tpu.memory_space<semaphore_mem>>) src(%arg6 : memref<128x16xf32, #tpu.memory_space<vmem>>) dst(%dma_wait3A_1615 : memref<10240x16xf32, #tpu.memory_space<vmem_shared>>)
      tpu.yield
    }) : () -> ()
    %run_scoped3A_1563 = arith.constant 3 : i32
    "tpu.region"() ({
      %run_scoped3A_1605 = tpu.sem_alloc : memref<!tpu.dma_semaphore, #tpu.memory_space<semaphore_mem>>
      %dma_start3A = arith.constant 0 : i32
      %dma_start3A_1606 = tpu.memref_slice %arg5[%run_scoped3A_1563, %dma_start3A] : memref<40x128xi32, #tpu.memory_space<vmem>> -> memref<1x128xi32, #tpu.memory_space<vmem>>
      %dma_start3A_1607 = tpu.memref_squeeze %dma_start3A_1606 : memref<1x128xi32, #tpu.memory_space<vmem>> -> memref<128xi32, #tpu.memory_space<vmem>>
      %dma_start3A_1608 = arith.constant 0 : i32
      %dma_start3A_1609 = arith.constant 0 : i32
      %dma_start3A_1610 = tpu.memref_slice %arg4[%dma_start3A_1608, %dma_start3A_1609] : memref<10240x16xf32, #tpu.memory_space<vmem_shared>> -> memref<10240x16xf32, #tpu.memory_space<vmem_shared>>
      tpu.enqueue_indirect_dma source(%arg6 : memref<128x16xf32, #tpu.memory_space<vmem>>) target(%dma_start3A_1610 : memref<10240x16xf32, #tpu.memory_space<vmem_shared>>) offsets(%dma_start3A_1607 : memref<128xi32, #tpu.memory_space<vmem>>) semaphore(%run_scoped3A_1605 : memref<!tpu.dma_semaphore, #tpu.memory_space<semaphore_mem>>) {add = true}
      %dma_wait3A = arith.constant 0 : i32
      %dma_wait3A_1611 = tpu.memref_slice %arg5[%run_scoped3A_1563, %dma_wait3A] : memref<40x128xi32, #tpu.memory_space<vmem>> -> memref<1x128xi32, #tpu.memory_space<vmem>>
      %dma_wait3A_1612 = tpu.memref_squeeze %dma_wait3A_1611 : memref<1x128xi32, #tpu.memory_space<vmem>> -> memref<128xi32, #tpu.memory_space<vmem>>
      %dma_wait3A_1613 = arith.constant 0 : i32
      %dma_wait3A_1614 = arith.constant 0 : i32
      %dma_wait3A_1615 = tpu.memref_slice %arg4[%dma_wait3A_1613, %dma_wait3A_1614] : memref<10240x16xf32, #tpu.memory_space<vmem_shared>> -> memref<10240x16xf32, #tpu.memory_space<vmem_shared>>
      tpu.wait_indirect_dma semaphore(%run_scoped3A_1605 : memref<!tpu.dma_semaphore, #tpu.memory_space<semaphore_mem>>) src(%arg6 : memref<128x16xf32, #tpu.memory_space<vmem>>) dst(%dma_wait3A_1615 : memref<10240x16xf32, #tpu.memory_space<vmem_shared>>)
      tpu.yield
    }) : () -> ()
    %run_scoped3A_1564 = arith.constant 4 : i32
    "tpu.region"() ({
      %run_scoped3A_1605 = tpu.sem_alloc : memref<!tpu.dma_semaphore, #tpu.memory_space<semaphore_mem>>
      %dma_start3A = arith.constant 0 : i32
      %dma_start3A_1606 = tpu.memref_slice %arg5[%run_scoped3A_1564, %dma_start3A] : memref<40x128xi32, #tpu.memory_space<vmem>> -> memref<1x128xi32, #tpu.memory_space<vmem>>
      %dma_start3A_1607 = tpu.memref_squeeze %dma_start3A_1606 : memref<1x128xi32, #tpu.memory_space<vmem>> -> memref<128xi32, #tpu.memory_space<vmem>>
      %dma_start3A_1608 = arith.constant 0 : i32
      %dma_start3A_1609 = arith.constant 0 : i32
      %dma_start3A_1610 = tpu.memref_slice %arg4[%dma_start3A_1608, %dma_start3A_1609] : memref<10240x16xf32, #tpu.memory_space<vmem_shared>> -> memref<10240x16xf32, #tpu.memory_space<vmem_shared>>
      tpu.enqueue_indirect_dma source(%arg6 : memref<128x16xf32, #tpu.memory_space<vmem>>) target(%dma_start3A_1610 : memref<10240x16xf32, #tpu.memory_space<vmem_shared>>) offsets(%dma_start3A_1607 : memref<128xi32, #tpu.memory_space<vmem>>) semaphore(%run_scoped3A_1605 : memref<!tpu.dma_semaphore, #tpu.memory_space<semaphore_mem>>) {add = true}
      %dma_wait3A = arith.constant 0 : i32
      %dma_wait3A_1611 = tpu.memref_slice %arg5[%run_scoped3A_1564, %dma_wait3A] : memref<40x128xi32, #tpu.memory_space<vmem>> -> memref<1x128xi32, #tpu.memory_space<vmem>>
      %dma_wait3A_1612 = tpu.memref_squeeze %dma_wait3A_1611 : memref<1x128xi32, #tpu.memory_space<vmem>> -> memref<128xi32, #tpu.memory_space<vmem>>
      %dma_wait3A_1613 = arith.constant 0 : i32
      %dma_wait3A_1614 = arith.constant 0 : i32
      %dma_wait3A_1615 = tpu.memref_slice %arg4[%dma_wait3A_1613, %dma_wait3A_1614] : memref<10240x16xf32, #tpu.memory_space<vmem_shared>> -> memref<10240x16xf32, #tpu.memory_space<vmem_shared>>
      tpu.wait_indirect_dma semaphore(%run_scoped3A_1605 : memref<!tpu.dma_semaphore, #tpu.memory_space<semaphore_mem>>) src(%arg6 : memref<128x16xf32, #tpu.memory_space<vmem>>) dst(%dma_wait3A_1615 : memref<10240x16xf32, #tpu.memory_space<vmem_shared>>)
      tpu.yield
    }) : () -> ()
    %run_scoped3A_1565 = arith.constant 5 : i32
    "tpu.region"() ({
      %run_scoped3A_1605 = tpu.sem_alloc : memref<!tpu.dma_semaphore, #tpu.memory_space<semaphore_mem>>
      %dma_start3A = arith.constant 0 : i32
      %dma_start3A_1606 = tpu.memref_slice %arg5[%run_scoped3A_1565, %dma_start3A] : memref<40x128xi32, #tpu.memory_space<vmem>> -> memref<1x128xi32, #tpu.memory_space<vmem>>
      %dma_start3A_1607 = tpu.memref_squeeze %dma_start3A_1606 : memref<1x128xi32, #tpu.memory_space<vmem>> -> memref<128xi32, #tpu.memory_space<vmem>>
      %dma_start3A_1608 = arith.constant 0 : i32
      %dma_start3A_1609 = arith.constant 0 : i32
      %dma_start3A_1610 = tpu.memref_slice %arg4[%dma_start3A_1608, %dma_start3A_1609] : memref<10240x16xf32, #tpu.memory_space<vmem_shared>> -> memref<10240x16xf32, #tpu.memory_space<vmem_shared>>
      tpu.enqueue_indirect_dma source(%arg6 : memref<128x16xf32, #tpu.memory_space<vmem>>) target(%dma_start3A_1610 : memref<10240x16xf32, #tpu.memory_space<vmem_shared>>) offsets(%dma_start3A_1607 : memref<128xi32, #tpu.memory_space<vmem>>) semaphore(%run_scoped3A_1605 : memref<!tpu.dma_semaphore, #tpu.memory_space<semaphore_mem>>) {add = true}
      %dma_wait3A = arith.constant 0 : i32
      %dma_wait3A_1611 = tpu.memref_slice %arg5[%run_scoped3A_1565, %dma_wait3A] : memref<40x128xi32, #tpu.memory_space<vmem>> -> memref<1x128xi32, #tpu.memory_space<vmem>>
      %dma_wait3A_1612 = tpu.memref_squeeze %dma_wait3A_1611 : memref<1x128xi32, #tpu.memory_space<vmem>> -> memref<128xi32, #tpu.memory_space<vmem>>
      %dma_wait3A_1613 = arith.constant 0 : i32
      %dma_wait3A_1614 = arith.constant 0 : i32
      %dma_wait3A_1615 = tpu.memref_slice %arg4[%dma_wait3A_1613, %dma_wait3A_1614] : memref<10240x16xf32, #tpu.memory_space<vmem_shared>> -> memref<10240x16xf32, #tpu.memory_space<vmem_shared>>
      tpu.wait_indirect_dma semaphore(%run_scoped3A_1605 : memref<!tpu.dma_semaphore, #tpu.memory_space<semaphore_mem>>) src(%arg6 : memref<128x16xf32, #tpu.memory_space<vmem>>) dst(%dma_wait3A_1615 : memref<10240x16xf32, #tpu.memory_space<vmem_shared>>)
      tpu.yield
    }) : () -> ()
    %run_scoped3A_1566 = arith.constant 6 : i32
    "tpu.region"() ({
      %run_scoped3A_1605 = tpu.sem_alloc : memref<!tpu.dma_semaphore, #tpu.memory_space<semaphore_mem>>
      %dma_start3A = arith.constant 0 : i32
      %dma_start3A_1606 = tpu.memref_slice %arg5[%run_scoped3A_1566, %dma_start3A] : memref<40x128xi32, #tpu.memory_space<vmem>> -> memref<1x128xi32, #tpu.memory_space<vmem>>
      %dma_start3A_1607 = tpu.memref_squeeze %dma_start3A_1606 : memref<1x128xi32, #tpu.memory_space<vmem>> -> memref<128xi32, #tpu.memory_space<vmem>>
      %dma_start3A_1608 = arith.constant 0 : i32
      %dma_start3A_1609 = arith.constant 0 : i32
      %dma_start3A_1610 = tpu.memref_slice %arg4[%dma_start3A_1608, %dma_start3A_1609] : memref<10240x16xf32, #tpu.memory_space<vmem_shared>> -> memref<10240x16xf32, #tpu.memory_space<vmem_shared>>
      tpu.enqueue_indirect_dma source(%arg6 : memref<128x16xf32, #tpu.memory_space<vmem>>) target(%dma_start3A_1610 : memref<10240x16xf32, #tpu.memory_space<vmem_shared>>) offsets(%dma_start3A_1607 : memref<128xi32, #tpu.memory_space<vmem>>) semaphore(%run_scoped3A_1605 : memref<!tpu.dma_semaphore, #tpu.memory_space<semaphore_mem>>) {add = true}
      %dma_wait3A = arith.constant 0 : i32
      %dma_wait3A_1611 = tpu.memref_slice %arg5[%run_scoped3A_1566, %dma_wait3A] : memref<40x128xi32, #tpu.memory_space<vmem>> -> memref<1x128xi32, #tpu.memory_space<vmem>>
      %dma_wait3A_1612 = tpu.memref_squeeze %dma_wait3A_1611 : memref<1x128xi32, #tpu.memory_space<vmem>> -> memref<128xi32, #tpu.memory_space<vmem>>
      %dma_wait3A_1613 = arith.constant 0 : i32
      %dma_wait3A_1614 = arith.constant 0 : i32
      %dma_wait3A_1615 = tpu.memref_slice %arg4[%dma_wait3A_1613, %dma_wait3A_1614] : memref<10240x16xf32, #tpu.memory_space<vmem_shared>> -> memref<10240x16xf32, #tpu.memory_space<vmem_shared>>
      tpu.wait_indirect_dma semaphore(%run_scoped3A_1605 : memref<!tpu.dma_semaphore, #tpu.memory_space<semaphore_mem>>) src(%arg6 : memref<128x16xf32, #tpu.memory_space<vmem>>) dst(%dma_wait3A_1615 : memref<10240x16xf32, #tpu.memory_space<vmem_shared>>)
      tpu.yield
    }) : () -> ()
    %run_scoped3A_1567 = arith.constant 7 : i32
    "tpu.region"() ({
      %run_scoped3A_1605 = tpu.sem_alloc : memref<!tpu.dma_semaphore, #tpu.memory_space<semaphore_mem>>
      %dma_start3A = arith.constant 0 : i32
      %dma_start3A_1606 = tpu.memref_slice %arg5[%run_scoped3A_1567, %dma_start3A] : memref<40x128xi32, #tpu.memory_space<vmem>> -> memref<1x128xi32, #tpu.memory_space<vmem>>
      %dma_start3A_1607 = tpu.memref_squeeze %dma_start3A_1606 : memref<1x128xi32, #tpu.memory_space<vmem>> -> memref<128xi32, #tpu.memory_space<vmem>>
      %dma_start3A_1608 = arith.constant 0 : i32
      %dma_start3A_1609 = arith.constant 0 : i32
      %dma_start3A_1610 = tpu.memref_slice %arg4[%dma_start3A_1608, %dma_start3A_1609] : memref<10240x16xf32, #tpu.memory_space<vmem_shared>> -> memref<10240x16xf32, #tpu.memory_space<vmem_shared>>
      tpu.enqueue_indirect_dma source(%arg6 : memref<128x16xf32, #tpu.memory_space<vmem>>) target(%dma_start3A_1610 : memref<10240x16xf32, #tpu.memory_space<vmem_shared>>) offsets(%dma_start3A_1607 : memref<128xi32, #tpu.memory_space<vmem>>) semaphore(%run_scoped3A_1605 : memref<!tpu.dma_semaphore, #tpu.memory_space<semaphore_mem>>) {add = true}
      %dma_wait3A = arith.constant 0 : i32
      %dma_wait3A_1611 = tpu.memref_slice %arg5[%run_scoped3A_1567, %dma_wait3A] : memref<40x128xi32, #tpu.memory_space<vmem>> -> memref<1x128xi32, #tpu.memory_space<vmem>>
      %dma_wait3A_1612 = tpu.memref_squeeze %dma_wait3A_1611 : memref<1x128xi32, #tpu.memory_space<vmem>> -> memref<128xi32, #tpu.memory_space<vmem>>
      %dma_wait3A_1613 = arith.constant 0 : i32
      %dma_wait3A_1614 = arith.constant 0 : i32
      %dma_wait3A_1615 = tpu.memref_slice %arg4[%dma_wait3A_1613, %dma_wait3A_1614] : memref<10240x16xf32, #tpu.memory_space<vmem_shared>> -> memref<10240x16xf32, #tpu.memory_space<vmem_shared>>
      tpu.wait_indirect_dma semaphore(%run_scoped3A_1605 : memref<!tpu.dma_semaphore, #tpu.memory_space<semaphore_mem>>) src(%arg6 : memref<128x16xf32, #tpu.memory_space<vmem>>) dst(%dma_wait3A_1615 : memref<10240x16xf32, #tpu.memory_space<vmem_shared>>)
      tpu.yield
    }) : () -> ()
    %run_scoped3A_1568 = arith.constant 8 : i32
    "tpu.region"() ({
      %run_scoped3A_1605 = tpu.sem_alloc : memref<!tpu.dma_semaphore, #tpu.memory_space<semaphore_mem>>
      %dma_start3A = arith.constant 0 : i32
      %dma_start3A_1606 = tpu.memref_slice %arg5[%run_scoped3A_1568, %dma_start3A] : memref<40x128xi32, #tpu.memory_space<vmem>> -> memref<1x128xi32, #tpu.memory_space<vmem>>
      %dma_start3A_1607 = tpu.memref_squeeze %dma_start3A_1606 : memref<1x128xi32, #tpu.memory_space<vmem>> -> memref<128xi32, #tpu.memory_space<vmem>>
      %dma_start3A_1608 = arith.constant 0 : i32
      %dma_start3A_1609 = arith.constant 0 : i32
      %dma_start3A_1610 = tpu.memref_slice %arg4[%dma_start3A_1608, %dma_start3A_1609] : memref<10240x16xf32, #tpu.memory_space<vmem_shared>> -> memref<10240x16xf32, #tpu.memory_space<vmem_shared>>
      tpu.enqueue_indirect_dma source(%arg6 : memref<128x16xf32, #tpu.memory_space<vmem>>) target(%dma_start3A_1610 : memref<10240x16xf32, #tpu.memory_space<vmem_shared>>) offsets(%dma_start3A_1607 : memref<128xi32, #tpu.memory_space<vmem>>) semaphore(%run_scoped3A_1605 : memref<!tpu.dma_semaphore, #tpu.memory_space<semaphore_mem>>) {add = true}
      %dma_wait3A = arith.constant 0 : i32
      %dma_wait3A_1611 = tpu.memref_slice %arg5[%run_scoped3A_1568, %dma_wait3A] : memref<40x128xi32, #tpu.memory_space<vmem>> -> memref<1x128xi32, #tpu.memory_space<vmem>>
      %dma_wait3A_1612 = tpu.memref_squeeze %dma_wait3A_1611 : memref<1x128xi32, #tpu.memory_space<vmem>> -> memref<128xi32, #tpu.memory_space<vmem>>
      %dma_wait3A_1613 = arith.constant 0 : i32
      %dma_wait3A_1614 = arith.constant 0 : i32
      %dma_wait3A_1615 = tpu.memref_slice %arg4[%dma_wait3A_1613, %dma_wait3A_1614] : memref<10240x16xf32, #tpu.memory_space<vmem_shared>> -> memref<10240x16xf32, #tpu.memory_space<vmem_shared>>
      tpu.wait_indirect_dma semaphore(%run_scoped3A_1605 : memref<!tpu.dma_semaphore, #tpu.memory_space<semaphore_mem>>) src(%arg6 : memref<128x16xf32, #tpu.memory_space<vmem>>) dst(%dma_wait3A_1615 : memref<10240x16xf32, #tpu.memory_space<vmem_shared>>)
      tpu.yield
    }) : () -> ()
    %run_scoped3A_1569 = arith.constant 9 : i32
    "tpu.region"() ({
      %run_scoped3A_1605 = tpu.sem_alloc : memref<!tpu.dma_semaphore, #tpu.memory_space<semaphore_mem>>
      %dma_start3A = arith.constant 0 : i32
      %dma_start3A_1606 = tpu.memref_slice %arg5[%run_scoped3A_1569, %dma_start3A] : memref<40x128xi32, #tpu.memory_space<vmem>> -> memref<1x128xi32, #tpu.memory_space<vmem>>
      %dma_start3A_1607 = tpu.memref_squeeze %dma_start3A_1606 : memref<1x128xi32, #tpu.memory_space<vmem>> -> memref<128xi32, #tpu.memory_space<vmem>>
      %dma_start3A_1608 = arith.constant 0 : i32
      %dma_start3A_1609 = arith.constant 0 : i32
      %dma_start3A_1610 = tpu.memref_slice %arg4[%dma_start3A_1608, %dma_start3A_1609] : memref<10240x16xf32, #tpu.memory_space<vmem_shared>> -> memref<10240x16xf32, #tpu.memory_space<vmem_shared>>
      tpu.enqueue_indirect_dma source(%arg6 : memref<128x16xf32, #tpu.memory_space<vmem>>) target(%dma_start3A_1610 : memref<10240x16xf32, #tpu.memory_space<vmem_shared>>) offsets(%dma_start3A_1607 : memref<128xi32, #tpu.memory_space<vmem>>) semaphore(%run_scoped3A_1605 : memref<!tpu.dma_semaphore, #tpu.memory_space<semaphore_mem>>) {add = true}
      %dma_wait3A = arith.constant 0 : i32
      %dma_wait3A_1611 = tpu.memref_slice %arg5[%run_scoped3A_1569, %dma_wait3A] : memref<40x128xi32, #tpu.memory_space<vmem>> -> memref<1x128xi32, #tpu.memory_space<vmem>>
      %dma_wait3A_1612 = tpu.memref_squeeze %dma_wait3A_1611 : memref<1x128xi32, #tpu.memory_space<vmem>> -> memref<128xi32, #tpu.memory_space<vmem>>
      %dma_wait3A_1613 = arith.constant 0 : i32
      %dma_wait3A_1614 = arith.constant 0 : i32
      %dma_wait3A_1615 = tpu.memref_slice %arg4[%dma_wait3A_1613, %dma_wait3A_1614] : memref<10240x16xf32, #tpu.memory_space<vmem_shared>> -> memref<10240x16xf32, #tpu.memory_space<vmem_shared>>
      tpu.wait_indirect_dma semaphore(%run_scoped3A_1605 : memref<!tpu.dma_semaphore, #tpu.memory_space<semaphore_mem>>) src(%arg6 : memref<128x16xf32, #tpu.memory_space<vmem>>) dst(%dma_wait3A_1615 : memref<10240x16xf32, #tpu.memory_space<vmem_shared>>)
      tpu.yield
    }) : () -> ()
    %run_scoped3A_1570 = arith.constant 10 : i32
    "tpu.region"() ({
      %run_scoped3A_1605 = tpu.sem_alloc : memref<!tpu.dma_semaphore, #tpu.memory_space<semaphore_mem>>
      %dma_start3A = arith.constant 0 : i32
      %dma_start3A_1606 = tpu.memref_slice %arg5[%run_scoped3A_1570, %dma_start3A] : memref<40x128xi32, #tpu.memory_space<vmem>> -> memref<1x128xi32, #tpu.memory_space<vmem>>
      %dma_start3A_1607 = tpu.memref_squeeze %dma_start3A_1606 : memref<1x128xi32, #tpu.memory_space<vmem>> -> memref<128xi32, #tpu.memory_space<vmem>>
      %dma_start3A_1608 = arith.constant 0 : i32
      %dma_start3A_1609 = arith.constant 0 : i32
      %dma_start3A_1610 = tpu.memref_slice %arg4[%dma_start3A_1608, %dma_start3A_1609] : memref<10240x16xf32, #tpu.memory_space<vmem_shared>> -> memref<10240x16xf32, #tpu.memory_space<vmem_shared>>
      tpu.enqueue_indirect_dma source(%arg6 : memref<128x16xf32, #tpu.memory_space<vmem>>) target(%dma_start3A_1610 : memref<10240x16xf32, #tpu.memory_space<vmem_shared>>) offsets(%dma_start3A_1607 : memref<128xi32, #tpu.memory_space<vmem>>) semaphore(%run_scoped3A_1605 : memref<!tpu.dma_semaphore, #tpu.memory_space<semaphore_mem>>) {add = true}
      %dma_wait3A = arith.constant 0 : i32
      %dma_wait3A_1611 = tpu.memref_slice %arg5[%run_scoped3A_1570, %dma_wait3A] : memref<40x128xi32, #tpu.memory_space<vmem>> -> memref<1x128xi32, #tpu.memory_space<vmem>>
      %dma_wait3A_1612 = tpu.memref_squeeze %dma_wait3A_1611 : memref<1x128xi32, #tpu.memory_space<vmem>> -> memref<128xi32, #tpu.memory_space<vmem>>
      %dma_wait3A_1613 = arith.constant 0 : i32
      %dma_wait3A_1614 = arith.constant 0 : i32
      %dma_wait3A_1615 = tpu.memref_slice %arg4[%dma_wait3A_1613, %dma_wait3A_1614] : memref<10240x16xf32, #tpu.memory_space<vmem_shared>> -> memref<10240x16xf32, #tpu.memory_space<vmem_shared>>
      tpu.wait_indirect_dma semaphore(%run_scoped3A_1605 : memref<!tpu.dma_semaphore, #tpu.memory_space<semaphore_mem>>) src(%arg6 : memref<128x16xf32, #tpu.memory_space<vmem>>) dst(%dma_wait3A_1615 : memref<10240x16xf32, #tpu.memory_space<vmem_shared>>)
      tpu.yield
    }) : () -> ()
    %run_scoped3A_1571 = arith.constant 11 : i32
    "tpu.region"() ({
      %run_scoped3A_1605 = tpu.sem_alloc : memref<!tpu.dma_semaphore, #tpu.memory_space<semaphore_mem>>
      %dma_start3A = arith.constant 0 : i32
      %dma_start3A_1606 = tpu.memref_slice %arg5[%run_scoped3A_1571, %dma_start3A] : memref<40x128xi32, #tpu.memory_space<vmem>> -> memref<1x128xi32, #tpu.memory_space<vmem>>
      %dma_start3A_1607 = tpu.memref_squeeze %dma_start3A_1606 : memref<1x128xi32, #tpu.memory_space<vmem>> -> memref<128xi32, #tpu.memory_space<vmem>>
      %dma_start3A_1608 = arith.constant 0 : i32
      %dma_start3A_1609 = arith.constant 0 : i32
      %dma_start3A_1610 = tpu.memref_slice %arg4[%dma_start3A_1608, %dma_start3A_1609] : memref<10240x16xf32, #tpu.memory_space<vmem_shared>> -> memref<10240x16xf32, #tpu.memory_space<vmem_shared>>
      tpu.enqueue_indirect_dma source(%arg6 : memref<128x16xf32, #tpu.memory_space<vmem>>) target(%dma_start3A_1610 : memref<10240x16xf32, #tpu.memory_space<vmem_shared>>) offsets(%dma_start3A_1607 : memref<128xi32, #tpu.memory_space<vmem>>) semaphore(%run_scoped3A_1605 : memref<!tpu.dma_semaphore, #tpu.memory_space<semaphore_mem>>) {add = true}
      %dma_wait3A = arith.constant 0 : i32
      %dma_wait3A_1611 = tpu.memref_slice %arg5[%run_scoped3A_1571, %dma_wait3A] : memref<40x128xi32, #tpu.memory_space<vmem>> -> memref<1x128xi32, #tpu.memory_space<vmem>>
      %dma_wait3A_1612 = tpu.memref_squeeze %dma_wait3A_1611 : memref<1x128xi32, #tpu.memory_space<vmem>> -> memref<128xi32, #tpu.memory_space<vmem>>
      %dma_wait3A_1613 = arith.constant 0 : i32
      %dma_wait3A_1614 = arith.constant 0 : i32
      %dma_wait3A_1615 = tpu.memref_slice %arg4[%dma_wait3A_1613, %dma_wait3A_1614] : memref<10240x16xf32, #tpu.memory_space<vmem_shared>> -> memref<10240x16xf32, #tpu.memory_space<vmem_shared>>
      tpu.wait_indirect_dma semaphore(%run_scoped3A_1605 : memref<!tpu.dma_semaphore, #tpu.memory_space<semaphore_mem>>) src(%arg6 : memref<128x16xf32, #tpu.memory_space<vmem>>) dst(%dma_wait3A_1615 : memref<10240x16xf32, #tpu.memory_space<vmem_shared>>)
      tpu.yield
    }) : () -> ()
    %run_scoped3A_1572 = arith.constant 12 : i32
    "tpu.region"() ({
      %run_scoped3A_1605 = tpu.sem_alloc : memref<!tpu.dma_semaphore, #tpu.memory_space<semaphore_mem>>
      %dma_start3A = arith.constant 0 : i32
      %dma_start3A_1606 = tpu.memref_slice %arg5[%run_scoped3A_1572, %dma_start3A] : memref<40x128xi32, #tpu.memory_space<vmem>> -> memref<1x128xi32, #tpu.memory_space<vmem>>
      %dma_start3A_1607 = tpu.memref_squeeze %dma_start3A_1606 : memref<1x128xi32, #tpu.memory_space<vmem>> -> memref<128xi32, #tpu.memory_space<vmem>>
      %dma_start3A_1608 = arith.constant 0 : i32
      %dma_start3A_1609 = arith.constant 0 : i32
      %dma_start3A_1610 = tpu.memref_slice %arg4[%dma_start3A_1608, %dma_start3A_1609] : memref<10240x16xf32, #tpu.memory_space<vmem_shared>> -> memref<10240x16xf32, #tpu.memory_space<vmem_shared>>
      tpu.enqueue_indirect_dma source(%arg6 : memref<128x16xf32, #tpu.memory_space<vmem>>) target(%dma_start3A_1610 : memref<10240x16xf32, #tpu.memory_space<vmem_shared>>) offsets(%dma_start3A_1607 : memref<128xi32, #tpu.memory_space<vmem>>) semaphore(%run_scoped3A_1605 : memref<!tpu.dma_semaphore, #tpu.memory_space<semaphore_mem>>) {add = true}
      %dma_wait3A = arith.constant 0 : i32
      %dma_wait3A_1611 = tpu.memref_slice %arg5[%run_scoped3A_1572, %dma_wait3A] : memref<40x128xi32, #tpu.memory_space<vmem>> -> memref<1x128xi32, #tpu.memory_space<vmem>>
      %dma_wait3A_1612 = tpu.memref_squeeze %dma_wait3A_1611 : memref<1x128xi32, #tpu.memory_space<vmem>> -> memref<128xi32, #tpu.memory_space<vmem>>
      %dma_wait3A_1613 = arith.constant 0 : i32
      %dma_wait3A_1614 = arith.constant 0 : i32
      %dma_wait3A_1615 = tpu.memref_slice %arg4[%dma_wait3A_1613, %dma_wait3A_1614] : memref<10240x16xf32, #tpu.memory_space<vmem_shared>> -> memref<10240x16xf32, #tpu.memory_space<vmem_shared>>
      tpu.wait_indirect_dma semaphore(%run_scoped3A_1605 : memref<!tpu.dma_semaphore, #tpu.memory_space<semaphore_mem>>) src(%arg6 : memref<128x16xf32, #tpu.memory_space<vmem>>) dst(%dma_wait3A_1615 : memref<10240x16xf32, #tpu.memory_space<vmem_shared>>)
      tpu.yield
    }) : () -> ()
    %run_scoped3A_1573 = arith.constant 13 : i32
    "tpu.region"() ({
      %run_scoped3A_1605 = tpu.sem_alloc : memref<!tpu.dma_semaphore, #tpu.memory_space<semaphore_mem>>
      %dma_start3A = arith.constant 0 : i32
      %dma_start3A_1606 = tpu.memref_slice %arg5[%run_scoped3A_1573, %dma_start3A] : memref<40x128xi32, #tpu.memory_space<vmem>> -> memref<1x128xi32, #tpu.memory_space<vmem>>
      %dma_start3A_1607 = tpu.memref_squeeze %dma_start3A_1606 : memref<1x128xi32, #tpu.memory_space<vmem>> -> memref<128xi32, #tpu.memory_space<vmem>>
      %dma_start3A_1608 = arith.constant 0 : i32
      %dma_start3A_1609 = arith.constant 0 : i32
      %dma_start3A_1610 = tpu.memref_slice %arg4[%dma_start3A_1608, %dma_start3A_1609] : memref<10240x16xf32, #tpu.memory_space<vmem_shared>> -> memref<10240x16xf32, #tpu.memory_space<vmem_shared>>
      tpu.enqueue_indirect_dma source(%arg6 : memref<128x16xf32, #tpu.memory_space<vmem>>) target(%dma_start3A_1610 : memref<10240x16xf32, #tpu.memory_space<vmem_shared>>) offsets(%dma_start3A_1607 : memref<128xi32, #tpu.memory_space<vmem>>) semaphore(%run_scoped3A_1605 : memref<!tpu.dma_semaphore, #tpu.memory_space<semaphore_mem>>) {add = true}
      %dma_wait3A = arith.constant 0 : i32
      %dma_wait3A_1611 = tpu.memref_slice %arg5[%run_scoped3A_1573, %dma_wait3A] : memref<40x128xi32, #tpu.memory_space<vmem>> -> memref<1x128xi32, #tpu.memory_space<vmem>>
      %dma_wait3A_1612 = tpu.memref_squeeze %dma_wait3A_1611 : memref<1x128xi32, #tpu.memory_space<vmem>> -> memref<128xi32, #tpu.memory_space<vmem>>
      %dma_wait3A_1613 = arith.constant 0 : i32
      %dma_wait3A_1614 = arith.constant 0 : i32
      %dma_wait3A_1615 = tpu.memref_slice %arg4[%dma_wait3A_1613, %dma_wait3A_1614] : memref<10240x16xf32, #tpu.memory_space<vmem_shared>> -> memref<10240x16xf32, #tpu.memory_space<vmem_shared>>
      tpu.wait_indirect_dma semaphore(%run_scoped3A_1605 : memref<!tpu.dma_semaphore, #tpu.memory_space<semaphore_mem>>) src(%arg6 : memref<128x16xf32, #tpu.memory_space<vmem>>) dst(%dma_wait3A_1615 : memref<10240x16xf32, #tpu.memory_space<vmem_shared>>)
      tpu.yield
    }) : () -> ()
    %run_scoped3A_1574 = arith.constant 14 : i32
    "tpu.region"() ({
      %run_scoped3A_1605 = tpu.sem_alloc : memref<!tpu.dma_semaphore, #tpu.memory_space<semaphore_mem>>
      %dma_start3A = arith.constant 0 : i32
      %dma_start3A_1606 = tpu.memref_slice %arg5[%run_scoped3A_1574, %dma_start3A] : memref<40x128xi32, #tpu.memory_space<vmem>> -> memref<1x128xi32, #tpu.memory_space<vmem>>
      %dma_start3A_1607 = tpu.memref_squeeze %dma_start3A_1606 : memref<1x128xi32, #tpu.memory_space<vmem>> -> memref<128xi32, #tpu.memory_space<vmem>>
      %dma_start3A_1608 = arith.constant 0 : i32
      %dma_start3A_1609 = arith.constant 0 : i32
      %dma_start3A_1610 = tpu.memref_slice %arg4[%dma_start3A_1608, %dma_start3A_1609] : memref<10240x16xf32, #tpu.memory_space<vmem_shared>> -> memref<10240x16xf32, #tpu.memory_space<vmem_shared>>
      tpu.enqueue_indirect_dma source(%arg6 : memref<128x16xf32, #tpu.memory_space<vmem>>) target(%dma_start3A_1610 : memref<10240x16xf32, #tpu.memory_space<vmem_shared>>) offsets(%dma_start3A_1607 : memref<128xi32, #tpu.memory_space<vmem>>) semaphore(%run_scoped3A_1605 : memref<!tpu.dma_semaphore, #tpu.memory_space<semaphore_mem>>) {add = true}
      %dma_wait3A = arith.constant 0 : i32
      %dma_wait3A_1611 = tpu.memref_slice %arg5[%run_scoped3A_1574, %dma_wait3A] : memref<40x128xi32, #tpu.memory_space<vmem>> -> memref<1x128xi32, #tpu.memory_space<vmem>>
      %dma_wait3A_1612 = tpu.memref_squeeze %dma_wait3A_1611 : memref<1x128xi32, #tpu.memory_space<vmem>> -> memref<128xi32, #tpu.memory_space<vmem>>
      %dma_wait3A_1613 = arith.constant 0 : i32
      %dma_wait3A_1614 = arith.constant 0 : i32
      %dma_wait3A_1615 = tpu.memref_slice %arg4[%dma_wait3A_1613, %dma_wait3A_1614] : memref<10240x16xf32, #tpu.memory_space<vmem_shared>> -> memref<10240x16xf32, #tpu.memory_space<vmem_shared>>
      tpu.wait_indirect_dma semaphore(%run_scoped3A_1605 : memref<!tpu.dma_semaphore, #tpu.memory_space<semaphore_mem>>) src(%arg6 : memref<128x16xf32, #tpu.memory_space<vmem>>) dst(%dma_wait3A_1615 : memref<10240x16xf32, #tpu.memory_space<vmem_shared>>)
      tpu.yield
    }) : () -> ()
    %run_scoped3A_1575 = arith.constant 15 : i32
    "tpu.region"() ({
      %run_scoped3A_1605 = tpu.sem_alloc : memref<!tpu.dma_semaphore, #tpu.memory_space<semaphore_mem>>
      %dma_start3A = arith.constant 0 : i32
      %dma_start3A_1606 = tpu.memref_slice %arg5[%run_scoped3A_1575, %dma_start3A] : memref<40x128xi32, #tpu.memory_space<vmem>> -> memref<1x128xi32, #tpu.memory_space<vmem>>
      %dma_start3A_1607 = tpu.memref_squeeze %dma_start3A_1606 : memref<1x128xi32, #tpu.memory_space<vmem>> -> memref<128xi32, #tpu.memory_space<vmem>>
      %dma_start3A_1608 = arith.constant 0 : i32
      %dma_start3A_1609 = arith.constant 0 : i32
      %dma_start3A_1610 = tpu.memref_slice %arg4[%dma_start3A_1608, %dma_start3A_1609] : memref<10240x16xf32, #tpu.memory_space<vmem_shared>> -> memref<10240x16xf32, #tpu.memory_space<vmem_shared>>
      tpu.enqueue_indirect_dma source(%arg6 : memref<128x16xf32, #tpu.memory_space<vmem>>) target(%dma_start3A_1610 : memref<10240x16xf32, #tpu.memory_space<vmem_shared>>) offsets(%dma_start3A_1607 : memref<128xi32, #tpu.memory_space<vmem>>) semaphore(%run_scoped3A_1605 : memref<!tpu.dma_semaphore, #tpu.memory_space<semaphore_mem>>) {add = true}
      %dma_wait3A = arith.constant 0 : i32
      %dma_wait3A_1611 = tpu.memref_slice %arg5[%run_scoped3A_1575, %dma_wait3A] : memref<40x128xi32, #tpu.memory_space<vmem>> -> memref<1x128xi32, #tpu.memory_space<vmem>>
      %dma_wait3A_1612 = tpu.memref_squeeze %dma_wait3A_1611 : memref<1x128xi32, #tpu.memory_space<vmem>> -> memref<128xi32, #tpu.memory_space<vmem>>
      %dma_wait3A_1613 = arith.constant 0 : i32
      %dma_wait3A_1614 = arith.constant 0 : i32
      %dma_wait3A_1615 = tpu.memref_slice %arg4[%dma_wait3A_1613, %dma_wait3A_1614] : memref<10240x16xf32, #tpu.memory_space<vmem_shared>> -> memref<10240x16xf32, #tpu.memory_space<vmem_shared>>
      tpu.wait_indirect_dma semaphore(%run_scoped3A_1605 : memref<!tpu.dma_semaphore, #tpu.memory_space<semaphore_mem>>) src(%arg6 : memref<128x16xf32, #tpu.memory_space<vmem>>) dst(%dma_wait3A_1615 : memref<10240x16xf32, #tpu.memory_space<vmem_shared>>)
      tpu.yield
    }) : () -> ()
    %run_scoped3A_1576 = arith.constant 16 : i32
    "tpu.region"() ({
      %run_scoped3A_1605 = tpu.sem_alloc : memref<!tpu.dma_semaphore, #tpu.memory_space<semaphore_mem>>
      %dma_start3A = arith.constant 0 : i32
      %dma_start3A_1606 = tpu.memref_slice %arg5[%run_scoped3A_1576, %dma_start3A] : memref<40x128xi32, #tpu.memory_space<vmem>> -> memref<1x128xi32, #tpu.memory_space<vmem>>
      %dma_start3A_1607 = tpu.memref_squeeze %dma_start3A_1606 : memref<1x128xi32, #tpu.memory_space<vmem>> -> memref<128xi32, #tpu.memory_space<vmem>>
      %dma_start3A_1608 = arith.constant 0 : i32
      %dma_start3A_1609 = arith.constant 0 : i32
      %dma_start3A_1610 = tpu.memref_slice %arg4[%dma_start3A_1608, %dma_start3A_1609] : memref<10240x16xf32, #tpu.memory_space<vmem_shared>> -> memref<10240x16xf32, #tpu.memory_space<vmem_shared>>
      tpu.enqueue_indirect_dma source(%arg6 : memref<128x16xf32, #tpu.memory_space<vmem>>) target(%dma_start3A_1610 : memref<10240x16xf32, #tpu.memory_space<vmem_shared>>) offsets(%dma_start3A_1607 : memref<128xi32, #tpu.memory_space<vmem>>) semaphore(%run_scoped3A_1605 : memref<!tpu.dma_semaphore, #tpu.memory_space<semaphore_mem>>) {add = true}
      %dma_wait3A = arith.constant 0 : i32
      %dma_wait3A_1611 = tpu.memref_slice %arg5[%run_scoped3A_1576, %dma_wait3A] : memref<40x128xi32, #tpu.memory_space<vmem>> -> memref<1x128xi32, #tpu.memory_space<vmem>>
      %dma_wait3A_1612 = tpu.memref_squeeze %dma_wait3A_1611 : memref<1x128xi32, #tpu.memory_space<vmem>> -> memref<128xi32, #tpu.memory_space<vmem>>
      %dma_wait3A_1613 = arith.constant 0 : i32
      %dma_wait3A_1614 = arith.constant 0 : i32
      %dma_wait3A_1615 = tpu.memref_slice %arg4[%dma_wait3A_1613, %dma_wait3A_1614] : memref<10240x16xf32, #tpu.memory_space<vmem_shared>> -> memref<10240x16xf32, #tpu.memory_space<vmem_shared>>
      tpu.wait_indirect_dma semaphore(%run_scoped3A_1605 : memref<!tpu.dma_semaphore, #tpu.memory_space<semaphore_mem>>) src(%arg6 : memref<128x16xf32, #tpu.memory_space<vmem>>) dst(%dma_wait3A_1615 : memref<10240x16xf32, #tpu.memory_space<vmem_shared>>)
      tpu.yield
    }) : () -> ()
    %run_scoped3A_1577 = arith.constant 17 : i32
    "tpu.region"() ({
      %run_scoped3A_1605 = tpu.sem_alloc : memref<!tpu.dma_semaphore, #tpu.memory_space<semaphore_mem>>
      %dma_start3A = arith.constant 0 : i32
      %dma_start3A_1606 = tpu.memref_slice %arg5[%run_scoped3A_1577, %dma_start3A] : memref<40x128xi32, #tpu.memory_space<vmem>> -> memref<1x128xi32, #tpu.memory_space<vmem>>
      %dma_start3A_1607 = tpu.memref_squeeze %dma_start3A_1606 : memref<1x128xi32, #tpu.memory_space<vmem>> -> memref<128xi32, #tpu.memory_space<vmem>>
      %dma_start3A_1608 = arith.constant 0 : i32
      %dma_start3A_1609 = arith.constant 0 : i32
      %dma_start3A_1610 = tpu.memref_slice %arg4[%dma_start3A_1608, %dma_start3A_1609] : memref<10240x16xf32, #tpu.memory_space<vmem_shared>> -> memref<10240x16xf32, #tpu.memory_space<vmem_shared>>
      tpu.enqueue_indirect_dma source(%arg6 : memref<128x16xf32, #tpu.memory_space<vmem>>) target(%dma_start3A_1610 : memref<10240x16xf32, #tpu.memory_space<vmem_shared>>) offsets(%dma_start3A_1607 : memref<128xi32, #tpu.memory_space<vmem>>) semaphore(%run_scoped3A_1605 : memref<!tpu.dma_semaphore, #tpu.memory_space<semaphore_mem>>) {add = true}
      %dma_wait3A = arith.constant 0 : i32
      %dma_wait3A_1611 = tpu.memref_slice %arg5[%run_scoped3A_1577, %dma_wait3A] : memref<40x128xi32, #tpu.memory_space<vmem>> -> memref<1x128xi32, #tpu.memory_space<vmem>>
      %dma_wait3A_1612 = tpu.memref_squeeze %dma_wait3A_1611 : memref<1x128xi32, #tpu.memory_space<vmem>> -> memref<128xi32, #tpu.memory_space<vmem>>
      %dma_wait3A_1613 = arith.constant 0 : i32
      %dma_wait3A_1614 = arith.constant 0 : i32
      %dma_wait3A_1615 = tpu.memref_slice %arg4[%dma_wait3A_1613, %dma_wait3A_1614] : memref<10240x16xf32, #tpu.memory_space<vmem_shared>> -> memref<10240x16xf32, #tpu.memory_space<vmem_shared>>
      tpu.wait_indirect_dma semaphore(%run_scoped3A_1605 : memref<!tpu.dma_semaphore, #tpu.memory_space<semaphore_mem>>) src(%arg6 : memref<128x16xf32, #tpu.memory_space<vmem>>) dst(%dma_wait3A_1615 : memref<10240x16xf32, #tpu.memory_space<vmem_shared>>)
      tpu.yield
    }) : () -> ()
    %run_scoped3A_1578 = arith.constant 18 : i32
    "tpu.region"() ({
      %run_scoped3A_1605 = tpu.sem_alloc : memref<!tpu.dma_semaphore, #tpu.memory_space<semaphore_mem>>
      %dma_start3A = arith.constant 0 : i32
      %dma_start3A_1606 = tpu.memref_slice %arg5[%run_scoped3A_1578, %dma_start3A] : memref<40x128xi32, #tpu.memory_space<vmem>> -> memref<1x128xi32, #tpu.memory_space<vmem>>
      %dma_start3A_1607 = tpu.memref_squeeze %dma_start3A_1606 : memref<1x128xi32, #tpu.memory_space<vmem>> -> memref<128xi32, #tpu.memory_space<vmem>>
      %dma_start3A_1608 = arith.constant 0 : i32
      %dma_start3A_1609 = arith.constant 0 : i32
      %dma_start3A_1610 = tpu.memref_slice %arg4[%dma_start3A_1608, %dma_start3A_1609] : memref<10240x16xf32, #tpu.memory_space<vmem_shared>> -> memref<10240x16xf32, #tpu.memory_space<vmem_shared>>
      tpu.enqueue_indirect_dma source(%arg6 : memref<128x16xf32, #tpu.memory_space<vmem>>) target(%dma_start3A_1610 : memref<10240x16xf32, #tpu.memory_space<vmem_shared>>) offsets(%dma_start3A_1607 : memref<128xi32, #tpu.memory_space<vmem>>) semaphore(%run_scoped3A_1605 : memref<!tpu.dma_semaphore, #tpu.memory_space<semaphore_mem>>) {add = true}
      %dma_wait3A = arith.constant 0 : i32
      %dma_wait3A_1611 = tpu.memref_slice %arg5[%run_scoped3A_1578, %dma_wait3A] : memref<40x128xi32, #tpu.memory_space<vmem>> -> memref<1x128xi32, #tpu.memory_space<vmem>>
      %dma_wait3A_1612 = tpu.memref_squeeze %dma_wait3A_1611 : memref<1x128xi32, #tpu.memory_space<vmem>> -> memref<128xi32, #tpu.memory_space<vmem>>
      %dma_wait3A_1613 = arith.constant 0 : i32
      %dma_wait3A_1614 = arith.constant 0 : i32
      %dma_wait3A_1615 = tpu.memref_slice %arg4[%dma_wait3A_1613, %dma_wait3A_1614] : memref<10240x16xf32, #tpu.memory_space<vmem_shared>> -> memref<10240x16xf32, #tpu.memory_space<vmem_shared>>
      tpu.wait_indirect_dma semaphore(%run_scoped3A_1605 : memref<!tpu.dma_semaphore, #tpu.memory_space<semaphore_mem>>) src(%arg6 : memref<128x16xf32, #tpu.memory_space<vmem>>) dst(%dma_wait3A_1615 : memref<10240x16xf32, #tpu.memory_space<vmem_shared>>)
      tpu.yield
    }) : () -> ()
    %run_scoped3A_1579 = arith.constant 19 : i32
    "tpu.region"() ({
      %run_scoped3A_1605 = tpu.sem_alloc : memref<!tpu.dma_semaphore, #tpu.memory_space<semaphore_mem>>
      %dma_start3A = arith.constant 0 : i32
      %dma_start3A_1606 = tpu.memref_slice %arg5[%run_scoped3A_1579, %dma_start3A] : memref<40x128xi32, #tpu.memory_space<vmem>> -> memref<1x128xi32, #tpu.memory_space<vmem>>
      %dma_start3A_1607 = tpu.memref_squeeze %dma_start3A_1606 : memref<1x128xi32, #tpu.memory_space<vmem>> -> memref<128xi32, #tpu.memory_space<vmem>>
      %dma_start3A_1608 = arith.constant 0 : i32
      %dma_start3A_1609 = arith.constant 0 : i32
      %dma_start3A_1610 = tpu.memref_slice %arg4[%dma_start3A_1608, %dma_start3A_1609] : memref<10240x16xf32, #tpu.memory_space<vmem_shared>> -> memref<10240x16xf32, #tpu.memory_space<vmem_shared>>
      tpu.enqueue_indirect_dma source(%arg6 : memref<128x16xf32, #tpu.memory_space<vmem>>) target(%dma_start3A_1610 : memref<10240x16xf32, #tpu.memory_space<vmem_shared>>) offsets(%dma_start3A_1607 : memref<128xi32, #tpu.memory_space<vmem>>) semaphore(%run_scoped3A_1605 : memref<!tpu.dma_semaphore, #tpu.memory_space<semaphore_mem>>) {add = true}
      %dma_wait3A = arith.constant 0 : i32
      %dma_wait3A_1611 = tpu.memref_slice %arg5[%run_scoped3A_1579, %dma_wait3A] : memref<40x128xi32, #tpu.memory_space<vmem>> -> memref<1x128xi32, #tpu.memory_space<vmem>>
      %dma_wait3A_1612 = tpu.memref_squeeze %dma_wait3A_1611 : memref<1x128xi32, #tpu.memory_space<vmem>> -> memref<128xi32, #tpu.memory_space<vmem>>
      %dma_wait3A_1613 = arith.constant 0 : i32
      %dma_wait3A_1614 = arith.constant 0 : i32
      %dma_wait3A_1615 = tpu.memref_slice %arg4[%dma_wait3A_1613, %dma_wait3A_1614] : memref<10240x16xf32, #tpu.memory_space<vmem_shared>> -> memref<10240x16xf32, #tpu.memory_space<vmem_shared>>
      tpu.wait_indirect_dma semaphore(%run_scoped3A_1605 : memref<!tpu.dma_semaphore, #tpu.memory_space<semaphore_mem>>) src(%arg6 : memref<128x16xf32, #tpu.memory_space<vmem>>) dst(%dma_wait3A_1615 : memref<10240x16xf32, #tpu.memory_space<vmem_shared>>)
      tpu.yield
    }) : () -> ()
    %run_scoped3A_1580 = arith.constant 20 : i32
    "tpu.region"() ({
      %run_scoped3A_1605 = tpu.sem_alloc : memref<!tpu.dma_semaphore, #tpu.memory_space<semaphore_mem>>
      %dma_start3A = arith.constant 0 : i32
      %dma_start3A_1606 = tpu.memref_slice %arg5[%run_scoped3A_1580, %dma_start3A] : memref<40x128xi32, #tpu.memory_space<vmem>> -> memref<1x128xi32, #tpu.memory_space<vmem>>
      %dma_start3A_1607 = tpu.memref_squeeze %dma_start3A_1606 : memref<1x128xi32, #tpu.memory_space<vmem>> -> memref<128xi32, #tpu.memory_space<vmem>>
      %dma_start3A_1608 = arith.constant 0 : i32
      %dma_start3A_1609 = arith.constant 0 : i32
      %dma_start3A_1610 = tpu.memref_slice %arg4[%dma_start3A_1608, %dma_start3A_1609] : memref<10240x16xf32, #tpu.memory_space<vmem_shared>> -> memref<10240x16xf32, #tpu.memory_space<vmem_shared>>
      tpu.enqueue_indirect_dma source(%arg6 : memref<128x16xf32, #tpu.memory_space<vmem>>) target(%dma_start3A_1610 : memref<10240x16xf32, #tpu.memory_space<vmem_shared>>) offsets(%dma_start3A_1607 : memref<128xi32, #tpu.memory_space<vmem>>) semaphore(%run_scoped3A_1605 : memref<!tpu.dma_semaphore, #tpu.memory_space<semaphore_mem>>) {add = true}
      %dma_wait3A = arith.constant 0 : i32
      %dma_wait3A_1611 = tpu.memref_slice %arg5[%run_scoped3A_1580, %dma_wait3A] : memref<40x128xi32, #tpu.memory_space<vmem>> -> memref<1x128xi32, #tpu.memory_space<vmem>>
      %dma_wait3A_1612 = tpu.memref_squeeze %dma_wait3A_1611 : memref<1x128xi32, #tpu.memory_space<vmem>> -> memref<128xi32, #tpu.memory_space<vmem>>
      %dma_wait3A_1613 = arith.constant 0 : i32
      %dma_wait3A_1614 = arith.constant 0 : i32
      %dma_wait3A_1615 = tpu.memref_slice %arg4[%dma_wait3A_1613, %dma_wait3A_1614] : memref<10240x16xf32, #tpu.memory_space<vmem_shared>> -> memref<10240x16xf32, #tpu.memory_space<vmem_shared>>
      tpu.wait_indirect_dma semaphore(%run_scoped3A_1605 : memref<!tpu.dma_semaphore, #tpu.memory_space<semaphore_mem>>) src(%arg6 : memref<128x16xf32, #tpu.memory_space<vmem>>) dst(%dma_wait3A_1615 : memref<10240x16xf32, #tpu.memory_space<vmem_shared>>)
      tpu.yield
    }) : () -> ()
    %run_scoped3A_1581 = arith.constant 21 : i32
    "tpu.region"() ({
      %run_scoped3A_1605 = tpu.sem_alloc : memref<!tpu.dma_semaphore, #tpu.memory_space<semaphore_mem>>
      %dma_start3A = arith.constant 0 : i32
      %dma_start3A_1606 = tpu.memref_slice %arg5[%run_scoped3A_1581, %dma_start3A] : memref<40x128xi32, #tpu.memory_space<vmem>> -> memref<1x128xi32, #tpu.memory_space<vmem>>
      %dma_start3A_1607 = tpu.memref_squeeze %dma_start3A_1606 : memref<1x128xi32, #tpu.memory_space<vmem>> -> memref<128xi32, #tpu.memory_space<vmem>>
      %dma_start3A_1608 = arith.constant 0 : i32
      %dma_start3A_1609 = arith.constant 0 : i32
      %dma_start3A_1610 = tpu.memref_slice %arg4[%dma_start3A_1608, %dma_start3A_1609] : memref<10240x16xf32, #tpu.memory_space<vmem_shared>> -> memref<10240x16xf32, #tpu.memory_space<vmem_shared>>
      tpu.enqueue_indirect_dma source(%arg6 : memref<128x16xf32, #tpu.memory_space<vmem>>) target(%dma_start3A_1610 : memref<10240x16xf32, #tpu.memory_space<vmem_shared>>) offsets(%dma_start3A_1607 : memref<128xi32, #tpu.memory_space<vmem>>) semaphore(%run_scoped3A_1605 : memref<!tpu.dma_semaphore, #tpu.memory_space<semaphore_mem>>) {add = true}
      %dma_wait3A = arith.constant 0 : i32
      %dma_wait3A_1611 = tpu.memref_slice %arg5[%run_scoped3A_1581, %dma_wait3A] : memref<40x128xi32, #tpu.memory_space<vmem>> -> memref<1x128xi32, #tpu.memory_space<vmem>>
      %dma_wait3A_1612 = tpu.memref_squeeze %dma_wait3A_1611 : memref<1x128xi32, #tpu.memory_space<vmem>> -> memref<128xi32, #tpu.memory_space<vmem>>
      %dma_wait3A_1613 = arith.constant 0 : i32
      %dma_wait3A_1614 = arith.constant 0 : i32
      %dma_wait3A_1615 = tpu.memref_slice %arg4[%dma_wait3A_1613, %dma_wait3A_1614] : memref<10240x16xf32, #tpu.memory_space<vmem_shared>> -> memref<10240x16xf32, #tpu.memory_space<vmem_shared>>
      tpu.wait_indirect_dma semaphore(%run_scoped3A_1605 : memref<!tpu.dma_semaphore, #tpu.memory_space<semaphore_mem>>) src(%arg6 : memref<128x16xf32, #tpu.memory_space<vmem>>) dst(%dma_wait3A_1615 : memref<10240x16xf32, #tpu.memory_space<vmem_shared>>)
      tpu.yield
    }) : () -> ()
    %run_scoped3A_1582 = arith.constant 22 : i32
    "tpu.region"() ({
      %run_scoped3A_1605 = tpu.sem_alloc : memref<!tpu.dma_semaphore, #tpu.memory_space<semaphore_mem>>
      %dma_start3A = arith.constant 0 : i32
      %dma_start3A_1606 = tpu.memref_slice %arg5[%run_scoped3A_1582, %dma_start3A] : memref<40x128xi32, #tpu.memory_space<vmem>> -> memref<1x128xi32, #tpu.memory_space<vmem>>
      %dma_start3A_1607 = tpu.memref_squeeze %dma_start3A_1606 : memref<1x128xi32, #tpu.memory_space<vmem>> -> memref<128xi32, #tpu.memory_space<vmem>>
      %dma_start3A_1608 = arith.constant 0 : i32
      %dma_start3A_1609 = arith.constant 0 : i32
      %dma_start3A_1610 = tpu.memref_slice %arg4[%dma_start3A_1608, %dma_start3A_1609] : memref<10240x16xf32, #tpu.memory_space<vmem_shared>> -> memref<10240x16xf32, #tpu.memory_space<vmem_shared>>
      tpu.enqueue_indirect_dma source(%arg6 : memref<128x16xf32, #tpu.memory_space<vmem>>) target(%dma_start3A_1610 : memref<10240x16xf32, #tpu.memory_space<vmem_shared>>) offsets(%dma_start3A_1607 : memref<128xi32, #tpu.memory_space<vmem>>) semaphore(%run_scoped3A_1605 : memref<!tpu.dma_semaphore, #tpu.memory_space<semaphore_mem>>) {add = true}
      %dma_wait3A = arith.constant 0 : i32
      %dma_wait3A_1611 = tpu.memref_slice %arg5[%run_scoped3A_1582, %dma_wait3A] : memref<40x128xi32, #tpu.memory_space<vmem>> -> memref<1x128xi32, #tpu.memory_space<vmem>>
      %dma_wait3A_1612 = tpu.memref_squeeze %dma_wait3A_1611 : memref<1x128xi32, #tpu.memory_space<vmem>> -> memref<128xi32, #tpu.memory_space<vmem>>
      %dma_wait3A_1613 = arith.constant 0 : i32
      %dma_wait3A_1614 = arith.constant 0 : i32
      %dma_wait3A_1615 = tpu.memref_slice %arg4[%dma_wait3A_1613, %dma_wait3A_1614] : memref<10240x16xf32, #tpu.memory_space<vmem_shared>> -> memref<10240x16xf32, #tpu.memory_space<vmem_shared>>
      tpu.wait_indirect_dma semaphore(%run_scoped3A_1605 : memref<!tpu.dma_semaphore, #tpu.memory_space<semaphore_mem>>) src(%arg6 : memref<128x16xf32, #tpu.memory_space<vmem>>) dst(%dma_wait3A_1615 : memref<10240x16xf32, #tpu.memory_space<vmem_shared>>)
      tpu.yield
    }) : () -> ()
    %run_scoped3A_1583 = arith.constant 23 : i32
    "tpu.region"() ({
      %run_scoped3A_1605 = tpu.sem_alloc : memref<!tpu.dma_semaphore, #tpu.memory_space<semaphore_mem>>
      %dma_start3A = arith.constant 0 : i32
      %dma_start3A_1606 = tpu.memref_slice %arg5[%run_scoped3A_1583, %dma_start3A] : memref<40x128xi32, #tpu.memory_space<vmem>> -> memref<1x128xi32, #tpu.memory_space<vmem>>
      %dma_start3A_1607 = tpu.memref_squeeze %dma_start3A_1606 : memref<1x128xi32, #tpu.memory_space<vmem>> -> memref<128xi32, #tpu.memory_space<vmem>>
      %dma_start3A_1608 = arith.constant 0 : i32
      %dma_start3A_1609 = arith.constant 0 : i32
      %dma_start3A_1610 = tpu.memref_slice %arg4[%dma_start3A_1608, %dma_start3A_1609] : memref<10240x16xf32, #tpu.memory_space<vmem_shared>> -> memref<10240x16xf32, #tpu.memory_space<vmem_shared>>
      tpu.enqueue_indirect_dma source(%arg6 : memref<128x16xf32, #tpu.memory_space<vmem>>) target(%dma_start3A_1610 : memref<10240x16xf32, #tpu.memory_space<vmem_shared>>) offsets(%dma_start3A_1607 : memref<128xi32, #tpu.memory_space<vmem>>) semaphore(%run_scoped3A_1605 : memref<!tpu.dma_semaphore, #tpu.memory_space<semaphore_mem>>) {add = true}
      %dma_wait3A = arith.constant 0 : i32
      %dma_wait3A_1611 = tpu.memref_slice %arg5[%run_scoped3A_1583, %dma_wait3A] : memref<40x128xi32, #tpu.memory_space<vmem>> -> memref<1x128xi32, #tpu.memory_space<vmem>>
      %dma_wait3A_1612 = tpu.memref_squeeze %dma_wait3A_1611 : memref<1x128xi32, #tpu.memory_space<vmem>> -> memref<128xi32, #tpu.memory_space<vmem>>
      %dma_wait3A_1613 = arith.constant 0 : i32
      %dma_wait3A_1614 = arith.constant 0 : i32
      %dma_wait3A_1615 = tpu.memref_slice %arg4[%dma_wait3A_1613, %dma_wait3A_1614] : memref<10240x16xf32, #tpu.memory_space<vmem_shared>> -> memref<10240x16xf32, #tpu.memory_space<vmem_shared>>
      tpu.wait_indirect_dma semaphore(%run_scoped3A_1605 : memref<!tpu.dma_semaphore, #tpu.memory_space<semaphore_mem>>) src(%arg6 : memref<128x16xf32, #tpu.memory_space<vmem>>) dst(%dma_wait3A_1615 : memref<10240x16xf32, #tpu.memory_space<vmem_shared>>)
      tpu.yield
    }) : () -> ()
    %run_scoped3A_1584 = arith.constant 24 : i32
    "tpu.region"() ({
      %run_scoped3A_1605 = tpu.sem_alloc : memref<!tpu.dma_semaphore, #tpu.memory_space<semaphore_mem>>
      %dma_start3A = arith.constant 0 : i32
      %dma_start3A_1606 = tpu.memref_slice %arg5[%run_scoped3A_1584, %dma_start3A] : memref<40x128xi32, #tpu.memory_space<vmem>> -> memref<1x128xi32, #tpu.memory_space<vmem>>
      %dma_start3A_1607 = tpu.memref_squeeze %dma_start3A_1606 : memref<1x128xi32, #tpu.memory_space<vmem>> -> memref<128xi32, #tpu.memory_space<vmem>>
      %dma_start3A_1608 = arith.constant 0 : i32
      %dma_start3A_1609 = arith.constant 0 : i32
      %dma_start3A_1610 = tpu.memref_slice %arg4[%dma_start3A_1608, %dma_start3A_1609] : memref<10240x16xf32, #tpu.memory_space<vmem_shared>> -> memref<10240x16xf32, #tpu.memory_space<vmem_shared>>
      tpu.enqueue_indirect_dma source(%arg6 : memref<128x16xf32, #tpu.memory_space<vmem>>) target(%dma_start3A_1610 : memref<10240x16xf32, #tpu.memory_space<vmem_shared>>) offsets(%dma_start3A_1607 : memref<128xi32, #tpu.memory_space<vmem>>) semaphore(%run_scoped3A_1605 : memref<!tpu.dma_semaphore, #tpu.memory_space<semaphore_mem>>) {add = true}
      %dma_wait3A = arith.constant 0 : i32
      %dma_wait3A_1611 = tpu.memref_slice %arg5[%run_scoped3A_1584, %dma_wait3A] : memref<40x128xi32, #tpu.memory_space<vmem>> -> memref<1x128xi32, #tpu.memory_space<vmem>>
      %dma_wait3A_1612 = tpu.memref_squeeze %dma_wait3A_1611 : memref<1x128xi32, #tpu.memory_space<vmem>> -> memref<128xi32, #tpu.memory_space<vmem>>
      %dma_wait3A_1613 = arith.constant 0 : i32
      %dma_wait3A_1614 = arith.constant 0 : i32
      %dma_wait3A_1615 = tpu.memref_slice %arg4[%dma_wait3A_1613, %dma_wait3A_1614] : memref<10240x16xf32, #tpu.memory_space<vmem_shared>> -> memref<10240x16xf32, #tpu.memory_space<vmem_shared>>
      tpu.wait_indirect_dma semaphore(%run_scoped3A_1605 : memref<!tpu.dma_semaphore, #tpu.memory_space<semaphore_mem>>) src(%arg6 : memref<128x16xf32, #tpu.memory_space<vmem>>) dst(%dma_wait3A_1615 : memref<10240x16xf32, #tpu.memory_space<vmem_shared>>)
      tpu.yield
    }) : () -> ()
    %run_scoped3A_1585 = arith.constant 25 : i32
    "tpu.region"() ({
      %run_scoped3A_1605 = tpu.sem_alloc : memref<!tpu.dma_semaphore, #tpu.memory_space<semaphore_mem>>
      %dma_start3A = arith.constant 0 : i32
      %dma_start3A_1606 = tpu.memref_slice %arg5[%run_scoped3A_1585, %dma_start3A] : memref<40x128xi32, #tpu.memory_space<vmem>> -> memref<1x128xi32, #tpu.memory_space<vmem>>
      %dma_start3A_1607 = tpu.memref_squeeze %dma_start3A_1606 : memref<1x128xi32, #tpu.memory_space<vmem>> -> memref<128xi32, #tpu.memory_space<vmem>>
      %dma_start3A_1608 = arith.constant 0 : i32
      %dma_start3A_1609 = arith.constant 0 : i32
      %dma_start3A_1610 = tpu.memref_slice %arg4[%dma_start3A_1608, %dma_start3A_1609] : memref<10240x16xf32, #tpu.memory_space<vmem_shared>> -> memref<10240x16xf32, #tpu.memory_space<vmem_shared>>
      tpu.enqueue_indirect_dma source(%arg6 : memref<128x16xf32, #tpu.memory_space<vmem>>) target(%dma_start3A_1610 : memref<10240x16xf32, #tpu.memory_space<vmem_shared>>) offsets(%dma_start3A_1607 : memref<128xi32, #tpu.memory_space<vmem>>) semaphore(%run_scoped3A_1605 : memref<!tpu.dma_semaphore, #tpu.memory_space<semaphore_mem>>) {add = true}
      %dma_wait3A = arith.constant 0 : i32
      %dma_wait3A_1611 = tpu.memref_slice %arg5[%run_scoped3A_1585, %dma_wait3A] : memref<40x128xi32, #tpu.memory_space<vmem>> -> memref<1x128xi32, #tpu.memory_space<vmem>>
      %dma_wait3A_1612 = tpu.memref_squeeze %dma_wait3A_1611 : memref<1x128xi32, #tpu.memory_space<vmem>> -> memref<128xi32, #tpu.memory_space<vmem>>
      %dma_wait3A_1613 = arith.constant 0 : i32
      %dma_wait3A_1614 = arith.constant 0 : i32
      %dma_wait3A_1615 = tpu.memref_slice %arg4[%dma_wait3A_1613, %dma_wait3A_1614] : memref<10240x16xf32, #tpu.memory_space<vmem_shared>> -> memref<10240x16xf32, #tpu.memory_space<vmem_shared>>
      tpu.wait_indirect_dma semaphore(%run_scoped3A_1605 : memref<!tpu.dma_semaphore, #tpu.memory_space<semaphore_mem>>) src(%arg6 : memref<128x16xf32, #tpu.memory_space<vmem>>) dst(%dma_wait3A_1615 : memref<10240x16xf32, #tpu.memory_space<vmem_shared>>)
      tpu.yield
    }) : () -> ()
    %run_scoped3A_1586 = arith.constant 26 : i32
    "tpu.region"() ({
      %run_scoped3A_1605 = tpu.sem_alloc : memref<!tpu.dma_semaphore, #tpu.memory_space<semaphore_mem>>
      %dma_start3A = arith.constant 0 : i32
      %dma_start3A_1606 = tpu.memref_slice %arg5[%run_scoped3A_1586, %dma_start3A] : memref<40x128xi32, #tpu.memory_space<vmem>> -> memref<1x128xi32, #tpu.memory_space<vmem>>
      %dma_start3A_1607 = tpu.memref_squeeze %dma_start3A_1606 : memref<1x128xi32, #tpu.memory_space<vmem>> -> memref<128xi32, #tpu.memory_space<vmem>>
      %dma_start3A_1608 = arith.constant 0 : i32
      %dma_start3A_1609 = arith.constant 0 : i32
      %dma_start3A_1610 = tpu.memref_slice %arg4[%dma_start3A_1608, %dma_start3A_1609] : memref<10240x16xf32, #tpu.memory_space<vmem_shared>> -> memref<10240x16xf32, #tpu.memory_space<vmem_shared>>
      tpu.enqueue_indirect_dma source(%arg6 : memref<128x16xf32, #tpu.memory_space<vmem>>) target(%dma_start3A_1610 : memref<10240x16xf32, #tpu.memory_space<vmem_shared>>) offsets(%dma_start3A_1607 : memref<128xi32, #tpu.memory_space<vmem>>) semaphore(%run_scoped3A_1605 : memref<!tpu.dma_semaphore, #tpu.memory_space<semaphore_mem>>) {add = true}
      %dma_wait3A = arith.constant 0 : i32
      %dma_wait3A_1611 = tpu.memref_slice %arg5[%run_scoped3A_1586, %dma_wait3A] : memref<40x128xi32, #tpu.memory_space<vmem>> -> memref<1x128xi32, #tpu.memory_space<vmem>>
      %dma_wait3A_1612 = tpu.memref_squeeze %dma_wait3A_1611 : memref<1x128xi32, #tpu.memory_space<vmem>> -> memref<128xi32, #tpu.memory_space<vmem>>
      %dma_wait3A_1613 = arith.constant 0 : i32
      %dma_wait3A_1614 = arith.constant 0 : i32
      %dma_wait3A_1615 = tpu.memref_slice %arg4[%dma_wait3A_1613, %dma_wait3A_1614] : memref<10240x16xf32, #tpu.memory_space<vmem_shared>> -> memref<10240x16xf32, #tpu.memory_space<vmem_shared>>
      tpu.wait_indirect_dma semaphore(%run_scoped3A_1605 : memref<!tpu.dma_semaphore, #tpu.memory_space<semaphore_mem>>) src(%arg6 : memref<128x16xf32, #tpu.memory_space<vmem>>) dst(%dma_wait3A_1615 : memref<10240x16xf32, #tpu.memory_space<vmem_shared>>)
      tpu.yield
    }) : () -> ()
    %run_scoped3A_1587 = arith.constant 27 : i32
    "tpu.region"() ({
      %run_scoped3A_1605 = tpu.sem_alloc : memref<!tpu.dma_semaphore, #tpu.memory_space<semaphore_mem>>
      %dma_start3A = arith.constant 0 : i32
      %dma_start3A_1606 = tpu.memref_slice %arg5[%run_scoped3A_1587, %dma_start3A] : memref<40x128xi32, #tpu.memory_space<vmem>> -> memref<1x128xi32, #tpu.memory_space<vmem>>
      %dma_start3A_1607 = tpu.memref_squeeze %dma_start3A_1606 : memref<1x128xi32, #tpu.memory_space<vmem>> -> memref<128xi32, #tpu.memory_space<vmem>>
      %dma_start3A_1608 = arith.constant 0 : i32
      %dma_start3A_1609 = arith.constant 0 : i32
      %dma_start3A_1610 = tpu.memref_slice %arg4[%dma_start3A_1608, %dma_start3A_1609] : memref<10240x16xf32, #tpu.memory_space<vmem_shared>> -> memref<10240x16xf32, #tpu.memory_space<vmem_shared>>
      tpu.enqueue_indirect_dma source(%arg6 : memref<128x16xf32, #tpu.memory_space<vmem>>) target(%dma_start3A_1610 : memref<10240x16xf32, #tpu.memory_space<vmem_shared>>) offsets(%dma_start3A_1607 : memref<128xi32, #tpu.memory_space<vmem>>) semaphore(%run_scoped3A_1605 : memref<!tpu.dma_semaphore, #tpu.memory_space<semaphore_mem>>) {add = true}
      %dma_wait3A = arith.constant 0 : i32
      %dma_wait3A_1611 = tpu.memref_slice %arg5[%run_scoped3A_1587, %dma_wait3A] : memref<40x128xi32, #tpu.memory_space<vmem>> -> memref<1x128xi32, #tpu.memory_space<vmem>>
      %dma_wait3A_1612 = tpu.memref_squeeze %dma_wait3A_1611 : memref<1x128xi32, #tpu.memory_space<vmem>> -> memref<128xi32, #tpu.memory_space<vmem>>
      %dma_wait3A_1613 = arith.constant 0 : i32
      %dma_wait3A_1614 = arith.constant 0 : i32
      %dma_wait3A_1615 = tpu.memref_slice %arg4[%dma_wait3A_1613, %dma_wait3A_1614] : memref<10240x16xf32, #tpu.memory_space<vmem_shared>> -> memref<10240x16xf32, #tpu.memory_space<vmem_shared>>
      tpu.wait_indirect_dma semaphore(%run_scoped3A_1605 : memref<!tpu.dma_semaphore, #tpu.memory_space<semaphore_mem>>) src(%arg6 : memref<128x16xf32, #tpu.memory_space<vmem>>) dst(%dma_wait3A_1615 : memref<10240x16xf32, #tpu.memory_space<vmem_shared>>)
      tpu.yield
    }) : () -> ()
    %run_scoped3A_1588 = arith.constant 28 : i32
    "tpu.region"() ({
      %run_scoped3A_1605 = tpu.sem_alloc : memref<!tpu.dma_semaphore, #tpu.memory_space<semaphore_mem>>
      %dma_start3A = arith.constant 0 : i32
      %dma_start3A_1606 = tpu.memref_slice %arg5[%run_scoped3A_1588, %dma_start3A] : memref<40x128xi32, #tpu.memory_space<vmem>> -> memref<1x128xi32, #tpu.memory_space<vmem>>
      %dma_start3A_1607 = tpu.memref_squeeze %dma_start3A_1606 : memref<1x128xi32, #tpu.memory_space<vmem>> -> memref<128xi32, #tpu.memory_space<vmem>>
      %dma_start3A_1608 = arith.constant 0 : i32
      %dma_start3A_1609 = arith.constant 0 : i32
      %dma_start3A_1610 = tpu.memref_slice %arg4[%dma_start3A_1608, %dma_start3A_1609] : memref<10240x16xf32, #tpu.memory_space<vmem_shared>> -> memref<10240x16xf32, #tpu.memory_space<vmem_shared>>
      tpu.enqueue_indirect_dma source(%arg6 : memref<128x16xf32, #tpu.memory_space<vmem>>) target(%dma_start3A_1610 : memref<10240x16xf32, #tpu.memory_space<vmem_shared>>) offsets(%dma_start3A_1607 : memref<128xi32, #tpu.memory_space<vmem>>) semaphore(%run_scoped3A_1605 : memref<!tpu.dma_semaphore, #tpu.memory_space<semaphore_mem>>) {add = true}
      %dma_wait3A = arith.constant 0 : i32
      %dma_wait3A_1611 = tpu.memref_slice %arg5[%run_scoped3A_1588, %dma_wait3A] : memref<40x128xi32, #tpu.memory_space<vmem>> -> memref<1x128xi32, #tpu.memory_space<vmem>>
      %dma_wait3A_1612 = tpu.memref_squeeze %dma_wait3A_1611 : memref<1x128xi32, #tpu.memory_space<vmem>> -> memref<128xi32, #tpu.memory_space<vmem>>
      %dma_wait3A_1613 = arith.constant 0 : i32
      %dma_wait3A_1614 = arith.constant 0 : i32
      %dma_wait3A_1615 = tpu.memref_slice %arg4[%dma_wait3A_1613, %dma_wait3A_1614] : memref<10240x16xf32, #tpu.memory_space<vmem_shared>> -> memref<10240x16xf32, #tpu.memory_space<vmem_shared>>
      tpu.wait_indirect_dma semaphore(%run_scoped3A_1605 : memref<!tpu.dma_semaphore, #tpu.memory_space<semaphore_mem>>) src(%arg6 : memref<128x16xf32, #tpu.memory_space<vmem>>) dst(%dma_wait3A_1615 : memref<10240x16xf32, #tpu.memory_space<vmem_shared>>)
      tpu.yield
    }) : () -> ()
    %run_scoped3A_1589 = arith.constant 29 : i32
    "tpu.region"() ({
      %run_scoped3A_1605 = tpu.sem_alloc : memref<!tpu.dma_semaphore, #tpu.memory_space<semaphore_mem>>
      %dma_start3A = arith.constant 0 : i32
      %dma_start3A_1606 = tpu.memref_slice %arg5[%run_scoped3A_1589, %dma_start3A] : memref<40x128xi32, #tpu.memory_space<vmem>> -> memref<1x128xi32, #tpu.memory_space<vmem>>
      %dma_start3A_1607 = tpu.memref_squeeze %dma_start3A_1606 : memref<1x128xi32, #tpu.memory_space<vmem>> -> memref<128xi32, #tpu.memory_space<vmem>>
      %dma_start3A_1608 = arith.constant 0 : i32
      %dma_start3A_1609 = arith.constant 0 : i32
      %dma_start3A_1610 = tpu.memref_slice %arg4[%dma_start3A_1608, %dma_start3A_1609] : memref<10240x16xf32, #tpu.memory_space<vmem_shared>> -> memref<10240x16xf32, #tpu.memory_space<vmem_shared>>
      tpu.enqueue_indirect_dma source(%arg6 : memref<128x16xf32, #tpu.memory_space<vmem>>) target(%dma_start3A_1610 : memref<10240x16xf32, #tpu.memory_space<vmem_shared>>) offsets(%dma_start3A_1607 : memref<128xi32, #tpu.memory_space<vmem>>) semaphore(%run_scoped3A_1605 : memref<!tpu.dma_semaphore, #tpu.memory_space<semaphore_mem>>) {add = true}
      %dma_wait3A = arith.constant 0 : i32
      %dma_wait3A_1611 = tpu.memref_slice %arg5[%run_scoped3A_1589, %dma_wait3A] : memref<40x128xi32, #tpu.memory_space<vmem>> -> memref<1x128xi32, #tpu.memory_space<vmem>>
      %dma_wait3A_1612 = tpu.memref_squeeze %dma_wait3A_1611 : memref<1x128xi32, #tpu.memory_space<vmem>> -> memref<128xi32, #tpu.memory_space<vmem>>
      %dma_wait3A_1613 = arith.constant 0 : i32
      %dma_wait3A_1614 = arith.constant 0 : i32
      %dma_wait3A_1615 = tpu.memref_slice %arg4[%dma_wait3A_1613, %dma_wait3A_1614] : memref<10240x16xf32, #tpu.memory_space<vmem_shared>> -> memref<10240x16xf32, #tpu.memory_space<vmem_shared>>
      tpu.wait_indirect_dma semaphore(%run_scoped3A_1605 : memref<!tpu.dma_semaphore, #tpu.memory_space<semaphore_mem>>) src(%arg6 : memref<128x16xf32, #tpu.memory_space<vmem>>) dst(%dma_wait3A_1615 : memref<10240x16xf32, #tpu.memory_space<vmem_shared>>)
      tpu.yield
    }) : () -> ()
    %run_scoped3A_1590 = arith.constant 30 : i32
    "tpu.region"() ({
      %run_scoped3A_1605 = tpu.sem_alloc : memref<!tpu.dma_semaphore, #tpu.memory_space<semaphore_mem>>
      %dma_start3A = arith.constant 0 : i32
      %dma_start3A_1606 = tpu.memref_slice %arg5[%run_scoped3A_1590, %dma_start3A] : memref<40x128xi32, #tpu.memory_space<vmem>> -> memref<1x128xi32, #tpu.memory_space<vmem>>
      %dma_start3A_1607 = tpu.memref_squeeze %dma_start3A_1606 : memref<1x128xi32, #tpu.memory_space<vmem>> -> memref<128xi32, #tpu.memory_space<vmem>>
      %dma_start3A_1608 = arith.constant 0 : i32
      %dma_start3A_1609 = arith.constant 0 : i32
      %dma_start3A_1610 = tpu.memref_slice %arg4[%dma_start3A_1608, %dma_start3A_1609] : memref<10240x16xf32, #tpu.memory_space<vmem_shared>> -> memref<10240x16xf32, #tpu.memory_space<vmem_shared>>
      tpu.enqueue_indirect_dma source(%arg6 : memref<128x16xf32, #tpu.memory_space<vmem>>) target(%dma_start3A_1610 : memref<10240x16xf32, #tpu.memory_space<vmem_shared>>) offsets(%dma_start3A_1607 : memref<128xi32, #tpu.memory_space<vmem>>) semaphore(%run_scoped3A_1605 : memref<!tpu.dma_semaphore, #tpu.memory_space<semaphore_mem>>) {add = true}
      %dma_wait3A = arith.constant 0 : i32
      %dma_wait3A_1611 = tpu.memref_slice %arg5[%run_scoped3A_1590, %dma_wait3A] : memref<40x128xi32, #tpu.memory_space<vmem>> -> memref<1x128xi32, #tpu.memory_space<vmem>>
      %dma_wait3A_1612 = tpu.memref_squeeze %dma_wait3A_1611 : memref<1x128xi32, #tpu.memory_space<vmem>> -> memref<128xi32, #tpu.memory_space<vmem>>
      %dma_wait3A_1613 = arith.constant 0 : i32
      %dma_wait3A_1614 = arith.constant 0 : i32
      %dma_wait3A_1615 = tpu.memref_slice %arg4[%dma_wait3A_1613, %dma_wait3A_1614] : memref<10240x16xf32, #tpu.memory_space<vmem_shared>> -> memref<10240x16xf32, #tpu.memory_space<vmem_shared>>
      tpu.wait_indirect_dma semaphore(%run_scoped3A_1605 : memref<!tpu.dma_semaphore, #tpu.memory_space<semaphore_mem>>) src(%arg6 : memref<128x16xf32, #tpu.memory_space<vmem>>) dst(%dma_wait3A_1615 : memref<10240x16xf32, #tpu.memory_space<vmem_shared>>)
      tpu.yield
    }) : () -> ()
    %run_scoped3A_1591 = arith.constant 31 : i32
    "tpu.region"() ({
      %run_scoped3A_1605 = tpu.sem_alloc : memref<!tpu.dma_semaphore, #tpu.memory_space<semaphore_mem>>
      %dma_start3A = arith.constant 0 : i32
      %dma_start3A_1606 = tpu.memref_slice %arg5[%run_scoped3A_1591, %dma_start3A] : memref<40x128xi32, #tpu.memory_space<vmem>> -> memref<1x128xi32, #tpu.memory_space<vmem>>
      %dma_start3A_1607 = tpu.memref_squeeze %dma_start3A_1606 : memref<1x128xi32, #tpu.memory_space<vmem>> -> memref<128xi32, #tpu.memory_space<vmem>>
      %dma_start3A_1608 = arith.constant 0 : i32
      %dma_start3A_1609 = arith.constant 0 : i32
      %dma_start3A_1610 = tpu.memref_slice %arg4[%dma_start3A_1608, %dma_start3A_1609] : memref<10240x16xf32, #tpu.memory_space<vmem_shared>> -> memref<10240x16xf32, #tpu.memory_space<vmem_shared>>
      tpu.enqueue_indirect_dma source(%arg6 : memref<128x16xf32, #tpu.memory_space<vmem>>) target(%dma_start3A_1610 : memref<10240x16xf32, #tpu.memory_space<vmem_shared>>) offsets(%dma_start3A_1607 : memref<128xi32, #tpu.memory_space<vmem>>) semaphore(%run_scoped3A_1605 : memref<!tpu.dma_semaphore, #tpu.memory_space<semaphore_mem>>) {add = true}
      %dma_wait3A = arith.constant 0 : i32
      %dma_wait3A_1611 = tpu.memref_slice %arg5[%run_scoped3A_1591, %dma_wait3A] : memref<40x128xi32, #tpu.memory_space<vmem>> -> memref<1x128xi32, #tpu.memory_space<vmem>>
      %dma_wait3A_1612 = tpu.memref_squeeze %dma_wait3A_1611 : memref<1x128xi32, #tpu.memory_space<vmem>> -> memref<128xi32, #tpu.memory_space<vmem>>
      %dma_wait3A_1613 = arith.constant 0 : i32
      %dma_wait3A_1614 = arith.constant 0 : i32
      %dma_wait3A_1615 = tpu.memref_slice %arg4[%dma_wait3A_1613, %dma_wait3A_1614] : memref<10240x16xf32, #tpu.memory_space<vmem_shared>> -> memref<10240x16xf32, #tpu.memory_space<vmem_shared>>
      tpu.wait_indirect_dma semaphore(%run_scoped3A_1605 : memref<!tpu.dma_semaphore, #tpu.memory_space<semaphore_mem>>) src(%arg6 : memref<128x16xf32, #tpu.memory_space<vmem>>) dst(%dma_wait3A_1615 : memref<10240x16xf32, #tpu.memory_space<vmem_shared>>)
      tpu.yield
    }) : () -> ()
    %run_scoped3A_1592 = arith.constant 32 : i32
    "tpu.region"() ({
      %run_scoped3A_1605 = tpu.sem_alloc : memref<!tpu.dma_semaphore, #tpu.memory_space<semaphore_mem>>
      %dma_start3A = arith.constant 0 : i32
      %dma_start3A_1606 = tpu.memref_slice %arg5[%run_scoped3A_1592, %dma_start3A] : memref<40x128xi32, #tpu.memory_space<vmem>> -> memref<1x128xi32, #tpu.memory_space<vmem>>
      %dma_start3A_1607 = tpu.memref_squeeze %dma_start3A_1606 : memref<1x128xi32, #tpu.memory_space<vmem>> -> memref<128xi32, #tpu.memory_space<vmem>>
      %dma_start3A_1608 = arith.constant 0 : i32
      %dma_start3A_1609 = arith.constant 0 : i32
      %dma_start3A_1610 = tpu.memref_slice %arg4[%dma_start3A_1608, %dma_start3A_1609] : memref<10240x16xf32, #tpu.memory_space<vmem_shared>> -> memref<10240x16xf32, #tpu.memory_space<vmem_shared>>
      tpu.enqueue_indirect_dma source(%arg6 : memref<128x16xf32, #tpu.memory_space<vmem>>) target(%dma_start3A_1610 : memref<10240x16xf32, #tpu.memory_space<vmem_shared>>) offsets(%dma_start3A_1607 : memref<128xi32, #tpu.memory_space<vmem>>) semaphore(%run_scoped3A_1605 : memref<!tpu.dma_semaphore, #tpu.memory_space<semaphore_mem>>) {add = true}
      %dma_wait3A = arith.constant 0 : i32
      %dma_wait3A_1611 = tpu.memref_slice %arg5[%run_scoped3A_1592, %dma_wait3A] : memref<40x128xi32, #tpu.memory_space<vmem>> -> memref<1x128xi32, #tpu.memory_space<vmem>>
      %dma_wait3A_1612 = tpu.memref_squeeze %dma_wait3A_1611 : memref<1x128xi32, #tpu.memory_space<vmem>> -> memref<128xi32, #tpu.memory_space<vmem>>
      %dma_wait3A_1613 = arith.constant 0 : i32
      %dma_wait3A_1614 = arith.constant 0 : i32
      %dma_wait3A_1615 = tpu.memref_slice %arg4[%dma_wait3A_1613, %dma_wait3A_1614] : memref<10240x16xf32, #tpu.memory_space<vmem_shared>> -> memref<10240x16xf32, #tpu.memory_space<vmem_shared>>
      tpu.wait_indirect_dma semaphore(%run_scoped3A_1605 : memref<!tpu.dma_semaphore, #tpu.memory_space<semaphore_mem>>) src(%arg6 : memref<128x16xf32, #tpu.memory_space<vmem>>) dst(%dma_wait3A_1615 : memref<10240x16xf32, #tpu.memory_space<vmem_shared>>)
      tpu.yield
    }) : () -> ()
    %run_scoped3A_1593 = arith.constant 33 : i32
    "tpu.region"() ({
      %run_scoped3A_1605 = tpu.sem_alloc : memref<!tpu.dma_semaphore, #tpu.memory_space<semaphore_mem>>
      %dma_start3A = arith.constant 0 : i32
      %dma_start3A_1606 = tpu.memref_slice %arg5[%run_scoped3A_1593, %dma_start3A] : memref<40x128xi32, #tpu.memory_space<vmem>> -> memref<1x128xi32, #tpu.memory_space<vmem>>
      %dma_start3A_1607 = tpu.memref_squeeze %dma_start3A_1606 : memref<1x128xi32, #tpu.memory_space<vmem>> -> memref<128xi32, #tpu.memory_space<vmem>>
      %dma_start3A_1608 = arith.constant 0 : i32
      %dma_start3A_1609 = arith.constant 0 : i32
      %dma_start3A_1610 = tpu.memref_slice %arg4[%dma_start3A_1608, %dma_start3A_1609] : memref<10240x16xf32, #tpu.memory_space<vmem_shared>> -> memref<10240x16xf32, #tpu.memory_space<vmem_shared>>
      tpu.enqueue_indirect_dma source(%arg6 : memref<128x16xf32, #tpu.memory_space<vmem>>) target(%dma_start3A_1610 : memref<10240x16xf32, #tpu.memory_space<vmem_shared>>) offsets(%dma_start3A_1607 : memref<128xi32, #tpu.memory_space<vmem>>) semaphore(%run_scoped3A_1605 : memref<!tpu.dma_semaphore, #tpu.memory_space<semaphore_mem>>) {add = true}
      %dma_wait3A = arith.constant 0 : i32
      %dma_wait3A_1611 = tpu.memref_slice %arg5[%run_scoped3A_1593, %dma_wait3A] : memref<40x128xi32, #tpu.memory_space<vmem>> -> memref<1x128xi32, #tpu.memory_space<vmem>>
      %dma_wait3A_1612 = tpu.memref_squeeze %dma_wait3A_1611 : memref<1x128xi32, #tpu.memory_space<vmem>> -> memref<128xi32, #tpu.memory_space<vmem>>
      %dma_wait3A_1613 = arith.constant 0 : i32
      %dma_wait3A_1614 = arith.constant 0 : i32
      %dma_wait3A_1615 = tpu.memref_slice %arg4[%dma_wait3A_1613, %dma_wait3A_1614] : memref<10240x16xf32, #tpu.memory_space<vmem_shared>> -> memref<10240x16xf32, #tpu.memory_space<vmem_shared>>
      tpu.wait_indirect_dma semaphore(%run_scoped3A_1605 : memref<!tpu.dma_semaphore, #tpu.memory_space<semaphore_mem>>) src(%arg6 : memref<128x16xf32, #tpu.memory_space<vmem>>) dst(%dma_wait3A_1615 : memref<10240x16xf32, #tpu.memory_space<vmem_shared>>)
      tpu.yield
    }) : () -> ()
    %run_scoped3A_1594 = arith.constant 34 : i32
    "tpu.region"() ({
      %run_scoped3A_1605 = tpu.sem_alloc : memref<!tpu.dma_semaphore, #tpu.memory_space<semaphore_mem>>
      %dma_start3A = arith.constant 0 : i32
      %dma_start3A_1606 = tpu.memref_slice %arg5[%run_scoped3A_1594, %dma_start3A] : memref<40x128xi32, #tpu.memory_space<vmem>> -> memref<1x128xi32, #tpu.memory_space<vmem>>
      %dma_start3A_1607 = tpu.memref_squeeze %dma_start3A_1606 : memref<1x128xi32, #tpu.memory_space<vmem>> -> memref<128xi32, #tpu.memory_space<vmem>>
      %dma_start3A_1608 = arith.constant 0 : i32
      %dma_start3A_1609 = arith.constant 0 : i32
      %dma_start3A_1610 = tpu.memref_slice %arg4[%dma_start3A_1608, %dma_start3A_1609] : memref<10240x16xf32, #tpu.memory_space<vmem_shared>> -> memref<10240x16xf32, #tpu.memory_space<vmem_shared>>
      tpu.enqueue_indirect_dma source(%arg6 : memref<128x16xf32, #tpu.memory_space<vmem>>) target(%dma_start3A_1610 : memref<10240x16xf32, #tpu.memory_space<vmem_shared>>) offsets(%dma_start3A_1607 : memref<128xi32, #tpu.memory_space<vmem>>) semaphore(%run_scoped3A_1605 : memref<!tpu.dma_semaphore, #tpu.memory_space<semaphore_mem>>) {add = true}
      %dma_wait3A = arith.constant 0 : i32
      %dma_wait3A_1611 = tpu.memref_slice %arg5[%run_scoped3A_1594, %dma_wait3A] : memref<40x128xi32, #tpu.memory_space<vmem>> -> memref<1x128xi32, #tpu.memory_space<vmem>>
      %dma_wait3A_1612 = tpu.memref_squeeze %dma_wait3A_1611 : memref<1x128xi32, #tpu.memory_space<vmem>> -> memref<128xi32, #tpu.memory_space<vmem>>
      %dma_wait3A_1613 = arith.constant 0 : i32
      %dma_wait3A_1614 = arith.constant 0 : i32
      %dma_wait3A_1615 = tpu.memref_slice %arg4[%dma_wait3A_1613, %dma_wait3A_1614] : memref<10240x16xf32, #tpu.memory_space<vmem_shared>> -> memref<10240x16xf32, #tpu.memory_space<vmem_shared>>
      tpu.wait_indirect_dma semaphore(%run_scoped3A_1605 : memref<!tpu.dma_semaphore, #tpu.memory_space<semaphore_mem>>) src(%arg6 : memref<128x16xf32, #tpu.memory_space<vmem>>) dst(%dma_wait3A_1615 : memref<10240x16xf32, #tpu.memory_space<vmem_shared>>)
      tpu.yield
    }) : () -> ()
    %run_scoped3A_1595 = arith.constant 35 : i32
    "tpu.region"() ({
      %run_scoped3A_1605 = tpu.sem_alloc : memref<!tpu.dma_semaphore, #tpu.memory_space<semaphore_mem>>
      %dma_start3A = arith.constant 0 : i32
      %dma_start3A_1606 = tpu.memref_slice %arg5[%run_scoped3A_1595, %dma_start3A] : memref<40x128xi32, #tpu.memory_space<vmem>> -> memref<1x128xi32, #tpu.memory_space<vmem>>
      %dma_start3A_1607 = tpu.memref_squeeze %dma_start3A_1606 : memref<1x128xi32, #tpu.memory_space<vmem>> -> memref<128xi32, #tpu.memory_space<vmem>>
      %dma_start3A_1608 = arith.constant 0 : i32
      %dma_start3A_1609 = arith.constant 0 : i32
      %dma_start3A_1610 = tpu.memref_slice %arg4[%dma_start3A_1608, %dma_start3A_1609] : memref<10240x16xf32, #tpu.memory_space<vmem_shared>> -> memref<10240x16xf32, #tpu.memory_space<vmem_shared>>
      tpu.enqueue_indirect_dma source(%arg6 : memref<128x16xf32, #tpu.memory_space<vmem>>) target(%dma_start3A_1610 : memref<10240x16xf32, #tpu.memory_space<vmem_shared>>) offsets(%dma_start3A_1607 : memref<128xi32, #tpu.memory_space<vmem>>) semaphore(%run_scoped3A_1605 : memref<!tpu.dma_semaphore, #tpu.memory_space<semaphore_mem>>) {add = true}
      %dma_wait3A = arith.constant 0 : i32
      %dma_wait3A_1611 = tpu.memref_slice %arg5[%run_scoped3A_1595, %dma_wait3A] : memref<40x128xi32, #tpu.memory_space<vmem>> -> memref<1x128xi32, #tpu.memory_space<vmem>>
      %dma_wait3A_1612 = tpu.memref_squeeze %dma_wait3A_1611 : memref<1x128xi32, #tpu.memory_space<vmem>> -> memref<128xi32, #tpu.memory_space<vmem>>
      %dma_wait3A_1613 = arith.constant 0 : i32
      %dma_wait3A_1614 = arith.constant 0 : i32
      %dma_wait3A_1615 = tpu.memref_slice %arg4[%dma_wait3A_1613, %dma_wait3A_1614] : memref<10240x16xf32, #tpu.memory_space<vmem_shared>> -> memref<10240x16xf32, #tpu.memory_space<vmem_shared>>
      tpu.wait_indirect_dma semaphore(%run_scoped3A_1605 : memref<!tpu.dma_semaphore, #tpu.memory_space<semaphore_mem>>) src(%arg6 : memref<128x16xf32, #tpu.memory_space<vmem>>) dst(%dma_wait3A_1615 : memref<10240x16xf32, #tpu.memory_space<vmem_shared>>)
      tpu.yield
    }) : () -> ()
    %run_scoped3A_1596 = arith.constant 36 : i32
    "tpu.region"() ({
      %run_scoped3A_1605 = tpu.sem_alloc : memref<!tpu.dma_semaphore, #tpu.memory_space<semaphore_mem>>
      %dma_start3A = arith.constant 0 : i32
      %dma_start3A_1606 = tpu.memref_slice %arg5[%run_scoped3A_1596, %dma_start3A] : memref<40x128xi32, #tpu.memory_space<vmem>> -> memref<1x128xi32, #tpu.memory_space<vmem>>
      %dma_start3A_1607 = tpu.memref_squeeze %dma_start3A_1606 : memref<1x128xi32, #tpu.memory_space<vmem>> -> memref<128xi32, #tpu.memory_space<vmem>>
      %dma_start3A_1608 = arith.constant 0 : i32
      %dma_start3A_1609 = arith.constant 0 : i32
      %dma_start3A_1610 = tpu.memref_slice %arg4[%dma_start3A_1608, %dma_start3A_1609] : memref<10240x16xf32, #tpu.memory_space<vmem_shared>> -> memref<10240x16xf32, #tpu.memory_space<vmem_shared>>
      tpu.enqueue_indirect_dma source(%arg6 : memref<128x16xf32, #tpu.memory_space<vmem>>) target(%dma_start3A_1610 : memref<10240x16xf32, #tpu.memory_space<vmem_shared>>) offsets(%dma_start3A_1607 : memref<128xi32, #tpu.memory_space<vmem>>) semaphore(%run_scoped3A_1605 : memref<!tpu.dma_semaphore, #tpu.memory_space<semaphore_mem>>) {add = true}
      %dma_wait3A = arith.constant 0 : i32
      %dma_wait3A_1611 = tpu.memref_slice %arg5[%run_scoped3A_1596, %dma_wait3A] : memref<40x128xi32, #tpu.memory_space<vmem>> -> memref<1x128xi32, #tpu.memory_space<vmem>>
      %dma_wait3A_1612 = tpu.memref_squeeze %dma_wait3A_1611 : memref<1x128xi32, #tpu.memory_space<vmem>> -> memref<128xi32, #tpu.memory_space<vmem>>
      %dma_wait3A_1613 = arith.constant 0 : i32
      %dma_wait3A_1614 = arith.constant 0 : i32
      %dma_wait3A_1615 = tpu.memref_slice %arg4[%dma_wait3A_1613, %dma_wait3A_1614] : memref<10240x16xf32, #tpu.memory_space<vmem_shared>> -> memref<10240x16xf32, #tpu.memory_space<vmem_shared>>
      tpu.wait_indirect_dma semaphore(%run_scoped3A_1605 : memref<!tpu.dma_semaphore, #tpu.memory_space<semaphore_mem>>) src(%arg6 : memref<128x16xf32, #tpu.memory_space<vmem>>) dst(%dma_wait3A_1615 : memref<10240x16xf32, #tpu.memory_space<vmem_shared>>)
      tpu.yield
    }) : () -> ()
    %run_scoped3A_1597 = arith.constant 37 : i32
    "tpu.region"() ({
      %run_scoped3A_1605 = tpu.sem_alloc : memref<!tpu.dma_semaphore, #tpu.memory_space<semaphore_mem>>
      %dma_start3A = arith.constant 0 : i32
      %dma_start3A_1606 = tpu.memref_slice %arg5[%run_scoped3A_1597, %dma_start3A] : memref<40x128xi32, #tpu.memory_space<vmem>> -> memref<1x128xi32, #tpu.memory_space<vmem>>
      %dma_start3A_1607 = tpu.memref_squeeze %dma_start3A_1606 : memref<1x128xi32, #tpu.memory_space<vmem>> -> memref<128xi32, #tpu.memory_space<vmem>>
      %dma_start3A_1608 = arith.constant 0 : i32
      %dma_start3A_1609 = arith.constant 0 : i32
      %dma_start3A_1610 = tpu.memref_slice %arg4[%dma_start3A_1608, %dma_start3A_1609] : memref<10240x16xf32, #tpu.memory_space<vmem_shared>> -> memref<10240x16xf32, #tpu.memory_space<vmem_shared>>
      tpu.enqueue_indirect_dma source(%arg6 : memref<128x16xf32, #tpu.memory_space<vmem>>) target(%dma_start3A_1610 : memref<10240x16xf32, #tpu.memory_space<vmem_shared>>) offsets(%dma_start3A_1607 : memref<128xi32, #tpu.memory_space<vmem>>) semaphore(%run_scoped3A_1605 : memref<!tpu.dma_semaphore, #tpu.memory_space<semaphore_mem>>) {add = true}
      %dma_wait3A = arith.constant 0 : i32
      %dma_wait3A_1611 = tpu.memref_slice %arg5[%run_scoped3A_1597, %dma_wait3A] : memref<40x128xi32, #tpu.memory_space<vmem>> -> memref<1x128xi32, #tpu.memory_space<vmem>>
      %dma_wait3A_1612 = tpu.memref_squeeze %dma_wait3A_1611 : memref<1x128xi32, #tpu.memory_space<vmem>> -> memref<128xi32, #tpu.memory_space<vmem>>
      %dma_wait3A_1613 = arith.constant 0 : i32
      %dma_wait3A_1614 = arith.constant 0 : i32
      %dma_wait3A_1615 = tpu.memref_slice %arg4[%dma_wait3A_1613, %dma_wait3A_1614] : memref<10240x16xf32, #tpu.memory_space<vmem_shared>> -> memref<10240x16xf32, #tpu.memory_space<vmem_shared>>
      tpu.wait_indirect_dma semaphore(%run_scoped3A_1605 : memref<!tpu.dma_semaphore, #tpu.memory_space<semaphore_mem>>) src(%arg6 : memref<128x16xf32, #tpu.memory_space<vmem>>) dst(%dma_wait3A_1615 : memref<10240x16xf32, #tpu.memory_space<vmem_shared>>)
      tpu.yield
    }) : () -> ()
    %run_scoped3A_1598 = arith.constant 38 : i32
    "tpu.region"() ({
      %run_scoped3A_1605 = tpu.sem_alloc : memref<!tpu.dma_semaphore, #tpu.memory_space<semaphore_mem>>
      %dma_start3A = arith.constant 0 : i32
      %dma_start3A_1606 = tpu.memref_slice %arg5[%run_scoped3A_1598, %dma_start3A] : memref<40x128xi32, #tpu.memory_space<vmem>> -> memref<1x128xi32, #tpu.memory_space<vmem>>
      %dma_start3A_1607 = tpu.memref_squeeze %dma_start3A_1606 : memref<1x128xi32, #tpu.memory_space<vmem>> -> memref<128xi32, #tpu.memory_space<vmem>>
      %dma_start3A_1608 = arith.constant 0 : i32
      %dma_start3A_1609 = arith.constant 0 : i32
      %dma_start3A_1610 = tpu.memref_slice %arg4[%dma_start3A_1608, %dma_start3A_1609] : memref<10240x16xf32, #tpu.memory_space<vmem_shared>> -> memref<10240x16xf32, #tpu.memory_space<vmem_shared>>
      tpu.enqueue_indirect_dma source(%arg6 : memref<128x16xf32, #tpu.memory_space<vmem>>) target(%dma_start3A_1610 : memref<10240x16xf32, #tpu.memory_space<vmem_shared>>) offsets(%dma_start3A_1607 : memref<128xi32, #tpu.memory_space<vmem>>) semaphore(%run_scoped3A_1605 : memref<!tpu.dma_semaphore, #tpu.memory_space<semaphore_mem>>) {add = true}
      %dma_wait3A = arith.constant 0 : i32
      %dma_wait3A_1611 = tpu.memref_slice %arg5[%run_scoped3A_1598, %dma_wait3A] : memref<40x128xi32, #tpu.memory_space<vmem>> -> memref<1x128xi32, #tpu.memory_space<vmem>>
      %dma_wait3A_1612 = tpu.memref_squeeze %dma_wait3A_1611 : memref<1x128xi32, #tpu.memory_space<vmem>> -> memref<128xi32, #tpu.memory_space<vmem>>
      %dma_wait3A_1613 = arith.constant 0 : i32
      %dma_wait3A_1614 = arith.constant 0 : i32
      %dma_wait3A_1615 = tpu.memref_slice %arg4[%dma_wait3A_1613, %dma_wait3A_1614] : memref<10240x16xf32, #tpu.memory_space<vmem_shared>> -> memref<10240x16xf32, #tpu.memory_space<vmem_shared>>
      tpu.wait_indirect_dma semaphore(%run_scoped3A_1605 : memref<!tpu.dma_semaphore, #tpu.memory_space<semaphore_mem>>) src(%arg6 : memref<128x16xf32, #tpu.memory_space<vmem>>) dst(%dma_wait3A_1615 : memref<10240x16xf32, #tpu.memory_space<vmem_shared>>)
      tpu.yield
    }) : () -> ()
    %run_scoped3A_1599 = arith.constant 39 : i32
    "tpu.region"() ({
      %run_scoped3A_1605 = tpu.sem_alloc : memref<!tpu.dma_semaphore, #tpu.memory_space<semaphore_mem>>
      %dma_start3A = arith.constant 0 : i32
      %dma_start3A_1606 = tpu.memref_slice %arg5[%run_scoped3A_1599, %dma_start3A] : memref<40x128xi32, #tpu.memory_space<vmem>> -> memref<1x128xi32, #tpu.memory_space<vmem>>
      %dma_start3A_1607 = tpu.memref_squeeze %dma_start3A_1606 : memref<1x128xi32, #tpu.memory_space<vmem>> -> memref<128xi32, #tpu.memory_space<vmem>>
      %dma_start3A_1608 = arith.constant 0 : i32
      %dma_start3A_1609 = arith.constant 0 : i32
      %dma_start3A_1610 = tpu.memref_slice %arg4[%dma_start3A_1608, %dma_start3A_1609] : memref<10240x16xf32, #tpu.memory_space<vmem_shared>> -> memref<10240x16xf32, #tpu.memory_space<vmem_shared>>
      tpu.enqueue_indirect_dma source(%arg6 : memref<128x16xf32, #tpu.memory_space<vmem>>) target(%dma_start3A_1610 : memref<10240x16xf32, #tpu.memory_space<vmem_shared>>) offsets(%dma_start3A_1607 : memref<128xi32, #tpu.memory_space<vmem>>) semaphore(%run_scoped3A_1605 : memref<!tpu.dma_semaphore, #tpu.memory_space<semaphore_mem>>) {add = true}
      %dma_wait3A = arith.constant 0 : i32
      %dma_wait3A_1611 = tpu.memref_slice %arg5[%run_scoped3A_1599, %dma_wait3A] : memref<40x128xi32, #tpu.memory_space<vmem>> -> memref<1x128xi32, #tpu.memory_space<vmem>>
      %dma_wait3A_1612 = tpu.memref_squeeze %dma_wait3A_1611 : memref<1x128xi32, #tpu.memory_space<vmem>> -> memref<128xi32, #tpu.memory_space<vmem>>
      %dma_wait3A_1613 = arith.constant 0 : i32
      %dma_wait3A_1614 = arith.constant 0 : i32
      %dma_wait3A_1615 = tpu.memref_slice %arg4[%dma_wait3A_1613, %dma_wait3A_1614] : memref<10240x16xf32, #tpu.memory_space<vmem_shared>> -> memref<10240x16xf32, #tpu.memory_space<vmem_shared>>
      tpu.wait_indirect_dma semaphore(%run_scoped3A_1605 : memref<!tpu.dma_semaphore, #tpu.memory_space<semaphore_mem>>) src(%arg6 : memref<128x16xf32, #tpu.memory_space<vmem>>) dst(%dma_wait3A_1615 : memref<10240x16xf32, #tpu.memory_space<vmem_shared>>)
      tpu.yield
    }) : () -> ()
    %barrier3A_1600 = arith.constant 0 : index
    tpu.barrier barrier_id(%barrier3A_1600)
    %mul3A_1601 = arith.constant 640 : i32
    %mul3A_1602 = arith.muli %arg1, %mul3A_1601 : i32
    %mul3A_1603 = arith.constant 640 : i32
    %mul3A_1604 = arith.muli %arg1, %mul3A_1603 : i32
    "tpu.region"() ({
      %run_scoped3A_1605 = tpu.sem_alloc : memref<!tpu.dma_semaphore, #tpu.memory_space<semaphore_mem>>
      %dma_start3A = arith.constant 0 : i32
      %dma_start3A_1606 = tpu.memref_slice %arg3[%arg0, %mul3A_1604, %dma_start3A] : memref<2x10240x16xf32, #tpu.memory_space<hbm>> -> memref<1x640x16xf32, #tpu.memory_space<hbm>>
      %dma_start3A_1607 = tpu.memref_squeeze %dma_start3A_1606 : memref<1x640x16xf32, #tpu.memory_space<hbm>> -> memref<640x16xf32, #tpu.memory_space<hbm>>
      %dma_start3A_1608 = arith.constant 0 : i32
      %dma_start3A_1609 = tpu.memref_slice %arg4[%mul3A_1602, %dma_start3A_1608] : memref<10240x16xf32, #tpu.memory_space<vmem_shared>> -> memref<640x16xf32, #tpu.memory_space<vmem_shared>>
      tpu.enqueue_dma source(%dma_start3A_1609 : memref<640x16xf32, #tpu.memory_space<vmem_shared>>) target(%dma_start3A_1607 : memref<640x16xf32, #tpu.memory_space<hbm>>) target_semaphore(%run_scoped3A_1605 : memref<!tpu.dma_semaphore, #tpu.memory_space<semaphore_mem>>)
      %dma_wait3A = arith.constant 0 : i32
      %dma_wait3A_1610 = tpu.memref_slice %arg3[%arg0, %mul3A_1604, %dma_wait3A] : memref<2x10240x16xf32, #tpu.memory_space<hbm>> -> memref<1x640x16xf32, #tpu.memory_space<hbm>>
      %dma_wait3A_1611 = tpu.memref_squeeze %dma_wait3A_1610 : memref<1x640x16xf32, #tpu.memory_space<hbm>> -> memref<640x16xf32, #tpu.memory_space<hbm>>
      %dma_wait3A_1612 = arith.constant 0 : i32
      %dma_wait3A_1613 = tpu.memref_slice %arg4[%mul3A_1602, %dma_wait3A_1612] : memref<10240x16xf32, #tpu.memory_space<vmem_shared>> -> memref<640x16xf32, #tpu.memory_space<vmem_shared>>
      tpu.wait_dma2 semaphore(%run_scoped3A_1605 : memref<!tpu.dma_semaphore, #tpu.memory_space<semaphore_mem>>) src(%dma_wait3A_1613 : memref<640x16xf32, #tpu.memory_space<vmem_shared>>) dst(%dma_wait3A_1611 : memref<640x16xf32, #tpu.memory_space<hbm>>)
      tpu.yield
    }) : () -> ()
    return
  }
}

module attributes {stable_mosaic.version = 14 : i64} {
  func.func @_mm_body(%arg0: i32, %arg1: i32, %arg2: memref<400x256xf32, #tpu.memory_space<vmem>>, %arg3: memref<256x128xf32, #tpu.memory_space<vmem>>, %arg4: memref<2x400x16xf32, #tpu.memory_space<vmem>>, %arg5: memref<1x400x128xf32, #tpu.memory_space<vmem>>, %arg6: memref<400x1xf32, #tpu.memory_space<vmem>>) attributes {dimension_semantics = [#tpu.dimension_semantics<arbitrary>, #tpu.dimension_semantics<arbitrary>], iteration_bounds = array<i64: 25, 2>, scalar_prefetch = 0 : i64, scratch_operands = 0 : i64, tpu.core_type = #tpu.core_type<tc>, window_params = [{transform_indices = @transform_0, window_bounds = array<i64: 400, 256>}, {transform_indices = @transform_1, window_bounds = array<i64: 256, 128>}, {transform_indices = @transform_2, window_bounds = array<i64: 2, 400, 16>}, {transform_indices = @transform_3, window_bounds = array<i64: 1, 400, 128>}, {transform_indices = @transform_4, window_bounds = array<i64: 400, 1>}]} {
    %get3A = arith.constant 0 : index
    %get3A_0 = arith.constant 0 : index
    %get3A_1 = arith.constant 0 : index
    %get3A_2 = vector.load %arg4[%get3A, %get3A_0, %get3A_1] : memref<2x400x16xf32, #tpu.memory_space<vmem>>, vector<1x400x1xf32>
    %get3A_3 = vector.shape_cast %get3A_2 : vector<1x400x1xf32> to vector<400x1xf32>
    %get3A_4 = arith.constant 1 : index
    %get3A_5 = arith.constant 0 : index
    %get3A_6 = arith.constant 0 : index
    %get3A_7 = vector.load %arg4[%get3A_4, %get3A_5, %get3A_6] : memref<2x400x16xf32, #tpu.memory_space<vmem>>, vector<1x400x1xf32>
    %get3A_8 = vector.shape_cast %get3A_7 : vector<1x400x1xf32> to vector<400x1xf32>
    %add3A = arith.addf %get3A_3, %get3A_8 : vector<400x1xf32>
    %add3A_9 = arith.constant 1.000000e+00 : f32
    %add3A_10 = vector.broadcast %add3A_9 : f32 to vector<400x1xf32>
    %add3A_11 = arith.addf %add3A, %add3A_10 : vector<400x1xf32>
    %rsqrt3A = math.rsqrt %add3A_11 : vector<400x1xf32>
    %get3A_12 = arith.constant 0 : index
    %get3A_13 = arith.constant 0 : index
    %get3A_14 = vector.load %arg2[%get3A_12, %get3A_13] : memref<400x256xf32, #tpu.memory_space<vmem>>, vector<400x256xf32>
    %get3A_15 = arith.constant 0 : index
    %get3A_16 = arith.constant 0 : index
    %get3A_17 = vector.load %arg3[%get3A_15, %get3A_16] : memref<256x128xf32, #tpu.memory_space<vmem>>, vector<256x128xf32>
    %dot_general3A = arith.constant dense<0.000000e+00> : vector<400x128xf32>
    %dot_general3A_18 = tpu.matmul %get3A_14, %get3A_17, %dot_general3A {dimension_numbers = #tpu.dot_dimension_numbers<[1], [0], [0], [1], [0, 0, 1, 1], [], []>, transpose_lhs_hint = false} : vector<400x256xf32>, vector<256x128xf32>, vector<400x128xf32> -> vector<400x128xf32>
    %mul3A = vector.broadcast %rsqrt3A : vector<400x1xf32> to vector<400x128xf32>
    %mul3A_19 = arith.mulf %dot_general3A_18, %mul3A : vector<400x128xf32>
    %swap3A = arith.constant 0 : index
    %swap3A_20 = arith.constant 0 : index
    %swap3A_21 = arith.constant 0 : index
    %swap3A_22 = vector.load %arg5[%swap3A, %swap3A_20, %swap3A_21] : memref<1x400x128xf32, #tpu.memory_space<vmem>>, vector<1x400x128xf32>
    %swap3A_23 = vector.shape_cast %swap3A_22 : vector<1x400x128xf32> to vector<400x128xf32>
    %swap3A_24 = vector.shape_cast %mul3A_19 : vector<400x128xf32> to vector<1x400x128xf32>
    tpu.vector_store %arg5[%swap3A, %swap3A_20, %swap3A_21], %swap3A_24 {strides = array<i32>} : memref<1x400x128xf32, #tpu.memory_space<vmem>>, vector<1x400x128xf32>,
    %swap3A_25 = arith.constant 0 : index
    %swap3A_26 = arith.constant 0 : index
    %swap3A_27 = vector.load %arg6[%swap3A_25, %swap3A_26] : memref<400x1xf32, #tpu.memory_space<vmem>>, vector<400x1xf32>
    tpu.vector_store %arg6[%swap3A_25, %swap3A_26], %rsqrt3A {strides = array<i32>} : memref<400x1xf32, #tpu.memory_space<vmem>>, vector<400x1xf32>,
    return
  }
  func.func @transform_0(%arg0: i32, %arg1: i32) -> (i32, i32) {
    %c0_i32 = arith.constant 0 : i32
    %c0_i32_0 = arith.constant 0 : i32
    return %arg0, %c0_i32 : i32, i32
  }
  func.func @transform_1(%arg0: i32, %arg1: i32) -> (i32, i32) {
    %c0_i32 = arith.constant 0 : i32
    %c0_i32_0 = arith.constant 0 : i32
    return %c0_i32, %arg1 : i32, i32
  }
  func.func @transform_2(%arg0: i32, %arg1: i32) -> (i32, i32, i32) {
    %c0_i32 = arith.constant 0 : i32
    %c0_i32_0 = arith.constant 0 : i32
    %c0_i32_1 = arith.constant 0 : i32
    return %c0_i32, %arg0, %c0_i32_0 : i32, i32, i32
  }
  func.func @transform_3(%arg0: i32, %arg1: i32) -> (i32, i32, i32) {
    %c0_i32 = arith.constant 0 : i32
    %c0_i32_0 = arith.constant 0 : i32
    return %arg1, %arg0, %c0_i32 : i32, i32, i32
  }
  func.func @transform_4(%arg0: i32, %arg1: i32) -> (i32, i32) {
    %c0_i32 = arith.constant 0 : i32
    %c0_i32_0 = arith.constant 0 : i32
    return %arg0, %c0_i32 : i32, i32
  }
}

module attributes {stable_mosaic.version = 14 : i64} {
  func.func @_ep_body(%arg0: i32, %arg1: i32, %arg2: memref<1x400x128xf32, #tpu.memory_space<vmem>>, %arg3: memref<1x400x128xf32, #tpu.memory_space<vmem>>, %arg4: memref<400x1xf32, #tpu.memory_space<vmem>>, %arg5: memref<2x128xf32, #tpu.memory_space<vmem>>, %arg6: memref<400x128xf32, #tpu.memory_space<vmem>>) attributes {dimension_semantics = [#tpu.dimension_semantics<arbitrary>, #tpu.dimension_semantics<arbitrary>], iteration_bounds = array<i64: 25, 2>, scalar_prefetch = 0 : i64, scratch_operands = 0 : i64, tpu.core_type = #tpu.core_type<tc>, window_params = [{transform_indices = @transform_0, window_bounds = array<i64: 1, 400, 128>}, {transform_indices = @transform_1, window_bounds = array<i64: 1, 400, 128>}, {transform_indices = @transform_2, window_bounds = array<i64: 400, 1>}, {pipeline_mode = #tpu.pipeline_mode<synchronous>, transform_indices = @transform_3, window_bounds = array<i64: 2, 128>}, {transform_indices = @transform_4, window_bounds = array<i64: 400, 128>}]} {
    %get3A = arith.index_cast %arg1 : i32 to index
    %get3A_0 = arith.constant 0 : index
    %get3A_1 = vector.load %arg5[%get3A, %get3A_0] : memref<2x128xf32, #tpu.memory_space<vmem>>, vector<1x128xf32>
    %get3A_2 = arith.constant 0 : index
    %get3A_3 = arith.constant 0 : index
    %get3A_4 = vector.load %arg4[%get3A_2, %get3A_3] : memref<400x1xf32, #tpu.memory_space<vmem>>, vector<400x1xf32>
    %get3A_5 = arith.constant 0 : index
    %get3A_6 = arith.constant 0 : index
    %get3A_7 = arith.constant 0 : index
    %get3A_8 = vector.load %arg2[%get3A_5, %get3A_6, %get3A_7] : memref<1x400x128xf32, #tpu.memory_space<vmem>>, vector<1x400x128xf32>
    %get3A_9 = vector.shape_cast %get3A_8 : vector<1x400x128xf32> to vector<400x128xf32>
    %get3A_10 = arith.constant 0 : index
    %get3A_11 = arith.constant 0 : index
    %get3A_12 = arith.constant 0 : index
    %get3A_13 = vector.load %arg3[%get3A_10, %get3A_11, %get3A_12] : memref<1x400x128xf32, #tpu.memory_space<vmem>>, vector<1x400x128xf32>
    %get3A_14 = vector.shape_cast %get3A_13 : vector<1x400x128xf32> to vector<400x128xf32>
    %add3A = arith.addf %get3A_9, %get3A_14 : vector<400x128xf32>
    %mul3A = vector.broadcast %get3A_4 : vector<400x1xf32> to vector<400x128xf32>
    %mul3A_15 = arith.mulf %mul3A, %add3A : vector<400x128xf32>
    %add3A_16 = vector.broadcast %get3A_1 : vector<1x128xf32> to vector<400x128xf32>
    %add3A_17 = arith.addf %mul3A_15, %add3A_16 : vector<400x128xf32>
    %max3A = arith.constant 0.000000e+00 : f32
    %max3A_18 = vector.broadcast %max3A : f32 to vector<400x128xf32>
    %max3A_19 = arith.maximumf %add3A_17, %max3A_18 : vector<400x128xf32>
    %swap3A = arith.constant 0 : index
    %swap3A_20 = arith.constant 0 : index
    %swap3A_21 = vector.load %arg6[%swap3A, %swap3A_20] : memref<400x128xf32, #tpu.memory_space<vmem>>, vector<400x128xf32>
    tpu.vector_store %arg6[%swap3A, %swap3A_20], %max3A_19 {strides = array<i32>} : memref<400x128xf32, #tpu.memory_space<vmem>>, vector<400x128xf32>,
    return
  }
  func.func @transform_0(%arg0: i32, %arg1: i32) -> (i32, i32, i32) {
    %c0_i32 = arith.constant 0 : i32
    %c0_i32_0 = arith.constant 0 : i32
    return %arg1, %arg0, %c0_i32 : i32, i32, i32
  }
  func.func @transform_1(%arg0: i32, %arg1: i32) -> (i32, i32, i32) {
    %c0_i32 = arith.constant 0 : i32
    %c0_i32_0 = arith.constant 0 : i32
    return %arg1, %arg0, %c0_i32 : i32, i32, i32
  }
  func.func @transform_2(%arg0: i32, %arg1: i32) -> (i32, i32) {
    %c0_i32 = arith.constant 0 : i32
    %c0_i32_0 = arith.constant 0 : i32
    return %arg0, %c0_i32 : i32, i32
  }
  func.func @transform_3(%arg0: i32, %arg1: i32) -> (i32, i32) {
    %c0_i32 = arith.constant 0 : i32
    %c0_i32_0 = arith.constant 0 : i32
    %c0_i32_1 = arith.constant 0 : i32
    return %c0_i32, %c0_i32_0 : i32, i32
  }
  func.func @transform_4(%arg0: i32, %arg1: i32) -> (i32, i32) {
    %c0_i32 = arith.constant 0 : i32
    return %arg0, %arg1 : i32, i32
  }
}

</mosaic_0001>

<sc_bundles>
// kernel: kernel.6.cloned.1.call-start
scs
__scs_entry_jumppad:
0x0: {  	(pc) =	sbr.rel $0x88, $3  }
0x1: {  	(tag) =	ssettag $0x0;
	lr =	simm.s32 $0x1  }
0x2: {  	[smem:$0x3F9D] =	sst lr;
	_ =	strace $0xD0000000  }
0x3: {  	_ = 	snop  }
0x4: {  	_ = 	snop  }
0x5: {  	_ = 	snop  }
0x6: {  	_ = 	snop  }
0x7: {  	_ = 	snop  }
__scs_overlays_trampoline_lowered:
0x8: {  	[smem:$0x3FAC] =	sst s0  }
0x9: {  	[smem:$0x3FAD] =	sst s1  }
0xa: {  	[smem:$0x3FAE] =	sst s2  }
0xb: {  	[smem:$0x3FAF] =	sst s3  }
0xc: {  	[smem:$0x3FB0] =	sst s4  }
0xd: {  	[smem:$0x3FB1] =	sst s5  }
0xe: {  	[smem:$0x3FB2] =	sst s6  }
0xf: {  	[smem:$0x3FB3] =	sst s7  }
0x10: {  	[smem:$0x3FB4] =	sst s8  }
0x11: {  	[smem:$0x3FB5] =	sst s9;
	s0 =	simm.s32 @!p0 $0x0  }
0x12: {  	s1 =	sld [smem:$0x3F9B];
	s0 =	simm.s32 @p0 $0x1  }
0x13: {  	[smem:$0x3FB6] =	sst s0;
	s0 =	simm.s32 @!p1 $0x0  }
0x14: {  	s2 =	sld [smem:$0x3F9A];
	s0 =	simm.s32 @p1 $0x1  }
0x15: {  	[smem:$0x3FB7] =	sst s0;
	s0 =	simm.s32 @!p2 $0x0  }
0x16: {  	s3 =	sld [smem:$0x3FDB];
	s0 =	simm.s32 @p2 $0x1  }
0x17: {  	s4 =	simm.s32 $0x1BF5;
	[smem:$0x3FB9] =	sst s0  }
0x18: {  	s0 =	sld [smem:$0x3F9C];
	_ =	swait.ge [sflag:s4], $0x0  }
0x19: {  	s7 =	sld [smem:$0x3F9D]  }
0x1a: {  	s8 =	sadd.s32 $0xFFFFE003, lr  }
0x1b: {  	s9 =	sadd.s32 $0xFFFFFEF7, lr;
	s5 =	simm.s32 $0xFFFFFFFF;
	p2 =	slt.u32 s8, $0xFFFFF086  }
0x1c: {  	p1 =	slt.u32 s9, $0xF7A;
	s5 =	simm.s32 @!p2 $0x0  }
0x1d: {  	s5 =	simm.s32 @p1 $0x1;
	p0 =	seq.s32 s7, s2  }
0x1e: {  	s7 =	smul.u32 @!p0 $0xF7A, s2;
	p2 =	seq.s32 @!p0 s5, $0x0  }
0x1f: {  	s9 =	smul.u32 $0xF7A, s1;
	s8 =	simm.s32 @!p0 $0x1BF5;
	p2 =	por !p2, p0  }
0x20: {  	[sflag:s8] =	ssyncset.s32 @!p0 $0xFFFFF086;
	s6 =	sadd.s32 @!p0 s3, s7;
	s7 =	simm.s32 @!p0 $0x108  }
0x21: {  	s3 =	sadd.s32 s3, s9;
	s6 =	sadd.s32 @!p0 $0x88, s6;
	s7 =	simm.s32 @p2 $0x1082  }
0x22: {  	[simem:s7], [sflag:s8] =	dma.local @!p0 [hbm:s6], $0xF7A  }
0x23: {  	s9 =	sor.u32 $0xD0000000, s2;
	s6 =	simm.s32 $0x108;
	_ =	swait.ge @!p0 [sflag:s8], $0x0  }
0x24: {  	s3 =	sadd.s32 $0x88, s3;
	s6 =	simm.s32 @!p1 $0x1082;
	[sflag:s4] =	ssyncset.s32 $0xFFFFF086  }
0x25: {  	[simem:s6], [sflag:s4] =	dma.local [hbm:s3], $0xF7A  }
0x26: {  	[smem:$0x3F9D] =	sst s1;
	(tag) =	ssettag s2;
	_ =	strace s9  }
0x27: {  	s1 =	sld [smem:$0x3FAD]  }
0x28: {  	s2 =	sld [smem:$0x3FAE]  }
0x29: {  	s4 =	sld [smem:$0x3FB0]  }
0x2a: {  	p0 =	seq.s32 s5, $0x0;
	s5 =	sld [smem:$0x3FB1]  }
0x2b: {  	s6 =	sld [smem:$0x3FB2]  }
0x2c: {  	s7 =	sld [smem:$0x3FB3]  }
0x2d: {  	s3 =	simm.s32 $0x108;
	s8 =	sld [smem:$0x3FB4]  }
0x2e: {  	s3 =	simm.s32 @!p0 $0x1082;
	s9 =	sld [smem:$0x3FB5]  }
0x2f: {  	lr =	sadd.s32 s0, s3;
	s0 =	sld [smem:$0x3FAC]  }
0x30: {  	s3 =	sld [smem:$0x3FAF]  }
0x31: {  	[smem:$0x3FB8] =	sst s10  }
0x32: {  	s10 =	sld [smem:$0x3FB6];
	_ =	sdelay $0x3  }
0x33: {  	p0 =	seq.s32 s10, $0x1;
	s10 =	sld [smem:$0x3FB8];
	_ =	sdelay $0x3  }
0x34: {  	[smem:$0x3FB8] =	sst s10  }
0x35: {  	s10 =	sld [smem:$0x3FB7];
	_ =	sdelay $0x3  }
0x36: {  	p1 =	seq.s32 s10, $0x1;
	s10 =	sld [smem:$0x3FB8];
	_ =	sdelay $0x3  }
0x37: {  	[smem:$0x3FB8] =	sst s10  }
0x38: {  	s10 =	sld [smem:$0x3FB9]  }
0x39: {  	_ = 	snop;
	(pc) =	sbr.ind lr, $3  }
0x3a: {  	_ = 	snop  }
0x3b: {  	_ = 	snop  }
0x3c: {  	p2 =	seq.s32 s10, $0x1;
	s10 =	sld [smem:$0x3FB8]  }
0x3d: {  	_ =	shalt  }
0x3e: {  	_ =	shalt  }
0x3f: {  	_ =	shalt  }
0x40: {  	_ =	shalt  }
0x41: {  	_ =	shalt  }
0x42: {  	_ =	shalt  }
0x43: {  	_ =	shalt  }
0x44: {  	_ =	shalt  }
0x45: {  	_ =	shalt  }
0x46: {  	_ =	shalt  }
0x47: {  	_ =	shalt  }
0x48: {  	_ =	shalt  }
0x49: {  	_ =	shalt  }
0x4a: {  	_ =	shalt  }
0x4b: {  	_ =	shalt  }
0x4c: {  	_ =	shalt  }
0x4d: {  	_ =	shalt  }
0x4e: {  	_ =	shalt  }
0x4f: {  	_ =	shalt  }
0x50: {  	_ =	shalt  }
0x51: {  	_ =	shalt  }
0x52: {  	_ =	shalt  }
0x53: {  	_ =	shalt  }
0x54: {  	_ =	shalt  }
0x55: {  	_ =	shalt  }
0x56: {  	_ =	shalt  }
0x57: {  	_ =	shalt  }
0x58: {  	_ =	shalt  }
0x59: {  	_ =	shalt  }
0x5a: {  	_ =	shalt  }
0x5b: {  	_ =	shalt  }
0x5c: {  	_ =	shalt  }
0x5d: {  	_ =	shalt  }
0x5e: {  	_ =	shalt  }
0x5f: {  	_ =	shalt  }
0x60: {  	_ =	shalt  }
0x61: {  	_ =	shalt  }
0x62: {  	_ =	shalt  }
0x63: {  	_ =	shalt  }
0x64: {  	_ =	shalt  }
0x65: {  	_ =	shalt  }
0x66: {  	_ =	shalt  }
0x67: {  	_ =	shalt  }
0x68: {  	_ =	shalt  }
0x69: {  	_ =	shalt  }
0x6a: {  	_ =	shalt  }
0x6b: {  	_ =	shalt  }
0x6c: {  	_ =	shalt  }
0x6d: {  	_ =	shalt  }
0x6e: {  	_ =	shalt  }
0x6f: {  	_ =	shalt  }
0x70: {  	_ =	shalt  }
0x71: {  	_ =	shalt  }
0x72: {  	_ =	shalt  }
0x73: {  	_ =	shalt  }
0x74: {  	_ =	shalt  }
0x75: {  	_ =	shalt  }
0x76: {  	_ =	shalt  }
0x77: {  	_ =	shalt  }
0x78: {  	_ =	shalt  }
0x79: {  	_ =	shalt  }
0x7a: {  	_ =	shalt  }
0x7b: {  	_ =	shalt  }
0x7c: {  	_ =	shalt  }
0x7d: {  	_ =	shalt  }
0x7e: {  	_ =	shalt  }
0x7f: {  	_ =	shalt  }
0x80: {  	_ =	shalt  }
0x81: {  	_ =	shalt  }
0x82: {  	_ =	shalt  }
0x83: {  	_ =	shalt  }
0x84: {  	_ =	shalt  }
0x85: {  	_ =	shalt  }
0x86: {  	_ =	shalt  }
0x87: {  	_ =	shalt  }
.Lfunc_end0:
.L_simem_size_0:
called_computation_lowered:
.L_overlay_start_0:
0x88: {  	s2 =	sld [smem:$0x3FD9]  }
0x89: {  	s3 =	sld [smem:$0x3FFE];
	_ =	sdelay $0x1  }
0x8a: {  	s1 =	srdreg.scid  }
0x8b: {  	s0 =	sand.u32 $0x1, s1  }
0x8c: {  	s16 =	sshll.u32 s0, $0xA;
	s2 =	sadd.s32 s3, s2  }
0x8d: {  	s2 =	sadd.s32 s2, s16  }
0x8e: {  	[smem:$0x3FC4] =	sst s2  }
0x8f: {  	_ = 	snop  }
0x90: {  	(tm) =	ssettm $0x1  }
0x91: {  	s17 =	sld [smem:$0x3FFB];
	_ =	sdelay $0x3  }
0x92: {  	_ =	strace s17  }
0x93: {  	s2 =	sld [smem:$0x3FFC];
	_ =	sdelay $0x3  }
0x94: {  	_ =	strace s2  }
0x95: {  	s2 =	sld [smem:$0x3FFD];
	_ =	sdelay $0x3  }
0x96: {  	_ =	strace s2  }
0x97: {  	_ =	strace $0x8FFFFFFF  }
0x98: {  	s18 =	sld [smem:$0x3FDB];
	_ =	sdelay $0x1  }
0x99: {  	s19 =	simm.s32 $_scs_section_size  }
0x9a: {  	s4 =	simm.s32 $_size__tile_overlayer_lowered;
	s5 =	simm.s32 $_tile_overlayer_lowered  }
0x9b: {  	s22 =	simm.s32 $0x1BFF;
	s21 =	sshll.u32 s5, $0x1;
	s2 =	sadd.s32 s19, s18  }
0x9c: {  	s6 =	simm.s32 $0x0;
	s20 =	sshll.u32 s4, $0x1;
	s4 =	sadd.s32 s21, s2  }
0x9d: {  	[timem:s6], [sflag:s22] =	dma.local [hbm:s4], s20  }
0x9e: {  	_ =	swait.ge [sflag:s22], s20  }
0x9f: {  	s3 =	ssub.s32 $0x0, s20;
	[sflag:s22] =	ssyncset.done $0x0  }
0xa0: {  	[sflag:s22] =	ssyncadd.s32 s3;
	_ =	sdelay $0x1  }
0xa1: {  	s23 =	simm.s32 $0x1B8B  }
0xa2: {  	_ =	swait.ge [sflag:s23], $0x1  }
0xa3: {  	[sflag:s23] =	ssyncset.done $0x0  }
0xa4: {  	s25 =	simm.s32 $0x1B8E;
	s24 =	sld [smem:$0x3FFE];
	[sflag:s23] =	ssyncadd.s32 $0xFFFFFFFF  }
0xa5: {  	s26 =	simm.s32 $execute0_lowered;
	[smem:$0x3FD2] =	sst s25  }
0xa6: {  	s4 =	sshll.u32 s26, $0x1;
	_ =	strace $0x80000046;
	[dreg:$0x1] =	wrdreg $0xFFFFFFFF  }
0xa7: {  	s28 =	simm.s32 $_size_execute0_lowered;
	s2 =	sadd.s32 s2, s4;
	[dreg:$0x0] =	wrdreg $0x0  }
0xa8: {  	s4 =	sshll.u32 s28, $0x1;
	[dreg:$0x2] =	wrdreg s2  }
0xa9: {  	[dreg:$0x3] =	wrdreg s4  }
0xaa: {  	[dreg:$0x4] =	wrdreg $0xC0  }
0xab: {  	_ =	task [dreg:s6], $0x5FFFF  }
0xac: {  	[dreg:$0x1] =	wrdreg $0xFFFFFFFF  }
0xad: {  	[dreg:$0x0] =	wrdreg $0x60  }
0xae: {  	[dreg:$0x2] =	wrdreg s24  }
0xaf: {  	[dreg:$0x3] =	wrdreg $0x0  }
0xb0: {  	[dreg:$0x4] =	wrdreg $0x9  }
0xb1: {  	_ =	task.clear_ibuf [dreg:s6], $0x5FFFF;
	_ =	strace $0x90000046  }
0xb2: {  	s29 =	simm.s32 $0x9;
	_ =	strace $0x80000048  }
0xb3: {  	_ =	swait.ge [sflag:s29], $0x1  }
0xb4: {  	[sflag:s29] =	ssyncadd.s32 $0xFFFFFFFF  }
0xb5: {  	_ =	strace $0x90000048  }
0xb6: {  	_ =	sfence  }
0xb7: {  	s30 =	sld [smem:$0x0];
	_ =	sdelay $0x2  }
0xb8: {  	s31 =	sshll.u32 s1, $0xD;
	s1 =	sshrl.u32 s1, $0x2  }
0xb9: {  	s3 =	sand.u32 $0x4000, s31;
	s1 =	sadd.s32 s1, s30  }
0xba: {  	s0 =	sor.u32 s3, s0;
	s1 =	sshll.u32 s1, $0x11  }
0xbb: {  	s0 =	sor.u32 s1, s0  }
0xbc: {  	s0 =	sadd.s32 $0x8F2B, s0  }
0xbd: {  	[sflag:s0] =	ssyncadd.remote.s32 $0x1  }
0xbe: {  	_ =	sfence.sel $0xFFFF  }
0xbf: {  	[dreg:$0x0] =	wrdreg $0xFFFFFFFF;
	(pc) =	sbr.abs _section_cstart, $3  }
0xc0: {  	[dreg:$0x1] =	wrdreg $0xFFFFFFFF  }
0xc1: {  	_ =	task.clear_ibuf [dreg:s6], $0x2FFFF;
	_ =	strace $0x9FFFFFFF  }
0xc2: {  	(tm) =	ssettm $0x7FFFFFFF  }
0xc3: {  	_ =	shalt  }
tec
execute0_lowered:
.L_overlay_start_1:
0x0: {  	(tag) =	ssettag $0x1  }
0x1: {  	s5 =	rddreg [dreg:$0x0];
	s2 =	simm.s32 $0x0  }
0x2: {  	v0 =	vimm.f32 $1.000000000e+00;
	[smem:$0x7FF] =	sst s2  }
0x3: {  	s1 =	rddreg [dreg:$0x1];
	v1 =	vimm.f32 $0.0e+00;
	_ =	strace $0x80000047;
	[tilespmem:$0x3C80] =	vst v0  }
0x4: {  	[tilespmem:$0x7C80] =	vst v1  }
0x5: {  	[tilespmem:$0x3D00] =	vst v0  }
0x6: {  	[tilespmem:$0x7D00] =	vst v1  }
0x7: {  	[tilespmem:$0x3D80] =	vst v0  }
0x8: {  	[tilespmem:$0x7D80] =	vst v1  }
0x9: {  	[tilespmem:$0x3E00] =	vst v0  }
0xa: {  	[tilespmem:$0x7E00] =	vst v1  }
0xb: {  	[tilespmem:$0x3E80] =	vst v0  }
0xc: {  	[tilespmem:$0x7E80] =	vst v1  }
0xd: {  	[tilespmem:$0x3F00] =	vst v0  }
0xe: {  	[tilespmem:$0x7F00] =	vst v1  }
0xf: {  	[tilespmem:$0x3F80] =	vst v0  }
0x10: {  	[tilespmem:$0x7F80] =	vst v1  }
0x11: {  	[tilespmem:$0x4000] =	vst v0  }
0x12: {  	[tilespmem:$0x8000] =	vst v1  }
0x13: {  	[tilespmem:$0x4080] =	vst v0  }
0x14: {  	[tilespmem:$0x8080] =	vst v1  }
0x15: {  	[tilespmem:$0x4100] =	vst v0  }
0x16: {  	[tilespmem:$0x3C00] =	vst v0  }
0x17: {  	[tilespmem:$0xBB80] =	vst v1  }
0x18: {  	[tilespmem:$0x7B80] =	vst v0  }
0x19: {  	[tilespmem:$0xBB00] =	vst v1  }
0x1a: {  	[tilespmem:$0x7B00] =	vst v0  }
0x1b: {  	[tilespmem:$0xBA80] =	vst v1  }
0x1c: {  	[tilespmem:$0x7A80] =	vst v0  }
0x1d: {  	[tilespmem:$0xBA00] =	vst v1  }
0x1e: {  	[tilespmem:$0x7A00] =	vst v0  }
0x1f: {  	[tilespmem:$0xB980] =	vst v1  }
0x20: {  	[tilespmem:$0x7980] =	vst v0  }
0x21: {  	[tilespmem:$0xB900] =	vst v1  }
0x22: {  	[tilespmem:$0x7900] =	vst v0  }
0x23: {  	[tilespmem:$0xB880] =	vst v1  }
0x24: {  	[tilespmem:$0x7880] =	vst v0  }
0x25: {  	[tilespmem:$0xB800] =	vst v1  }
0x26: {  	[tilespmem:$0x7800] =	vst v0  }
0x27: {  	[tilespmem:$0xB780] =	vst v1  }
0x28: {  	[tilespmem:$0x7780] =	vst v0  }
0x29: {  	[tilespmem:$0xB700] =	vst v1  }
0x2a: {  	[tilespmem:$0x7700] =	vst v0  }
0x2b: {  	[tilespmem:$0xB680] =	vst v1  }
0x2c: {  	[tilespmem:$0x7680] =	vst v0  }
0x2d: {  	[tilespmem:$0xB600] =	vst v1  }
0x2e: {  	[tilespmem:$0x7600] =	vst v0  }
0x2f: {  	[tilespmem:$0xB580] =	vst v1  }
0x30: {  	[tilespmem:$0x7580] =	vst v0  }
0x31: {  	[tilespmem:$0xB500] =	vst v1  }
0x32: {  	[tilespmem:$0x7500] =	vst v0  }
0x33: {  	[tilespmem:$0xB480] =	vst v1  }
0x34: {  	[tilespmem:$0x7480] =	vst v0  }
0x35: {  	[tilespmem:$0xB400] =	vst v1  }
0x36: {  	[tilespmem:$0x7400] =	vst v0  }
0x37: {  	[tilespmem:$0xB380] =	vst v1  }
0x38: {  	[tilespmem:$0x7380] =	vst v0  }
0x39: {  	[tilespmem:$0xB300] =	vst v1  }
0x3a: {  	[tilespmem:$0x7300] =	vst v0  }
0x3b: {  	[tilespmem:$0xB280] =	vst v1  }
0x3c: {  	[tilespmem:$0x7280] =	vst v0  }
0x3d: {  	[tilespmem:$0xB200] =	vst v1  }
0x3e: {  	[tilespmem:$0x7200] =	vst v0  }
0x3f: {  	[tilespmem:$0xB180] =	vst v1  }
0x40: {  	[tilespmem:$0x7180] =	vst v0  }
0x41: {  	[tilespmem:$0xB100] =	vst v1  }
0x42: {  	[tilespmem:$0x7100] =	vst v0  }
0x43: {  	[tilespmem:$0xB080] =	vst v1  }
0x44: {  	[tilespmem:$0x7080] =	vst v0  }
0x45: {  	[tilespmem:$0xB000] =	vst v1  }
0x46: {  	[tilespmem:$0x7000] =	vst v0  }
0x47: {  	[tilespmem:$0xAF80] =	vst v1  }
0x48: {  	[tilespmem:$0x6F80] =	vst v0  }
0x49: {  	[tilespmem:$0xAF00] =	vst v1  }
0x4a: {  	[tilespmem:$0x6F00] =	vst v0  }
0x4b: {  	[tilespmem:$0xAE80] =	vst v1  }
0x4c: {  	[tilespmem:$0x6E80] =	vst v0  }
0x4d: {  	[tilespmem:$0xAE00] =	vst v1  }
0x4e: {  	[tilespmem:$0x6E00] =	vst v0  }
0x4f: {  	[tilespmem:$0xAD80] =	vst v1  }
0x50: {  	[tilespmem:$0x6D80] =	vst v0  }
0x51: {  	[tilespmem:$0xAD00] =	vst v1  }
0x52: {  	[tilespmem:$0x6D00] =	vst v0  }
0x53: {  	[tilespmem:$0xAC80] =	vst v1  }
0x54: {  	[tilespmem:$0x6C80] =	vst v0  }
0x55: {  	[tilespmem:$0xAC00] =	vst v1  }
0x56: {  	[tilespmem:$0x6C00] =	vst v0  }
0x57: {  	[tilespmem:$0xA900] =	vst v1  }
0x58: {  	[tilespmem:$0xAB80] =	vst v1  }
0x59: {  	[tilespmem:$0x6B80] =	vst v0  }
0x5a: {  	[tilespmem:$0xAB00] =	vst v1  }
0x5b: {  	[tilespmem:$0x6B00] =	vst v0  }
0x5c: {  	[tilespmem:$0xAA80] =	vst v1  }
0x5d: {  	[tilespmem:$0x6A80] =	vst v0  }
0x5e: {  	[tilespmem:$0xAA00] =	vst v1  }
0x5f: {  	[tilespmem:$0x6A00] =	vst v0  }
0x60: {  	[tilespmem:$0xA980] =	vst v1  }
0x61: {  	[tilespmem:$0x6980] =	vst v0  }
0x62: {  	[tilespmem:$0x6900] =	vst v0  }
0x63: {  	[tilespmem:$0xA880] =	vst v1  }
0x64: {  	[tilespmem:$0x6880] =	vst v0  }
0x65: {  	[tilespmem:$0xA800] =	vst v1  }
0x66: {  	[tilespmem:$0x6800] =	vst v0  }
0x67: {  	[tilespmem:$0xA780] =	vst v1  }
0x68: {  	[tilespmem:$0x6780] =	vst v0  }
0x69: {  	[tilespmem:$0xA700] =	vst v1  }
0x6a: {  	[tilespmem:$0x6700] =	vst v0  }
0x6b: {  	[tilespmem:$0xA680] =	vst v1  }
0x6c: {  	[tilespmem:$0x6680] =	vst v0  }
0x6d: {  	[tilespmem:$0xA600] =	vst v1  }
0x6e: {  	[tilespmem:$0x6600] =	vst v0  }
0x6f: {  	[tilespmem:$0xA580] =	vst v1  }
0x70: {  	[tilespmem:$0x6580] =	vst v0  }
0x71: {  	[tilespmem:$0xA500] =	vst v1  }
0x72: {  	[tilespmem:$0x6500] =	vst v0  }
0x73: {  	[tilespmem:$0xA480] =	vst v1  }
0x74: {  	[tilespmem:$0x6480] =	vst v0  }
0x75: {  	[tilespmem:$0xA400] =	vst v1  }
0x76: {  	[tilespmem:$0x6400] =	vst v0  }
0x77: {  	[tilespmem:$0xA380] =	vst v1  }
0x78: {  	[tilespmem:$0x6380] =	vst v0  }
0x79: {  	[tilespmem:$0xA300] =	vst v1  }
0x7a: {  	[tilespmem:$0x6300] =	vst v0  }
0x7b: {  	[tilespmem:$0xA280] =	vst v1  }
0x7c: {  	[tilespmem:$0x6280] =	vst v0  }
0x7d: {  	[tilespmem:$0xA200] =	vst v1  }
0x7e: {  	[tilespmem:$0x6200] =	vst v0  }
0x7f: {  	[tilespmem:$0xA180] =	vst v1  }
0x80: {  	[tilespmem:$0x6180] =	vst v0  }
0x81: {  	[tilespmem:$0xA100] =	vst v1  }
0x82: {  	[tilespmem:$0x6100] =	vst v0  }
0x83: {  	[tilespmem:$0xA080] =	vst v1  }
0x84: {  	[tilespmem:$0x6080] =	vst v0  }
0x85: {  	[tilespmem:$0xA000] =	vst v1  }
0x86: {  	[tilespmem:$0x6000] =	vst v0  }
0x87: {  	[tilespmem:$0x9F80] =	vst v1  }
0x88: {  	[tilespmem:$0x5F80] =	vst v0  }
0x89: {  	[tilespmem:$0x9F00] =	vst v1  }
0x8a: {  	[tilespmem:$0x5F00] =	vst v0  }
0x8b: {  	[tilespmem:$0x9E80] =	vst v1  }
0x8c: {  	[tilespmem:$0x5E80] =	vst v0  }
0x8d: {  	[tilespmem:$0x9E00] =	vst v1  }
0x8e: {  	[tilespmem:$0x5E00] =	vst v0  }
0x8f: {  	[tilespmem:$0x9D80] =	vst v1  }
0x90: {  	[tilespmem:$0x5D80] =	vst v0  }
0x91: {  	[tilespmem:$0x9D00] =	vst v1  }
0x92: {  	[tilespmem:$0x5D00] =	vst v0  }
0x93: {  	[tilespmem:$0x9C80] =	vst v1  }
0x94: {  	[tilespmem:$0x5C80] =	vst v0  }
0x95: {  	[tilespmem:$0x9C00] =	vst v1  }
0x96: {  	[tilespmem:$0x5C00] =	vst v0  }
0x97: {  	[tilespmem:$0x9B80] =	vst v1  }
0x98: {  	[tilespmem:$0x5B80] =	vst v0  }
0x99: {  	[tilespmem:$0x9B00] =	vst v1  }
0x9a: {  	[tilespmem:$0x5B00] =	vst v0  }
0x9b: {  	[tilespmem:$0x9A80] =	vst v1  }
0x9c: {  	[tilespmem:$0x5A80] =	vst v0  }
0x9d: {  	[tilespmem:$0x9A00] =	vst v1  }
0x9e: {  	[tilespmem:$0x5A00] =	vst v0  }
0x9f: {  	[tilespmem:$0x9980] =	vst v1  }
0xa0: {  	[tilespmem:$0x5980] =	vst v0  }
0xa1: {  	[tilespmem:$0x9900] =	vst v1  }
0xa2: {  	[tilespmem:$0x5900] =	vst v0  }
0xa3: {  	[tilespmem:$0x9880] =	vst v1  }
0xa4: {  	[tilespmem:$0x5880] =	vst v0  }
0xa5: {  	[tilespmem:$0x9800] =	vst v1  }
0xa6: {  	[tilespmem:$0x5800] =	vst v0  }
0xa7: {  	[tilespmem:$0x9780] =	vst v1  }
0xa8: {  	[tilespmem:$0x5780] =	vst v0  }
0xa9: {  	[tilespmem:$0x9700] =	vst v1  }
0xaa: {  	[tilespmem:$0x5700] =	vst v0  }
0xab: {  	[tilespmem:$0x9680] =	vst v1  }
0xac: {  	[tilespmem:$0x5680] =	vst v0  }
0xad: {  	[tilespmem:$0x9600] =	vst v1  }
0xae: {  	[tilespmem:$0x5600] =	vst v0  }
0xaf: {  	[tilespmem:$0x9580] =	vst v1  }
0xb0: {  	[tilespmem:$0x5580] =	vst v0  }
0xb1: {  	[tilespmem:$0x9500] =	vst v1  }
0xb2: {  	[tilespmem:$0x5500] =	vst v0  }
0xb3: {  	[tilespmem:$0x9480] =	vst v1  }
0xb4: {  	[tilespmem:$0x5480] =	vst v0  }
0xb5: {  	[tilespmem:$0x9400] =	vst v1  }
0xb6: {  	[tilespmem:$0x5400] =	vst v0  }
0xb7: {  	[tilespmem:$0x9380] =	vst v1  }
0xb8: {  	[tilespmem:$0x5380] =	vst v0  }
0xb9: {  	[tilespmem:$0x9300] =	vst v1  }
0xba: {  	[tilespmem:$0x5300] =	vst v0  }
0xbb: {  	[tilespmem:$0x9280] =	vst v1  }
0xbc: {  	[tilespmem:$0x5280] =	vst v0  }
0xbd: {  	[tilespmem:$0x9200] =	vst v1  }
0xbe: {  	[tilespmem:$0x5200] =	vst v0  }
0xbf: {  	[tilespmem:$0x9180] =	vst v1  }
0xc0: {  	[tilespmem:$0x5180] =	vst v0  }
0xc1: {  	[tilespmem:$0x9100] =	vst v1  }
0xc2: {  	[tilespmem:$0x5100] =	vst v0  }
0xc3: {  	[tilespmem:$0x9080] =	vst v1  }
0xc4: {  	[tilespmem:$0x5080] =	vst v0  }
0xc5: {  	[tilespmem:$0x9000] =	vst v1  }
0xc6: {  	[tilespmem:$0x5000] =	vst v0  }
0xc7: {  	[tilespmem:$0x8F80] =	vst v1  }
0xc8: {  	[tilespmem:$0x4F80] =	vst v0  }
0xc9: {  	[tilespmem:$0x8F00] =	vst v1  }
0xca: {  	[tilespmem:$0x4F00] =	vst v0  }
0xcb: {  	[tilespmem:$0x8E80] =	vst v1  }
0xcc: {  	[tilespmem:$0x4E80] =	vst v0  }
0xcd: {  	[tilespmem:$0x8E00] =	vst v1  }
0xce: {  	[tilespmem:$0x4E00] =	vst v0  }
0xcf: {  	[tilespmem:$0x8D80] =	vst v1  }
0xd0: {  	[tilespmem:$0x4D80] =	vst v0  }
0xd1: {  	[tilespmem:$0x8D00] =	vst v1  }
0xd2: {  	[tilespmem:$0x4D00] =	vst v0  }
0xd3: {  	[tilespmem:$0x8C80] =	vst v1  }
0xd4: {  	[tilespmem:$0x4C80] =	vst v0  }
0xd5: {  	[tilespmem:$0x8C00] =	vst v1  }
0xd6: {  	[tilespmem:$0x4C00] =	vst v0  }
0xd7: {  	[tilespmem:$0x8B80] =	vst v1  }
0xd8: {  	[tilespmem:$0x4B80] =	vst v0  }
0xd9: {  	[tilespmem:$0x8B00] =	vst v1  }
0xda: {  	[tilespmem:$0x4B00] =	vst v0  }
0xdb: {  	[tilespmem:$0x8A80] =	vst v1  }
0xdc: {  	[tilespmem:$0x4A80] =	vst v0  }
0xdd: {  	[tilespmem:$0x8A00] =	vst v1  }
0xde: {  	[tilespmem:$0x4A00] =	vst v0  }
0xdf: {  	[tilespmem:$0x8980] =	vst v1  }
0xe0: {  	[tilespmem:$0x4980] =	vst v0  }
0xe1: {  	[tilespmem:$0x8900] =	vst v1  }
0xe2: {  	[tilespmem:$0x4900] =	vst v0  }
0xe3: {  	[tilespmem:$0x8880] =	vst v1  }
0xe4: {  	[tilespmem:$0x4880] =	vst v0  }
0xe5: {  	s21 =	simm.s32 $0x2880;
	[tilespmem:$0x8800] =	vst v1  }
0xe6: {  	s22 =	simm.s32 $0x2900;
	[tilespmem:$0x4800] =	vst v0;
	[dreg:$0x9] =	wrdreg s21  }
0xe7: {  	s23 =	simm.s32 $0x2980;
	[tilespmem:$0x4780] =	vst v0;
	[dreg:$0xa] =	wrdreg s22  }
0xe8: {  	s24 =	simm.s32 $0x2A00;
	[tilespmem:$0x4700] =	vst v0;
	[dreg:$0xb] =	wrdreg s23  }
0xe9: {  	s4 =	srdreg.scid;
	s25 =	simm.s32 $0x2A80;
	[tilespmem:$0x4680] =	vst v0;
	[dreg:$0xc] =	wrdreg s24  }
0xea: {  	s3 =	stileid.u32;
	s26 =	simm.s32 $0x2B00;
	[tilespmem:$0x4600] =	vst v0;
	[dreg:$0xd] =	wrdreg s25  }
0xeb: {  	s31 =	simm.s32 $0x2B80;
	s10 =	simm.s32 $0x2E80;
	[tilespmem:$0x4500] =	vst v0;
	[dreg:$0xe] =	wrdreg s26  }
0xec: {  	s11 =	simm.s32 $0x2F00;
	s16 =	smul.u32 $0x50000, s3;
	[tilespmem:$0x4480] =	vst v0;
	[dreg:$0xf] =	wrdreg s31  }
0xed: {  	s28 =	sand.u32 $0x1, s4;
	s7 =	smul.u32 $0x280, s3;
	[tilespmem:$0x4400] =	vst v0;
	[dreg:$0x15] =	wrdreg s10  }
0xee: {  	s12 =	simm.s32 $0x2F80;
	s6 =	smul.u32 $0x2800, s28;
	[tilespmem:$0x4380] =	vst v0;
	[dreg:$0x16] =	wrdreg s11  }
0xef: {  	s13 =	simm.s32 $0x3000;
	s17 =	smul.u32 $0x14000, s3;
	[tilespmem:$0x4300] =	vst v0;
	[dreg:$0x17] =	wrdreg s12  }
0xf0: {  	s8 =	smul.u32 $0x140000, s28;
	[tilespmem:$0x4280] =	vst v0;
	[dreg:$0x18] =	wrdreg s13;
	s6 =	sadd.s32 s7, s6  }
0xf1: {  	[tilespmem:$0x4200] =	vst v0;
	s4 =	sshrl.u32 s16, $0x2;
	s16 =	simm.s32 $0x3180;
	s6 =	sadd.s32 s6, s5  }
0xf2: {  	[tilespmem:$0x4180] =	vst v0;
	[dreg:$0x1b] =	wrdreg s16;
	s6 =	sadd.s32 $0x5C00, s6  }
0xf3: {  	[tilespmem:$0x8180] =	vst v1;
	s7 =	sadd.s32 s17, s8;
	s17 =	simm.s32 $0x3200;
	[dreg:$0x7] =	wrdreg s6  }
0xf4: {  	s15 =	simm.s32 $0x3100;
	[tilespmem:$0x8200] =	vst v1;
	[dreg:$0x1c] =	wrdreg s17  }
0xf5: {  	s14 =	simm.s32 $0x3080;
	[tilespmem:$0x8280] =	vst v1;
	[dreg:$0x1a] =	wrdreg s15  }
0xf6: {  	[tilespmem:$0x8300] =	vst v1;
	[dreg:$0x19] =	wrdreg s14;
	s4 =	sadd.s32 s4, s1;
	s8 =	simm.s32 $0x2D80  }
0xf7: {  	[tilespmem:$0x8380] =	vst v1;
	s9 =	sadd.s32 $0x4000, s4;
	[dreg:$0x13] =	wrdreg s8  }
0xf8: {  	[tilespmem:$0x8400] =	vst v1;
	s7 =	sshrl.u32 s7, $0x3;
	[dreg:$0x3] =	wrdreg s9;
	s9 =	simm.s32 $0x2E00  }
0xf9: {  	[tilespmem:$0x8480] =	vst v1;
	[dreg:$0x14] =	wrdreg s9;
	s5 =	sadd.s32 s7, s5;
	s7 =	simm.s32 $0x2D00  }
0xfa: {  	s0 =	simm.s32 $0x2C00;
	[tilespmem:$0x8500] =	vst v1;
	[dreg:$0x12] =	wrdreg s7  }
0xfb: {  	[dreg:$0x10] =	wrdreg s0;
	[tilespmem:$0x8580] =	vst v1;
	s18 =	sadd.s32 $0x8000, s4  }
0xfc: {  	[tilespmem:$0x8600] =	vst v1;
	s19 =	sadd.s32 $0xC000, s4;
	[dreg:$0x4] =	wrdreg s18  }
0xfd: {  	[tilespmem:$0x8680] =	vst v1;
	s20 =	sadd.s32 $0x10000, s4;
	[dreg:$0x5] =	wrdreg s19  }
0xfe: {  	[tilespmem:$0x8700] =	vst v1;
	[dreg:$0x6] =	wrdreg s20;
	s18 =	simm.s32 $0x3280  }
0xff: {  	[tilespmem:$0x8780] =	vst v1;
	s19 =	simm.s32 $0x3300;
	[dreg:$0x1d] =	wrdreg s18  }
0x100: {  	[tilespmem:$0x8100] =	vst v1;
	s5 =	sadd.s32 $0xAC00, s5;
	[dreg:$0x1e] =	wrdreg s19  }
0x101: {  	[tilespmem:$0x7C00] =	vst v1;
	s6 =	simm.s32 $0x2C80;
	[dreg:$0x8] =	wrdreg s5  }
0x102: {  	[tilespmem:$0x4580] =	vst v0;
	[dreg:$0x11] =	wrdreg s6;
	s6 =	simm.s32 $0x7C00;
	s5 =	simm.s32 $0x1  }
0x103: {  	[spmem:s4] =	stream.linear.scatter [tilespmem:s6], [sflag:$0x1], $0x4000, $0x38;
	[tilespmem:$0xBC00] =	vst v63  }
0x104: {  	_ =	swait.ge [sflag:s5], $0x4000  }
0x105: {  	[sflag:s5] =	ssyncset.done $0x0  }
0x106: {  	s20 =	rddreg [dreg:$0x3];
	[sflag:s5] =	ssyncadd.s32 $0xFFFFC000  }
0x107: {  	[spmem:s20] =	stream.linear.scatter [tilespmem:s6], [sflag:$0x1], $0x4000, $0x38;
	[tilespmem:$0xBC00] =	vst v63  }
0x108: {  	_ =	swait.ge [sflag:s5], $0x4000  }
0x109: {  	[sflag:s5] =	ssyncset.done $0x0  }
0x10a: {  	s21 =	rddreg [dreg:$0x4];
	[sflag:s5] =	ssyncadd.s32 $0xFFFFC000  }
0x10b: {  	[spmem:s21] =	stream.linear.scatter [tilespmem:s6], [sflag:$0x1], $0x4000, $0x38;
	[tilespmem:$0xBC00] =	vst v63  }
0x10c: {  	_ =	swait.ge [sflag:s5], $0x4000  }
0x10d: {  	[sflag:s5] =	ssyncset.done $0x0  }
0x10e: {  	s22 =	rddreg [dreg:$0x5];
	[sflag:s5] =	ssyncadd.s32 $0xFFFFC000  }
0x10f: {  	[spmem:s22] =	stream.linear.scatter [tilespmem:s6], [sflag:$0x1], $0x4000, $0x38;
	[tilespmem:$0xBC00] =	vst v63  }
0x110: {  	_ =	swait.ge [sflag:s5], $0x4000  }
0x111: {  	[sflag:s5] =	ssyncset.done $0x0  }
0x112: {  	s23 =	rddreg [dreg:$0x6];
	[sflag:s5] =	ssyncadd.s32 $0xFFFFC000  }
0x113: {  	[spmem:s23] =	stream.linear.scatter [tilespmem:s6], [sflag:$0x1], $0x4000, $0x38;
	[tilespmem:$0xBC00] =	vst v63  }
0x114: {  	_ =	swait.ge [sflag:s5], $0x4000  }
0x115: {  	[sflag:s5] =	ssyncset.done $0x0  }
0x116: {  	[sflag:s5] =	ssyncadd.s32 $0xFFFFC000  }
0x117: {  	[bflag:$0x0] =	sbarrier.arrive $0xFFFF  }
0x118: {  	s7 =	simm.s32 $0x2800;
	s24 =	rddreg [dreg:$0x7]  }
0x119: {  	[tilespmem:s7], [sflag:$0x1] =	stream.linear.gather [hbm4b:s24+s2], $0x1400, $0x38;
	[tilespmem:$0xBC00] =	vst v63  }
0x11a: {  	_ =	swait.ge [sflag:s5], $0x1400  }
0x11b: {  	[sflag:s5] =	ssyncset.done $0x0  }
0x11c: {  	s8 =	simm.s32 $0x80;
	s9 =	simm.s32 $0x3C00;
	[sflag:s5] =	ssyncadd.s32 $0xFFFFEC00  }
0x11d: {  	[spmem:s1] =	stream.indirect.scatter.add.f32 [tilespmem:s9], [sflag:$0x1], $0x10, s7, s8, $0xb8;
	[tilespmem:$0xBC00] =	vst v63  }
0x11e: {  	_ =	swait.ge [sflag:s5], $0x800  }
0x11f: {  	[sflag:s5] =	ssyncset.done $0x0  }
0x120: {  	s10 =	rddreg [dreg:$0x9];
	[sflag:s5] =	ssyncadd.s32 $0xFFFFF800  }
0x121: {  	[spmem:s1] =	stream.indirect.scatter.add.f32 [tilespmem:s9], [sflag:$0x1], $0x10, s10, s8, $0xb8;
	[tilespmem:$0xBC00] =	vst v63  }
0x122: {  	_ =	swait.ge [sflag:s5], $0x800  }
0x123: {  	[sflag:s5] =	ssyncset.done $0x0  }
0x124: {  	s25 =	rddreg [dreg:$0xa];
	[sflag:s5] =	ssyncadd.s32 $0xFFFFF800  }
0x125: {  	[spmem:s1] =	stream.indirect.scatter.add.f32 [tilespmem:s9], [sflag:$0x1], $0x10, s25, s8, $0xb8;
	[tilespmem:$0xBC00] =	vst v63  }
0x126: {  	_ =	swait.ge [sflag:s5], $0x800  }
0x127: {  	[sflag:s5] =	ssyncset.done $0x0  }
0x128: {  	s26 =	rddreg [dreg:$0xb];
	[sflag:s5] =	ssyncadd.s32 $0xFFFFF800  }
0x129: {  	[spmem:s1] =	stream.indirect.scatter.add.f32 [tilespmem:s9], [sflag:$0x1], $0x10, s26, s8, $0xb8;
	[tilespmem:$0xBC00] =	vst v63  }
0x12a: {  	_ =	swait.ge [sflag:s5], $0x800  }
0x12b: {  	[sflag:s5] =	ssyncset.done $0x0  }
0x12c: {  	s31 =	rddreg [dreg:$0xc];
	[sflag:s5] =	ssyncadd.s32 $0xFFFFF800  }
0x12d: {  	[spmem:s1] =	stream.indirect.scatter.add.f32 [tilespmem:s9], [sflag:$0x1], $0x10, s31, s8, $0xb8;
	[tilespmem:$0xBC00] =	vst v63  }
0x12e: {  	_ =	swait.ge [sflag:s5], $0x800  }
0x12f: {  	[sflag:s5] =	ssyncset.done $0x0  }
0x130: {  	s0 =	rddreg [dreg:$0xd];
	[sflag:s5] =	ssyncadd.s32 $0xFFFFF800  }
0x131: {  	[spmem:s1] =	stream.indirect.scatter.add.f32 [tilespmem:s9], [sflag:$0x1], $0x10, s0, s8, $0xb8;
	[tilespmem:$0xBC00] =	vst v63  }
0x132: {  	_ =	swait.ge [sflag:s5], $0x800  }
0x133: {  	[sflag:s5] =	ssyncset.done $0x0  }
0x134: {  	s11 =	rddreg [dreg:$0xe];
	[sflag:s5] =	ssyncadd.s32 $0xFFFFF800  }
0x135: {  	[spmem:s1] =	stream.indirect.scatter.add.f32 [tilespmem:s9], [sflag:$0x1], $0x10, s11, s8, $0xb8;
	[tilespmem:$0xBC00] =	vst v63  }
0x136: {  	_ =	swait.ge [sflag:s5], $0x800  }
0x137: {  	[sflag:s5] =	ssyncset.done $0x0  }
0x138: {  	s12 =	rddreg [dreg:$0xf];
	[sflag:s5] =	ssyncadd.s32 $0xFFFFF800  }
0x139: {  	[spmem:s1] =	stream.indirect.scatter.add.f32 [tilespmem:s9], [sflag:$0x1], $0x10, s12, s8, $0xb8;
	[tilespmem:$0xBC00] =	vst v63  }
0x13a: {  	_ =	swait.ge [sflag:s5], $0x800  }
0x13b: {  	[sflag:s5] =	ssyncset.done $0x0  }
0x13c: {  	s13 =	rddreg [dreg:$0x10];
	[sflag:s5] =	ssyncadd.s32 $0xFFFFF800  }
0x13d: {  	[spmem:s1] =	stream.indirect.scatter.add.f32 [tilespmem:s9], [sflag:$0x1], $0x10, s13, s8, $0xb8;
	[tilespmem:$0xBC00] =	vst v63  }
0x13e: {  	_ =	swait.ge [sflag:s5], $0x800  }
0x13f: {  	[sflag:s5] =	ssyncset.done $0x0  }
0x140: {  	s14 =	rddreg [dreg:$0x11];
	[sflag:s5] =	ssyncadd.s32 $0xFFFFF800  }
0x141: {  	[spmem:s1] =	stream.indirect.scatter.add.f32 [tilespmem:s9], [sflag:$0x1], $0x10, s14, s8, $0xb8;
	[tilespmem:$0xBC00] =	vst v63  }
0x142: {  	_ =	swait.ge [sflag:s5], $0x800  }
0x143: {  	[sflag:s5] =	ssyncset.done $0x0  }
0x144: {  	s15 =	rddreg [dreg:$0x12];
	[sflag:s5] =	ssyncadd.s32 $0xFFFFF800  }
0x145: {  	[spmem:s1] =	stream.indirect.scatter.add.f32 [tilespmem:s9], [sflag:$0x1], $0x10, s15, s8, $0xb8;
	[tilespmem:$0xBC00] =	vst v63  }
0x146: {  	_ =	swait.ge [sflag:s5], $0x800  }
0x147: {  	[sflag:s5] =	ssyncset.done $0x0  }
0x148: {  	s16 =	rddreg [dreg:$0x13];
	[sflag:s5] =	ssyncadd.s32 $0xFFFFF800  }
0x149: {  	[spmem:s1] =	stream.indirect.scatter.add.f32 [tilespmem:s9], [sflag:$0x1], $0x10, s16, s8, $0xb8;
	[tilespmem:$0xBC00] =	vst v63  }
0x14a: {  	_ =	swait.ge [sflag:s5], $0x800  }
0x14b: {  	[sflag:s5] =	ssyncset.done $0x0  }
0x14c: {  	s17 =	rddreg [dreg:$0x14];
	[sflag:s5] =	ssyncadd.s32 $0xFFFFF800  }
0x14d: {  	[spmem:s1] =	stream.indirect.scatter.add.f32 [tilespmem:s9], [sflag:$0x1], $0x10, s17, s8, $0xb8;
	[tilespmem:$0xBC00] =	vst v63  }
0x14e: {  	_ =	swait.ge [sflag:s5], $0x800  }
0x14f: {  	[sflag:s5] =	ssyncset.done $0x0  }
0x150: {  	s18 =	rddreg [dreg:$0x15];
	[sflag:s5] =	ssyncadd.s32 $0xFFFFF800  }
0x151: {  	[spmem:s1] =	stream.indirect.scatter.add.f32 [tilespmem:s9], [sflag:$0x1], $0x10, s18, s8, $0xb8;
	[tilespmem:$0xBC00] =	vst v63  }
0x152: {  	_ =	swait.ge [sflag:s5], $0x800  }
0x153: {  	[sflag:s5] =	ssyncset.done $0x0  }
0x154: {  	s19 =	rddreg [dreg:$0x16];
	[sflag:s5] =	ssyncadd.s32 $0xFFFFF800  }
0x155: {  	[spmem:s1] =	stream.indirect.scatter.add.f32 [tilespmem:s9], [sflag:$0x1], $0x10, s19, s8, $0xb8;
	[tilespmem:$0xBC00] =	vst v63  }
0x156: {  	_ =	swait.ge [sflag:s5], $0x800  }
0x157: {  	[sflag:s5] =	ssyncset.done $0x0  }
0x158: {  	s20 =	rddreg [dreg:$0x17];
	[sflag:s5] =	ssyncadd.s32 $0xFFFFF800  }
0x159: {  	[spmem:s1] =	stream.indirect.scatter.add.f32 [tilespmem:s9], [sflag:$0x1], $0x10, s20, s8, $0xb8;
	[tilespmem:$0xBC00] =	vst v63  }
0x15a: {  	_ =	swait.ge [sflag:s5], $0x800  }
0x15b: {  	[sflag:s5] =	ssyncset.done $0x0  }
0x15c: {  	s21 =	rddreg [dreg:$0x18];
	[sflag:s5] =	ssyncadd.s32 $0xFFFFF800  }
0x15d: {  	[spmem:s1] =	stream.indirect.scatter.add.f32 [tilespmem:s9], [sflag:$0x1], $0x10, s21, s8, $0xb8;
	[tilespmem:$0xBC00] =	vst v63  }
0x15e: {  	_ =	swait.ge [sflag:s5], $0x800  }
0x15f: {  	[sflag:s5] =	ssyncset.done $0x0  }
0x160: {  	s22 =	rddreg [dreg:$0x19];
	[sflag:s5] =	ssyncadd.s32 $0xFFFFF800  }
0x161: {  	[spmem:s1] =	stream.indirect.scatter.add.f32 [tilespmem:s9], [sflag:$0x1], $0x10, s22, s8, $0xb8;
	[tilespmem:$0xBC00] =	vst v63  }
0x162: {  	_ =	swait.ge [sflag:s5], $0x800  }
0x163: {  	[sflag:s5] =	ssyncset.done $0x0  }
0x164: {  	s23 =	rddreg [dreg:$0x1a];
	[sflag:s5] =	ssyncadd.s32 $0xFFFFF800  }
0x165: {  	[spmem:s1] =	stream.indirect.scatter.add.f32 [tilespmem:s9], [sflag:$0x1], $0x10, s23, s8, $0xb8;
	[tilespmem:$0xBC00] =	vst v63  }
0x166: {  	_ =	swait.ge [sflag:s5], $0x800  }
0x167: {  	[sflag:s5] =	ssyncset.done $0x0  }
0x168: {  	s24 =	rddreg [dreg:$0x1b];
	[sflag:s5] =	ssyncadd.s32 $0xFFFFF800  }
0x169: {  	[spmem:s1] =	stream.indirect.scatter.add.f32 [tilespmem:s9], [sflag:$0x1], $0x10, s24, s8, $0xb8;
	[tilespmem:$0xBC00] =	vst v63  }
0x16a: {  	_ =	swait.ge [sflag:s5], $0x800  }
0x16b: {  	[sflag:s5] =	ssyncset.done $0x0  }
0x16c: {  	s25 =	rddreg [dreg:$0x1c];
	[sflag:s5] =	ssyncadd.s32 $0xFFFFF800  }
0x16d: {  	[spmem:s1] =	stream.indirect.scatter.add.f32 [tilespmem:s9], [sflag:$0x1], $0x10, s25, s8, $0xb8;
	[tilespmem:$0xBC00] =	vst v63  }
0x16e: {  	_ =	swait.ge [sflag:s5], $0x800  }
0x16f: {  	[sflag:s5] =	ssyncset.done $0x0  }
0x170: {  	s26 =	rddreg [dreg:$0x1d];
	[sflag:s5] =	ssyncadd.s32 $0xFFFFF800  }
0x171: {  	[spmem:s1] =	stream.indirect.scatter.add.f32 [tilespmem:s9], [sflag:$0x1], $0x10, s26, s8, $0xb8;
	[tilespmem:$0xBC00] =	vst v63  }
0x172: {  	_ =	swait.ge [sflag:s5], $0x800  }
0x173: {  	[sflag:s5] =	ssyncset.done $0x0  }
0x174: {  	s31 =	rddreg [dreg:$0x1e];
	[sflag:s5] =	ssyncadd.s32 $0xFFFFF800  }
0x175: {  	[spmem:s1] =	stream.indirect.scatter.add.f32 [tilespmem:s9], [sflag:$0x1], $0x10, s31, s8, $0xb8;
	[tilespmem:$0xBC00] =	vst v63  }
0x176: {  	_ =	swait.ge [sflag:s5], $0x800  }
0x177: {  	[sflag:s5] =	ssyncset.done $0x0  }
0x178: {  	s10 =	simm.s32 $0x3380;
	[sflag:s5] =	ssyncadd.s32 $0xFFFFF800  }
0x179: {  	[spmem:s1] =	stream.indirect.scatter.add.f32 [tilespmem:s9], [sflag:$0x1], $0x10, s10, s8, $0xb8;
	[tilespmem:$0xBC00] =	vst v63  }
0x17a: {  	_ =	swait.ge [sflag:s5], $0x800  }
0x17b: {  	[sflag:s5] =	ssyncset.done $0x0  }
0x17c: {  	s11 =	simm.s32 $0x3400;
	[sflag:s5] =	ssyncadd.s32 $0xFFFFF800  }
0x17d: {  	[spmem:s1] =	stream.indirect.scatter.add.f32 [tilespmem:s9], [sflag:$0x1], $0x10, s11, s8, $0xb8;
	[tilespmem:$0xBC00] =	vst v63  }
0x17e: {  	_ =	swait.ge [sflag:s5], $0x800  }
0x17f: {  	[sflag:s5] =	ssyncset.done $0x0  }
0x180: {  	s12 =	simm.s32 $0x3480;
	[sflag:s5] =	ssyncadd.s32 $0xFFFFF800  }
0x181: {  	[spmem:s1] =	stream.indirect.scatter.add.f32 [tilespmem:s9], [sflag:$0x1], $0x10, s12, s8, $0xb8;
	[tilespmem:$0xBC00] =	vst v63  }
0x182: {  	_ =	swait.ge [sflag:s5], $0x800  }
0x183: {  	[sflag:s5] =	ssyncset.done $0x0  }
0x184: {  	s13 =	simm.s32 $0x3500;
	[sflag:s5] =	ssyncadd.s32 $0xFFFFF800  }
0x185: {  	[spmem:s1] =	stream.indirect.scatter.add.f32 [tilespmem:s9], [sflag:$0x1], $0x10, s13, s8, $0xb8;
	[tilespmem:$0xBC00] =	vst v63  }
0x186: {  	_ =	swait.ge [sflag:s5], $0x800  }
0x187: {  	[sflag:s5] =	ssyncset.done $0x0  }
0x188: {  	s14 =	simm.s32 $0x3580;
	[sflag:s5] =	ssyncadd.s32 $0xFFFFF800  }
0x189: {  	[spmem:s1] =	stream.indirect.scatter.add.f32 [tilespmem:s9], [sflag:$0x1], $0x10, s14, s8, $0xb8;
	[tilespmem:$0xBC00] =	vst v63  }
0x18a: {  	_ =	swait.ge [sflag:s5], $0x800  }
0x18b: {  	[sflag:s5] =	ssyncset.done $0x0  }
0x18c: {  	s15 =	simm.s32 $0x3600;
	[sflag:s5] =	ssyncadd.s32 $0xFFFFF800  }
0x18d: {  	[spmem:s1] =	stream.indirect.scatter.add.f32 [tilespmem:s9], [sflag:$0x1], $0x10, s15, s8, $0xb8;
	[tilespmem:$0xBC00] =	vst v63  }
0x18e: {  	_ =	swait.ge [sflag:s5], $0x800  }
0x18f: {  	[sflag:s5] =	ssyncset.done $0x0  }
0x190: {  	s16 =	simm.s32 $0x3680;
	[sflag:s5] =	ssyncadd.s32 $0xFFFFF800  }
0x191: {  	[spmem:s1] =	stream.indirect.scatter.add.f32 [tilespmem:s9], [sflag:$0x1], $0x10, s16, s8, $0xb8;
	[tilespmem:$0xBC00] =	vst v63  }
0x192: {  	_ =	swait.ge [sflag:s5], $0x800  }
0x193: {  	[sflag:s5] =	ssyncset.done $0x0  }
0x194: {  	s17 =	simm.s32 $0x3700;
	[sflag:s5] =	ssyncadd.s32 $0xFFFFF800  }
0x195: {  	[spmem:s1] =	stream.indirect.scatter.add.f32 [tilespmem:s9], [sflag:$0x1], $0x10, s17, s8, $0xb8;
	[tilespmem:$0xBC00] =	vst v63  }
0x196: {  	_ =	swait.ge [sflag:s5], $0x800  }
0x197: {  	[sflag:s5] =	ssyncset.done $0x0  }
0x198: {  	s18 =	simm.s32 $0x3780;
	[sflag:s5] =	ssyncadd.s32 $0xFFFFF800  }
0x199: {  	[spmem:s1] =	stream.indirect.scatter.add.f32 [tilespmem:s9], [sflag:$0x1], $0x10, s18, s8, $0xb8;
	[tilespmem:$0xBC00] =	vst v63  }
0x19a: {  	_ =	swait.ge [sflag:s5], $0x800  }
0x19b: {  	[sflag:s5] =	ssyncset.done $0x0  }
0x19c: {  	s19 =	simm.s32 $0x3800;
	[sflag:s5] =	ssyncadd.s32 $0xFFFFF800  }
0x19d: {  	[spmem:s1] =	stream.indirect.scatter.add.f32 [tilespmem:s9], [sflag:$0x1], $0x10, s19, s8, $0xb8;
	[tilespmem:$0xBC00] =	vst v63  }
0x19e: {  	_ =	swait.ge [sflag:s5], $0x800  }
0x19f: {  	[sflag:s5] =	ssyncset.done $0x0  }
0x1a0: {  	s20 =	simm.s32 $0x3880;
	[sflag:s5] =	ssyncadd.s32 $0xFFFFF800  }
0x1a1: {  	[spmem:s1] =	stream.indirect.scatter.add.f32 [tilespmem:s9], [sflag:$0x1], $0x10, s20, s8, $0xb8;
	[tilespmem:$0xBC00] =	vst v63  }
0x1a2: {  	_ =	swait.ge [sflag:s5], $0x800  }
0x1a3: {  	[sflag:s5] =	ssyncset.done $0x0  }
0x1a4: {  	s21 =	simm.s32 $0x3900;
	[sflag:s5] =	ssyncadd.s32 $0xFFFFF800  }
0x1a5: {  	[spmem:s1] =	stream.indirect.scatter.add.f32 [tilespmem:s9], [sflag:$0x1], $0x10, s21, s8, $0xb8;
	[tilespmem:$0xBC00] =	vst v63  }
0x1a6: {  	_ =	swait.ge [sflag:s5], $0x800  }
0x1a7: {  	[sflag:s5] =	ssyncset.done $0x0  }
0x1a8: {  	s22 =	simm.s32 $0x3980;
	[sflag:s5] =	ssyncadd.s32 $0xFFFFF800  }
0x1a9: {  	[spmem:s1] =	stream.indirect.scatter.add.f32 [tilespmem:s9], [sflag:$0x1], $0x10, s22, s8, $0xb8;
	[tilespmem:$0xBC00] =	vst v63  }
0x1aa: {  	_ =	swait.ge [sflag:s5], $0x800  }
0x1ab: {  	[sflag:s5] =	ssyncset.done $0x0  }
0x1ac: {  	s23 =	simm.s32 $0x3A00;
	[sflag:s5] =	ssyncadd.s32 $0xFFFFF800  }
0x1ad: {  	[spmem:s1] =	stream.indirect.scatter.add.f32 [tilespmem:s9], [sflag:$0x1], $0x10, s23, s8, $0xb8;
	[tilespmem:$0xBC00] =	vst v63  }
0x1ae: {  	_ =	swait.ge [sflag:s5], $0x800  }
0x1af: {  	[sflag:s5] =	ssyncset.done $0x0  }
0x1b0: {  	s24 =	simm.s32 $0x3A80;
	[sflag:s5] =	ssyncadd.s32 $0xFFFFF800  }
0x1b1: {  	[spmem:s1] =	stream.indirect.scatter.add.f32 [tilespmem:s9], [sflag:$0x1], $0x10, s24, s8, $0xb8;
	[tilespmem:$0xBC00] =	vst v63  }
0x1b2: {  	_ =	swait.ge [sflag:s5], $0x800  }
0x1b3: {  	[sflag:s5] =	ssyncset.done $0x0  }
0x1b4: {  	s25 =	simm.s32 $0x3B00;
	[sflag:s5] =	ssyncadd.s32 $0xFFFFF800  }
0x1b5: {  	[spmem:s1] =	stream.indirect.scatter.add.f32 [tilespmem:s9], [sflag:$0x1], $0x10, s25, s8, $0xb8;
	[tilespmem:$0xBC00] =	vst v63  }
0x1b6: {  	_ =	swait.ge [sflag:s5], $0x800  }
0x1b7: {  	s28 =	ssub.s32 $0x2, s28;
	[sflag:s5] =	ssyncset.done $0x0  }
0x1b8: {  	s29 =	sshrl.u32 s28, $0x1;
	s26 =	simm.s32 $0x3B80;
	[sflag:s5] =	ssyncadd.s32 $0xFFFFF800  }
0x1b9: {  	[spmem:s1] =	stream.indirect.scatter.add.f32 [tilespmem:s9], [sflag:$0x1], $0x10, s26, s8, $0xb8;
	[tilespmem:$0xBC00] =	vst v63  }
0x1ba: {  	s0 =	ssub.s32 s28, s29;
	_ =	swait.ge [sflag:s5], $0x800  }
0x1bb: {  	s0 =	smax.u32 s0, $0x1;
	[sflag:s5] =	ssyncset.done $0x0  }
0x1bc: {  	p0 =	sne.s32 s0, $0x1;
	[sflag:s5] =	ssyncadd.s32 $0xFFFFF800  }
.Ltmp0:
0x1bd: {  	s31 =	sshll.u32 s3, $0x6;
	[bflag:$0x0] =	sbarrier.arrive $0xFFFF;
	(pc) =	sbr.rel @!p0 .LBB2_2-.Ltmp0, $4  }
0x1be: {  	s29 =	sshrl.u32 s4, $0x3;
	s28 =	sor.u32 $0x1C01, s31;
	s30 =	rddreg [dreg:$0x8]  }
0x1bf: {  	[hbm:s30], [sflag:s28] =	dma.local [spmem:s29], $0x2800  }
0x1c0: {  	_ =	swait.ge [sflag:s5], $0x2800  }
0x1c1: {  	s30 =	sadd.s32 $0xFFFFFFFF, s0;
	[sflag:s5] =	ssyncset.done $0x0  }
.LBB2_1:
0x1c2: {  	[sflag:s5] =	ssyncadd.s32 $0xFFFFD800  }
0x1c3: {  	[tilespmem:$0x3C80] =	vst v0  }
0x1c4: {  	[tilespmem:$0x7C80] =	vst v1  }
0x1c5: {  	[tilespmem:$0x3D00] =	vst v0  }
0x1c6: {  	[tilespmem:$0x7D00] =	vst v1  }
0x1c7: {  	[tilespmem:$0x3D80] =	vst v0  }
0x1c8: {  	[tilespmem:$0x7D80] =	vst v1  }
0x1c9: {  	[tilespmem:$0x3E00] =	vst v0  }
0x1ca: {  	[tilespmem:$0x7E00] =	vst v1  }
0x1cb: {  	[tilespmem:$0x3E80] =	vst v0  }
0x1cc: {  	[tilespmem:$0x7E80] =	vst v1  }
0x1cd: {  	[tilespmem:$0x3F00] =	vst v0  }
0x1ce: {  	[tilespmem:$0x7F00] =	vst v1  }
0x1cf: {  	[tilespmem:$0x3F80] =	vst v0  }
0x1d0: {  	[tilespmem:$0x7F80] =	vst v1  }
0x1d1: {  	[tilespmem:$0x4000] =	vst v0  }
0x1d2: {  	[tilespmem:$0x8000] =	vst v1  }
0x1d3: {  	[tilespmem:$0x4080] =	vst v0  }
0x1d4: {  	[tilespmem:$0x8080] =	vst v1  }
0x1d5: {  	[tilespmem:$0x4100] =	vst v0  }
0x1d6: {  	[tilespmem:$0x3C00] =	vst v0  }
0x1d7: {  	[tilespmem:$0xBB80] =	vst v1  }
0x1d8: {  	[tilespmem:$0x7B80] =	vst v0  }
0x1d9: {  	[tilespmem:$0xBB00] =	vst v1  }
0x1da: {  	[tilespmem:$0x7B00] =	vst v0  }
0x1db: {  	[tilespmem:$0xBA80] =	vst v1  }
0x1dc: {  	[tilespmem:$0x7A80] =	vst v0  }
0x1dd: {  	[tilespmem:$0xBA00] =	vst v1  }
0x1de: {  	[tilespmem:$0x7A00] =	vst v0  }
0x1df: {  	[tilespmem:$0xB980] =	vst v1  }
0x1e0: {  	[tilespmem:$0x7980] =	vst v0  }
0x1e1: {  	[tilespmem:$0xB900] =	vst v1  }
0x1e2: {  	[tilespmem:$0x7900] =	vst v0  }
0x1e3: {  	[tilespmem:$0xB880] =	vst v1  }
0x1e4: {  	[tilespmem:$0x7880] =	vst v0  }
0x1e5: {  	[tilespmem:$0xB800] =	vst v1  }
0x1e6: {  	[tilespmem:$0x7800] =	vst v0  }
0x1e7: {  	[tilespmem:$0xB780] =	vst v1  }
0x1e8: {  	[tilespmem:$0x7780] =	vst v0  }
0x1e9: {  	[tilespmem:$0xB700] =	vst v1  }
0x1ea: {  	[tilespmem:$0x7700] =	vst v0  }
0x1eb: {  	[tilespmem:$0xB680] =	vst v1  }
0x1ec: {  	[tilespmem:$0x7680] =	vst v0  }
0x1ed: {  	[tilespmem:$0xB600] =	vst v1  }
0x1ee: {  	[tilespmem:$0x7600] =	vst v0  }
0x1ef: {  	[tilespmem:$0xB580] =	vst v1  }
0x1f0: {  	[tilespmem:$0x7580] =	vst v0  }
0x1f1: {  	[tilespmem:$0xB500] =	vst v1  }
0x1f2: {  	[tilespmem:$0x7500] =	vst v0  }
0x1f3: {  	[tilespmem:$0xB480] =	vst v1  }
0x1f4: {  	[tilespmem:$0x7480] =	vst v0  }
0x1f5: {  	[tilespmem:$0xB400] =	vst v1  }
0x1f6: {  	[tilespmem:$0x7400] =	vst v0  }
0x1f7: {  	[tilespmem:$0xB380] =	vst v1  }
0x1f8: {  	[tilespmem:$0x7380] =	vst v0  }
0x1f9: {  	[tilespmem:$0xB300] =	vst v1  }
0x1fa: {  	[tilespmem:$0x7300] =	vst v0  }
0x1fb: {  	[tilespmem:$0xB280] =	vst v1  }
0x1fc: {  	[tilespmem:$0x7280] =	vst v0  }
0x1fd: {  	[tilespmem:$0xB200] =	vst v1  }
0x1fe: {  	[tilespmem:$0x7200] =	vst v0  }
0x1ff: {  	[tilespmem:$0xB180] =	vst v1  }
0x200: {  	[tilespmem:$0x7180] =	vst v0  }
0x201: {  	[tilespmem:$0xB100] =	vst v1  }
0x202: {  	[tilespmem:$0x7100] =	vst v0  }
0x203: {  	[tilespmem:$0xB080] =	vst v1  }
0x204: {  	[tilespmem:$0x7080] =	vst v0  }
0x205: {  	[tilespmem:$0xB000] =	vst v1  }
0x206: {  	[tilespmem:$0x7000] =	vst v0  }
0x207: {  	[tilespmem:$0xAF80] =	vst v1  }
0x208: {  	[tilespmem:$0x6F80] =	vst v0  }
0x209: {  	[tilespmem:$0xAF00] =	vst v1  }
0x20a: {  	[tilespmem:$0x6F00] =	vst v0  }
0x20b: {  	[tilespmem:$0xAE80] =	vst v1  }
0x20c: {  	[tilespmem:$0x6E80] =	vst v0  }
0x20d: {  	[tilespmem:$0xAE00] =	vst v1  }
0x20e: {  	[tilespmem:$0x6E00] =	vst v0  }
0x20f: {  	[tilespmem:$0xAD80] =	vst v1  }
0x210: {  	[tilespmem:$0x6D80] =	vst v0  }
0x211: {  	[tilespmem:$0xAD00] =	vst v1  }
0x212: {  	[tilespmem:$0x6D00] =	vst v0  }
0x213: {  	[tilespmem:$0xAC80] =	vst v1  }
0x214: {  	[tilespmem:$0x6C80] =	vst v0  }
0x215: {  	[tilespmem:$0xAC00] =	vst v1  }
0x216: {  	[tilespmem:$0x6C00] =	vst v0  }
0x217: {  	[tilespmem:$0xA900] =	vst v1  }
0x218: {  	[tilespmem:$0xAB80] =	vst v1  }
0x219: {  	[tilespmem:$0x6B80] =	vst v0  }
0x21a: {  	[tilespmem:$0xAB00] =	vst v1  }
0x21b: {  	[tilespmem:$0x6B00] =	vst v0  }
0x21c: {  	[tilespmem:$0xAA80] =	vst v1  }
0x21d: {  	[tilespmem:$0x6A80] =	vst v0  }
0x21e: {  	[tilespmem:$0xAA00] =	vst v1  }
0x21f: {  	[tilespmem:$0x6A00] =	vst v0  }
0x220: {  	[tilespmem:$0xA980] =	vst v1  }
0x221: {  	[tilespmem:$0x6980] =	vst v0  }
0x222: {  	[tilespmem:$0x6900] =	vst v0  }
0x223: {  	[tilespmem:$0xA880] =	vst v1  }
0x224: {  	[tilespmem:$0x6880] =	vst v0  }
0x225: {  	[tilespmem:$0xA800] =	vst v1  }
0x226: {  	[tilespmem:$0x6800] =	vst v0  }
0x227: {  	[tilespmem:$0xA780] =	vst v1  }
0x228: {  	[tilespmem:$0x6780] =	vst v0  }
0x229: {  	[tilespmem:$0xA700] =	vst v1  }
0x22a: {  	[tilespmem:$0x6700] =	vst v0  }
0x22b: {  	[tilespmem:$0xA680] =	vst v1  }
0x22c: {  	[tilespmem:$0x6680] =	vst v0  }
0x22d: {  	[tilespmem:$0xA600] =	vst v1  }
0x22e: {  	[tilespmem:$0x6600] =	vst v0  }
0x22f: {  	[tilespmem:$0xA580] =	vst v1  }
0x230: {  	[tilespmem:$0x6580] =	vst v0  }
0x231: {  	[tilespmem:$0xA500] =	vst v1  }
0x232: {  	[tilespmem:$0x6500] =	vst v0  }
0x233: {  	[tilespmem:$0xA480] =	vst v1  }
0x234: {  	[tilespmem:$0x6480] =	vst v0  }
0x235: {  	[tilespmem:$0xA400] =	vst v1  }
0x236: {  	[tilespmem:$0x6400] =	vst v0  }
0x237: {  	[tilespmem:$0xA380] =	vst v1  }
0x238: {  	[tilespmem:$0x6380] =	vst v0  }
0x239: {  	[tilespmem:$0xA300] =	vst v1  }
0x23a: {  	[tilespmem:$0x6300] =	vst v0  }
0x23b: {  	[tilespmem:$0xA280] =	vst v1  }
0x23c: {  	[tilespmem:$0x6280] =	vst v0  }
0x23d: {  	[tilespmem:$0xA200] =	vst v1  }
0x23e: {  	[tilespmem:$0x6200] =	vst v0  }
0x23f: {  	[tilespmem:$0xA180] =	vst v1  }
0x240: {  	[tilespmem:$0x6180] =	vst v0  }
0x241: {  	[tilespmem:$0xA100] =	vst v1  }
0x242: {  	[tilespmem:$0x6100] =	vst v0  }
0x243: {  	[tilespmem:$0xA080] =	vst v1  }
0x244: {  	[tilespmem:$0x6080] =	vst v0  }
0x245: {  	[tilespmem:$0xA000] =	vst v1  }
0x246: {  	[tilespmem:$0x6000] =	vst v0  }
0x247: {  	[tilespmem:$0x9F80] =	vst v1  }
0x248: {  	[tilespmem:$0x5F80] =	vst v0  }
0x249: {  	[tilespmem:$0x9F00] =	vst v1  }
0x24a: {  	[tilespmem:$0x5F00] =	vst v0  }
0x24b: {  	[tilespmem:$0x9E80] =	vst v1  }
0x24c: {  	[tilespmem:$0x5E80] =	vst v0  }
0x24d: {  	[tilespmem:$0x9E00] =	vst v1  }
0x24e: {  	[tilespmem:$0x5E00] =	vst v0  }
0x24f: {  	[tilespmem:$0x9D80] =	vst v1  }
0x250: {  	[tilespmem:$0x5D80] =	vst v0  }
0x251: {  	[tilespmem:$0x9D00] =	vst v1  }
0x252: {  	[tilespmem:$0x5D00] =	vst v0  }
0x253: {  	[tilespmem:$0x9C80] =	vst v1  }
0x254: {  	[tilespmem:$0x5C80] =	vst v0  }
0x255: {  	[tilespmem:$0x9C00] =	vst v1  }
0x256: {  	[tilespmem:$0x5C00] =	vst v0  }
0x257: {  	[tilespmem:$0x9B80] =	vst v1  }
0x258: {  	[tilespmem:$0x5B80] =	vst v0  }
0x259: {  	[tilespmem:$0x9B00] =	vst v1  }
0x25a: {  	[tilespmem:$0x5B00] =	vst v0  }
0x25b: {  	[tilespmem:$0x9A80] =	vst v1  }
0x25c: {  	[tilespmem:$0x5A80] =	vst v0  }
0x25d: {  	[tilespmem:$0x9A00] =	vst v1  }
0x25e: {  	[tilespmem:$0x5A00] =	vst v0  }
0x25f: {  	[tilespmem:$0x9980] =	vst v1  }
0x260: {  	[tilespmem:$0x5980] =	vst v0  }
0x261: {  	[tilespmem:$0x9900] =	vst v1  }
0x262: {  	[tilespmem:$0x5900] =	vst v0  }
0x263: {  	[tilespmem:$0x9880] =	vst v1  }
0x264: {  	[tilespmem:$0x5880] =	vst v0  }
0x265: {  	[tilespmem:$0x9800] =	vst v1  }
0x266: {  	[tilespmem:$0x5800] =	vst v0  }
0x267: {  	[tilespmem:$0x9780] =	vst v1  }
0x268: {  	[tilespmem:$0x5780] =	vst v0  }
0x269: {  	[tilespmem:$0x9700] =	vst v1  }
0x26a: {  	[tilespmem:$0x5700] =	vst v0  }
0x26b: {  	[tilespmem:$0x9680] =	vst v1  }
0x26c: {  	[tilespmem:$0x5680] =	vst v0  }
0x26d: {  	[tilespmem:$0x9600] =	vst v1  }
0x26e: {  	[tilespmem:$0x5600] =	vst v0  }
0x26f: {  	[tilespmem:$0x9580] =	vst v1  }
0x270: {  	[tilespmem:$0x5580] =	vst v0  }
0x271: {  	[tilespmem:$0x9500] =	vst v1  }
0x272: {  	[tilespmem:$0x5500] =	vst v0  }
0x273: {  	[tilespmem:$0x9480] =	vst v1  }
0x274: {  	[tilespmem:$0x5480] =	vst v0  }
0x275: {  	[tilespmem:$0x9400] =	vst v1  }
0x276: {  	[tilespmem:$0x5400] =	vst v0  }
0x277: {  	[tilespmem:$0x9380] =	vst v1  }
0x278: {  	[tilespmem:$0x5380] =	vst v0  }
0x279: {  	[tilespmem:$0x9300] =	vst v1  }
0x27a: {  	[tilespmem:$0x5300] =	vst v0  }
0x27b: {  	[tilespmem:$0x9280] =	vst v1  }
0x27c: {  	[tilespmem:$0x5280] =	vst v0  }
0x27d: {  	[tilespmem:$0x9200] =	vst v1  }
0x27e: {  	[tilespmem:$0x5200] =	vst v0  }
0x27f: {  	[tilespmem:$0x9180] =	vst v1  }
0x280: {  	[tilespmem:$0x5180] =	vst v0  }
0x281: {  	[tilespmem:$0x9100] =	vst v1  }
0x282: {  	[tilespmem:$0x5100] =	vst v0  }
0x283: {  	[tilespmem:$0x9080] =	vst v1  }
0x284: {  	[tilespmem:$0x5080] =	vst v0  }
0x285: {  	[tilespmem:$0x9000] =	vst v1  }
0x286: {  	[tilespmem:$0x5000] =	vst v0  }
0x287: {  	[tilespmem:$0x8F80] =	vst v1  }
0x288: {  	[tilespmem:$0x4F80] =	vst v0  }
0x289: {  	[tilespmem:$0x8F00] =	vst v1  }
0x28a: {  	[tilespmem:$0x4F00] =	vst v0  }
0x28b: {  	[tilespmem:$0x8E80] =	vst v1  }
0x28c: {  	[tilespmem:$0x4E80] =	vst v0  }
0x28d: {  	[tilespmem:$0x8E00] =	vst v1  }
0x28e: {  	[tilespmem:$0x4E00] =	vst v0  }
0x28f: {  	[tilespmem:$0x8D80] =	vst v1  }
0x290: {  	[tilespmem:$0x4D80] =	vst v0  }
0x291: {  	[tilespmem:$0x8D00] =	vst v1  }
0x292: {  	[tilespmem:$0x4D00] =	vst v0  }
0x293: {  	[tilespmem:$0x8C80] =	vst v1  }
0x294: {  	[tilespmem:$0x4C80] =	vst v0  }
0x295: {  	[tilespmem:$0x8C00] =	vst v1  }
0x296: {  	[tilespmem:$0x4C00] =	vst v0  }
0x297: {  	[tilespmem:$0x8B80] =	vst v1  }
0x298: {  	[tilespmem:$0x4B80] =	vst v0  }
0x299: {  	[tilespmem:$0x8B00] =	vst v1  }
0x29a: {  	[tilespmem:$0x4B00] =	vst v0  }
0x29b: {  	[tilespmem:$0x8A80] =	vst v1  }
0x29c: {  	[tilespmem:$0x4A80] =	vst v0  }
0x29d: {  	[tilespmem:$0x8A00] =	vst v1  }
0x29e: {  	[tilespmem:$0x4A00] =	vst v0  }
0x29f: {  	[tilespmem:$0x8980] =	vst v1  }
0x2a0: {  	[tilespmem:$0x4980] =	vst v0  }
0x2a1: {  	[tilespmem:$0x8900] =	vst v1  }
0x2a2: {  	[tilespmem:$0x4900] =	vst v0  }
0x2a3: {  	[tilespmem:$0x8880] =	vst v1  }
0x2a4: {  	[tilespmem:$0x4880] =	vst v0  }
0x2a5: {  	[tilespmem:$0x8800] =	vst v1  }
0x2a6: {  	[tilespmem:$0x4800] =	vst v0  }
0x2a7: {  	[tilespmem:$0x8780] =	vst v1  }
0x2a8: {  	[tilespmem:$0x4780] =	vst v0  }
0x2a9: {  	[tilespmem:$0x8700] =	vst v1  }
0x2aa: {  	[tilespmem:$0x4700] =	vst v0  }
0x2ab: {  	[tilespmem:$0x8680] =	vst v1  }
0x2ac: {  	[tilespmem:$0x4680] =	vst v0  }
0x2ad: {  	[tilespmem:$0x8600] =	vst v1  }
0x2ae: {  	[tilespmem:$0x4600] =	vst v0  }
0x2af: {  	[tilespmem:$0x8580] =	vst v1  }
0x2b0: {  	[tilespmem:$0x4580] =	vst v0  }
0x2b1: {  	[tilespmem:$0x8500] =	vst v1  }
0x2b2: {  	[tilespmem:$0x4500] =	vst v0  }
0x2b3: {  	[tilespmem:$0x8480] =	vst v1  }
0x2b4: {  	[tilespmem:$0x4480] =	vst v0  }
0x2b5: {  	[tilespmem:$0x8400] =	vst v1  }
0x2b6: {  	[tilespmem:$0x4400] =	vst v0  }
0x2b7: {  	[tilespmem:$0x8380] =	vst v1  }
0x2b8: {  	[tilespmem:$0x4380] =	vst v0  }
0x2b9: {  	[tilespmem:$0x8300] =	vst v1  }
0x2ba: {  	[tilespmem:$0x4300] =	vst v0  }
0x2bb: {  	[tilespmem:$0x8280] =	vst v1  }
0x2bc: {  	[tilespmem:$0x4280] =	vst v0  }
0x2bd: {  	[tilespmem:$0x8200] =	vst v1  }
0x2be: {  	[tilespmem:$0x4200] =	vst v0  }
0x2bf: {  	[tilespmem:$0x8180] =	vst v1  }
0x2c0: {  	[tilespmem:$0x4180] =	vst v0  }
0x2c1: {  	[tilespmem:$0x8100] =	vst v1  }
0x2c2: {  	[tilespmem:$0x7C00] =	vst v1  }
0x2c3: {  	[spmem:s4] =	stream.linear.scatter [tilespmem:s6], [sflag:$0x1], $0x4000, $0x38;
	[tilespmem:$0xBC00] =	vst v63  }
0x2c4: {  	_ =	swait.ge [sflag:s5], $0x4000  }
0x2c5: {  	[sflag:s5] =	ssyncset.done $0x0  }
0x2c6: {  	s0 =	rddreg [dreg:$0x3];
	[sflag:s5] =	ssyncadd.s32 $0xFFFFC000  }
0x2c7: {  	[spmem:s0] =	stream.linear.scatter [tilespmem:s6], [sflag:$0x1], $0x4000, $0x38;
	[tilespmem:$0xBC00] =	vst v63  }
0x2c8: {  	_ =	swait.ge [sflag:s5], $0x4000  }
0x2c9: {  	[sflag:s5] =	ssyncset.done $0x0  }
0x2ca: {  	s31 =	rddreg [dreg:$0x4];
	[sflag:s5] =	ssyncadd.s32 $0xFFFFC000  }
0x2cb: {  	[spmem:s31] =	stream.linear.scatter [tilespmem:s6], [sflag:$0x1], $0x4000, $0x38;
	[tilespmem:$0xBC00] =	vst v63  }
0x2cc: {  	_ =	swait.ge [sflag:s5], $0x4000  }
0x2cd: {  	[sflag:s5] =	ssyncset.done $0x0  }
0x2ce: {  	s31 =	rddreg [dreg:$0x5];
	[sflag:s5] =	ssyncadd.s32 $0xFFFFC000  }
0x2cf: {  	[spmem:s31] =	stream.linear.scatter [tilespmem:s6], [sflag:$0x1], $0x4000, $0x38;
	[tilespmem:$0xBC00] =	vst v63  }
0x2d0: {  	_ =	swait.ge [sflag:s5], $0x4000  }
0x2d1: {  	[sflag:s5] =	ssyncset.done $0x0  }
0x2d2: {  	s31 =	rddreg [dreg:$0x6];
	[sflag:s5] =	ssyncadd.s32 $0xFFFFC000  }
0x2d3: {  	[spmem:s31] =	stream.linear.scatter [tilespmem:s6], [sflag:$0x1], $0x4000, $0x38;
	[tilespmem:$0xBC00] =	vst v63  }
0x2d4: {  	_ =	swait.ge [sflag:s5], $0x4000  }
0x2d5: {  	[sflag:s5] =	ssyncset.done $0x0  }
0x2d6: {  	[sflag:s5] =	ssyncadd.s32 $0xFFFFC000  }
0x2d7: {  	[bflag:$0x0] =	sbarrier.arrive $0xFFFF  }
0x2d8: {  	s31 =	rddreg [dreg:$0x7]  }
0x2d9: {  	[tilespmem:s7], [sflag:$0x1] =	stream.linear.gather [hbm4b:s31+s2], $0x1400, $0x38;
	[tilespmem:$0xBC00] =	vst v63  }
0x2da: {  	_ =	swait.ge [sflag:s5], $0x1400  }
0x2db: {  	[sflag:s5] =	ssyncset.done $0x0  }
0x2dc: {  	[sflag:s5] =	ssyncadd.s32 $0xFFFFEC00  }
0x2dd: {  	[spmem:s1] =	stream.indirect.scatter.add.f32 [tilespmem:s9], [sflag:$0x1], $0x10, s7, s8, $0xb8;
	[tilespmem:$0xBC00] =	vst v63  }
0x2de: {  	_ =	swait.ge [sflag:s5], $0x800  }
0x2df: {  	[sflag:s5] =	ssyncset.done $0x0  }
0x2e0: {  	s31 =	rddreg [dreg:$0x9];
	[sflag:s5] =	ssyncadd.s32 $0xFFFFF800  }
0x2e1: {  	[spmem:s1] =	stream.indirect.scatter.add.f32 [tilespmem:s9], [sflag:$0x1], $0x10, s31, s8, $0xb8;
	[tilespmem:$0xBC00] =	vst v63  }
0x2e2: {  	_ =	swait.ge [sflag:s5], $0x800  }
0x2e3: {  	[sflag:s5] =	ssyncset.done $0x0  }
0x2e4: {  	s31 =	rddreg [dreg:$0xa];
	[sflag:s5] =	ssyncadd.s32 $0xFFFFF800  }
0x2e5: {  	[spmem:s1] =	stream.indirect.scatter.add.f32 [tilespmem:s9], [sflag:$0x1], $0x10, s31, s8, $0xb8;
	[tilespmem:$0xBC00] =	vst v63  }
0x2e6: {  	_ =	swait.ge [sflag:s5], $0x800  }
0x2e7: {  	[sflag:s5] =	ssyncset.done $0x0  }
0x2e8: {  	s31 =	rddreg [dreg:$0xb];
	[sflag:s5] =	ssyncadd.s32 $0xFFFFF800  }
0x2e9: {  	[spmem:s1] =	stream.indirect.scatter.add.f32 [tilespmem:s9], [sflag:$0x1], $0x10, s31, s8, $0xb8;
	[tilespmem:$0xBC00] =	vst v63  }
0x2ea: {  	_ =	swait.ge [sflag:s5], $0x800  }
0x2eb: {  	[sflag:s5] =	ssyncset.done $0x0  }
0x2ec: {  	s31 =	rddreg [dreg:$0xc];
	[sflag:s5] =	ssyncadd.s32 $0xFFFFF800  }
0x2ed: {  	[spmem:s1] =	stream.indirect.scatter.add.f32 [tilespmem:s9], [sflag:$0x1], $0x10, s31, s8, $0xb8;
	[tilespmem:$0xBC00] =	vst v63  }
0x2ee: {  	_ =	swait.ge [sflag:s5], $0x800  }
0x2ef: {  	[sflag:s5] =	ssyncset.done $0x0  }
0x2f0: {  	s31 =	rddreg [dreg:$0xd];
	[sflag:s5] =	ssyncadd.s32 $0xFFFFF800  }
0x2f1: {  	[spmem:s1] =	stream.indirect.scatter.add.f32 [tilespmem:s9], [sflag:$0x1], $0x10, s31, s8, $0xb8;
	[tilespmem:$0xBC00] =	vst v63  }
0x2f2: {  	_ =	swait.ge [sflag:s5], $0x800  }
0x2f3: {  	[sflag:s5] =	ssyncset.done $0x0  }
0x2f4: {  	s31 =	rddreg [dreg:$0xe];
	[sflag:s5] =	ssyncadd.s32 $0xFFFFF800  }
0x2f5: {  	[spmem:s1] =	stream.indirect.scatter.add.f32 [tilespmem:s9], [sflag:$0x1], $0x10, s31, s8, $0xb8;
	[tilespmem:$0xBC00] =	vst v63  }
0x2f6: {  	_ =	swait.ge [sflag:s5], $0x800  }
0x2f7: {  	[sflag:s5] =	ssyncset.done $0x0  }
0x2f8: {  	s31 =	rddreg [dreg:$0xf];
	[sflag:s5] =	ssyncadd.s32 $0xFFFFF800  }
0x2f9: {  	[spmem:s1] =	stream.indirect.scatter.add.f32 [tilespmem:s9], [sflag:$0x1], $0x10, s31, s8, $0xb8;
	[tilespmem:$0xBC00] =	vst v63  }
0x2fa: {  	_ =	swait.ge [sflag:s5], $0x800  }
0x2fb: {  	[sflag:s5] =	ssyncset.done $0x0  }
0x2fc: {  	s31 =	rddreg [dreg:$0x10];
	[sflag:s5] =	ssyncadd.s32 $0xFFFFF800  }
0x2fd: {  	[spmem:s1] =	stream.indirect.scatter.add.f32 [tilespmem:s9], [sflag:$0x1], $0x10, s31, s8, $0xb8;
	[tilespmem:$0xBC00] =	vst v63  }
0x2fe: {  	_ =	swait.ge [sflag:s5], $0x800  }
0x2ff: {  	[sflag:s5] =	ssyncset.done $0x0  }
0x300: {  	s31 =	rddreg [dreg:$0x11];
	[sflag:s5] =	ssyncadd.s32 $0xFFFFF800  }
0x301: {  	[spmem:s1] =	stream.indirect.scatter.add.f32 [tilespmem:s9], [sflag:$0x1], $0x10, s31, s8, $0xb8;
	[tilespmem:$0xBC00] =	vst v63  }
0x302: {  	_ =	swait.ge [sflag:s5], $0x800  }
0x303: {  	[sflag:s5] =	ssyncset.done $0x0  }
0x304: {  	s31 =	rddreg [dreg:$0x12];
	[sflag:s5] =	ssyncadd.s32 $0xFFFFF800  }
0x305: {  	[spmem:s1] =	stream.indirect.scatter.add.f32 [tilespmem:s9], [sflag:$0x1], $0x10, s31, s8, $0xb8;
	[tilespmem:$0xBC00] =	vst v63  }
0x306: {  	_ =	swait.ge [sflag:s5], $0x800  }
0x307: {  	[sflag:s5] =	ssyncset.done $0x0  }
0x308: {  	s31 =	rddreg [dreg:$0x13];
	[sflag:s5] =	ssyncadd.s32 $0xFFFFF800  }
0x309: {  	[spmem:s1] =	stream.indirect.scatter.add.f32 [tilespmem:s9], [sflag:$0x1], $0x10, s31, s8, $0xb8;
	[tilespmem:$0xBC00] =	vst v63  }
0x30a: {  	_ =	swait.ge [sflag:s5], $0x800  }
0x30b: {  	[sflag:s5] =	ssyncset.done $0x0  }
0x30c: {  	s31 =	rddreg [dreg:$0x14];
	[sflag:s5] =	ssyncadd.s32 $0xFFFFF800  }
0x30d: {  	[spmem:s1] =	stream.indirect.scatter.add.f32 [tilespmem:s9], [sflag:$0x1], $0x10, s31, s8, $0xb8;
	[tilespmem:$0xBC00] =	vst v63  }
0x30e: {  	_ =	swait.ge [sflag:s5], $0x800  }
0x30f: {  	[sflag:s5] =	ssyncset.done $0x0  }
0x310: {  	s31 =	rddreg [dreg:$0x15];
	[sflag:s5] =	ssyncadd.s32 $0xFFFFF800  }
0x311: {  	[spmem:s1] =	stream.indirect.scatter.add.f32 [tilespmem:s9], [sflag:$0x1], $0x10, s31, s8, $0xb8;
	[tilespmem:$0xBC00] =	vst v63  }
0x312: {  	_ =	swait.ge [sflag:s5], $0x800  }
0x313: {  	[sflag:s5] =	ssyncset.done $0x0  }
0x314: {  	s31 =	rddreg [dreg:$0x16];
	[sflag:s5] =	ssyncadd.s32 $0xFFFFF800  }
0x315: {  	[spmem:s1] =	stream.indirect.scatter.add.f32 [tilespmem:s9], [sflag:$0x1], $0x10, s31, s8, $0xb8;
	[tilespmem:$0xBC00] =	vst v63  }
0x316: {  	_ =	swait.ge [sflag:s5], $0x800  }
0x317: {  	[sflag:s5] =	ssyncset.done $0x0  }
0x318: {  	s31 =	rddreg [dreg:$0x17];
	[sflag:s5] =	ssyncadd.s32 $0xFFFFF800  }
0x319: {  	[spmem:s1] =	stream.indirect.scatter.add.f32 [tilespmem:s9], [sflag:$0x1], $0x10, s31, s8, $0xb8;
	[tilespmem:$0xBC00] =	vst v63  }
0x31a: {  	_ =	swait.ge [sflag:s5], $0x800  }
0x31b: {  	[sflag:s5] =	ssyncset.done $0x0  }
0x31c: {  	s31 =	rddreg [dreg:$0x18];
	[sflag:s5] =	ssyncadd.s32 $0xFFFFF800  }
0x31d: {  	[spmem:s1] =	stream.indirect.scatter.add.f32 [tilespmem:s9], [sflag:$0x1], $0x10, s31, s8, $0xb8;
	[tilespmem:$0xBC00] =	vst v63  }
0x31e: {  	_ =	swait.ge [sflag:s5], $0x800  }
0x31f: {  	[sflag:s5] =	ssyncset.done $0x0  }
0x320: {  	s31 =	rddreg [dreg:$0x19];
	[sflag:s5] =	ssyncadd.s32 $0xFFFFF800  }
0x321: {  	[spmem:s1] =	stream.indirect.scatter.add.f32 [tilespmem:s9], [sflag:$0x1], $0x10, s31, s8, $0xb8;
	[tilespmem:$0xBC00] =	vst v63  }
0x322: {  	_ =	swait.ge [sflag:s5], $0x800  }
0x323: {  	[sflag:s5] =	ssyncset.done $0x0  }
0x324: {  	s31 =	rddreg [dreg:$0x1a];
	[sflag:s5] =	ssyncadd.s32 $0xFFFFF800  }
0x325: {  	[spmem:s1] =	stream.indirect.scatter.add.f32 [tilespmem:s9], [sflag:$0x1], $0x10, s31, s8, $0xb8;
	[tilespmem:$0xBC00] =	vst v63  }
0x326: {  	_ =	swait.ge [sflag:s5], $0x800  }
0x327: {  	[sflag:s5] =	ssyncset.done $0x0  }
0x328: {  	s31 =	rddreg [dreg:$0x1b];
	[sflag:s5] =	ssyncadd.s32 $0xFFFFF800  }
0x329: {  	[spmem:s1] =	stream.indirect.scatter.add.f32 [tilespmem:s9], [sflag:$0x1], $0x10, s31, s8, $0xb8;
	[tilespmem:$0xBC00] =	vst v63  }
0x32a: {  	_ =	swait.ge [sflag:s5], $0x800  }
0x32b: {  	[sflag:s5] =	ssyncset.done $0x0  }
0x32c: {  	s31 =	rddreg [dreg:$0x1c];
	[sflag:s5] =	ssyncadd.s32 $0xFFFFF800  }
0x32d: {  	[spmem:s1] =	stream.indirect.scatter.add.f32 [tilespmem:s9], [sflag:$0x1], $0x10, s31, s8, $0xb8;
	[tilespmem:$0xBC00] =	vst v63  }
0x32e: {  	_ =	swait.ge [sflag:s5], $0x800  }
0x32f: {  	[sflag:s5] =	ssyncset.done $0x0  }
0x330: {  	s31 =	rddreg [dreg:$0x1d];
	[sflag:s5] =	ssyncadd.s32 $0xFFFFF800  }
0x331: {  	[spmem:s1] =	stream.indirect.scatter.add.f32 [tilespmem:s9], [sflag:$0x1], $0x10, s31, s8, $0xb8;
	[tilespmem:$0xBC00] =	vst v63  }
0x332: {  	_ =	swait.ge [sflag:s5], $0x800  }
0x333: {  	[sflag:s5] =	ssyncset.done $0x0  }
0x334: {  	s31 =	rddreg [dreg:$0x1e];
	[sflag:s5] =	ssyncadd.s32 $0xFFFFF800  }
0x335: {  	[spmem:s1] =	stream.indirect.scatter.add.f32 [tilespmem:s9], [sflag:$0x1], $0x10, s31, s8, $0xb8;
	[tilespmem:$0xBC00] =	vst v63  }
0x336: {  	_ =	swait.ge [sflag:s5], $0x800  }
0x337: {  	[sflag:s5] =	ssyncset.done $0x0  }
0x338: {  	[sflag:s5] =	ssyncadd.s32 $0xFFFFF800  }
0x339: {  	[spmem:s1] =	stream.indirect.scatter.add.f32 [tilespmem:s9], [sflag:$0x1], $0x10, s10, s8, $0xb8;
	[tilespmem:$0xBC00] =	vst v63  }
0x33a: {  	_ =	swait.ge [sflag:s5], $0x800  }
0x33b: {  	[sflag:s5] =	ssyncset.done $0x0  }
0x33c: {  	[sflag:s5] =	ssyncadd.s32 $0xFFFFF800  }
0x33d: {  	[spmem:s1] =	stream.indirect.scatter.add.f32 [tilespmem:s9], [sflag:$0x1], $0x10, s11, s8, $0xb8;
	[tilespmem:$0xBC00] =	vst v63  }
0x33e: {  	_ =	swait.ge [sflag:s5], $0x800  }
0x33f: {  	[sflag:s5] =	ssyncset.done $0x0  }
0x340: {  	[sflag:s5] =	ssyncadd.s32 $0xFFFFF800  }
0x341: {  	[spmem:s1] =	stream.indirect.scatter.add.f32 [tilespmem:s9], [sflag:$0x1], $0x10, s12, s8, $0xb8;
	[tilespmem:$0xBC00] =	vst v63  }
0x342: {  	_ =	swait.ge [sflag:s5], $0x800  }
0x343: {  	[sflag:s5] =	ssyncset.done $0x0  }
0x344: {  	[sflag:s5] =	ssyncadd.s32 $0xFFFFF800  }
0x345: {  	[spmem:s1] =	stream.indirect.scatter.add.f32 [tilespmem:s9], [sflag:$0x1], $0x10, s13, s8, $0xb8;
	[tilespmem:$0xBC00] =	vst v63  }
0x346: {  	_ =	swait.ge [sflag:s5], $0x800  }
0x347: {  	[sflag:s5] =	ssyncset.done $0x0  }
0x348: {  	[sflag:s5] =	ssyncadd.s32 $0xFFFFF800  }
0x349: {  	[spmem:s1] =	stream.indirect.scatter.add.f32 [tilespmem:s9], [sflag:$0x1], $0x10, s14, s8, $0xb8;
	[tilespmem:$0xBC00] =	vst v63  }
0x34a: {  	_ =	swait.ge [sflag:s5], $0x800  }
0x34b: {  	[sflag:s5] =	ssyncset.done $0x0  }
0x34c: {  	[sflag:s5] =	ssyncadd.s32 $0xFFFFF800  }
0x34d: {  	[spmem:s1] =	stream.indirect.scatter.add.f32 [tilespmem:s9], [sflag:$0x1], $0x10, s15, s8, $0xb8;
	[tilespmem:$0xBC00] =	vst v63  }
0x34e: {  	_ =	swait.ge [sflag:s5], $0x800  }
0x34f: {  	[sflag:s5] =	ssyncset.done $0x0  }
0x350: {  	[sflag:s5] =	ssyncadd.s32 $0xFFFFF800  }
0x351: {  	[spmem:s1] =	stream.indirect.scatter.add.f32 [tilespmem:s9], [sflag:$0x1], $0x10, s16, s8, $0xb8;
	[tilespmem:$0xBC00] =	vst v63  }
0x352: {  	_ =	swait.ge [sflag:s5], $0x800  }
0x353: {  	[sflag:s5] =	ssyncset.done $0x0  }
0x354: {  	[sflag:s5] =	ssyncadd.s32 $0xFFFFF800  }
0x355: {  	[spmem:s1] =	stream.indirect.scatter.add.f32 [tilespmem:s9], [sflag:$0x1], $0x10, s17, s8, $0xb8;
	[tilespmem:$0xBC00] =	vst v63  }
0x356: {  	_ =	swait.ge [sflag:s5], $0x800  }
0x357: {  	[sflag:s5] =	ssyncset.done $0x0  }
0x358: {  	[sflag:s5] =	ssyncadd.s32 $0xFFFFF800  }
0x359: {  	[spmem:s1] =	stream.indirect.scatter.add.f32 [tilespmem:s9], [sflag:$0x1], $0x10, s18, s8, $0xb8;
	[tilespmem:$0xBC00] =	vst v63  }
0x35a: {  	_ =	swait.ge [sflag:s5], $0x800  }
0x35b: {  	[sflag:s5] =	ssyncset.done $0x0  }
0x35c: {  	[sflag:s5] =	ssyncadd.s32 $0xFFFFF800  }
0x35d: {  	[spmem:s1] =	stream.indirect.scatter.add.f32 [tilespmem:s9], [sflag:$0x1], $0x10, s19, s8, $0xb8;
	[tilespmem:$0xBC00] =	vst v63  }
0x35e: {  	_ =	swait.ge [sflag:s5], $0x800  }
0x35f: {  	[sflag:s5] =	ssyncset.done $0x0  }
0x360: {  	[sflag:s5] =	ssyncadd.s32 $0xFFFFF800  }
0x361: {  	[spmem:s1] =	stream.indirect.scatter.add.f32 [tilespmem:s9], [sflag:$0x1], $0x10, s20, s8, $0xb8;
	[tilespmem:$0xBC00] =	vst v63  }
0x362: {  	_ =	swait.ge [sflag:s5], $0x800  }
0x363: {  	[sflag:s5] =	ssyncset.done $0x0  }
0x364: {  	[sflag:s5] =	ssyncadd.s32 $0xFFFFF800  }
0x365: {  	[spmem:s1] =	stream.indirect.scatter.add.f32 [tilespmem:s9], [sflag:$0x1], $0x10, s21, s8, $0xb8;
	[tilespmem:$0xBC00] =	vst v63  }
0x366: {  	_ =	swait.ge [sflag:s5], $0x800  }
0x367: {  	[sflag:s5] =	ssyncset.done $0x0  }
0x368: {  	[sflag:s5] =	ssyncadd.s32 $0xFFFFF800  }
0x369: {  	[spmem:s1] =	stream.indirect.scatter.add.f32 [tilespmem:s9], [sflag:$0x1], $0x10, s22, s8, $0xb8;
	[tilespmem:$0xBC00] =	vst v63  }
0x36a: {  	_ =	swait.ge [sflag:s5], $0x800  }
0x36b: {  	[sflag:s5] =	ssyncset.done $0x0  }
0x36c: {  	[sflag:s5] =	ssyncadd.s32 $0xFFFFF800  }
0x36d: {  	[spmem:s1] =	stream.indirect.scatter.add.f32 [tilespmem:s9], [sflag:$0x1], $0x10, s23, s8, $0xb8;
	[tilespmem:$0xBC00] =	vst v63  }
0x36e: {  	_ =	swait.ge [sflag:s5], $0x800  }
0x36f: {  	[sflag:s5] =	ssyncset.done $0x0  }
0x370: {  	[sflag:s5] =	ssyncadd.s32 $0xFFFFF800  }
0x371: {  	[spmem:s1] =	stream.indirect.scatter.add.f32 [tilespmem:s9], [sflag:$0x1], $0x10, s24, s8, $0xb8;
	[tilespmem:$0xBC00] =	vst v63  }
0x372: {  	_ =	swait.ge [sflag:s5], $0x800  }
0x373: {  	[sflag:s5] =	ssyncset.done $0x0  }
0x374: {  	[sflag:s5] =	ssyncadd.s32 $0xFFFFF800  }
0x375: {  	[spmem:s1] =	stream.indirect.scatter.add.f32 [tilespmem:s9], [sflag:$0x1], $0x10, s25, s8, $0xb8;
	[tilespmem:$0xBC00] =	vst v63  }
0x376: {  	_ =	swait.ge [sflag:s5], $0x800  }
0x377: {  	[sflag:s5] =	ssyncset.done $0x0  }
0x378: {  	[sflag:s5] =	ssyncadd.s32 $0xFFFFF800  }
0x379: {  	[spmem:s1] =	stream.indirect.scatter.add.f32 [tilespmem:s9], [sflag:$0x1], $0x10, s26, s8, $0xb8;
	[tilespmem:$0xBC00] =	vst v63  }
0x37a: {  	_ =	swait.ge [sflag:s5], $0x800  }
0x37b: {  	[sflag:s5] =	ssyncset.done $0x0  }
0x37c: {  	p0 =	sne.s32 s30, $0x1;
	[sflag:s5] =	ssyncadd.s32 $0xFFFFF800  }
.Ltmp1:
0x37d: {  	[bflag:$0x0] =	sbarrier.arrive $0xFFFF;
	(pc) =	sbr.rel @p0 .LBB2_1-.Ltmp1, $4  }
0x37e: {  	s31 =	rddreg [dreg:$0x8]  }
0x37f: {  	[hbm:s31], [sflag:s28] =	dma.local [spmem:s29], $0x2800  }
0x380: {  	_ =	swait.ge [sflag:s5], $0x2800  }
0x381: {  	s30 =	sadd.s32 $0xFFFFFFFF, s30;
	[sflag:s5] =	ssyncset.done $0x0  }
.LBB2_2:
0x382: {  	[sflag:s5] =	ssyncadd.s32 $0xFFFFD800  }
0x383: {  	_ =	sfence.sel $0x180000  }
0x384: {  	[bflag:$0x0] =	sbarrier.arrive $0xFFFF  }
0x385: {  	_ =	strace $0x90000047  }
0x386: {  	[bflag:$0x2] =	sbarrier.arrive $0xFFFF  }
0x387: {  	p0 =	sne.s32 s3, $0x0;
	s0 =	rddreg [dreg:$0x2]  }
0x388: {  	s0 =	sadd.s32 @!p0 $0x100000, s0  }
0x389: {  	[sflag:s0] =	ssyncadd.tile.s32 @!p0 $0x1;
	_ =	shalt  }
.Lfunc_end2:
_tile_overlayer_lowered:
.L_overlay_start_2:
0x38a: {  	(tag) =	ssettag $0x2  }
0x38b: {  	s0 =	rddreg [dreg:$0x0];
	s2 =	stileid.u32  }
0x38c: {  	s1 =	rddreg [dreg:$0x1];
	p0 =	sne.s32 s2, $0x0  }
0x38d: {  	s3 =	rddreg [dreg:$0x2];
	[bflag:$0x3] =	sbarrier.arrive $0xFFFF;
	s2 =	simm.s32 @!p0 $0x1C01  }
0x38e: {  	[timem:s3], [sflag:s2] =	dma.local @!p0 [hbm:s0], s1  }
0x38f: {  	s0 =	simm.s32 @!p0 $0x1  }
0x390: {  	_ =	swait.ge @!p0 [sflag:s0], s1  }
0x391: {  	s1 =	ssub.s32 @!p0 $0x0, s1;
	[sflag:s0] =	ssyncset.done @!p0 $0x0  }
0x392: {  	[sflag:s0] =	ssyncadd.s32 @!p0 s1  }
0x393: {  	[bflag:$0x3] =	sbarrier.arrive $0xFFFF  }
0x394: {  	_ =	shalt  }

// kernel: kernel.9.cloned.1.call-start
scs
__scs_entry_jumppad:
0x0: {  	(pc) =	sbr.rel $0x88, $3  }
0x1: {  	(tag) =	ssettag $0x0;
	lr =	simm.s32 $0x1  }
0x2: {  	[smem:$0x3F9D] =	sst lr;
	_ =	strace $0xD0000000  }
0x3: {  	_ = 	snop  }
0x4: {  	_ = 	snop  }
0x5: {  	_ = 	snop  }
0x6: {  	_ = 	snop  }
0x7: {  	_ = 	snop  }
__scs_overlays_trampoline_lowered:
0x8: {  	[smem:$0x3FAC] =	sst s0  }
0x9: {  	[smem:$0x3FAD] =	sst s1  }
0xa: {  	[smem:$0x3FAE] =	sst s2  }
0xb: {  	[smem:$0x3FAF] =	sst s3  }
0xc: {  	[smem:$0x3FB0] =	sst s4  }
0xd: {  	[smem:$0x3FB1] =	sst s5  }
0xe: {  	[smem:$0x3FB2] =	sst s6  }
0xf: {  	[smem:$0x3FB3] =	sst s7  }
0x10: {  	[smem:$0x3FB4] =	sst s8  }
0x11: {  	[smem:$0x3FB5] =	sst s9;
	s0 =	simm.s32 @!p0 $0x0  }
0x12: {  	s1 =	sld [smem:$0x3F9B];
	s0 =	simm.s32 @p0 $0x1  }
0x13: {  	[smem:$0x3FB6] =	sst s0;
	s0 =	simm.s32 @!p1 $0x0  }
0x14: {  	s2 =	sld [smem:$0x3F9A];
	s0 =	simm.s32 @p1 $0x1  }
0x15: {  	[smem:$0x3FB7] =	sst s0;
	s0 =	simm.s32 @!p2 $0x0  }
0x16: {  	s3 =	sld [smem:$0x3FDB];
	s0 =	simm.s32 @p2 $0x1  }
0x17: {  	s4 =	simm.s32 $0x1BF5;
	[smem:$0x3FB9] =	sst s0  }
0x18: {  	s0 =	sld [smem:$0x3F9C];
	_ =	swait.ge [sflag:s4], $0x0  }
0x19: {  	s7 =	sld [smem:$0x3F9D]  }
0x1a: {  	s8 =	sadd.s32 $0xFFFFE003, lr  }
0x1b: {  	s9 =	sadd.s32 $0xFFFFFEF7, lr;
	s5 =	simm.s32 $0xFFFFFFFF;
	p2 =	slt.u32 s8, $0xFFFFF086  }
0x1c: {  	p1 =	slt.u32 s9, $0xF7A;
	s5 =	simm.s32 @!p2 $0x0  }
0x1d: {  	s5 =	simm.s32 @p1 $0x1;
	p0 =	seq.s32 s7, s2  }
0x1e: {  	s7 =	smul.u32 @!p0 $0xF7A, s2;
	p2 =	seq.s32 @!p0 s5, $0x0  }
0x1f: {  	s9 =	smul.u32 $0xF7A, s1;
	s8 =	simm.s32 @!p0 $0x1BF5;
	p2 =	por !p2, p0  }
0x20: {  	[sflag:s8] =	ssyncset.s32 @!p0 $0xFFFFF086;
	s6 =	sadd.s32 @!p0 s3, s7;
	s7 =	simm.s32 @!p0 $0x108  }
0x21: {  	s3 =	sadd.s32 s3, s9;
	s6 =	sadd.s32 @!p0 $0x88, s6;
	s7 =	simm.s32 @p2 $0x1082  }
0x22: {  	[simem:s7], [sflag:s8] =	dma.local @!p0 [hbm:s6], $0xF7A  }
0x23: {  	s9 =	sor.u32 $0xD0000000, s2;
	s6 =	simm.s32 $0x108;
	_ =	swait.ge @!p0 [sflag:s8], $0x0  }
0x24: {  	s3 =	sadd.s32 $0x88, s3;
	s6 =	simm.s32 @!p1 $0x1082;
	[sflag:s4] =	ssyncset.s32 $0xFFFFF086  }
0x25: {  	[simem:s6], [sflag:s4] =	dma.local [hbm:s3], $0xF7A  }
0x26: {  	[smem:$0x3F9D] =	sst s1;
	(tag) =	ssettag s2;
	_ =	strace s9  }
0x27: {  	s1 =	sld [smem:$0x3FAD]  }
0x28: {  	s2 =	sld [smem:$0x3FAE]  }
0x29: {  	s4 =	sld [smem:$0x3FB0]  }
0x2a: {  	p0 =	seq.s32 s5, $0x0;
	s5 =	sld [smem:$0x3FB1]  }
0x2b: {  	s6 =	sld [smem:$0x3FB2]  }
0x2c: {  	s7 =	sld [smem:$0x3FB3]  }
0x2d: {  	s3 =	simm.s32 $0x108;
	s8 =	sld [smem:$0x3FB4]  }
0x2e: {  	s3 =	simm.s32 @!p0 $0x1082;
	s9 =	sld [smem:$0x3FB5]  }
0x2f: {  	lr =	sadd.s32 s0, s3;
	s0 =	sld [smem:$0x3FAC]  }
0x30: {  	s3 =	sld [smem:$0x3FAF]  }
0x31: {  	[smem:$0x3FB8] =	sst s10  }
0x32: {  	s10 =	sld [smem:$0x3FB6];
	_ =	sdelay $0x3  }
0x33: {  	p0 =	seq.s32 s10, $0x1;
	s10 =	sld [smem:$0x3FB8];
	_ =	sdelay $0x3  }
0x34: {  	[smem:$0x3FB8] =	sst s10  }
0x35: {  	s10 =	sld [smem:$0x3FB7];
	_ =	sdelay $0x3  }
0x36: {  	p1 =	seq.s32 s10, $0x1;
	s10 =	sld [smem:$0x3FB8];
	_ =	sdelay $0x3  }
0x37: {  	[smem:$0x3FB8] =	sst s10  }
0x38: {  	s10 =	sld [smem:$0x3FB9]  }
0x39: {  	_ = 	snop;
	(pc) =	sbr.ind lr, $3  }
0x3a: {  	_ = 	snop  }
0x3b: {  	_ = 	snop  }
0x3c: {  	p2 =	seq.s32 s10, $0x1;
	s10 =	sld [smem:$0x3FB8]  }
0x3d: {  	_ =	shalt  }
0x3e: {  	_ =	shalt  }
0x3f: {  	_ =	shalt  }
0x40: {  	_ =	shalt  }
0x41: {  	_ =	shalt  }
0x42: {  	_ =	shalt  }
0x43: {  	_ =	shalt  }
0x44: {  	_ =	shalt  }
0x45: {  	_ =	shalt  }
0x46: {  	_ =	shalt  }
0x47: {  	_ =	shalt  }
0x48: {  	_ =	shalt  }
0x49: {  	_ =	shalt  }
0x4a: {  	_ =	shalt  }
0x4b: {  	_ =	shalt  }
0x4c: {  	_ =	shalt  }
0x4d: {  	_ =	shalt  }
0x4e: {  	_ =	shalt  }
0x4f: {  	_ =	shalt  }
0x50: {  	_ =	shalt  }
0x51: {  	_ =	shalt  }
0x52: {  	_ =	shalt  }
0x53: {  	_ =	shalt  }
0x54: {  	_ =	shalt  }
0x55: {  	_ =	shalt  }
0x56: {  	_ =	shalt  }
0x57: {  	_ =	shalt  }
0x58: {  	_ =	shalt  }
0x59: {  	_ =	shalt  }
0x5a: {  	_ =	shalt  }
0x5b: {  	_ =	shalt  }
0x5c: {  	_ =	shalt  }
0x5d: {  	_ =	shalt  }
0x5e: {  	_ =	shalt  }
0x5f: {  	_ =	shalt  }
0x60: {  	_ =	shalt  }
0x61: {  	_ =	shalt  }
0x62: {  	_ =	shalt  }
0x63: {  	_ =	shalt  }
0x64: {  	_ =	shalt  }
0x65: {  	_ =	shalt  }
0x66: {  	_ =	shalt  }
0x67: {  	_ =	shalt  }
0x68: {  	_ =	shalt  }
0x69: {  	_ =	shalt  }
0x6a: {  	_ =	shalt  }
0x6b: {  	_ =	shalt  }
0x6c: {  	_ =	shalt  }
0x6d: {  	_ =	shalt  }
0x6e: {  	_ =	shalt  }
0x6f: {  	_ =	shalt  }
0x70: {  	_ =	shalt  }
0x71: {  	_ =	shalt  }
0x72: {  	_ =	shalt  }
0x73: {  	_ =	shalt  }
0x74: {  	_ =	shalt  }
0x75: {  	_ =	shalt  }
0x76: {  	_ =	shalt  }
0x77: {  	_ =	shalt  }
0x78: {  	_ =	shalt  }
0x79: {  	_ =	shalt  }
0x7a: {  	_ =	shalt  }
0x7b: {  	_ =	shalt  }
0x7c: {  	_ =	shalt  }
0x7d: {  	_ =	shalt  }
0x7e: {  	_ =	shalt  }
0x7f: {  	_ =	shalt  }
0x80: {  	_ =	shalt  }
0x81: {  	_ =	shalt  }
0x82: {  	_ =	shalt  }
0x83: {  	_ =	shalt  }
0x84: {  	_ =	shalt  }
0x85: {  	_ =	shalt  }
0x86: {  	_ =	shalt  }
0x87: {  	_ =	shalt  }
.Lfunc_end0:
.L_simem_size_0:
called_computation.1_lowered:
.L_overlay_start_0:
0x88: {  	s2 =	sld [smem:$0x3FD9]  }
0x89: {  	s3 =	sld [smem:$0x3FFE];
	_ =	sdelay $0x1  }
0x8a: {  	s1 =	srdreg.scid  }
0x8b: {  	s0 =	sand.u32 $0x1, s1  }
0x8c: {  	s17 =	sshll.u32 s0, $0xA;
	s2 =	sadd.s32 s3, s2  }
0x8d: {  	s2 =	sadd.s32 s2, s17  }
0x8e: {  	[smem:$0x3FC4] =	sst s2  }
0x8f: {  	_ = 	snop  }
0x90: {  	s2 =	sld [smem:$0x3FD0];
	(tm) =	ssettm $0x1  }
0x91: {  	s18 =	sld [smem:$0x3FFB];
	_ =	sdelay $0x3  }
0x92: {  	_ =	strace s18  }
0x93: {  	s3 =	sld [smem:$0x3FFC];
	_ =	sdelay $0x3  }
0x94: {  	_ =	strace s3  }
0x95: {  	s3 =	sld [smem:$0x3FFD];
	_ =	sdelay $0x3  }
0x96: {  	_ =	strace s3  }
0x97: {  	_ =	strace $0x8FFFFFFF  }
0x98: {  	s19 =	sld [smem:$0x3FDB];
	_ =	sdelay $0x1  }
0x99: {  	s4 =	simm.s32 $_scs_section_size  }
0x9a: {  	s5 =	simm.s32 $_size__tile_overlayer_lowered;
	s6 =	simm.s32 $_tile_overlayer_lowered  }
0x9b: {  	s22 =	simm.s32 $0x1BFF;
	s21 =	sshll.u32 s6, $0x1;
	s3 =	sadd.s32 s4, s19  }
0x9c: {  	s7 =	simm.s32 $0x0;
	s20 =	sshll.u32 s5, $0x1;
	s5 =	sadd.s32 s21, s3  }
0x9d: {  	[timem:s7], [sflag:s22] =	dma.local [hbm:s5], s20  }
0x9e: {  	_ =	swait.ge [sflag:s22], s20  }
0x9f: {  	s4 =	ssub.s32 $0x0, s20;
	[sflag:s22] =	ssyncset.done $0x0  }
0xa0: {  	[sflag:s22] =	ssyncadd.s32 s4;
	_ =	sdelay $0x1  }
0xa1: {  	s23 =	simm.s32 $0x1B8B  }
0xa2: {  	_ =	swait.ge [sflag:s23], $0x1  }
0xa3: {  	[sflag:s23] =	ssyncset.done $0x0  }
0xa4: {  	s25 =	simm.s32 $0x1B8E;
	s24 =	sld [smem:$0x3FFE];
	[sflag:s23] =	ssyncadd.s32 $0xFFFFFFFF  }
0xa5: {  	s26 =	simm.s32 $execute0_lowered;
	[smem:$0x3FD2] =	sst s25  }
0xa6: {  	s5 =	sshll.u32 s26, $0x1;
	_ =	strace $0x80000049;
	[dreg:$0x1] =	wrdreg $0xFFFFFFFF  }
0xa7: {  	s28 =	simm.s32 $_size_execute0_lowered;
	s3 =	sadd.s32 s3, s5;
	[dreg:$0x0] =	wrdreg $0x0  }
0xa8: {  	s5 =	sshll.u32 s28, $0x1;
	[dreg:$0x2] =	wrdreg s3  }
0xa9: {  	[dreg:$0x3] =	wrdreg s5  }
0xaa: {  	[dreg:$0x4] =	wrdreg $0xC0  }
0xab: {  	_ =	task [dreg:s7], $0x5FFFF  }
0xac: {  	[dreg:$0x1] =	wrdreg $0xFFFFFFFF  }
0xad: {  	[dreg:$0x0] =	wrdreg $0x60  }
0xae: {  	[dreg:$0x2] =	wrdreg s2  }
0xaf: {  	[dreg:$0x3] =	wrdreg s24  }
0xb0: {  	[dreg:$0x4] =	wrdreg $0x0  }
0xb1: {  	[dreg:$0x5] =	wrdreg $0x9  }
0xb2: {  	_ =	task.clear_ibuf [dreg:s7], $0x6FFFF;
	_ =	strace $0x90000049  }
0xb3: {  	s29 =	simm.s32 $0x9;
	_ =	strace $0x8000004B  }
0xb4: {  	_ =	swait.ge [sflag:s29], $0x1  }
0xb5: {  	[sflag:s29] =	ssyncadd.s32 $0xFFFFFFFF  }
0xb6: {  	_ =	strace $0x9000004B  }
0xb7: {  	_ =	sfence  }
0xb8: {  	s30 =	sld [smem:$0x0];
	_ =	sdelay $0x2  }
0xb9: {  	s31 =	sshll.u32 s1, $0xD;
	s1 =	sshrl.u32 s1, $0x2  }
0xba: {  	s3 =	sand.u32 $0x4000, s31;
	s1 =	sadd.s32 s1, s30  }
0xbb: {  	s0 =	sor.u32 s3, s0;
	s1 =	sshll.u32 s1, $0x11  }
0xbc: {  	s0 =	sor.u32 s1, s0  }
0xbd: {  	s0 =	sadd.s32 $0x8F2B, s0  }
0xbe: {  	[sflag:s0] =	ssyncadd.remote.s32 $0x1  }
0xbf: {  	_ =	sfence.sel $0xFFFF  }
0xc0: {  	[dreg:$0x0] =	wrdreg $0xFFFFFFFF;
	(pc) =	sbr.abs _section_cstart, $3  }
0xc1: {  	[dreg:$0x1] =	wrdreg $0xFFFFFFFF  }
0xc2: {  	_ =	task.clear_ibuf [dreg:s7], $0x2FFFF;
	_ =	strace $0x9FFFFFFF  }
0xc3: {  	(tm) =	ssettm $0x7FFFFFFF  }
tec
execute0_lowered:
.L_overlay_start_1:
0x0: {  	(tag) =	ssettag $0x1  }
0x1: {  	s12 =	rddreg [dreg:$0x0]  }
0x2: {  	s5 =	rddreg [dreg:$0x1]  }
0x3: {  	s1 =	rddreg [dreg:$0x2];
	s2 =	srdreg.scid  }
0x4: {  	s3 =	simm.s32 $0x0;
	s0 =	stileid.u32;
	s19 =	simm.s32 $0x14000  }
0x5: {  	s20 =	simm.s32 $0x15400;
	s21 =	simm.s32 $0x80;
	s22 =	simm.s32 $0x1A800  }
0x6: {  	s23 =	simm.s32 $0x1;
	s24 =	simm.s32 $0x2;
	s6 =	smul.u32 $0x14000, s0  }
0x7: {  	s25 =	simm.s32 $0x15380;
	s28 =	simm.s32 $0x16780;
	s7 =	smul.u32 $0x50000, s0  }
0x8: {  	s29 =	simm.s32 $0x0;
	s9 =	sand.u32 $0x1, s2;
	s10 =	smul.u32 $0x2800, s0  }
0x9: {  	[smem:$0x7FF] =	sst s3;
	s13 =	sadd.s32 $0xC00, s5;
	s11 =	smul.u32 $0x500, s0  }
0xa: {  	s14 =	sadd.s32 $0x5C00, s5;
	s26 =	sadd.s32 $0xAC00, s5;
	s4 =	smul.u32 $0x140000, s9  }
0xb: {  	_ =	strace $0x8000004A;
	[dreg:$0x4] =	wrdreg s26;
	s8 =	ssub.s32 $0x2, s9  }
0xc: {  	s17 =	smul.u32 $0x27100, s9;
	s26 =	simm.s32 $0x16700;
	s30 =	sshrl.u32 s8, $0x1  }
0xd: {  	s31 =	sshrl.u32 s7, $0x2;
	s18 =	sshrl.u32 s10, $0x3;
	s10 =	sadd.s32 s13, s11  }
0xe: {  	s11 =	sadd.s32 s14, s11;
	s6 =	sadd.s32 s6, s4;
	s16 =	ssub.s32 s8, s30  }
0xf: {  	s18 =	sadd.s32 $0x280, s18;
	s12 =	sadd.s32 s12, s17;
	s17 =	simm.s32 $0x16800  }
0x10: {  	s6 =	sshrl.u32 s6, $0x3;
	s13 =	sadd.s32 s13, s18;
	s14 =	sadd.s32 s14, s18  }
0x11: {  	s16 =	smax.u32 s16, $0x1;
	s15 =	sadd.s32 s6, s5;
	s5 =	sadd.s32 s31, s1  }
0x12: {  	s18 =	simm.s32 $0x3;
	s6 =	sadd.s32 $0x4000, s5;
	s7 =	sadd.s32 $0x8000, s5  }
0x13: {  	s8 =	sadd.s32 $0xC000, s5;
	s9 =	sadd.s32 $0x10000, s5;
	s15 =	sadd.s32 $0xB400, s15  }
.LBB2_1:
0x14: {  	s0 =	rddreg [dreg:$0x4]  }
0x15: {  	[tilespmem:s17], [sflag:$0x3] =	stream.linear.gather [hbm4b:s0+s3], $0x4000, $0x38;
	[tilespmem:$0x1E800] =	vst v63  }
0x16: {  	_ =	swait.ge [sflag:s18], $0x4000  }
0x17: {  	[sflag:s18] =	ssyncset.done $0x0  }
0x18: {  	[sflag:s18] =	ssyncadd.s32 $0xFFFFC000  }
0x19: {  	[spmem:s5] =	stream.linear.scatter [tilespmem:s17], [sflag:$0x3], $0x4000, $0x38;
	[tilespmem:$0x1E800] =	vst v63  }
0x1a: {  	_ =	swait.ge [sflag:s18], $0x4000  }
0x1b: {  	[sflag:s18] =	ssyncset.done $0x0  }
0x1c: {  	[sflag:s18] =	ssyncadd.s32 $0xFFFFC000  }
0x1d: {  	[spmem:s6] =	stream.linear.scatter [tilespmem:s17], [sflag:$0x3], $0x4000, $0x38;
	[tilespmem:$0x1E800] =	vst v63  }
0x1e: {  	_ =	swait.ge [sflag:s18], $0x4000  }
0x1f: {  	[sflag:s18] =	ssyncset.done $0x0  }
0x20: {  	[sflag:s18] =	ssyncadd.s32 $0xFFFFC000  }
0x21: {  	[spmem:s7] =	stream.linear.scatter [tilespmem:s17], [sflag:$0x3], $0x4000, $0x38;
	[tilespmem:$0x1E800] =	vst v63  }
0x22: {  	_ =	swait.ge [sflag:s18], $0x4000  }
0x23: {  	[sflag:s18] =	ssyncset.done $0x0  }
0x24: {  	[sflag:s18] =	ssyncadd.s32 $0xFFFFC000  }
0x25: {  	[spmem:s8] =	stream.linear.scatter [tilespmem:s17], [sflag:$0x3], $0x4000, $0x38;
	[tilespmem:$0x1E800] =	vst v63  }
0x26: {  	_ =	swait.ge [sflag:s18], $0x4000  }
0x27: {  	[sflag:s18] =	ssyncset.done $0x0  }
0x28: {  	[sflag:s18] =	ssyncadd.s32 $0xFFFFC000  }
0x29: {  	[spmem:s9] =	stream.linear.scatter [tilespmem:s17], [sflag:$0x3], $0x4000, $0x38;
	[tilespmem:$0x1E800] =	vst v63  }
0x2a: {  	_ =	swait.ge [sflag:s18], $0x4000  }
0x2b: {  	[sflag:s18] =	ssyncset.done $0x0  }
0x2c: {  	[sflag:s18] =	ssyncadd.s32 $0xFFFFC000  }
0x2d: {  	[bflag:$0x0] =	sbarrier.arrive $0xFFFF  }
0x2e: {  	[tilespmem:s19], [sflag:$0x3] =	stream.linear.gather [hbm4b:s10+s3], $0x1400, $0x38;
	[tilespmem:$0x1E800] =	vst v63  }
0x2f: {  	_ =	swait.ge [sflag:s18], $0x1400  }
0x30: {  	[sflag:s18] =	ssyncset.done $0x0  }
0x31: {  	[sflag:s18] =	ssyncadd.s32 $0xFFFFEC00  }
0x32: {  	[tilespmem:s20], [sflag:$0x3] =	stream.linear.gather [hbm4b:s11+s3], $0x1400, $0x38;
	[tilespmem:$0x1E800] =	vst v63  }
0x33: {  	_ =	swait.ge [sflag:s18], $0x1400  }
0x34: {  	[sflag:s18] =	ssyncset.done $0x0  }
0x35: {  	[sflag:s18] =	ssyncadd.s32 $0xFFFFEC00  }
0x36: {  	[tilespmem:s17], [sflag:$0x1] =	stream.indirect.gather [hbm4b:s12+s21], $0x80, s19, s21, $0xb8;
	[tilespmem:$0x1E800] =	vst v63  }
0x37: {  	s30 =	simm.s32 $0x14080  }
0x38: {  	[tilespmem:s22], [sflag:$0x2] =	stream.indirect.gather [hbm4b:s12+s21], $0x80, s30, s21, $0xb8;
	[tilespmem:$0x1E800] =	vst v63  }
0x39: {  	_ =	swait.ge [sflag:s23], $0x4000  }
0x3a: {  	[sflag:s23] =	ssyncset.done $0x0  }
0x3b: {  	s30 =	simm.s32 $0x15400;
	[sflag:s23] =	ssyncadd.s32 $0xFFFFC000  }
0x3c: {  	[spmem:s1] =	stream.indirect.scatter.add.f32 [tilespmem:s17], [sflag:$0x3], $0x80, s30, s21, $0xb8;
	[tilespmem:$0x1E800] =	vst v63  }
0x3d: {  	_ =	swait.ge [sflag:s18], $0x4000  }
0x3e: {  	[sflag:s18] =	ssyncset.done $0x0  }
0x3f: {  	s30 =	simm.s32 $0x14100;
	[sflag:s18] =	ssyncadd.s32 $0xFFFFC000  }
0x40: {  	[tilespmem:s17], [sflag:$0x1] =	stream.indirect.gather [hbm4b:s12+s21], $0x80, s30, s21, $0xb8;
	[tilespmem:$0x1E800] =	vst v63  }
0x41: {  	_ =	swait.ge [sflag:s24], $0x4000  }
0x42: {  	[sflag:s24] =	ssyncset.done $0x0  }
0x43: {  	s30 =	simm.s32 $0x15480;
	[sflag:s24] =	ssyncadd.s32 $0xFFFFC000  }
0x44: {  	[spmem:s1] =	stream.indirect.scatter.add.f32 [tilespmem:s22], [sflag:$0x3], $0x80, s30, s21, $0xb8;
	[tilespmem:$0x1E800] =	vst v63  }
0x45: {  	_ =	swait.ge [sflag:s18], $0x4000  }
0x46: {  	s31 =	simm.s32 $0x800;
	s30 =	simm.s32 $0x100;
	[sflag:s18] =	ssyncset.done $0x0  }
.LBB2_2:
0x47: {  	s0 =	sadd.s32 $0x14080, s30  }
0x48: {  	[sflag:s18] =	ssyncadd.s32 $0xFFFFC000;
	s2 =	smov.u32 s31;
	s4 =	sadd.s32 $0x400, s31  }
0x49: {  	[tilespmem:s22], [sflag:$0x2] =	stream.indirect.gather [hbm4b:s12+s21], $0x80, s0, s21, $0xb8;
	[tilespmem:$0x1E800] =	vst v63  }
0x4a: {  	p0 =	sne.s32 s31, $0x4800;
	_ =	swait.ge [sflag:s23], $0x4000  }
0x4b: {  	[sflag:s23] =	ssyncset.done $0x0  }
0x4c: {  	s0 =	sadd.s32 $0x15400, s30;
	[sflag:s23] =	ssyncadd.s32 $0xFFFFC000  }
0x4d: {  	[spmem:s1] =	stream.indirect.scatter.add.f32 [tilespmem:s17], [sflag:$0x3], $0x80, s0, s21, $0xb8;
	[tilespmem:$0x1E800] =	vst v63  }
0x4e: {  	_ =	swait.ge [sflag:s18], $0x4000  }
0x4f: {  	[sflag:s18] =	ssyncset.done $0x0  }
0x50: {  	s0 =	sadd.s32 $0x14100, s30;
	[sflag:s18] =	ssyncadd.s32 $0xFFFFC000  }
0x51: {  	[tilespmem:s17], [sflag:$0x1] =	stream.indirect.gather [hbm4b:s12+s21], $0x80, s0, s21, $0xb8;
	[tilespmem:$0x1E800] =	vst v63  }
0x52: {  	_ =	swait.ge [sflag:s24], $0x4000  }
.Ltmp0:
0x53: {  	[sflag:s24] =	ssyncset.done $0x0;
	(pc) =	sbr.rel @p0 .LBB2_2-.Ltmp0, $4  }
0x54: {  	s0 =	sadd.s32 $0x15480, s30;
	[sflag:s24] =	ssyncadd.s32 $0xFFFFC000  }
0x55: {  	[spmem:s1] =	stream.indirect.scatter.add.f32 [tilespmem:s22], [sflag:$0x3], $0x80, s0, s21, $0xb8;
	[tilespmem:$0x1E800] =	vst v63  }
0x56: {  	_ =	swait.ge [sflag:s18], $0x4000  }
0x57: {  	s31 =	smov.u32 s4;
	s30 =	sshra.s32 s2, $0x2;
	[sflag:s18] =	ssyncset.done $0x0  }
0x58: {  	s0 =	sadd.s32 $0x14080, s30;
	[sflag:s18] =	ssyncadd.s32 $0xFFFFC000  }
0x59: {  	[tilespmem:s22], [sflag:$0x2] =	stream.indirect.gather [hbm4b:s12+s21], $0x80, s0, s21, $0xb8;
	[tilespmem:$0x1E800] =	vst v63  }
0x5a: {  	_ =	swait.ge [sflag:s23], $0x4000  }
0x5b: {  	[sflag:s23] =	ssyncset.done $0x0  }
0x5c: {  	s2 =	sadd.s32 $0x15400, s30;
	[sflag:s23] =	ssyncadd.s32 $0xFFFFC000  }
0x5d: {  	[spmem:s1] =	stream.indirect.scatter.add.f32 [tilespmem:s17], [sflag:$0x3], $0x80, s2, s21, $0xb8;
	[tilespmem:$0x1E800] =	vst v63  }
0x5e: {  	_ =	swait.ge [sflag:s18], $0x4000  }
0x5f: {  	[sflag:s18] =	ssyncset.done $0x0  }
0x60: {  	s4 =	sadd.s32 $0x14100, s30;
	[sflag:s18] =	ssyncadd.s32 $0xFFFFC000  }
0x61: {  	[tilespmem:s17], [sflag:$0x1] =	stream.indirect.gather [hbm4b:s12+s21], $0x80, s4, s21, $0xb8;
	[tilespmem:$0x1E800] =	vst v63  }
0x62: {  	_ =	swait.ge [sflag:s24], $0x4000  }
0x63: {  	[sflag:s24] =	ssyncset.done $0x0  }
0x64: {  	s2 =	sadd.s32 $0x15480, s30;
	[sflag:s24] =	ssyncadd.s32 $0xFFFFC000  }
0x65: {  	[spmem:s1] =	stream.indirect.scatter.add.f32 [tilespmem:s22], [sflag:$0x3], $0x80, s2, s21, $0xb8;
	[tilespmem:$0x1E800] =	vst v63  }
0x66: {  	_ =	swait.ge [sflag:s18], $0x4000  }
0x67: {  	[sflag:s18] =	ssyncset.done $0x0  }
0x68: {  	[sflag:s18] =	ssyncadd.s32 $0xFFFFC000  }
0x69: {  	[tilespmem:s22], [sflag:$0x2] =	stream.indirect.gather [hbm4b:s12+s21], $0x80, s25, s21, $0xb8;
	[tilespmem:$0x1E800] =	vst v63  }
0x6a: {  	_ =	swait.ge [sflag:s23], $0x4000  }
0x6b: {  	[sflag:s23] =	ssyncset.done $0x0  }
0x6c: {  	[sflag:s23] =	ssyncadd.s32 $0xFFFFC000  }
0x6d: {  	[spmem:s1] =	stream.indirect.scatter.add.f32 [tilespmem:s17], [sflag:$0x3], $0x80, s26, s21, $0xb8;
	[tilespmem:$0x1E800] =	vst v63  }
0x6e: {  	_ =	swait.ge [sflag:s18], $0x4000  }
0x6f: {  	[sflag:s18] =	ssyncset.done $0x0  }
0x70: {  	[sflag:s18] =	ssyncadd.s32 $0xFFFFC000  }
0x71: {  	_ =	swait.ge [sflag:s24], $0x4000  }
0x72: {  	[sflag:s24] =	ssyncset.done $0x0  }
0x73: {  	[sflag:s24] =	ssyncadd.s32 $0xFFFFC000  }
0x74: {  	[spmem:s1] =	stream.indirect.scatter.add.f32 [tilespmem:s22], [sflag:$0x3], $0x80, s28, s21, $0xb8;
	[tilespmem:$0x1E800] =	vst v63  }
0x75: {  	_ =	swait.ge [sflag:s18], $0x4000  }
0x76: {  	[sflag:s18] =	ssyncset.done $0x0  }
0x77: {  	s4 =	simm.s32 $0x0;
	[sflag:s18] =	ssyncadd.s32 $0xFFFFC000  }
0x78: {  	[tilespmem:s19], [sflag:$0x3] =	stream.linear.gather [hbm4b:s13+s4], $0x1400, $0x38;
	[tilespmem:$0x1E800] =	vst v63  }
0x79: {  	_ =	swait.ge [sflag:s18], $0x1400  }
0x7a: {  	[sflag:s18] =	ssyncset.done $0x0  }
0x7b: {  	[sflag:s18] =	ssyncadd.s32 $0xFFFFEC00  }
0x7c: {  	[tilespmem:s20], [sflag:$0x3] =	stream.linear.gather [hbm4b:s14+s4], $0x1400, $0x38;
	[tilespmem:$0x1E800] =	vst v63  }
0x7d: {  	_ =	swait.ge [sflag:s18], $0x1400  }
0x7e: {  	[sflag:s18] =	ssyncset.done $0x0  }
0x7f: {  	[sflag:s18] =	ssyncadd.s32 $0xFFFFEC00  }
0x80: {  	[tilespmem:s17], [sflag:$0x1] =	stream.indirect.gather [hbm4b:s12+s21], $0x80, s19, s21, $0xb8;
	[tilespmem:$0x1E800] =	vst v63  }
0x81: {  	s2 =	simm.s32 $0x14080  }
0x82: {  	[tilespmem:s22], [sflag:$0x2] =	stream.indirect.gather [hbm4b:s12+s21], $0x80, s2, s21, $0xb8;
	[tilespmem:$0x1E800] =	vst v63  }
0x83: {  	_ =	swait.ge [sflag:s23], $0x4000  }
0x84: {  	[sflag:s23] =	ssyncset.done $0x0  }
0x85: {  	s4 =	simm.s32 $0x15400;
	[sflag:s23] =	ssyncadd.s32 $0xFFFFC000  }
0x86: {  	[spmem:s1] =	stream.indirect.scatter.add.f32 [tilespmem:s17], [sflag:$0x3], $0x80, s4, s21, $0xb8;
	[tilespmem:$0x1E800] =	vst v63  }
0x87: {  	_ =	swait.ge [sflag:s18], $0x4000  }
0x88: {  	[sflag:s18] =	ssyncset.done $0x0  }
0x89: {  	s2 =	simm.s32 $0x14100;
	[sflag:s18] =	ssyncadd.s32 $0xFFFFC000  }
0x8a: {  	[tilespmem:s17], [sflag:$0x1] =	stream.indirect.gather [hbm4b:s12+s21], $0x80, s2, s21, $0xb8;
	[tilespmem:$0x1E800] =	vst v63  }
0x8b: {  	_ =	swait.ge [sflag:s24], $0x4000  }
0x8c: {  	[sflag:s24] =	ssyncset.done $0x0  }
0x8d: {  	s4 =	simm.s32 $0x15480;
	[sflag:s24] =	ssyncadd.s32 $0xFFFFC000  }
0x8e: {  	[spmem:s1] =	stream.indirect.scatter.add.f32 [tilespmem:s22], [sflag:$0x3], $0x80, s4, s21, $0xb8;
	[tilespmem:$0x1E800] =	vst v63  }
0x8f: {  	_ =	swait.ge [sflag:s18], $0x4000  }
0x90: {  	s31 =	simm.s32 $0x800;
	s30 =	simm.s32 $0x100;
	[sflag:s18] =	ssyncset.done $0x0  }
.LBB2_4:
0x91: {  	s0 =	sadd.s32 $0x14080, s30  }
0x92: {  	[sflag:s18] =	ssyncadd.s32 $0xFFFFC000;
	s2 =	smov.u32 s31;
	s4 =	sadd.s32 $0x400, s31  }
0x93: {  	[tilespmem:s22], [sflag:$0x2] =	stream.indirect.gather [hbm4b:s12+s21], $0x80, s0, s21, $0xb8;
	[tilespmem:$0x1E800] =	vst v63  }
0x94: {  	p0 =	sne.s32 s31, $0x4800;
	_ =	swait.ge [sflag:s23], $0x4000  }
0x95: {  	[sflag:s23] =	ssyncset.done $0x0  }
0x96: {  	s0 =	sadd.s32 $0x15400, s30;
	[sflag:s23] =	ssyncadd.s32 $0xFFFFC000  }
0x97: {  	[spmem:s1] =	stream.indirect.scatter.add.f32 [tilespmem:s17], [sflag:$0x3], $0x80, s0, s21, $0xb8;
	[tilespmem:$0x1E800] =	vst v63  }
0x98: {  	_ =	swait.ge [sflag:s18], $0x4000  }
0x99: {  	[sflag:s18] =	ssyncset.done $0x0  }
0x9a: {  	s0 =	sadd.s32 $0x14100, s30;
	[sflag:s18] =	ssyncadd.s32 $0xFFFFC000  }
0x9b: {  	[tilespmem:s17], [sflag:$0x1] =	stream.indirect.gather [hbm4b:s12+s21], $0x80, s0, s21, $0xb8;
	[tilespmem:$0x1E800] =	vst v63  }
0x9c: {  	_ =	swait.ge [sflag:s24], $0x4000  }
.Ltmp1:
0x9d: {  	[sflag:s24] =	ssyncset.done $0x0;
	(pc) =	sbr.rel @p0 .LBB2_4-.Ltmp1, $4  }
0x9e: {  	s0 =	sadd.s32 $0x15480, s30;
	[sflag:s24] =	ssyncadd.s32 $0xFFFFC000  }
0x9f: {  	[spmem:s1] =	stream.indirect.scatter.add.f32 [tilespmem:s22], [sflag:$0x3], $0x80, s0, s21, $0xb8;
	[tilespmem:$0x1E800] =	vst v63  }
0xa0: {  	_ =	swait.ge [sflag:s18], $0x4000  }
0xa1: {  	s31 =	smov.u32 s4;
	s30 =	sshra.s32 s2, $0x2;
	[sflag:s18] =	ssyncset.done $0x0  }
0xa2: {  	s0 =	sadd.s32 $0x14080, s30;
	[sflag:s18] =	ssyncadd.s32 $0xFFFFC000  }
0xa3: {  	[tilespmem:s22], [sflag:$0x2] =	stream.indirect.gather [hbm4b:s12+s21], $0x80, s0, s21, $0xb8;
	[tilespmem:$0x1E800] =	vst v63  }
0xa4: {  	_ =	swait.ge [sflag:s23], $0x4000  }
0xa5: {  	[sflag:s23] =	ssyncset.done $0x0  }
0xa6: {  	s2 =	sadd.s32 $0x15400, s30;
	[sflag:s23] =	ssyncadd.s32 $0xFFFFC000  }
0xa7: {  	[spmem:s1] =	stream.indirect.scatter.add.f32 [tilespmem:s17], [sflag:$0x3], $0x80, s2, s21, $0xb8;
	[tilespmem:$0x1E800] =	vst v63  }
0xa8: {  	_ =	swait.ge [sflag:s18], $0x4000  }
0xa9: {  	[sflag:s18] =	ssyncset.done $0x0  }
0xaa: {  	s4 =	sadd.s32 $0x14100, s30;
	[sflag:s18] =	ssyncadd.s32 $0xFFFFC000  }
0xab: {  	[tilespmem:s17], [sflag:$0x1] =	stream.indirect.gather [hbm4b:s12+s21], $0x80, s4, s21, $0xb8;
	[tilespmem:$0x1E800] =	vst v63  }
0xac: {  	_ =	swait.ge [sflag:s24], $0x4000  }
0xad: {  	[sflag:s24] =	ssyncset.done $0x0  }
0xae: {  	s30 =	sadd.s32 $0x15480, s30;
	[sflag:s24] =	ssyncadd.s32 $0xFFFFC000  }
0xaf: {  	[spmem:s1] =	stream.indirect.scatter.add.f32 [tilespmem:s22], [sflag:$0x3], $0x80, s30, s21, $0xb8;
	[tilespmem:$0x1E800] =	vst v63  }
0xb0: {  	_ =	swait.ge [sflag:s18], $0x4000  }
0xb1: {  	[sflag:s18] =	ssyncset.done $0x0  }
0xb2: {  	[sflag:s18] =	ssyncadd.s32 $0xFFFFC000  }
0xb3: {  	[tilespmem:s22], [sflag:$0x2] =	stream.indirect.gather [hbm4b:s12+s21], $0x80, s25, s21, $0xb8;
	[tilespmem:$0x1E800] =	vst v63  }
0xb4: {  	_ =	swait.ge [sflag:s23], $0x4000  }
0xb5: {  	[sflag:s23] =	ssyncset.done $0x0  }
0xb6: {  	[sflag:s23] =	ssyncadd.s32 $0xFFFFC000  }
0xb7: {  	[spmem:s1] =	stream.indirect.scatter.add.f32 [tilespmem:s17], [sflag:$0x3], $0x80, s26, s21, $0xb8;
	[tilespmem:$0x1E800] =	vst v63  }
0xb8: {  	_ =	swait.ge [sflag:s18], $0x4000  }
0xb9: {  	[sflag:s18] =	ssyncset.done $0x0  }
0xba: {  	[sflag:s18] =	ssyncadd.s32 $0xFFFFC000  }
0xbb: {  	_ =	swait.ge [sflag:s24], $0x4000  }
0xbc: {  	[sflag:s24] =	ssyncset.done $0x0  }
0xbd: {  	[sflag:s24] =	ssyncadd.s32 $0xFFFFC000  }
0xbe: {  	[spmem:s1] =	stream.indirect.scatter.add.f32 [tilespmem:s22], [sflag:$0x3], $0x80, s28, s21, $0xb8;
	[tilespmem:$0x1E800] =	vst v63  }
0xbf: {  	s31 =	stileid.u32;
	_ =	swait.ge [sflag:s18], $0x4000  }
0xc0: {  	s29 =	sadd.s32 $0x1, s29;
	s0 =	sshll.u32 s31, $0x6;
	[sflag:s18] =	ssyncset.done $0x0  }
0xc1: {  	p0 =	sne.s32 s29, s16;
	s0 =	sor.u32 $0x1C03, s0;
	[sflag:s18] =	ssyncadd.s32 $0xFFFFC000  }
.Ltmp2:
0xc2: {  	s2 =	sshrl.u32 s5, $0x3;
	[bflag:$0x0] =	sbarrier.arrive $0xFFFF;
	(pc) =	sbr.rel @p0 .LBB2_1-.Ltmp2, $4  }
0xc3: {  	[hbm:s15], [sflag:s0] =	dma.local [spmem:s2], $0x2800  }
0xc4: {  	_ =	swait.ge [sflag:s18], $0x2800  }
0xc5: {  	[sflag:s18] =	ssyncset.done $0x0  }
0xc6: {  	[sflag:s18] =	ssyncadd.s32 $0xFFFFD800  }
0xc7: {  	_ =	sfence.sel $0x180000  }
0xc8: {  	[bflag:$0x0] =	sbarrier.arrive $0xFFFF  }
0xc9: {  	_ =	strace $0x9000004A  }
0xca: {  	s0 =	stileid.u32;
	[bflag:$0x2] =	sbarrier.arrive $0xFFFF  }
0xcb: {  	p0 =	sne.s32 s0, $0x0;
	s0 =	rddreg [dreg:$0x3]  }
0xcc: {  	s0 =	sadd.s32 @!p0 $0x100000, s0  }
0xcd: {  	[sflag:s0] =	ssyncadd.tile.s32 @!p0 $0x1;
	_ =	shalt  }
.Lfunc_end2:
_tile_overlayer_lowered:
.L_overlay_start_2:
0xce: {  	(tag) =	ssettag $0x2  }
0xcf: {  	s0 =	rddreg [dreg:$0x0];
	s2 =	stileid.u32  }
0xd0: {  	s1 =	rddreg [dreg:$0x1];
	p0 =	sne.s32 s2, $0x0  }
0xd1: {  	s3 =	rddreg [dreg:$0x2];
	[bflag:$0x3] =	sbarrier.arrive $0xFFFF;
	s2 =	simm.s32 @!p0 $0x1C03  }
0xd2: {  	[timem:s3], [sflag:s2] =	dma.local @!p0 [hbm:s0], s1  }
0xd3: {  	s0 =	simm.s32 @!p0 $0x3  }
0xd4: {  	_ =	swait.ge @!p0 [sflag:s0], s1  }
0xd5: {  	s1 =	ssub.s32 @!p0 $0x0, s1;
	[sflag:s0] =	ssyncset.done @!p0 $0x0  }
0xd6: {  	[sflag:s0] =	ssyncadd.s32 @!p0 s1  }
0xd7: {  	[bflag:$0x3] =	sbarrier.arrive $0xFFFF  }
0xd8: {  	_ =	shalt  }

</sc_bundles>
